<compile_context>
chip_gen: v7x
topology: tpu7x:2x2x1
jax: 0.10.2.dev20260603
libtpu: 0.0.44.dev20260713+nightly
codegen_flags: <defaults>
</compile_context>

<pallas_src>
import functools

import jax
import jax.numpy as jnp
from jax import lax
from jax.experimental import pallas as pl
from jax.experimental.pallas import tpu as pltpu
from jax.experimental.pallas import tpu_sc as plsc

N = 10000
E = 320000
D = 128
H = 128
O_DIM = 8
G = 16

NC = 2
NS = 16
NW = NC * NS
CHUNK = 64
NCHUNK = 157
EPW = NCHUNK * CHUNK
EPAD = NW * EPW
NPAD = 10240
RPT = NPAD // NS
WB = RPT // CHUNK

_SC_MESH = plsc.VectorSubcoreMesh(core_axis_name="c", subcore_axis_name="s")



def _unpack_chunk(packed_v, stage_v, k, src_row, dst_row):
    for j in range(CHUNK // 16):
        p = packed_v[k, pl.ds(j * 16, 16)]
        stage_v[src_row, pl.ds(j * 16, 16)] = lax.bitwise_and(p, 0xFFFF)
        stage_v[dst_row, pl.ds(j * 16, 16)] = lax.shift_right_logical(p, 16)


def _hist_body(pk3_hbm, ones_hbm, zcol_hbm, out_hbm, packed_v, stage_v,
               ones_v, tmp_v, hist_sp):
    c = lax.axis_index("c")
    s = lax.axis_index("s")
    wid = c * NS + s
    pltpu.sync_copy(pk3_hbm.at[wid], packed_v)
    pltpu.sync_copy(ones_hbm, ones_v)
    pltpu.sync_copy(zcol_hbm, hist_sp.at[pl.ds(s * RPT, RPT)])
    plsc.subcore_barrier()

    def body(k, carry):
        _unpack_chunk(packed_v, stage_v, k, 0, 1)
        pltpu.sync_copy(ones_v, hist_sp.at[stage_v.at[1]], add=True)
        return carry

    lax.fori_loop(0, NCHUNK, body, 0)
    plsc.subcore_barrier()
    pltpu.sync_copy(hist_sp.at[pl.ds(s * RPT, RPT)], tmp_v)
    pltpu.sync_copy(tmp_v, out_hbm.at[pl.ds(c * NPAD + s * RPT, RPT)])


@functools.partial(
    pl.kernel,
    out_type=jax.ShapeDtypeStruct((NC * NPAD,), jnp.float32),
    mesh=_SC_MESH,
    scratch_types=[
        pltpu.VMEM((NCHUNK, CHUNK), jnp.int32),
        pltpu.VMEM((4, CHUNK), jnp.int32),
        pltpu.VMEM((CHUNK,), jnp.float32),
        pltpu.VMEM((RPT,), jnp.float32),
        pltpu.VMEM_SHARED((NPAD,), jnp.float32),
    ],
)
def _sc_hist(pk3_hbm, ones_hbm, zcol_hbm, out_hbm, packed_v, stage_v, ones_v,
             tmp_v, hist_sp):
    _hist_body(pk3_hbm, ones_hbm, zcol_hbm, out_hbm, packed_v, stage_v,
               ones_v, tmp_v, hist_sp)


def _agg_body(u_hbm, pk3_hbm, zrows_hbm, out_hbm, packed_v, stage_v,
              rows0_v, rows1_v, sem0, sem1, acc_sp):
    c = lax.axis_index("c")
    s = lax.axis_index("s")
    wid = c * NS + s
    pltpu.sync_copy(pk3_hbm.at[wid], packed_v)
    pltpu.sync_copy(zrows_hbm, rows0_v)
    for j in range(WB):
        pltpu.sync_copy(rows0_v, acc_sp.at[pl.ds(s * RPT + j * CHUNK, CHUNK)])
    plsc.subcore_barrier()

    _unpack_chunk(packed_v, stage_v, 0, 0, 1)
    pltpu.async_copy(u_hbm.at[stage_v.at[0]], rows0_v, sem0)

    def body(k2, carry):
        a = 2 * k2
        _unpack_chunk(packed_v, stage_v, a + 1, 2, 3)
        pltpu.async_copy(u_hbm.at[stage_v.at[2]], rows1_v, sem1)
        pltpu.make_async_copy(u_hbm.at[stage_v.at[0]], rows0_v, sem0).wait()
        pltpu.sync_copy(rows0_v, acc_sp.at[stage_v.at[1]], add=True)
        _unpack_chunk(packed_v, stage_v, a + 2, 0, 1)
        pltpu.async_copy(u_hbm.at[stage_v.at[0]], rows0_v, sem0)
        pltpu.make_async_copy(u_hbm.at[stage_v.at[2]], rows1_v, sem1).wait()
        pltpu.sync_copy(rows1_v, acc_sp.at[stage_v.at[3]], add=True)
        return carry

    lax.fori_loop(0, (NCHUNK - 1) // 2, body, 0)
    pltpu.make_async_copy(u_hbm.at[stage_v.at[0]], rows0_v, sem0).wait()
    pltpu.sync_copy(rows0_v, acc_sp.at[stage_v.at[1]], add=True)
    plsc.subcore_barrier()
    for j in range(WB):
        r0 = s * RPT + j * CHUNK
        pltpu.sync_copy(acc_sp.at[pl.ds(r0, CHUNK)], rows0_v)
        pltpu.sync_copy(rows0_v, out_hbm.at[pl.ds(c * NPAD + r0, CHUNK)])


@functools.partial(
    pl.kernel,
    out_type=jax.ShapeDtypeStruct((NC * NPAD, H), jnp.float32),
    mesh=_SC_MESH,
    scratch_types=[
        pltpu.VMEM((NCHUNK, CHUNK), jnp.int32),
        pltpu.VMEM((4, CHUNK), jnp.int32),
        pltpu.VMEM((CHUNK, H), jnp.float32),
        pltpu.VMEM((CHUNK, H), jnp.float32),
        pltpu.SemaphoreType.DMA,
        pltpu.SemaphoreType.DMA,
        pltpu.VMEM_SHARED((NPAD, H), jnp.float32),
    ],
)
def _sc_agg(u_hbm, pk3_hbm, zrows_hbm, out_hbm, packed_v, stage_v,
            rows0_v, rows1_v, sem0, sem1, acc_sp):
    _agg_body(u_hbm, pk3_hbm, zrows_hbm, out_hbm, packed_v, stage_v,
              rows0_v, rows1_v, sem0, sem1, acc_sp)



RB = 1000
NRB = N // RB


def _tc_mm_body(x_ref, w_ref, hw_ref):
    hw_ref[...] = jnp.dot(x_ref[...], w_ref[...],
                          preferred_element_type=jnp.float32)


def _tc_mm(x, w):
    return pl.pallas_call(
        _tc_mm_body,
        grid=(NRB,),
        in_specs=[
            pl.BlockSpec((RB, D), lambda i: (i, 0)),
            pl.BlockSpec((D, H), lambda i: (0, 0)),
        ],
        out_specs=pl.BlockSpec((RB, H), lambda i: (i, 0)),
        out_shape=jax.ShapeDtypeStruct((N, H), jnp.float32),
    )(x, w)


def _tc1_body(degt_ref, hw_ref, u_ref, dinv_ref):
    deg = jnp.sum(degt_ref[...], axis=1, keepdims=True) + 1.0
    dinv = lax.rsqrt(deg)
    dinv_ref[...] = dinv
    u_ref[...] = hw_ref[...] * dinv


def _tc_first(degt, hw):
    return pl.pallas_call(
        _tc1_body,
        grid=(NRB,),
        in_specs=[
            pl.BlockSpec((RB, 2), lambda i: (i, 0)),
            pl.BlockSpec((RB, H), lambda i: (i, 0)),
        ],
        out_specs=[
            pl.BlockSpec((RB, H), lambda i: (i, 0)),
            pl.BlockSpec((RB, 1), lambda i: (i, 0)),
        ],
        out_shape=[
            jax.ShapeDtypeStruct((N, H), jnp.float32),
            jax.ShapeDtypeStruct((N, 1), jnp.float32),
        ],
    )(degt, hw)


def _tc_mid_body(acc_ref, u_ref, dinv_ref, b_ref, w_ref, un_ref):
    dinv = dinv_ref[...]
    h = acc_ref[0] + acc_ref[1] + u_ref[...]
    h = jnp.maximum(h * dinv + b_ref[...], 0.0)
    hw = jnp.dot(h, w_ref[...], preferred_element_type=jnp.float32)
    un_ref[...] = hw * dinv


def _tc_mid(acc, u, dinv, b, w):
    return pl.pallas_call(
        _tc_mid_body,
        grid=(NRB,),
        in_specs=[
            pl.BlockSpec((NC, RB, H), lambda i: (0, i, 0)),
            pl.BlockSpec((RB, H), lambda i: (i, 0)),
            pl.BlockSpec((RB, 1), lambda i: (i, 0)),
            pl.BlockSpec((1, H), lambda i: (0, 0)),
            pl.BlockSpec((H, H), lambda i: (0, 0)),
        ],
        out_specs=pl.BlockSpec((RB, H), lambda i: (i, 0)),
        out_shape=jax.ShapeDtypeStruct((N, H), jnp.float32),
    )(acc, u, dinv, b, w)


def _tc_final_body(acc_ref, u_ref, dinv_ref, b_ref, batch_ref, fw1_ref,
                   fb1_ref, fw2_ref, fb2_ref, out_ref, sums_scr, cnt_scr):
    i = pl.program_id(0)
    h = acc_ref[0] + acc_ref[1] + u_ref[...]
    h = jnp.maximum(h * dinv_ref[...] + b_ref[...], 0.0)
    gids = lax.broadcasted_iota(jnp.int32, (1, G), 1)
    onehot = (batch_ref[...] == gids).astype(jnp.float32)
    psum = lax.dot_general(onehot, h, (((0,), (0,)), ((), ())),
                           preferred_element_type=jnp.float32)
    pcnt = lax.dot_general(onehot, jnp.ones_like(h), (((0,), (0,)), ((), ())),
                           preferred_element_type=jnp.float32)

    @pl.when(i == 0)
    def _init():
        sums_scr[...] = jnp.zeros_like(sums_scr)
        cnt_scr[...] = jnp.zeros_like(cnt_scr)

    sums_scr[...] += psum
    cnt_scr[...] += pcnt

    @pl.when(i == NRB - 1)
    def _head():
        pooled = sums_scr[...] / jnp.maximum(cnt_scr[...], 1.0)
        hm = jnp.maximum(
            jnp.dot(pooled, fw1_ref[...], preferred_element_type=jnp.float32)
            + fb1_ref[...], 0.0)
        out_ref[...] = (
            jnp.dot(hm, fw2_ref[...], preferred_element_type=jnp.float32)
            + fb2_ref[...])


def _tc_final(acc, u, dinv, b, batch_col, fw1, fb1, fw2, fb2):
    return pl.pallas_call(
        _tc_final_body,
        grid=(NRB,),
        in_specs=[
            pl.BlockSpec((NC, RB, H), lambda i: (0, i, 0)),
            pl.BlockSpec((RB, H), lambda i: (i, 0)),
            pl.BlockSpec((RB, 1), lambda i: (i, 0)),
            pl.BlockSpec((1, H), lambda i: (0, 0)),
            pl.BlockSpec((RB, 1), lambda i: (i, 0)),
            pl.BlockSpec((H, H), lambda i: (0, 0)),
            pl.BlockSpec((1, H), lambda i: (0, 0)),
            pl.BlockSpec((H, O_DIM), lambda i: (0, 0)),
            pl.BlockSpec((1, O_DIM), lambda i: (0, 0)),
        ],
        out_specs=pl.BlockSpec((G, O_DIM), lambda i: (0, 0)),
        out_shape=jax.ShapeDtypeStruct((G, O_DIM), jnp.float32),
        scratch_shapes=[
            pltpu.VMEM((G, H), jnp.float32),
            pltpu.VMEM((G, H), jnp.float32),
        ],
    )(acc, u, dinv, b, batch_col, fw1, fb1, fw2, fb2)



def kernel(x, edge_index, batch, W1, b1, W2, b2, W3, b3, fW1, fb1, fW2, fb2):
    ppw = EPW - E // NW
    src2 = edge_index[0].reshape(NW, E // NW)
    dst2 = edge_index[1].reshape(NW, E // NW)
    dpad = (N + jnp.arange(NW * ppw, dtype=jnp.int32).reshape(NW, ppw)
            % (NPAD - N))
    src2 = jnp.concatenate(
        [src2, jnp.zeros((NW, ppw), edge_index.dtype)], axis=1)
    dst2 = jnp.concatenate([dst2, dpad.astype(edge_index.dtype)], axis=1)
    pk3 = (src2 | (dst2 << 16)).reshape(NW, NCHUNK, CHUNK)
    ones80 = jnp.ones((CHUNK,), jnp.float32)
    zcol = jnp.zeros((RPT,), jnp.float32)
    zrows = jnp.zeros((CHUNK, H), jnp.float32)
    batch_col = batch.reshape(N, 1)

    hw1 = _tc_mm(x, W1)
    degflat = _sc_hist(pk3, ones80, zcol)
    degt = degflat.reshape(NC, NPAD).T

    u1, dinv = _tc_first(degt[:N], hw1)
    acc1 = _sc_agg(u1, pk3, zrows).reshape(NC, NPAD, H)
    u2 = _tc_mid(acc1, u1, dinv, b1.reshape(1, H), W2)
    acc2 = _sc_agg(u2, pk3, zrows).reshape(NC, NPAD, H)
    u3 = _tc_mid(acc2, u2, dinv, b2.reshape(1, H), W3)
    acc3 = _sc_agg(u3, pk3, zrows).reshape(NC, NPAD, H)
    out = _tc_final(acc3, u3, dinv, b3.reshape(1, H), batch_col,
                    fW1, fb1.reshape(1, H), fW2, fb2.reshape(1, O_DIM))
    return out

# --- scband reference (transcript-rebuilt; emitter-appended) ---
"""Pipeline reference for scband-gripping-point-gnn-8169027797159 (READ-ONLY COPY).

The authoritative reference and input builder live on the scoring server;
editing this copy changes nothing except your own understanding.
"""

import jax, jax.numpy as jnp
import numpy as np

N = 10000
E = 320000
D = 128
H = 128
O = 8
G = 16


def setup_inputs(seed: int = 0) -> dict:
    key = jax.random.key(seed)
    ks = jax.random.split(key, 16)
    s = 0.05
    x = jax.random.normal(ks[0], (N, D), dtype=jnp.float32)
    edge_index = jax.random.randint(ks[1], (2, E), 0, N, dtype=jnp.int32)
    batch = jnp.sort(jax.random.randint(ks[2], (N,), 0, G, dtype=jnp.int32))
    W1 = jax.random.normal(ks[3], (D, H), dtype=jnp.float32) * s
    b1 = jnp.zeros((H,), dtype=jnp.float32)
    W2 = jax.random.normal(ks[4], (H, H), dtype=jnp.float32) * s
    b2 = jnp.zeros((H,), dtype=jnp.float32)
    W3 = jax.random.normal(ks[5], (H, H), dtype=jnp.float32) * s
    b3 = jnp.zeros((H,), dtype=jnp.float32)
    fW1 = jax.random.normal(ks[6], (H, H), dtype=jnp.float32) * s
    fb1 = jnp.zeros((H,), dtype=jnp.float32)
    fW2 = jax.random.normal(ks[7], (H, O), dtype=jnp.float32) * s
    fb2 = jnp.zeros((O,), dtype=jnp.float32)
    return {"x": x, "edge_index": edge_index, "batch": batch,
            "W1": W1, "b1": b1, "W2": W2, "b2": b2, "W3": W3, "b3": b3,
            "fW1": fW1, "fb1": fb1, "fW2": fW2, "fb2": fb2}


def reference(x, edge_index, batch, W1, b1, W2, b2, W3, b3, fW1, fb1, fW2, fb2):
    # GCNConv with added self-loops and symmetric normalization (PyG semantics)
    loop = jnp.arange(N, dtype=edge_index.dtype)
    src = jnp.concatenate([edge_index[0], loop])
    dst = jnp.concatenate([edge_index[1], loop])
    deg = jax.ops.segment_sum(jnp.ones_like(dst, dtype=jnp.float32), dst, num_segments=N)
    dinv = jnp.where(deg > 0, jax.lax.rsqrt(jnp.maximum(deg, 1e-12)), 0.0)
    norm = dinv[src] * dinv[dst]

    def gcn(h, W, b):
        hw = h @ W
        msg = hw[src] * norm[:, None]
        return jax.ops.segment_sum(msg, dst, num_segments=N) + b

    h = jax.nn.relu(gcn(x, W1, b1))
    h = jax.nn.relu(gcn(h, W2, b2))
    h = jax.nn.relu(gcn(h, W3, b3))
    # global_mean_pool over batch segment ids
    sums = jax.ops.segment_sum(h, batch, num_segments=G)
    cnt = jax.ops.segment_sum(jnp.ones((N,), dtype=jnp.float32), batch, num_segments=G)
    pooled = sums / jnp.maximum(cnt, 1.0)[:, None]
    h = jax.nn.relu(pooled @ fW1 + fb1)
    out = h @ fW2 + fb2
    return out

if __name__ == "__main__":
    import jax
    _d = setup_inputs()
    print(jax.jit(kernel)(*tuple(_d.values())))

</pallas_src>

<mosaic_0001>
#map = affine_map<(d0, d1) -> (0, 0, 0)>
#map1 = affine_map<(d0, d1) -> (0)>
module attributes {stable_mosaic.version = 14 : i64} {
  func.func @_sc_hist(%arg0: i32, %arg1: i32, %arg2: memref<32x157x64xi32, #tpu.memory_space<hbm>>, %arg3: memref<64xf32, #tpu.memory_space<hbm>>, %arg4: memref<640xf32, #tpu.memory_space<hbm>>, %arg5: memref<20480xf32, #tpu.memory_space<hbm>>, %arg6: memref<157x64xi32, #tpu.memory_space<vmem>>, %arg7: memref<4x64xi32, #tpu.memory_space<vmem>>, %arg8: memref<64xf32, #tpu.memory_space<vmem>>, %arg9: memref<640xf32, #tpu.memory_space<vmem>>, %arg10: memref<10240xf32, #tpu.memory_space<vmem_shared>>) attributes {dimension_semantics = [#tpu.dimension_semantics<core_parallel>, #tpu.dimension_semantics<subcore_parallel>], iteration_bounds = array<i64: 2, 16>, scalar_prefetch = 0 : i64, scratch_operands = 5 : i64, tpu.core_type = #tpu.core_type<sc_vector_subcore>, window_params = [{transform_indices = #map}, {transform_indices = #map1}, {transform_indices = #map1}, {transform_indices = #map1}]} {
    %mul3A = arith.constant 16 : i32
    %mul3A_0 = arith.muli %arg0, %mul3A : i32
    %add3A = arith.addi %mul3A_0, %arg1 : i32
    "tpu.region"() ({
      %run_scoped3A = tpu.sem_alloc : memref<!tpu.dma_semaphore, #tpu.memory_space<semaphore_mem>>
      %dma_start3A = arith.constant 0 : i32
      %dma_start3A_16 = arith.constant 0 : i32
      %dma_start3A_17 = tpu.memref_slice %arg2[%add3A, %dma_start3A, %dma_start3A_16] : memref<32x157x64xi32, #tpu.memory_space<hbm>> -> memref<1x157x64xi32, #tpu.memory_space<hbm>>
      %dma_start3A_18 = tpu.memref_squeeze %dma_start3A_17 : memref<1x157x64xi32, #tpu.memory_space<hbm>> -> memref<157x64xi32, #tpu.memory_space<hbm>>
      %dma_start3A_19 = arith.constant 0 : i32
      %dma_start3A_20 = arith.constant 0 : i32
      %dma_start3A_21 = tpu.memref_slice %arg2[%add3A, %dma_start3A_19, %dma_start3A_20] : memref<32x157x64xi32, #tpu.memory_space<hbm>> -> memref<1x157x64xi32, #tpu.memory_space<hbm>>
      %dma_start3A_22 = tpu.memref_squeeze %dma_start3A_21 : memref<1x157x64xi32, #tpu.memory_space<hbm>> -> memref<157x64xi32, #tpu.memory_space<hbm>>
      tpu.enqueue_dma source(%dma_start3A_22 : memref<157x64xi32, #tpu.memory_space<hbm>>) target(%arg6 : memref<157x64xi32, #tpu.memory_space<vmem>>) target_semaphore(%run_scoped3A : memref<!tpu.dma_semaphore, #tpu.memory_space<semaphore_mem>>)
      %dma_wait3A = arith.constant 0 : i32
      %dma_wait3A_23 = arith.constant 0 : i32
      %dma_wait3A_24 = tpu.memref_slice %arg2[%add3A, %dma_wait3A, %dma_wait3A_23] : memref<32x157x64xi32, #tpu.memory_space<hbm>> -> memref<1x157x64xi32, #tpu.memory_space<hbm>>
      %dma_wait3A_25 = tpu.memref_squeeze %dma_wait3A_24 : memref<1x157x64xi32, #tpu.memory_space<hbm>> -> memref<157x64xi32, #tpu.memory_space<hbm>>
      %dma_wait3A_26 = arith.constant 0 : i32
      %dma_wait3A_27 = arith.constant 0 : i32
      %dma_wait3A_28 = tpu.memref_slice %arg2[%add3A, %dma_wait3A_26, %dma_wait3A_27] : memref<32x157x64xi32, #tpu.memory_space<hbm>> -> memref<1x157x64xi32, #tpu.memory_space<hbm>>
      %dma_wait3A_29 = tpu.memref_squeeze %dma_wait3A_28 : memref<1x157x64xi32, #tpu.memory_space<hbm>> -> memref<157x64xi32, #tpu.memory_space<hbm>>
      tpu.wait_dma2 semaphore(%run_scoped3A : memref<!tpu.dma_semaphore, #tpu.memory_space<semaphore_mem>>) src(%dma_wait3A_29 : memref<157x64xi32, #tpu.memory_space<hbm>>) dst(%arg6 : memref<157x64xi32, #tpu.memory_space<vmem>>)
      tpu.yield
    }) : () -> ()
    "tpu.region"() ({
      %run_scoped3A = tpu.sem_alloc : memref<!tpu.dma_semaphore, #tpu.memory_space<semaphore_mem>>
      tpu.enqueue_dma source(%arg3 : memref<64xf32, #tpu.memory_space<hbm>>) target(%arg8 : memref<64xf32, #tpu.memory_space<vmem>>) target_semaphore(%run_scoped3A : memref<!tpu.dma_semaphore, #tpu.memory_space<semaphore_mem>>)
      tpu.wait_dma2 semaphore(%run_scoped3A : memref<!tpu.dma_semaphore, #tpu.memory_space<semaphore_mem>>) src(%arg3 : memref<64xf32, #tpu.memory_space<hbm>>) dst(%arg8 : memref<64xf32, #tpu.memory_space<vmem>>)
      tpu.yield
    }) : () -> ()
    %mul3A_1 = arith.constant 640 : i32
    %mul3A_2 = arith.muli %arg1, %mul3A_1 : i32
    "tpu.region"() ({
      %run_scoped3A = tpu.sem_alloc : memref<!tpu.dma_semaphore, #tpu.memory_space<semaphore_mem>>
      %dma_start3A = tpu.memref_slice %arg10[%mul3A_2] : memref<10240xf32, #tpu.memory_space<vmem_shared>> -> memref<640xf32, #tpu.memory_space<vmem_shared>>
      tpu.enqueue_dma source(%arg4 : memref<640xf32, #tpu.memory_space<hbm>>) target(%dma_start3A : memref<640xf32, #tpu.memory_space<vmem_shared>>) target_semaphore(%run_scoped3A : memref<!tpu.dma_semaphore, #tpu.memory_space<semaphore_mem>>)
      %dma_wait3A = tpu.memref_slice %arg10[%mul3A_2] : memref<10240xf32, #tpu.memory_space<vmem_shared>> -> memref<640xf32, #tpu.memory_space<vmem_shared>>
      tpu.wait_dma2 semaphore(%run_scoped3A : memref<!tpu.dma_semaphore, #tpu.memory_space<semaphore_mem>>) src(%arg4 : memref<640xf32, #tpu.memory_space<hbm>>) dst(%dma_wait3A : memref<640xf32, #tpu.memory_space<vmem_shared>>)
      tpu.yield
    }) : () -> ()
    %barrier3A = arith.constant 0 : index
    tpu.barrier barrier_id(%barrier3A)
    %scan3A = arith.constant 0 : i32
    %scan3A_3 = arith.constant 0 : i32
    %scan3A_4 = arith.constant 157 : i32
    %scan3A_5 = arith.addi %scan3A_3, %scan3A_4 : i32
    %scan3A_6 = arith.constant 1 : i32
    scf.for %scan3A_16 = %scan3A_3 to %scan3A_5 step %scan3A_6  : i32 {
      %get3A = arith.index_cast %scan3A_16 : i32 to index
      %get3A_17 = arith.constant 0 : index
      %get3A_18 = tpu.vector_load %arg6[%get3A, %get3A_17] {strides = array<i32>} : memref<157x64xi32, #tpu.memory_space<vmem>>, vector<1x16xi32>,
      %get3A_19 = vector.shape_cast %get3A_18 : vector<1x16xi32> to vector<16xi32>
      %and3A = arith.constant 65535 : i32
      %and3A_20 = vector.broadcast %and3A : i32 to vector<16xi32>
      %and3A_21 = arith.andi %get3A_19, %and3A_20 : vector<16xi32>
      %swap3A = arith.constant 0 : i32
      %swap3A_22 = arith.index_cast %swap3A : i32 to index
      %swap3A_23 = arith.constant 0 : index
      %swap3A_24 = tpu.vector_load %arg7[%swap3A_22, %swap3A_23] {strides = array<i32>} : memref<4x64xi32, #tpu.memory_space<vmem>>, vector<1x16xi32>,
      %swap3A_25 = vector.shape_cast %swap3A_24 : vector<1x16xi32> to vector<16xi32>
      %swap3A_26 = vector.shape_cast %and3A_21 : vector<16xi32> to vector<1x16xi32>
      tpu.vector_store %arg7[%swap3A_22, %swap3A_23], %swap3A_26 {strides = array<i32>} : memref<4x64xi32, #tpu.memory_space<vmem>>, vector<1x16xi32>,
      %shift_right_logical3A = arith.constant 16 : i32
      %shift_right_logical3A_27 = vector.broadcast %shift_right_logical3A : i32 to vector<16xi32>
      %shift_right_logical3A_28 = arith.shrui %get3A_19, %shift_right_logical3A_27 : vector<16xi32>
      %swap3A_29 = arith.constant 1 : i32
      %swap3A_30 = arith.index_cast %swap3A_29 : i32 to index
      %swap3A_31 = arith.constant 0 : index
      %swap3A_32 = tpu.vector_load %arg7[%swap3A_30, %swap3A_31] {strides = array<i32>} : memref<4x64xi32, #tpu.memory_space<vmem>>, vector<1x16xi32>,
      %swap3A_33 = vector.shape_cast %swap3A_32 : vector<1x16xi32> to vector<16xi32>
      %swap3A_34 = vector.shape_cast %shift_right_logical3A_28 : vector<16xi32> to vector<1x16xi32>
      tpu.vector_store %arg7[%swap3A_30, %swap3A_31], %swap3A_34 {strides = array<i32>} : memref<4x64xi32, #tpu.memory_space<vmem>>, vector<1x16xi32>,
      %get3A_35 = arith.index_cast %scan3A_16 : i32 to index
      %get3A_36 = arith.constant 16 : index
      %get3A_37 = tpu.vector_load %arg6[%get3A_35, %get3A_36] {strides = array<i32>} : memref<157x64xi32, #tpu.memory_space<vmem>>, vector<1x16xi32>,
      %get3A_38 = vector.shape_cast %get3A_37 : vector<1x16xi32> to vector<16xi32>
      %and3A_39 = arith.constant 65535 : i32
      %and3A_40 = vector.broadcast %and3A_39 : i32 to vector<16xi32>
      %and3A_41 = arith.andi %get3A_38, %and3A_40 : vector<16xi32>
      %swap3A_42 = arith.constant 0 : i32
      %swap3A_43 = arith.index_cast %swap3A_42 : i32 to index
      %swap3A_44 = arith.constant 16 : index
      %swap3A_45 = tpu.vector_load %arg7[%swap3A_43, %swap3A_44] {strides = array<i32>} : memref<4x64xi32, #tpu.memory_space<vmem>>, vector<1x16xi32>,
      %swap3A_46 = vector.shape_cast %swap3A_45 : vector<1x16xi32> to vector<16xi32>
      %swap3A_47 = vector.shape_cast %and3A_41 : vector<16xi32> to vector<1x16xi32>
      tpu.vector_store %arg7[%swap3A_43, %swap3A_44], %swap3A_47 {strides = array<i32>} : memref<4x64xi32, #tpu.memory_space<vmem>>, vector<1x16xi32>,
      %shift_right_logical3A_48 = arith.constant 16 : i32
      %shift_right_logical3A_49 = vector.broadcast %shift_right_logical3A_48 : i32 to vector<16xi32>
      %shift_right_logical3A_50 = arith.shrui %get3A_38, %shift_right_logical3A_49 : vector<16xi32>
      %swap3A_51 = arith.constant 1 : i32
      %swap3A_52 = arith.index_cast %swap3A_51 : i32 to index
      %swap3A_53 = arith.constant 16 : index
      %swap3A_54 = tpu.vector_load %arg7[%swap3A_52, %swap3A_53] {strides = array<i32>} : memref<4x64xi32, #tpu.memory_space<vmem>>, vector<1x16xi32>,
      %swap3A_55 = vector.shape_cast %swap3A_54 : vector<1x16xi32> to vector<16xi32>
      %swap3A_56 = vector.shape_cast %shift_right_logical3A_50 : vector<16xi32> to vector<1x16xi32>
      tpu.vector_store %arg7[%swap3A_52, %swap3A_53], %swap3A_56 {strides = array<i32>} : memref<4x64xi32, #tpu.memory_space<vmem>>, vector<1x16xi32>,
      %get3A_57 = arith.index_cast %scan3A_16 : i32 to index
      %get3A_58 = arith.constant 32 : index
      %get3A_59 = tpu.vector_load %arg6[%get3A_57, %get3A_58] {strides = array<i32>} : memref<157x64xi32, #tpu.memory_space<vmem>>, vector<1x16xi32>,
      %get3A_60 = vector.shape_cast %get3A_59 : vector<1x16xi32> to vector<16xi32>
      %and3A_61 = arith.constant 65535 : i32
      %and3A_62 = vector.broadcast %and3A_61 : i32 to vector<16xi32>
      %and3A_63 = arith.andi %get3A_60, %and3A_62 : vector<16xi32>
      %swap3A_64 = arith.constant 0 : i32
      %swap3A_65 = arith.index_cast %swap3A_64 : i32 to index
      %swap3A_66 = arith.constant 32 : index
      %swap3A_67 = tpu.vector_load %arg7[%swap3A_65, %swap3A_66] {strides = array<i32>} : memref<4x64xi32, #tpu.memory_space<vmem>>, vector<1x16xi32>,
      %swap3A_68 = vector.shape_cast %swap3A_67 : vector<1x16xi32> to vector<16xi32>
      %swap3A_69 = vector.shape_cast %and3A_63 : vector<16xi32> to vector<1x16xi32>
      tpu.vector_store %arg7[%swap3A_65, %swap3A_66], %swap3A_69 {strides = array<i32>} : memref<4x64xi32, #tpu.memory_space<vmem>>, vector<1x16xi32>,
      %shift_right_logical3A_70 = arith.constant 16 : i32
      %shift_right_logical3A_71 = vector.broadcast %shift_right_logical3A_70 : i32 to vector<16xi32>
      %shift_right_logical3A_72 = arith.shrui %get3A_60, %shift_right_logical3A_71 : vector<16xi32>
      %swap3A_73 = arith.constant 1 : i32
      %swap3A_74 = arith.index_cast %swap3A_73 : i32 to index
      %swap3A_75 = arith.constant 32 : index
      %swap3A_76 = tpu.vector_load %arg7[%swap3A_74, %swap3A_75] {strides = array<i32>} : memref<4x64xi32, #tpu.memory_space<vmem>>, vector<1x16xi32>,
      %swap3A_77 = vector.shape_cast %swap3A_76 : vector<1x16xi32> to vector<16xi32>
      %swap3A_78 = vector.shape_cast %shift_right_logical3A_72 : vector<16xi32> to vector<1x16xi32>
      tpu.vector_store %arg7[%swap3A_74, %swap3A_75], %swap3A_78 {strides = array<i32>} : memref<4x64xi32, #tpu.memory_space<vmem>>, vector<1x16xi32>,
      %get3A_79 = arith.index_cast %scan3A_16 : i32 to index
      %get3A_80 = arith.constant 48 : index
      %get3A_81 = tpu.vector_load %arg6[%get3A_79, %get3A_80] {strides = array<i32>} : memref<157x64xi32, #tpu.memory_space<vmem>>, vector<1x16xi32>,
      %get3A_82 = vector.shape_cast %get3A_81 : vector<1x16xi32> to vector<16xi32>
      %and3A_83 = arith.constant 65535 : i32
      %and3A_84 = vector.broadcast %and3A_83 : i32 to vector<16xi32>
      %and3A_85 = arith.andi %get3A_82, %and3A_84 : vector<16xi32>
      %swap3A_86 = arith.constant 0 : i32
      %swap3A_87 = arith.index_cast %swap3A_86 : i32 to index
      %swap3A_88 = arith.constant 48 : index
      %swap3A_89 = tpu.vector_load %arg7[%swap3A_87, %swap3A_88] {strides = array<i32>} : memref<4x64xi32, #tpu.memory_space<vmem>>, vector<1x16xi32>,
      %swap3A_90 = vector.shape_cast %swap3A_89 : vector<1x16xi32> to vector<16xi32>
      %swap3A_91 = vector.shape_cast %and3A_85 : vector<16xi32> to vector<1x16xi32>
      tpu.vector_store %arg7[%swap3A_87, %swap3A_88], %swap3A_91 {strides = array<i32>} : memref<4x64xi32, #tpu.memory_space<vmem>>, vector<1x16xi32>,
      %shift_right_logical3A_92 = arith.constant 16 : i32
      %shift_right_logical3A_93 = vector.broadcast %shift_right_logical3A_92 : i32 to vector<16xi32>
      %shift_right_logical3A_94 = arith.shrui %get3A_82, %shift_right_logical3A_93 : vector<16xi32>
      %swap3A_95 = arith.constant 1 : i32
      %swap3A_96 = arith.index_cast %swap3A_95 : i32 to index
      %swap3A_97 = arith.constant 48 : index
      %swap3A_98 = tpu.vector_load %arg7[%swap3A_96, %swap3A_97] {strides = array<i32>} : memref<4x64xi32, #tpu.memory_space<vmem>>, vector<1x16xi32>,
      %swap3A_99 = vector.shape_cast %swap3A_98 : vector<1x16xi32> to vector<16xi32>
      %swap3A_100 = vector.shape_cast %shift_right_logical3A_94 : vector<16xi32> to vector<1x16xi32>
      tpu.vector_store %arg7[%swap3A_96, %swap3A_97], %swap3A_100 {strides = array<i32>} : memref<4x64xi32, #tpu.memory_space<vmem>>, vector<1x16xi32>,
      %run_scoped3A = arith.constant 1 : i32
      "tpu.region"() ({
        %run_scoped3A_101 = tpu.sem_alloc : memref<!tpu.dma_semaphore, #tpu.memory_space<semaphore_mem>>
        %dma_start3A = arith.constant 0 : i32
        %dma_start3A_102 = tpu.memref_slice %arg7[%run_scoped3A, %dma_start3A] : memref<4x64xi32, #tpu.memory_space<vmem>> -> memref<1x64xi32, #tpu.memory_space<vmem>>
        %dma_start3A_103 = tpu.memref_squeeze %dma_start3A_102 : memref<1x64xi32, #tpu.memory_space<vmem>> -> memref<64xi32, #tpu.memory_space<vmem>>
        %dma_start3A_104 = arith.constant 0 : i32
        %dma_start3A_105 = tpu.memref_slice %arg10[%dma_start3A_104] : memref<10240xf32, #tpu.memory_space<vmem_shared>> -> memref<10240xf32, #tpu.memory_space<vmem_shared>>
        tpu.enqueue_indirect_dma source(%arg8 : memref<64xf32, #tpu.memory_space<vmem>>) target(%dma_start3A_105 : memref<10240xf32, #tpu.memory_space<vmem_shared>>) offsets(%dma_start3A_103 : memref<64xi32, #tpu.memory_space<vmem>>) semaphore(%run_scoped3A_101 : memref<!tpu.dma_semaphore, #tpu.memory_space<semaphore_mem>>) {add = true}
        %dma_wait3A = arith.constant 0 : i32
        %dma_wait3A_106 = tpu.memref_slice %arg7[%run_scoped3A, %dma_wait3A] : memref<4x64xi32, #tpu.memory_space<vmem>> -> memref<1x64xi32, #tpu.memory_space<vmem>>
        %dma_wait3A_107 = tpu.memref_squeeze %dma_wait3A_106 : memref<1x64xi32, #tpu.memory_space<vmem>> -> memref<64xi32, #tpu.memory_space<vmem>>
        %dma_wait3A_108 = arith.constant 0 : i32
        %dma_wait3A_109 = tpu.memref_slice %arg10[%dma_wait3A_108] : memref<10240xf32, #tpu.memory_space<vmem_shared>> -> memref<10240xf32, #tpu.memory_space<vmem_shared>>
        tpu.wait_indirect_dma semaphore(%run_scoped3A_101 : memref<!tpu.dma_semaphore, #tpu.memory_space<semaphore_mem>>) src(%arg8 : memref<64xf32, #tpu.memory_space<vmem>>) dst(%dma_wait3A_109 : memref<10240xf32, #tpu.memory_space<vmem_shared>>)
        tpu.yield
      }) : () -> ()
    }
    %scan3A_7 = arith.constant 157 : i32
    %barrier3A_8 = arith.constant 0 : index
    tpu.barrier barrier_id(%barrier3A_8)
    %mul3A_9 = arith.constant 640 : i32
    %mul3A_10 = arith.muli %arg1, %mul3A_9 : i32
    "tpu.region"() ({
      %run_scoped3A = tpu.sem_alloc : memref<!tpu.dma_semaphore, #tpu.memory_space<semaphore_mem>>
      %dma_start3A = tpu.memref_slice %arg10[%mul3A_10] : memref<10240xf32, #tpu.memory_space<vmem_shared>> -> memref<640xf32, #tpu.memory_space<vmem_shared>>
      %dma_start3A_16 = tpu.memref_slice %arg10[%mul3A_10] : memref<10240xf32, #tpu.memory_space<vmem_shared>> -> memref<640xf32, #tpu.memory_space<vmem_shared>>
      tpu.enqueue_dma source(%dma_start3A_16 : memref<640xf32, #tpu.memory_space<vmem_shared>>) target(%arg9 : memref<640xf32, #tpu.memory_space<vmem>>) target_semaphore(%run_scoped3A : memref<!tpu.dma_semaphore, #tpu.memory_space<semaphore_mem>>)
      %dma_wait3A = tpu.memref_slice %arg10[%mul3A_10] : memref<10240xf32, #tpu.memory_space<vmem_shared>> -> memref<640xf32, #tpu.memory_space<vmem_shared>>
      %dma_wait3A_17 = tpu.memref_slice %arg10[%mul3A_10] : memref<10240xf32, #tpu.memory_space<vmem_shared>> -> memref<640xf32, #tpu.memory_space<vmem_shared>>
      tpu.wait_dma2 semaphore(%run_scoped3A : memref<!tpu.dma_semaphore, #tpu.memory_space<semaphore_mem>>) src(%dma_wait3A_17 : memref<640xf32, #tpu.memory_space<vmem_shared>>) dst(%arg9 : memref<640xf32, #tpu.memory_space<vmem>>)
      tpu.yield
    }) : () -> ()
    %mul3A_11 = arith.constant 10240 : i32
    %mul3A_12 = arith.muli %arg0, %mul3A_11 : i32
    %mul3A_13 = arith.constant 640 : i32
    %mul3A_14 = arith.muli %arg1, %mul3A_13 : i32
    %add3A_15 = arith.addi %mul3A_12, %mul3A_14 : i32
    "tpu.region"() ({
      %run_scoped3A = tpu.sem_alloc : memref<!tpu.dma_semaphore, #tpu.memory_space<semaphore_mem>>
      %dma_start3A = tpu.memref_slice %arg5[%add3A_15] : memref<20480xf32, #tpu.memory_space<hbm>> -> memref<640xf32, #tpu.memory_space<hbm>>
      %dma_start3A_16 = tpu.memref_slice %arg5[%add3A_15] : memref<20480xf32, #tpu.memory_space<hbm>> -> memref<640xf32, #tpu.memory_space<hbm>>
      tpu.enqueue_dma source(%arg9 : memref<640xf32, #tpu.memory_space<vmem>>) target(%dma_start3A_16 : memref<640xf32, #tpu.memory_space<hbm>>) target_semaphore(%run_scoped3A : memref<!tpu.dma_semaphore, #tpu.memory_space<semaphore_mem>>)
      %dma_wait3A = tpu.memref_slice %arg5[%add3A_15] : memref<20480xf32, #tpu.memory_space<hbm>> -> memref<640xf32, #tpu.memory_space<hbm>>
      %dma_wait3A_17 = tpu.memref_slice %arg5[%add3A_15] : memref<20480xf32, #tpu.memory_space<hbm>> -> memref<640xf32, #tpu.memory_space<hbm>>
      tpu.wait_dma2 semaphore(%run_scoped3A : memref<!tpu.dma_semaphore, #tpu.memory_space<semaphore_mem>>) src(%arg9 : memref<640xf32, #tpu.memory_space<vmem>>) dst(%dma_wait3A_17 : memref<640xf32, #tpu.memory_space<hbm>>)
      tpu.yield
    }) : () -> ()
    return
  }
}

#map = affine_map<(d0, d1) -> (0, 0)>
#map1 = affine_map<(d0, d1) -> (0, 0, 0)>
module attributes {stable_mosaic.version = 14 : i64} {
  func.func @_sc_agg(%arg0: i32, %arg1: i32, %arg2: memref<10000x128xf32, #tpu.memory_space<hbm>>, %arg3: memref<32x157x64xi32, #tpu.memory_space<hbm>>, %arg4: memref<64x128xf32, #tpu.memory_space<hbm>>, %arg5: memref<20480x128xf32, #tpu.memory_space<hbm>>, %arg6: memref<157x64xi32, #tpu.memory_space<vmem>>, %arg7: memref<4x64xi32, #tpu.memory_space<vmem>>, %arg8: memref<64x128xf32, #tpu.memory_space<vmem>>, %arg9: memref<64x128xf32, #tpu.memory_space<vmem>>, %arg10: memref<!tpu.dma_semaphore, #tpu.memory_space<semaphore_mem>>, %arg11: memref<!tpu.dma_semaphore, #tpu.memory_space<semaphore_mem>>, %arg12: memref<10240x128xf32, #tpu.memory_space<vmem_shared>>) attributes {dimension_semantics = [#tpu.dimension_semantics<core_parallel>, #tpu.dimension_semantics<subcore_parallel>], iteration_bounds = array<i64: 2, 16>, scalar_prefetch = 0 : i64, scratch_operands = 7 : i64, tpu.core_type = #tpu.core_type<sc_vector_subcore>, window_params = [{transform_indices = #map}, {transform_indices = #map1}, {transform_indices = #map}, {transform_indices = #map}]} {
    %mul3A = arith.constant 16 : i32
    %mul3A_0 = arith.muli %arg0, %mul3A : i32
    %add3A = arith.addi %mul3A_0, %arg1 : i32
    "tpu.region"() ({
      %run_scoped3A_217 = tpu.sem_alloc : memref<!tpu.dma_semaphore, #tpu.memory_space<semaphore_mem>>
      %dma_start3A_218 = arith.constant 0 : i32
      %dma_start3A_219 = arith.constant 0 : i32
      %dma_start3A_220 = tpu.memref_slice %arg3[%add3A, %dma_start3A_218, %dma_start3A_219] : memref<32x157x64xi32, #tpu.memory_space<hbm>> -> memref<1x157x64xi32, #tpu.memory_space<hbm>>
      %dma_start3A_221 = tpu.memref_squeeze %dma_start3A_220 : memref<1x157x64xi32, #tpu.memory_space<hbm>> -> memref<157x64xi32, #tpu.memory_space<hbm>>
      %dma_start3A_222 = arith.constant 0 : i32
      %dma_start3A_223 = arith.constant 0 : i32
      %dma_start3A_224 = tpu.memref_slice %arg3[%add3A, %dma_start3A_222, %dma_start3A_223] : memref<32x157x64xi32, #tpu.memory_space<hbm>> -> memref<1x157x64xi32, #tpu.memory_space<hbm>>
      %dma_start3A_225 = tpu.memref_squeeze %dma_start3A_224 : memref<1x157x64xi32, #tpu.memory_space<hbm>> -> memref<157x64xi32, #tpu.memory_space<hbm>>
      tpu.enqueue_dma source(%dma_start3A_225 : memref<157x64xi32, #tpu.memory_space<hbm>>) target(%arg6 : memref<157x64xi32, #tpu.memory_space<vmem>>) target_semaphore(%run_scoped3A_217 : memref<!tpu.dma_semaphore, #tpu.memory_space<semaphore_mem>>)
      %dma_wait3A_226 = arith.constant 0 : i32
      %dma_wait3A_227 = arith.constant 0 : i32
      %dma_wait3A_228 = tpu.memref_slice %arg3[%add3A, %dma_wait3A_226, %dma_wait3A_227] : memref<32x157x64xi32, #tpu.memory_space<hbm>> -> memref<1x157x64xi32, #tpu.memory_space<hbm>>
      %dma_wait3A_229 = tpu.memref_squeeze %dma_wait3A_228 : memref<1x157x64xi32, #tpu.memory_space<hbm>> -> memref<157x64xi32, #tpu.memory_space<hbm>>
      %dma_wait3A_230 = arith.constant 0 : i32
      %dma_wait3A_231 = arith.constant 0 : i32
      %dma_wait3A_232 = tpu.memref_slice %arg3[%add3A, %dma_wait3A_230, %dma_wait3A_231] : memref<32x157x64xi32, #tpu.memory_space<hbm>> -> memref<1x157x64xi32, #tpu.memory_space<hbm>>
      %dma_wait3A_233 = tpu.memref_squeeze %dma_wait3A_232 : memref<1x157x64xi32, #tpu.memory_space<hbm>> -> memref<157x64xi32, #tpu.memory_space<hbm>>
      tpu.wait_dma2 semaphore(%run_scoped3A_217 : memref<!tpu.dma_semaphore, #tpu.memory_space<semaphore_mem>>) src(%dma_wait3A_233 : memref<157x64xi32, #tpu.memory_space<hbm>>) dst(%arg6 : memref<157x64xi32, #tpu.memory_space<vmem>>)
      tpu.yield
    }) : () -> ()
    "tpu.region"() ({
      %run_scoped3A_217 = tpu.sem_alloc : memref<!tpu.dma_semaphore, #tpu.memory_space<semaphore_mem>>
      tpu.enqueue_dma source(%arg4 : memref<64x128xf32, #tpu.memory_space<hbm>>) target(%arg8 : memref<64x128xf32, #tpu.memory_space<vmem>>) target_semaphore(%run_scoped3A_217 : memref<!tpu.dma_semaphore, #tpu.memory_space<semaphore_mem>>)
      tpu.wait_dma2 semaphore(%run_scoped3A_217 : memref<!tpu.dma_semaphore, #tpu.memory_space<semaphore_mem>>) src(%arg4 : memref<64x128xf32, #tpu.memory_space<hbm>>) dst(%arg8 : memref<64x128xf32, #tpu.memory_space<vmem>>)
      tpu.yield
    }) : () -> ()
    %mul3A_1 = arith.constant 640 : i32
    %mul3A_2 = arith.muli %arg1, %mul3A_1 : i32
    %add3A_3 = arith.constant 0 : i32
    %add3A_4 = arith.addi %mul3A_2, %add3A_3 : i32
    "tpu.region"() ({
      %run_scoped3A_217 = tpu.sem_alloc : memref<!tpu.dma_semaphore, #tpu.memory_space<semaphore_mem>>
      %dma_start3A_218 = arith.constant 0 : i32
      %dma_start3A_219 = tpu.memref_slice %arg12[%add3A_4, %dma_start3A_218] : memref<10240x128xf32, #tpu.memory_space<vmem_shared>> -> memref<64x128xf32, #tpu.memory_space<vmem_shared>>
      %dma_start3A_220 = arith.constant 0 : i32
      %dma_start3A_221 = tpu.memref_slice %arg12[%add3A_4, %dma_start3A_220] : memref<10240x128xf32, #tpu.memory_space<vmem_shared>> -> memref<64x128xf32, #tpu.memory_space<vmem_shared>>
      tpu.enqueue_dma source(%arg8 : memref<64x128xf32, #tpu.memory_space<vmem>>) target(%dma_start3A_221 : memref<64x128xf32, #tpu.memory_space<vmem_shared>>) target_semaphore(%run_scoped3A_217 : memref<!tpu.dma_semaphore, #tpu.memory_space<semaphore_mem>>)
      %dma_wait3A_222 = arith.constant 0 : i32
      %dma_wait3A_223 = tpu.memref_slice %arg12[%add3A_4, %dma_wait3A_222] : memref<10240x128xf32, #tpu.memory_space<vmem_shared>> -> memref<64x128xf32, #tpu.memory_space<vmem_shared>>
      %dma_wait3A_224 = arith.constant 0 : i32
      %dma_wait3A_225 = tpu.memref_slice %arg12[%add3A_4, %dma_wait3A_224] : memref<10240x128xf32, #tpu.memory_space<vmem_shared>> -> memref<64x128xf32, #tpu.memory_space<vmem_shared>>
      tpu.wait_dma2 semaphore(%run_scoped3A_217 : memref<!tpu.dma_semaphore, #tpu.memory_space<semaphore_mem>>) src(%arg8 : memref<64x128xf32, #tpu.memory_space<vmem>>) dst(%dma_wait3A_225 : memref<64x128xf32, #tpu.memory_space<vmem_shared>>)
      tpu.yield
    }) : () -> ()
    %mul3A_5 = arith.constant 640 : i32
    %mul3A_6 = arith.muli %arg1, %mul3A_5 : i32
    %add3A_7 = arith.constant 64 : i32
    %add3A_8 = arith.addi %mul3A_6, %add3A_7 : i32
    "tpu.region"() ({
      %run_scoped3A_217 = tpu.sem_alloc : memref<!tpu.dma_semaphore, #tpu.memory_space<semaphore_mem>>
      %dma_start3A_218 = arith.constant 0 : i32
      %dma_start3A_219 = tpu.memref_slice %arg12[%add3A_8, %dma_start3A_218] : memref<10240x128xf32, #tpu.memory_space<vmem_shared>> -> memref<64x128xf32, #tpu.memory_space<vmem_shared>>
      %dma_start3A_220 = arith.constant 0 : i32
      %dma_start3A_221 = tpu.memref_slice %arg12[%add3A_8, %dma_start3A_220] : memref<10240x128xf32, #tpu.memory_space<vmem_shared>> -> memref<64x128xf32, #tpu.memory_space<vmem_shared>>
      tpu.enqueue_dma source(%arg8 : memref<64x128xf32, #tpu.memory_space<vmem>>) target(%dma_start3A_221 : memref<64x128xf32, #tpu.memory_space<vmem_shared>>) target_semaphore(%run_scoped3A_217 : memref<!tpu.dma_semaphore, #tpu.memory_space<semaphore_mem>>)
      %dma_wait3A_222 = arith.constant 0 : i32
      %dma_wait3A_223 = tpu.memref_slice %arg12[%add3A_8, %dma_wait3A_222] : memref<10240x128xf32, #tpu.memory_space<vmem_shared>> -> memref<64x128xf32, #tpu.memory_space<vmem_shared>>
      %dma_wait3A_224 = arith.constant 0 : i32
      %dma_wait3A_225 = tpu.memref_slice %arg12[%add3A_8, %dma_wait3A_224] : memref<10240x128xf32, #tpu.memory_space<vmem_shared>> -> memref<64x128xf32, #tpu.memory_space<vmem_shared>>
      tpu.wait_dma2 semaphore(%run_scoped3A_217 : memref<!tpu.dma_semaphore, #tpu.memory_space<semaphore_mem>>) src(%arg8 : memref<64x128xf32, #tpu.memory_space<vmem>>) dst(%dma_wait3A_225 : memref<64x128xf32, #tpu.memory_space<vmem_shared>>)
      tpu.yield
    }) : () -> ()
    %mul3A_9 = arith.constant 640 : i32
    %mul3A_10 = arith.muli %arg1, %mul3A_9 : i32
    %add3A_11 = arith.constant 128 : i32
    %add3A_12 = arith.addi %mul3A_10, %add3A_11 : i32
    "tpu.region"() ({
      %run_scoped3A_217 = tpu.sem_alloc : memref<!tpu.dma_semaphore, #tpu.memory_space<semaphore_mem>>
      %dma_start3A_218 = arith.constant 0 : i32
      %dma_start3A_219 = tpu.memref_slice %arg12[%add3A_12, %dma_start3A_218] : memref<10240x128xf32, #tpu.memory_space<vmem_shared>> -> memref<64x128xf32, #tpu.memory_space<vmem_shared>>
      %dma_start3A_220 = arith.constant 0 : i32
      %dma_start3A_221 = tpu.memref_slice %arg12[%add3A_12, %dma_start3A_220] : memref<10240x128xf32, #tpu.memory_space<vmem_shared>> -> memref<64x128xf32, #tpu.memory_space<vmem_shared>>
      tpu.enqueue_dma source(%arg8 : memref<64x128xf32, #tpu.memory_space<vmem>>) target(%dma_start3A_221 : memref<64x128xf32, #tpu.memory_space<vmem_shared>>) target_semaphore(%run_scoped3A_217 : memref<!tpu.dma_semaphore, #tpu.memory_space<semaphore_mem>>)
      %dma_wait3A_222 = arith.constant 0 : i32
      %dma_wait3A_223 = tpu.memref_slice %arg12[%add3A_12, %dma_wait3A_222] : memref<10240x128xf32, #tpu.memory_space<vmem_shared>> -> memref<64x128xf32, #tpu.memory_space<vmem_shared>>
      %dma_wait3A_224 = arith.constant 0 : i32
      %dma_wait3A_225 = tpu.memref_slice %arg12[%add3A_12, %dma_wait3A_224] : memref<10240x128xf32, #tpu.memory_space<vmem_shared>> -> memref<64x128xf32, #tpu.memory_space<vmem_shared>>
      tpu.wait_dma2 semaphore(%run_scoped3A_217 : memref<!tpu.dma_semaphore, #tpu.memory_space<semaphore_mem>>) src(%arg8 : memref<64x128xf32, #tpu.memory_space<vmem>>) dst(%dma_wait3A_225 : memref<64x128xf32, #tpu.memory_space<vmem_shared>>)
      tpu.yield
    }) : () -> ()
    %mul3A_13 = arith.constant 640 : i32
    %mul3A_14 = arith.muli %arg1, %mul3A_13 : i32
    %add3A_15 = arith.constant 192 : i32
    %add3A_16 = arith.addi %mul3A_14, %add3A_15 : i32
    "tpu.region"() ({
      %run_scoped3A_217 = tpu.sem_alloc : memref<!tpu.dma_semaphore, #tpu.memory_space<semaphore_mem>>
      %dma_start3A_218 = arith.constant 0 : i32
      %dma_start3A_219 = tpu.memref_slice %arg12[%add3A_16, %dma_start3A_218] : memref<10240x128xf32, #tpu.memory_space<vmem_shared>> -> memref<64x128xf32, #tpu.memory_space<vmem_shared>>
      %dma_start3A_220 = arith.constant 0 : i32
      %dma_start3A_221 = tpu.memref_slice %arg12[%add3A_16, %dma_start3A_220] : memref<10240x128xf32, #tpu.memory_space<vmem_shared>> -> memref<64x128xf32, #tpu.memory_space<vmem_shared>>
      tpu.enqueue_dma source(%arg8 : memref<64x128xf32, #tpu.memory_space<vmem>>) target(%dma_start3A_221 : memref<64x128xf32, #tpu.memory_space<vmem_shared>>) target_semaphore(%run_scoped3A_217 : memref<!tpu.dma_semaphore, #tpu.memory_space<semaphore_mem>>)
      %dma_wait3A_222 = arith.constant 0 : i32
      %dma_wait3A_223 = tpu.memref_slice %arg12[%add3A_16, %dma_wait3A_222] : memref<10240x128xf32, #tpu.memory_space<vmem_shared>> -> memref<64x128xf32, #tpu.memory_space<vmem_shared>>
      %dma_wait3A_224 = arith.constant 0 : i32
      %dma_wait3A_225 = tpu.memref_slice %arg12[%add3A_16, %dma_wait3A_224] : memref<10240x128xf32, #tpu.memory_space<vmem_shared>> -> memref<64x128xf32, #tpu.memory_space<vmem_shared>>
      tpu.wait_dma2 semaphore(%run_scoped3A_217 : memref<!tpu.dma_semaphore, #tpu.memory_space<semaphore_mem>>) src(%arg8 : memref<64x128xf32, #tpu.memory_space<vmem>>) dst(%dma_wait3A_225 : memref<64x128xf32, #tpu.memory_space<vmem_shared>>)
      tpu.yield
    }) : () -> ()
    %mul3A_17 = arith.constant 640 : i32
    %mul3A_18 = arith.muli %arg1, %mul3A_17 : i32
    %add3A_19 = arith.constant 256 : i32
    %add3A_20 = arith.addi %mul3A_18, %add3A_19 : i32
    "tpu.region"() ({
      %run_scoped3A_217 = tpu.sem_alloc : memref<!tpu.dma_semaphore, #tpu.memory_space<semaphore_mem>>
      %dma_start3A_218 = arith.constant 0 : i32
      %dma_start3A_219 = tpu.memref_slice %arg12[%add3A_20, %dma_start3A_218] : memref<10240x128xf32, #tpu.memory_space<vmem_shared>> -> memref<64x128xf32, #tpu.memory_space<vmem_shared>>
      %dma_start3A_220 = arith.constant 0 : i32
      %dma_start3A_221 = tpu.memref_slice %arg12[%add3A_20, %dma_start3A_220] : memref<10240x128xf32, #tpu.memory_space<vmem_shared>> -> memref<64x128xf32, #tpu.memory_space<vmem_shared>>
      tpu.enqueue_dma source(%arg8 : memref<64x128xf32, #tpu.memory_space<vmem>>) target(%dma_start3A_221 : memref<64x128xf32, #tpu.memory_space<vmem_shared>>) target_semaphore(%run_scoped3A_217 : memref<!tpu.dma_semaphore, #tpu.memory_space<semaphore_mem>>)
      %dma_wait3A_222 = arith.constant 0 : i32
      %dma_wait3A_223 = tpu.memref_slice %arg12[%add3A_20, %dma_wait3A_222] : memref<10240x128xf32, #tpu.memory_space<vmem_shared>> -> memref<64x128xf32, #tpu.memory_space<vmem_shared>>
      %dma_wait3A_224 = arith.constant 0 : i32
      %dma_wait3A_225 = tpu.memref_slice %arg12[%add3A_20, %dma_wait3A_224] : memref<10240x128xf32, #tpu.memory_space<vmem_shared>> -> memref<64x128xf32, #tpu.memory_space<vmem_shared>>
      tpu.wait_dma2 semaphore(%run_scoped3A_217 : memref<!tpu.dma_semaphore, #tpu.memory_space<semaphore_mem>>) src(%arg8 : memref<64x128xf32, #tpu.memory_space<vmem>>) dst(%dma_wait3A_225 : memref<64x128xf32, #tpu.memory_space<vmem_shared>>)
      tpu.yield
    }) : () -> ()
    %mul3A_21 = arith.constant 640 : i32
    %mul3A_22 = arith.muli %arg1, %mul3A_21 : i32
    %add3A_23 = arith.constant 320 : i32
    %add3A_24 = arith.addi %mul3A_22, %add3A_23 : i32
    "tpu.region"() ({
      %run_scoped3A_217 = tpu.sem_alloc : memref<!tpu.dma_semaphore, #tpu.memory_space<semaphore_mem>>
      %dma_start3A_218 = arith.constant 0 : i32
      %dma_start3A_219 = tpu.memref_slice %arg12[%add3A_24, %dma_start3A_218] : memref<10240x128xf32, #tpu.memory_space<vmem_shared>> -> memref<64x128xf32, #tpu.memory_space<vmem_shared>>
      %dma_start3A_220 = arith.constant 0 : i32
      %dma_start3A_221 = tpu.memref_slice %arg12[%add3A_24, %dma_start3A_220] : memref<10240x128xf32, #tpu.memory_space<vmem_shared>> -> memref<64x128xf32, #tpu.memory_space<vmem_shared>>
      tpu.enqueue_dma source(%arg8 : memref<64x128xf32, #tpu.memory_space<vmem>>) target(%dma_start3A_221 : memref<64x128xf32, #tpu.memory_space<vmem_shared>>) target_semaphore(%run_scoped3A_217 : memref<!tpu.dma_semaphore, #tpu.memory_space<semaphore_mem>>)
      %dma_wait3A_222 = arith.constant 0 : i32
      %dma_wait3A_223 = tpu.memref_slice %arg12[%add3A_24, %dma_wait3A_222] : memref<10240x128xf32, #tpu.memory_space<vmem_shared>> -> memref<64x128xf32, #tpu.memory_space<vmem_shared>>
      %dma_wait3A_224 = arith.constant 0 : i32
      %dma_wait3A_225 = tpu.memref_slice %arg12[%add3A_24, %dma_wait3A_224] : memref<10240x128xf32, #tpu.memory_space<vmem_shared>> -> memref<64x128xf32, #tpu.memory_space<vmem_shared>>
      tpu.wait_dma2 semaphore(%run_scoped3A_217 : memref<!tpu.dma_semaphore, #tpu.memory_space<semaphore_mem>>) src(%arg8 : memref<64x128xf32, #tpu.memory_space<vmem>>) dst(%dma_wait3A_225 : memref<64x128xf32, #tpu.memory_space<vmem_shared>>)
      tpu.yield
    }) : () -> ()
    %mul3A_25 = arith.constant 640 : i32
    %mul3A_26 = arith.muli %arg1, %mul3A_25 : i32
    %add3A_27 = arith.constant 384 : i32
    %add3A_28 = arith.addi %mul3A_26, %add3A_27 : i32
    "tpu.region"() ({
      %run_scoped3A_217 = tpu.sem_alloc : memref<!tpu.dma_semaphore, #tpu.memory_space<semaphore_mem>>
      %dma_start3A_218 = arith.constant 0 : i32
      %dma_start3A_219 = tpu.memref_slice %arg12[%add3A_28, %dma_start3A_218] : memref<10240x128xf32, #tpu.memory_space<vmem_shared>> -> memref<64x128xf32, #tpu.memory_space<vmem_shared>>
      %dma_start3A_220 = arith.constant 0 : i32
      %dma_start3A_221 = tpu.memref_slice %arg12[%add3A_28, %dma_start3A_220] : memref<10240x128xf32, #tpu.memory_space<vmem_shared>> -> memref<64x128xf32, #tpu.memory_space<vmem_shared>>
      tpu.enqueue_dma source(%arg8 : memref<64x128xf32, #tpu.memory_space<vmem>>) target(%dma_start3A_221 : memref<64x128xf32, #tpu.memory_space<vmem_shared>>) target_semaphore(%run_scoped3A_217 : memref<!tpu.dma_semaphore, #tpu.memory_space<semaphore_mem>>)
      %dma_wait3A_222 = arith.constant 0 : i32
      %dma_wait3A_223 = tpu.memref_slice %arg12[%add3A_28, %dma_wait3A_222] : memref<10240x128xf32, #tpu.memory_space<vmem_shared>> -> memref<64x128xf32, #tpu.memory_space<vmem_shared>>
      %dma_wait3A_224 = arith.constant 0 : i32
      %dma_wait3A_225 = tpu.memref_slice %arg12[%add3A_28, %dma_wait3A_224] : memref<10240x128xf32, #tpu.memory_space<vmem_shared>> -> memref<64x128xf32, #tpu.memory_space<vmem_shared>>
      tpu.wait_dma2 semaphore(%run_scoped3A_217 : memref<!tpu.dma_semaphore, #tpu.memory_space<semaphore_mem>>) src(%arg8 : memref<64x128xf32, #tpu.memory_space<vmem>>) dst(%dma_wait3A_225 : memref<64x128xf32, #tpu.memory_space<vmem_shared>>)
      tpu.yield
    }) : () -> ()
    %mul3A_29 = arith.constant 640 : i32
    %mul3A_30 = arith.muli %arg1, %mul3A_29 : i32
    %add3A_31 = arith.constant 448 : i32
    %add3A_32 = arith.addi %mul3A_30, %add3A_31 : i32
    "tpu.region"() ({
      %run_scoped3A_217 = tpu.sem_alloc : memref<!tpu.dma_semaphore, #tpu.memory_space<semaphore_mem>>
      %dma_start3A_218 = arith.constant 0 : i32
      %dma_start3A_219 = tpu.memref_slice %arg12[%add3A_32, %dma_start3A_218] : memref<10240x128xf32, #tpu.memory_space<vmem_shared>> -> memref<64x128xf32, #tpu.memory_space<vmem_shared>>
      %dma_start3A_220 = arith.constant 0 : i32
      %dma_start3A_221 = tpu.memref_slice %arg12[%add3A_32, %dma_start3A_220] : memref<10240x128xf32, #tpu.memory_space<vmem_shared>> -> memref<64x128xf32, #tpu.memory_space<vmem_shared>>
      tpu.enqueue_dma source(%arg8 : memref<64x128xf32, #tpu.memory_space<vmem>>) target(%dma_start3A_221 : memref<64x128xf32, #tpu.memory_space<vmem_shared>>) target_semaphore(%run_scoped3A_217 : memref<!tpu.dma_semaphore, #tpu.memory_space<semaphore_mem>>)
      %dma_wait3A_222 = arith.constant 0 : i32
      %dma_wait3A_223 = tpu.memref_slice %arg12[%add3A_32, %dma_wait3A_222] : memref<10240x128xf32, #tpu.memory_space<vmem_shared>> -> memref<64x128xf32, #tpu.memory_space<vmem_shared>>
      %dma_wait3A_224 = arith.constant 0 : i32
      %dma_wait3A_225 = tpu.memref_slice %arg12[%add3A_32, %dma_wait3A_224] : memref<10240x128xf32, #tpu.memory_space<vmem_shared>> -> memref<64x128xf32, #tpu.memory_space<vmem_shared>>
      tpu.wait_dma2 semaphore(%run_scoped3A_217 : memref<!tpu.dma_semaphore, #tpu.memory_space<semaphore_mem>>) src(%arg8 : memref<64x128xf32, #tpu.memory_space<vmem>>) dst(%dma_wait3A_225 : memref<64x128xf32, #tpu.memory_space<vmem_shared>>)
      tpu.yield
    }) : () -> ()
    %mul3A_33 = arith.constant 640 : i32
    %mul3A_34 = arith.muli %arg1, %mul3A_33 : i32
    %add3A_35 = arith.constant 512 : i32
    %add3A_36 = arith.addi %mul3A_34, %add3A_35 : i32
    "tpu.region"() ({
      %run_scoped3A_217 = tpu.sem_alloc : memref<!tpu.dma_semaphore, #tpu.memory_space<semaphore_mem>>
      %dma_start3A_218 = arith.constant 0 : i32
      %dma_start3A_219 = tpu.memref_slice %arg12[%add3A_36, %dma_start3A_218] : memref<10240x128xf32, #tpu.memory_space<vmem_shared>> -> memref<64x128xf32, #tpu.memory_space<vmem_shared>>
      %dma_start3A_220 = arith.constant 0 : i32
      %dma_start3A_221 = tpu.memref_slice %arg12[%add3A_36, %dma_start3A_220] : memref<10240x128xf32, #tpu.memory_space<vmem_shared>> -> memref<64x128xf32, #tpu.memory_space<vmem_shared>>
      tpu.enqueue_dma source(%arg8 : memref<64x128xf32, #tpu.memory_space<vmem>>) target(%dma_start3A_221 : memref<64x128xf32, #tpu.memory_space<vmem_shared>>) target_semaphore(%run_scoped3A_217 : memref<!tpu.dma_semaphore, #tpu.memory_space<semaphore_mem>>)
      %dma_wait3A_222 = arith.constant 0 : i32
      %dma_wait3A_223 = tpu.memref_slice %arg12[%add3A_36, %dma_wait3A_222] : memref<10240x128xf32, #tpu.memory_space<vmem_shared>> -> memref<64x128xf32, #tpu.memory_space<vmem_shared>>
      %dma_wait3A_224 = arith.constant 0 : i32
      %dma_wait3A_225 = tpu.memref_slice %arg12[%add3A_36, %dma_wait3A_224] : memref<10240x128xf32, #tpu.memory_space<vmem_shared>> -> memref<64x128xf32, #tpu.memory_space<vmem_shared>>
      tpu.wait_dma2 semaphore(%run_scoped3A_217 : memref<!tpu.dma_semaphore, #tpu.memory_space<semaphore_mem>>) src(%arg8 : memref<64x128xf32, #tpu.memory_space<vmem>>) dst(%dma_wait3A_225 : memref<64x128xf32, #tpu.memory_space<vmem_shared>>)
      tpu.yield
    }) : () -> ()
    %mul3A_37 = arith.constant 640 : i32
    %mul3A_38 = arith.muli %arg1, %mul3A_37 : i32
    %add3A_39 = arith.constant 576 : i32
    %add3A_40 = arith.addi %mul3A_38, %add3A_39 : i32
    "tpu.region"() ({
      %run_scoped3A_217 = tpu.sem_alloc : memref<!tpu.dma_semaphore, #tpu.memory_space<semaphore_mem>>
      %dma_start3A_218 = arith.constant 0 : i32
      %dma_start3A_219 = tpu.memref_slice %arg12[%add3A_40, %dma_start3A_218] : memref<10240x128xf32, #tpu.memory_space<vmem_shared>> -> memref<64x128xf32, #tpu.memory_space<vmem_shared>>
      %dma_start3A_220 = arith.constant 0 : i32
      %dma_start3A_221 = tpu.memref_slice %arg12[%add3A_40, %dma_start3A_220] : memref<10240x128xf32, #tpu.memory_space<vmem_shared>> -> memref<64x128xf32, #tpu.memory_space<vmem_shared>>
      tpu.enqueue_dma source(%arg8 : memref<64x128xf32, #tpu.memory_space<vmem>>) target(%dma_start3A_221 : memref<64x128xf32, #tpu.memory_space<vmem_shared>>) target_semaphore(%run_scoped3A_217 : memref<!tpu.dma_semaphore, #tpu.memory_space<semaphore_mem>>)
      %dma_wait3A_222 = arith.constant 0 : i32
      %dma_wait3A_223 = tpu.memref_slice %arg12[%add3A_40, %dma_wait3A_222] : memref<10240x128xf32, #tpu.memory_space<vmem_shared>> -> memref<64x128xf32, #tpu.memory_space<vmem_shared>>
      %dma_wait3A_224 = arith.constant 0 : i32
      %dma_wait3A_225 = tpu.memref_slice %arg12[%add3A_40, %dma_wait3A_224] : memref<10240x128xf32, #tpu.memory_space<vmem_shared>> -> memref<64x128xf32, #tpu.memory_space<vmem_shared>>
      tpu.wait_dma2 semaphore(%run_scoped3A_217 : memref<!tpu.dma_semaphore, #tpu.memory_space<semaphore_mem>>) src(%arg8 : memref<64x128xf32, #tpu.memory_space<vmem>>) dst(%dma_wait3A_225 : memref<64x128xf32, #tpu.memory_space<vmem_shared>>)
      tpu.yield
    }) : () -> ()
    %barrier3A = arith.constant 0 : index
    tpu.barrier barrier_id(%barrier3A)
    %get3A = arith.constant 0 : i32
    %get3A_41 = arith.index_cast %get3A : i32 to index
    %get3A_42 = arith.constant 0 : index
    %get3A_43 = tpu.vector_load %arg6[%get3A_41, %get3A_42] {strides = array<i32>} : memref<157x64xi32, #tpu.memory_space<vmem>>, vector<1x16xi32>,
    %get3A_44 = vector.shape_cast %get3A_43 : vector<1x16xi32> to vector<16xi32>
    %and3A = arith.constant 65535 : i32
    %and3A_45 = vector.broadcast %and3A : i32 to vector<16xi32>
    %and3A_46 = arith.andi %get3A_44, %and3A_45 : vector<16xi32>
    %swap3A = arith.constant 0 : i32
    %swap3A_47 = arith.index_cast %swap3A : i32 to index
    %swap3A_48 = arith.constant 0 : index
    %swap3A_49 = tpu.vector_load %arg7[%swap3A_47, %swap3A_48] {strides = array<i32>} : memref<4x64xi32, #tpu.memory_space<vmem>>, vector<1x16xi32>,
    %swap3A_50 = vector.shape_cast %swap3A_49 : vector<1x16xi32> to vector<16xi32>
    %swap3A_51 = vector.shape_cast %and3A_46 : vector<16xi32> to vector<1x16xi32>
    tpu.vector_store %arg7[%swap3A_47, %swap3A_48], %swap3A_51 {strides = array<i32>} : memref<4x64xi32, #tpu.memory_space<vmem>>, vector<1x16xi32>,
    %shift_right_logical3A = arith.constant 16 : i32
    %shift_right_logical3A_52 = vector.broadcast %shift_right_logical3A : i32 to vector<16xi32>
    %shift_right_logical3A_53 = arith.shrui %get3A_44, %shift_right_logical3A_52 : vector<16xi32>
    %swap3A_54 = arith.constant 1 : i32
    %swap3A_55 = arith.index_cast %swap3A_54 : i32 to index
    %swap3A_56 = arith.constant 0 : index
    %swap3A_57 = tpu.vector_load %arg7[%swap3A_55, %swap3A_56] {strides = array<i32>} : memref<4x64xi32, #tpu.memory_space<vmem>>, vector<1x16xi32>,
    %swap3A_58 = vector.shape_cast %swap3A_57 : vector<1x16xi32> to vector<16xi32>
    %swap3A_59 = vector.shape_cast %shift_right_logical3A_53 : vector<16xi32> to vector<1x16xi32>
    tpu.vector_store %arg7[%swap3A_55, %swap3A_56], %swap3A_59 {strides = array<i32>} : memref<4x64xi32, #tpu.memory_space<vmem>>, vector<1x16xi32>,
    %get3A_60 = arith.constant 0 : i32
    %get3A_61 = arith.index_cast %get3A_60 : i32 to index
    %get3A_62 = arith.constant 16 : index
    %get3A_63 = tpu.vector_load %arg6[%get3A_61, %get3A_62] {strides = array<i32>} : memref<157x64xi32, #tpu.memory_space<vmem>>, vector<1x16xi32>,
    %get3A_64 = vector.shape_cast %get3A_63 : vector<1x16xi32> to vector<16xi32>
    %and3A_65 = arith.constant 65535 : i32
    %and3A_66 = vector.broadcast %and3A_65 : i32 to vector<16xi32>
    %and3A_67 = arith.andi %get3A_64, %and3A_66 : vector<16xi32>
    %swap3A_68 = arith.constant 0 : i32
    %swap3A_69 = arith.index_cast %swap3A_68 : i32 to index
    %swap3A_70 = arith.constant 16 : index
    %swap3A_71 = tpu.vector_load %arg7[%swap3A_69, %swap3A_70] {strides = array<i32>} : memref<4x64xi32, #tpu.memory_space<vmem>>, vector<1x16xi32>,
    %swap3A_72 = vector.shape_cast %swap3A_71 : vector<1x16xi32> to vector<16xi32>
    %swap3A_73 = vector.shape_cast %and3A_67 : vector<16xi32> to vector<1x16xi32>
    tpu.vector_store %arg7[%swap3A_69, %swap3A_70], %swap3A_73 {strides = array<i32>} : memref<4x64xi32, #tpu.memory_space<vmem>>, vector<1x16xi32>,
    %shift_right_logical3A_74 = arith.constant 16 : i32
    %shift_right_logical3A_75 = vector.broadcast %shift_right_logical3A_74 : i32 to vector<16xi32>
    %shift_right_logical3A_76 = arith.shrui %get3A_64, %shift_right_logical3A_75 : vector<16xi32>
    %swap3A_77 = arith.constant 1 : i32
    %swap3A_78 = arith.index_cast %swap3A_77 : i32 to index
    %swap3A_79 = arith.constant 16 : index
    %swap3A_80 = tpu.vector_load %arg7[%swap3A_78, %swap3A_79] {strides = array<i32>} : memref<4x64xi32, #tpu.memory_space<vmem>>, vector<1x16xi32>,
    %swap3A_81 = vector.shape_cast %swap3A_80 : vector<1x16xi32> to vector<16xi32>
    %swap3A_82 = vector.shape_cast %shift_right_logical3A_76 : vector<16xi32> to vector<1x16xi32>
    tpu.vector_store %arg7[%swap3A_78, %swap3A_79], %swap3A_82 {strides = array<i32>} : memref<4x64xi32, #tpu.memory_space<vmem>>, vector<1x16xi32>,
    %get3A_83 = arith.constant 0 : i32
    %get3A_84 = arith.index_cast %get3A_83 : i32 to index
    %get3A_85 = arith.constant 32 : index
    %get3A_86 = tpu.vector_load %arg6[%get3A_84, %get3A_85] {strides = array<i32>} : memref<157x64xi32, #tpu.memory_space<vmem>>, vector<1x16xi32>,
    %get3A_87 = vector.shape_cast %get3A_86 : vector<1x16xi32> to vector<16xi32>
    %and3A_88 = arith.constant 65535 : i32
    %and3A_89 = vector.broadcast %and3A_88 : i32 to vector<16xi32>
    %and3A_90 = arith.andi %get3A_87, %and3A_89 : vector<16xi32>
    %swap3A_91 = arith.constant 0 : i32
    %swap3A_92 = arith.index_cast %swap3A_91 : i32 to index
    %swap3A_93 = arith.constant 32 : index
    %swap3A_94 = tpu.vector_load %arg7[%swap3A_92, %swap3A_93] {strides = array<i32>} : memref<4x64xi32, #tpu.memory_space<vmem>>, vector<1x16xi32>,
    %swap3A_95 = vector.shape_cast %swap3A_94 : vector<1x16xi32> to vector<16xi32>
    %swap3A_96 = vector.shape_cast %and3A_90 : vector<16xi32> to vector<1x16xi32>
    tpu.vector_store %arg7[%swap3A_92, %swap3A_93], %swap3A_96 {strides = array<i32>} : memref<4x64xi32, #tpu.memory_space<vmem>>, vector<1x16xi32>,
    %shift_right_logical3A_97 = arith.constant 16 : i32
    %shift_right_logical3A_98 = vector.broadcast %shift_right_logical3A_97 : i32 to vector<16xi32>
    %shift_right_logical3A_99 = arith.shrui %get3A_87, %shift_right_logical3A_98 : vector<16xi32>
    %swap3A_100 = arith.constant 1 : i32
    %swap3A_101 = arith.index_cast %swap3A_100 : i32 to index
    %swap3A_102 = arith.constant 32 : index
    %swap3A_103 = tpu.vector_load %arg7[%swap3A_101, %swap3A_102] {strides = array<i32>} : memref<4x64xi32, #tpu.memory_space<vmem>>, vector<1x16xi32>,
    %swap3A_104 = vector.shape_cast %swap3A_103 : vector<1x16xi32> to vector<16xi32>
    %swap3A_105 = vector.shape_cast %shift_right_logical3A_99 : vector<16xi32> to vector<1x16xi32>
    tpu.vector_store %arg7[%swap3A_101, %swap3A_102], %swap3A_105 {strides = array<i32>} : memref<4x64xi32, #tpu.memory_space<vmem>>, vector<1x16xi32>,
    %get3A_106 = arith.constant 0 : i32
    %get3A_107 = arith.index_cast %get3A_106 : i32 to index
    %get3A_108 = arith.constant 48 : index
    %get3A_109 = tpu.vector_load %arg6[%get3A_107, %get3A_108] {strides = array<i32>} : memref<157x64xi32, #tpu.memory_space<vmem>>, vector<1x16xi32>,
    %get3A_110 = vector.shape_cast %get3A_109 : vector<1x16xi32> to vector<16xi32>
    %and3A_111 = arith.constant 65535 : i32
    %and3A_112 = vector.broadcast %and3A_111 : i32 to vector<16xi32>
    %and3A_113 = arith.andi %get3A_110, %and3A_112 : vector<16xi32>
    %swap3A_114 = arith.constant 0 : i32
    %swap3A_115 = arith.index_cast %swap3A_114 : i32 to index
    %swap3A_116 = arith.constant 48 : index
    %swap3A_117 = tpu.vector_load %arg7[%swap3A_115, %swap3A_116] {strides = array<i32>} : memref<4x64xi32, #tpu.memory_space<vmem>>, vector<1x16xi32>,
    %swap3A_118 = vector.shape_cast %swap3A_117 : vector<1x16xi32> to vector<16xi32>
    %swap3A_119 = vector.shape_cast %and3A_113 : vector<16xi32> to vector<1x16xi32>
    tpu.vector_store %arg7[%swap3A_115, %swap3A_116], %swap3A_119 {strides = array<i32>} : memref<4x64xi32, #tpu.memory_space<vmem>>, vector<1x16xi32>,
    %shift_right_logical3A_120 = arith.constant 16 : i32
    %shift_right_logical3A_121 = vector.broadcast %shift_right_logical3A_120 : i32 to vector<16xi32>
    %shift_right_logical3A_122 = arith.shrui %get3A_110, %shift_right_logical3A_121 : vector<16xi32>
    %swap3A_123 = arith.constant 1 : i32
    %swap3A_124 = arith.index_cast %swap3A_123 : i32 to index
    %swap3A_125 = arith.constant 48 : index
    %swap3A_126 = tpu.vector_load %arg7[%swap3A_124, %swap3A_125] {strides = array<i32>} : memref<4x64xi32, #tpu.memory_space<vmem>>, vector<1x16xi32>,
    %swap3A_127 = vector.shape_cast %swap3A_126 : vector<1x16xi32> to vector<16xi32>
    %swap3A_128 = vector.shape_cast %shift_right_logical3A_122 : vector<16xi32> to vector<1x16xi32>
    tpu.vector_store %arg7[%swap3A_124, %swap3A_125], %swap3A_128 {strides = array<i32>} : memref<4x64xi32, #tpu.memory_space<vmem>>, vector<1x16xi32>,
    %dma_start3A = arith.constant 0 : i32
    %dma_start3A_129 = arith.constant 0 : i32
    %dma_start3A_130 = tpu.memref_slice %arg7[%dma_start3A, %dma_start3A_129] : memref<4x64xi32, #tpu.memory_space<vmem>> -> memref<1x64xi32, #tpu.memory_space<vmem>>
    %dma_start3A_131 = tpu.memref_squeeze %dma_start3A_130 : memref<1x64xi32, #tpu.memory_space<vmem>> -> memref<64xi32, #tpu.memory_space<vmem>>
    %dma_start3A_132 = arith.constant 0 : i32
    %dma_start3A_133 = arith.constant 0 : i32
    %dma_start3A_134 = tpu.memref_slice %arg2[%dma_start3A_132, %dma_start3A_133] : memref<10000x128xf32, #tpu.memory_space<hbm>> -> memref<10000x128xf32, #tpu.memory_space<hbm>>
    tpu.enqueue_indirect_dma source(%dma_start3A_134 : memref<10000x128xf32, #tpu.memory_space<hbm>>) target(%arg8 : memref<64x128xf32, #tpu.memory_space<vmem>>) offsets(%dma_start3A_131 : memref<64xi32, #tpu.memory_space<vmem>>) semaphore(%arg10 : memref<!tpu.dma_semaphore, #tpu.memory_space<semaphore_mem>>)
    %scan3A = arith.constant 0 : i32
    %scan3A_135 = arith.constant 0 : i32
    %scan3A_136 = arith.constant 78 : i32
    %scan3A_137 = arith.addi %scan3A_135, %scan3A_136 : i32
    %scan3A_138 = arith.constant 1 : i32
    scf.for %scan3A_217 = %scan3A_135 to %scan3A_137 step %scan3A_138  : i32 {
      %mul3A_218 = arith.constant 2 : i32
      %mul3A_219 = arith.muli %mul3A_218, %scan3A_217 : i32
      %add3A_220 = arith.constant 1 : i32
      %add3A_221 = arith.addi %mul3A_219, %add3A_220 : i32
      %get3A_222 = arith.index_cast %add3A_221 : i32 to index
      %get3A_223 = arith.constant 0 : index
      %get3A_224 = tpu.vector_load %arg6[%get3A_222, %get3A_223] {strides = array<i32>} : memref<157x64xi32, #tpu.memory_space<vmem>>, vector<1x16xi32>,
      %get3A_225 = vector.shape_cast %get3A_224 : vector<1x16xi32> to vector<16xi32>
      %and3A_226 = arith.constant 65535 : i32
      %and3A_227 = vector.broadcast %and3A_226 : i32 to vector<16xi32>
      %and3A_228 = arith.andi %get3A_225, %and3A_227 : vector<16xi32>
      %swap3A_229 = arith.constant 2 : i32
      %swap3A_230 = arith.index_cast %swap3A_229 : i32 to index
      %swap3A_231 = arith.constant 0 : index
      %swap3A_232 = tpu.vector_load %arg7[%swap3A_230, %swap3A_231] {strides = array<i32>} : memref<4x64xi32, #tpu.memory_space<vmem>>, vector<1x16xi32>,
      %swap3A_233 = vector.shape_cast %swap3A_232 : vector<1x16xi32> to vector<16xi32>
      %swap3A_234 = vector.shape_cast %and3A_228 : vector<16xi32> to vector<1x16xi32>
      tpu.vector_store %arg7[%swap3A_230, %swap3A_231], %swap3A_234 {strides = array<i32>} : memref<4x64xi32, #tpu.memory_space<vmem>>, vector<1x16xi32>,
      %shift_right_logical3A_235 = arith.constant 16 : i32
      %shift_right_logical3A_236 = vector.broadcast %shift_right_logical3A_235 : i32 to vector<16xi32>
      %shift_right_logical3A_237 = arith.shrui %get3A_225, %shift_right_logical3A_236 : vector<16xi32>
      %swap3A_238 = arith.constant 3 : i32
      %swap3A_239 = arith.index_cast %swap3A_238 : i32 to index
      %swap3A_240 = arith.constant 0 : index
      %swap3A_241 = tpu.vector_load %arg7[%swap3A_239, %swap3A_240] {strides = array<i32>} : memref<4x64xi32, #tpu.memory_space<vmem>>, vector<1x16xi32>,
      %swap3A_242 = vector.shape_cast %swap3A_241 : vector<1x16xi32> to vector<16xi32>
      %swap3A_243 = vector.shape_cast %shift_right_logical3A_237 : vector<16xi32> to vector<1x16xi32>
      tpu.vector_store %arg7[%swap3A_239, %swap3A_240], %swap3A_243 {strides = array<i32>} : memref<4x64xi32, #tpu.memory_space<vmem>>, vector<1x16xi32>,
      %get3A_244 = arith.index_cast %add3A_221 : i32 to index
      %get3A_245 = arith.constant 16 : index
      %get3A_246 = tpu.vector_load %arg6[%get3A_244, %get3A_245] {strides = array<i32>} : memref<157x64xi32, #tpu.memory_space<vmem>>, vector<1x16xi32>,
      %get3A_247 = vector.shape_cast %get3A_246 : vector<1x16xi32> to vector<16xi32>
      %and3A_248 = arith.constant 65535 : i32
      %and3A_249 = vector.broadcast %and3A_248 : i32 to vector<16xi32>
      %and3A_250 = arith.andi %get3A_247, %and3A_249 : vector<16xi32>
      %swap3A_251 = arith.constant 2 : i32
      %swap3A_252 = arith.index_cast %swap3A_251 : i32 to index
      %swap3A_253 = arith.constant 16 : index
      %swap3A_254 = tpu.vector_load %arg7[%swap3A_252, %swap3A_253] {strides = array<i32>} : memref<4x64xi32, #tpu.memory_space<vmem>>, vector<1x16xi32>,
      %swap3A_255 = vector.shape_cast %swap3A_254 : vector<1x16xi32> to vector<16xi32>
      %swap3A_256 = vector.shape_cast %and3A_250 : vector<16xi32> to vector<1x16xi32>
      tpu.vector_store %arg7[%swap3A_252, %swap3A_253], %swap3A_256 {strides = array<i32>} : memref<4x64xi32, #tpu.memory_space<vmem>>, vector<1x16xi32>,
      %shift_right_logical3A_257 = arith.constant 16 : i32
      %shift_right_logical3A_258 = vector.broadcast %shift_right_logical3A_257 : i32 to vector<16xi32>
      %shift_right_logical3A_259 = arith.shrui %get3A_247, %shift_right_logical3A_258 : vector<16xi32>
      %swap3A_260 = arith.constant 3 : i32
      %swap3A_261 = arith.index_cast %swap3A_260 : i32 to index
      %swap3A_262 = arith.constant 16 : index
      %swap3A_263 = tpu.vector_load %arg7[%swap3A_261, %swap3A_262] {strides = array<i32>} : memref<4x64xi32, #tpu.memory_space<vmem>>, vector<1x16xi32>,
      %swap3A_264 = vector.shape_cast %swap3A_263 : vector<1x16xi32> to vector<16xi32>
      %swap3A_265 = vector.shape_cast %shift_right_logical3A_259 : vector<16xi32> to vector<1x16xi32>
      tpu.vector_store %arg7[%swap3A_261, %swap3A_262], %swap3A_265 {strides = array<i32>} : memref<4x64xi32, #tpu.memory_space<vmem>>, vector<1x16xi32>,
      %get3A_266 = arith.index_cast %add3A_221 : i32 to index
      %get3A_267 = arith.constant 32 : index
      %get3A_268 = tpu.vector_load %arg6[%get3A_266, %get3A_267] {strides = array<i32>} : memref<157x64xi32, #tpu.memory_space<vmem>>, vector<1x16xi32>,
      %get3A_269 = vector.shape_cast %get3A_268 : vector<1x16xi32> to vector<16xi32>
      %and3A_270 = arith.constant 65535 : i32
      %and3A_271 = vector.broadcast %and3A_270 : i32 to vector<16xi32>
      %and3A_272 = arith.andi %get3A_269, %and3A_271 : vector<16xi32>
      %swap3A_273 = arith.constant 2 : i32
      %swap3A_274 = arith.index_cast %swap3A_273 : i32 to index
      %swap3A_275 = arith.constant 32 : index
      %swap3A_276 = tpu.vector_load %arg7[%swap3A_274, %swap3A_275] {strides = array<i32>} : memref<4x64xi32, #tpu.memory_space<vmem>>, vector<1x16xi32>,
      %swap3A_277 = vector.shape_cast %swap3A_276 : vector<1x16xi32> to vector<16xi32>
      %swap3A_278 = vector.shape_cast %and3A_272 : vector<16xi32> to vector<1x16xi32>
      tpu.vector_store %arg7[%swap3A_274, %swap3A_275], %swap3A_278 {strides = array<i32>} : memref<4x64xi32, #tpu.memory_space<vmem>>, vector<1x16xi32>,
      %shift_right_logical3A_279 = arith.constant 16 : i32
      %shift_right_logical3A_280 = vector.broadcast %shift_right_logical3A_279 : i32 to vector<16xi32>
      %shift_right_logical3A_281 = arith.shrui %get3A_269, %shift_right_logical3A_280 : vector<16xi32>
      %swap3A_282 = arith.constant 3 : i32
      %swap3A_283 = arith.index_cast %swap3A_282 : i32 to index
      %swap3A_284 = arith.constant 32 : index
      %swap3A_285 = tpu.vector_load %arg7[%swap3A_283, %swap3A_284] {strides = array<i32>} : memref<4x64xi32, #tpu.memory_space<vmem>>, vector<1x16xi32>,
      %swap3A_286 = vector.shape_cast %swap3A_285 : vector<1x16xi32> to vector<16xi32>
      %swap3A_287 = vector.shape_cast %shift_right_logical3A_281 : vector<16xi32> to vector<1x16xi32>
      tpu.vector_store %arg7[%swap3A_283, %swap3A_284], %swap3A_287 {strides = array<i32>} : memref<4x64xi32, #tpu.memory_space<vmem>>, vector<1x16xi32>,
      %get3A_288 = arith.index_cast %add3A_221 : i32 to index
      %get3A_289 = arith.constant 48 : index
      %get3A_290 = tpu.vector_load %arg6[%get3A_288, %get3A_289] {strides = array<i32>} : memref<157x64xi32, #tpu.memory_space<vmem>>, vector<1x16xi32>,
      %get3A_291 = vector.shape_cast %get3A_290 : vector<1x16xi32> to vector<16xi32>
      %and3A_292 = arith.constant 65535 : i32
      %and3A_293 = vector.broadcast %and3A_292 : i32 to vector<16xi32>
      %and3A_294 = arith.andi %get3A_291, %and3A_293 : vector<16xi32>
      %swap3A_295 = arith.constant 2 : i32
      %swap3A_296 = arith.index_cast %swap3A_295 : i32 to index
      %swap3A_297 = arith.constant 48 : index
      %swap3A_298 = tpu.vector_load %arg7[%swap3A_296, %swap3A_297] {strides = array<i32>} : memref<4x64xi32, #tpu.memory_space<vmem>>, vector<1x16xi32>,
      %swap3A_299 = vector.shape_cast %swap3A_298 : vector<1x16xi32> to vector<16xi32>
      %swap3A_300 = vector.shape_cast %and3A_294 : vector<16xi32> to vector<1x16xi32>
      tpu.vector_store %arg7[%swap3A_296, %swap3A_297], %swap3A_300 {strides = array<i32>} : memref<4x64xi32, #tpu.memory_space<vmem>>, vector<1x16xi32>,
      %shift_right_logical3A_301 = arith.constant 16 : i32
      %shift_right_logical3A_302 = vector.broadcast %shift_right_logical3A_301 : i32 to vector<16xi32>
      %shift_right_logical3A_303 = arith.shrui %get3A_291, %shift_right_logical3A_302 : vector<16xi32>
      %swap3A_304 = arith.constant 3 : i32
      %swap3A_305 = arith.index_cast %swap3A_304 : i32 to index
      %swap3A_306 = arith.constant 48 : index
      %swap3A_307 = tpu.vector_load %arg7[%swap3A_305, %swap3A_306] {strides = array<i32>} : memref<4x64xi32, #tpu.memory_space<vmem>>, vector<1x16xi32>,
      %swap3A_308 = vector.shape_cast %swap3A_307 : vector<1x16xi32> to vector<16xi32>
      %swap3A_309 = vector.shape_cast %shift_right_logical3A_303 : vector<16xi32> to vector<1x16xi32>
      tpu.vector_store %arg7[%swap3A_305, %swap3A_306], %swap3A_309 {strides = array<i32>} : memref<4x64xi32, #tpu.memory_space<vmem>>, vector<1x16xi32>,
      %dma_start3A_310 = arith.constant 2 : i32
      %dma_start3A_311 = arith.constant 0 : i32
      %dma_start3A_312 = tpu.memref_slice %arg7[%dma_start3A_310, %dma_start3A_311] : memref<4x64xi32, #tpu.memory_space<vmem>> -> memref<1x64xi32, #tpu.memory_space<vmem>>
      %dma_start3A_313 = tpu.memref_squeeze %dma_start3A_312 : memref<1x64xi32, #tpu.memory_space<vmem>> -> memref<64xi32, #tpu.memory_space<vmem>>
      %dma_start3A_314 = arith.constant 0 : i32
      %dma_start3A_315 = arith.constant 0 : i32
      %dma_start3A_316 = tpu.memref_slice %arg2[%dma_start3A_314, %dma_start3A_315] : memref<10000x128xf32, #tpu.memory_space<hbm>> -> memref<10000x128xf32, #tpu.memory_space<hbm>>
      tpu.enqueue_indirect_dma source(%dma_start3A_316 : memref<10000x128xf32, #tpu.memory_space<hbm>>) target(%arg9 : memref<64x128xf32, #tpu.memory_space<vmem>>) offsets(%dma_start3A_313 : memref<64xi32, #tpu.memory_space<vmem>>) semaphore(%arg11 : memref<!tpu.dma_semaphore, #tpu.memory_space<semaphore_mem>>)
      %dma_wait3A_317 = arith.constant 0 : i32
      %dma_wait3A_318 = arith.constant 0 : i32
      %dma_wait3A_319 = tpu.memref_slice %arg7[%dma_wait3A_317, %dma_wait3A_318] : memref<4x64xi32, #tpu.memory_space<vmem>> -> memref<1x64xi32, #tpu.memory_space<vmem>>
      %dma_wait3A_320 = tpu.memref_squeeze %dma_wait3A_319 : memref<1x64xi32, #tpu.memory_space<vmem>> -> memref<64xi32, #tpu.memory_space<vmem>>
      %dma_wait3A_321 = arith.constant 0 : i32
      %dma_wait3A_322 = arith.constant 0 : i32
      %dma_wait3A_323 = tpu.memref_slice %arg2[%dma_wait3A_321, %dma_wait3A_322] : memref<10000x128xf32, #tpu.memory_space<hbm>> -> memref<10000x128xf32, #tpu.memory_space<hbm>>
      tpu.wait_indirect_dma semaphore(%arg10 : memref<!tpu.dma_semaphore, #tpu.memory_space<semaphore_mem>>) src(%dma_wait3A_323 : memref<10000x128xf32, #tpu.memory_space<hbm>>) dst(%arg8 : memref<64x128xf32, #tpu.memory_space<vmem>>)
      %run_scoped3A_324 = arith.constant 1 : i32
      "tpu.region"() ({
        %run_scoped3A_430 = tpu.sem_alloc : memref<!tpu.dma_semaphore, #tpu.memory_space<semaphore_mem>>
        %dma_start3A_431 = arith.constant 0 : i32
        %dma_start3A_432 = tpu.memref_slice %arg7[%run_scoped3A_324, %dma_start3A_431] : memref<4x64xi32, #tpu.memory_space<vmem>> -> memref<1x64xi32, #tpu.memory_space<vmem>>
        %dma_start3A_433 = tpu.memref_squeeze %dma_start3A_432 : memref<1x64xi32, #tpu.memory_space<vmem>> -> memref<64xi32, #tpu.memory_space<vmem>>
        %dma_start3A_434 = arith.constant 0 : i32
        %dma_start3A_435 = arith.constant 0 : i32
        %dma_start3A_436 = tpu.memref_slice %arg12[%dma_start3A_434, %dma_start3A_435] : memref<10240x128xf32, #tpu.memory_space<vmem_shared>> -> memref<10240x128xf32, #tpu.memory_space<vmem_shared>>
        tpu.enqueue_indirect_dma source(%arg8 : memref<64x128xf32, #tpu.memory_space<vmem>>) target(%dma_start3A_436 : memref<10240x128xf32, #tpu.memory_space<vmem_shared>>) offsets(%dma_start3A_433 : memref<64xi32, #tpu.memory_space<vmem>>) semaphore(%run_scoped3A_430 : memref<!tpu.dma_semaphore, #tpu.memory_space<semaphore_mem>>) {add = true}
        %dma_wait3A_437 = arith.constant 0 : i32
        %dma_wait3A_438 = tpu.memref_slice %arg7[%run_scoped3A_324, %dma_wait3A_437] : memref<4x64xi32, #tpu.memory_space<vmem>> -> memref<1x64xi32, #tpu.memory_space<vmem>>
        %dma_wait3A_439 = tpu.memref_squeeze %dma_wait3A_438 : memref<1x64xi32, #tpu.memory_space<vmem>> -> memref<64xi32, #tpu.memory_space<vmem>>
        %dma_wait3A_440 = arith.constant 0 : i32
        %dma_wait3A_441 = arith.constant 0 : i32
        %dma_wait3A_442 = tpu.memref_slice %arg12[%dma_wait3A_440, %dma_wait3A_441] : memref<10240x128xf32, #tpu.memory_space<vmem_shared>> -> memref<10240x128xf32, #tpu.memory_space<vmem_shared>>
        tpu.wait_indirect_dma semaphore(%run_scoped3A_430 : memref<!tpu.dma_semaphore, #tpu.memory_space<semaphore_mem>>) src(%arg8 : memref<64x128xf32, #tpu.memory_space<vmem>>) dst(%dma_wait3A_442 : memref<10240x128xf32, #tpu.memory_space<vmem_shared>>)
        tpu.yield
      }) : () -> ()
      %add3A_325 = arith.constant 2 : i32
      %add3A_326 = arith.addi %mul3A_219, %add3A_325 : i32
      %get3A_327 = arith.index_cast %add3A_326 : i32 to index
      %get3A_328 = arith.constant 0 : index
      %get3A_329 = tpu.vector_load %arg6[%get3A_327, %get3A_328] {strides = array<i32>} : memref<157x64xi32, #tpu.memory_space<vmem>>, vector<1x16xi32>,
      %get3A_330 = vector.shape_cast %get3A_329 : vector<1x16xi32> to vector<16xi32>
      %and3A_331 = arith.constant 65535 : i32
      %and3A_332 = vector.broadcast %and3A_331 : i32 to vector<16xi32>
      %and3A_333 = arith.andi %get3A_330, %and3A_332 : vector<16xi32>
      %swap3A_334 = arith.constant 0 : i32
      %swap3A_335 = arith.index_cast %swap3A_334 : i32 to index
      %swap3A_336 = arith.constant 0 : index
      %swap3A_337 = tpu.vector_load %arg7[%swap3A_335, %swap3A_336] {strides = array<i32>} : memref<4x64xi32, #tpu.memory_space<vmem>>, vector<1x16xi32>,
      %swap3A_338 = vector.shape_cast %swap3A_337 : vector<1x16xi32> to vector<16xi32>
      %swap3A_339 = vector.shape_cast %and3A_333 : vector<16xi32> to vector<1x16xi32>
      tpu.vector_store %arg7[%swap3A_335, %swap3A_336], %swap3A_339 {strides = array<i32>} : memref<4x64xi32, #tpu.memory_space<vmem>>, vector<1x16xi32>,
      %shift_right_logical3A_340 = arith.constant 16 : i32
      %shift_right_logical3A_341 = vector.broadcast %shift_right_logical3A_340 : i32 to vector<16xi32>
      %shift_right_logical3A_342 = arith.shrui %get3A_330, %shift_right_logical3A_341 : vector<16xi32>
      %swap3A_343 = arith.constant 1 : i32
      %swap3A_344 = arith.index_cast %swap3A_343 : i32 to index
      %swap3A_345 = arith.constant 0 : index
      %swap3A_346 = tpu.vector_load %arg7[%swap3A_344, %swap3A_345] {strides = array<i32>} : memref<4x64xi32, #tpu.memory_space<vmem>>, vector<1x16xi32>,
      %swap3A_347 = vector.shape_cast %swap3A_346 : vector<1x16xi32> to vector<16xi32>
      %swap3A_348 = vector.shape_cast %shift_right_logical3A_342 : vector<16xi32> to vector<1x16xi32>
      tpu.vector_store %arg7[%swap3A_344, %swap3A_345], %swap3A_348 {strides = array<i32>} : memref<4x64xi32, #tpu.memory_space<vmem>>, vector<1x16xi32>,
      %get3A_349 = arith.index_cast %add3A_326 : i32 to index
      %get3A_350 = arith.constant 16 : index
      %get3A_351 = tpu.vector_load %arg6[%get3A_349, %get3A_350] {strides = array<i32>} : memref<157x64xi32, #tpu.memory_space<vmem>>, vector<1x16xi32>,
      %get3A_352 = vector.shape_cast %get3A_351 : vector<1x16xi32> to vector<16xi32>
      %and3A_353 = arith.constant 65535 : i32
      %and3A_354 = vector.broadcast %and3A_353 : i32 to vector<16xi32>
      %and3A_355 = arith.andi %get3A_352, %and3A_354 : vector<16xi32>
      %swap3A_356 = arith.constant 0 : i32
      %swap3A_357 = arith.index_cast %swap3A_356 : i32 to index
      %swap3A_358 = arith.constant 16 : index
      %swap3A_359 = tpu.vector_load %arg7[%swap3A_357, %swap3A_358] {strides = array<i32>} : memref<4x64xi32, #tpu.memory_space<vmem>>, vector<1x16xi32>,
      %swap3A_360 = vector.shape_cast %swap3A_359 : vector<1x16xi32> to vector<16xi32>
      %swap3A_361 = vector.shape_cast %and3A_355 : vector<16xi32> to vector<1x16xi32>
      tpu.vector_store %arg7[%swap3A_357, %swap3A_358], %swap3A_361 {strides = array<i32>} : memref<4x64xi32, #tpu.memory_space<vmem>>, vector<1x16xi32>,
      %shift_right_logical3A_362 = arith.constant 16 : i32
      %shift_right_logical3A_363 = vector.broadcast %shift_right_logical3A_362 : i32 to vector<16xi32>
      %shift_right_logical3A_364 = arith.shrui %get3A_352, %shift_right_logical3A_363 : vector<16xi32>
      %swap3A_365 = arith.constant 1 : i32
      %swap3A_366 = arith.index_cast %swap3A_365 : i32 to index
      %swap3A_367 = arith.constant 16 : index
      %swap3A_368 = tpu.vector_load %arg7[%swap3A_366, %swap3A_367] {strides = array<i32>} : memref<4x64xi32, #tpu.memory_space<vmem>>, vector<1x16xi32>,
      %swap3A_369 = vector.shape_cast %swap3A_368 : vector<1x16xi32> to vector<16xi32>
      %swap3A_370 = vector.shape_cast %shift_right_logical3A_364 : vector<16xi32> to vector<1x16xi32>
      tpu.vector_store %arg7[%swap3A_366, %swap3A_367], %swap3A_370 {strides = array<i32>} : memref<4x64xi32, #tpu.memory_space<vmem>>, vector<1x16xi32>,
      %get3A_371 = arith.index_cast %add3A_326 : i32 to index
      %get3A_372 = arith.constant 32 : index
      %get3A_373 = tpu.vector_load %arg6[%get3A_371, %get3A_372] {strides = array<i32>} : memref<157x64xi32, #tpu.memory_space<vmem>>, vector<1x16xi32>,
      %get3A_374 = vector.shape_cast %get3A_373 : vector<1x16xi32> to vector<16xi32>
      %and3A_375 = arith.constant 65535 : i32
      %and3A_376 = vector.broadcast %and3A_375 : i32 to vector<16xi32>
      %and3A_377 = arith.andi %get3A_374, %and3A_376 : vector<16xi32>
      %swap3A_378 = arith.constant 0 : i32
      %swap3A_379 = arith.index_cast %swap3A_378 : i32 to index
      %swap3A_380 = arith.constant 32 : index
      %swap3A_381 = tpu.vector_load %arg7[%swap3A_379, %swap3A_380] {strides = array<i32>} : memref<4x64xi32, #tpu.memory_space<vmem>>, vector<1x16xi32>,
      %swap3A_382 = vector.shape_cast %swap3A_381 : vector<1x16xi32> to vector<16xi32>
      %swap3A_383 = vector.shape_cast %and3A_377 : vector<16xi32> to vector<1x16xi32>
      tpu.vector_store %arg7[%swap3A_379, %swap3A_380], %swap3A_383 {strides = array<i32>} : memref<4x64xi32, #tpu.memory_space<vmem>>, vector<1x16xi32>,
      %shift_right_logical3A_384 = arith.constant 16 : i32
      %shift_right_logical3A_385 = vector.broadcast %shift_right_logical3A_384 : i32 to vector<16xi32>
      %shift_right_logical3A_386 = arith.shrui %get3A_374, %shift_right_logical3A_385 : vector<16xi32>
      %swap3A_387 = arith.constant 1 : i32
      %swap3A_388 = arith.index_cast %swap3A_387 : i32 to index
      %swap3A_389 = arith.constant 32 : index
      %swap3A_390 = tpu.vector_load %arg7[%swap3A_388, %swap3A_389] {strides = array<i32>} : memref<4x64xi32, #tpu.memory_space<vmem>>, vector<1x16xi32>,
      %swap3A_391 = vector.shape_cast %swap3A_390 : vector<1x16xi32> to vector<16xi32>
      %swap3A_392 = vector.shape_cast %shift_right_logical3A_386 : vector<16xi32> to vector<1x16xi32>
      tpu.vector_store %arg7[%swap3A_388, %swap3A_389], %swap3A_392 {strides = array<i32>} : memref<4x64xi32, #tpu.memory_space<vmem>>, vector<1x16xi32>,
      %get3A_393 = arith.index_cast %add3A_326 : i32 to index
      %get3A_394 = arith.constant 48 : index
      %get3A_395 = tpu.vector_load %arg6[%get3A_393, %get3A_394] {strides = array<i32>} : memref<157x64xi32, #tpu.memory_space<vmem>>, vector<1x16xi32>,
      %get3A_396 = vector.shape_cast %get3A_395 : vector<1x16xi32> to vector<16xi32>
      %and3A_397 = arith.constant 65535 : i32
      %and3A_398 = vector.broadcast %and3A_397 : i32 to vector<16xi32>
      %and3A_399 = arith.andi %get3A_396, %and3A_398 : vector<16xi32>
      %swap3A_400 = arith.constant 0 : i32
      %swap3A_401 = arith.index_cast %swap3A_400 : i32 to index
      %swap3A_402 = arith.constant 48 : index
      %swap3A_403 = tpu.vector_load %arg7[%swap3A_401, %swap3A_402] {strides = array<i32>} : memref<4x64xi32, #tpu.memory_space<vmem>>, vector<1x16xi32>,
      %swap3A_404 = vector.shape_cast %swap3A_403 : vector<1x16xi32> to vector<16xi32>
      %swap3A_405 = vector.shape_cast %and3A_399 : vector<16xi32> to vector<1x16xi32>
      tpu.vector_store %arg7[%swap3A_401, %swap3A_402], %swap3A_405 {strides = array<i32>} : memref<4x64xi32, #tpu.memory_space<vmem>>, vector<1x16xi32>,
      %shift_right_logical3A_406 = arith.constant 16 : i32
      %shift_right_logical3A_407 = vector.broadcast %shift_right_logical3A_406 : i32 to vector<16xi32>
      %shift_right_logical3A_408 = arith.shrui %get3A_396, %shift_right_logical3A_407 : vector<16xi32>
      %swap3A_409 = arith.constant 1 : i32
      %swap3A_410 = arith.index_cast %swap3A_409 : i32 to index
      %swap3A_411 = arith.constant 48 : index
      %swap3A_412 = tpu.vector_load %arg7[%swap3A_410, %swap3A_411] {strides = array<i32>} : memref<4x64xi32, #tpu.memory_space<vmem>>, vector<1x16xi32>,
      %swap3A_413 = vector.shape_cast %swap3A_412 : vector<1x16xi32> to vector<16xi32>
      %swap3A_414 = vector.shape_cast %shift_right_logical3A_408 : vector<16xi32> to vector<1x16xi32>
      tpu.vector_store %arg7[%swap3A_410, %swap3A_411], %swap3A_414 {strides = array<i32>} : memref<4x64xi32, #tpu.memory_space<vmem>>, vector<1x16xi32>,
      %dma_start3A_415 = arith.constant 0 : i32
      %dma_start3A_416 = arith.constant 0 : i32
      %dma_start3A_417 = tpu.memref_slice %arg7[%dma_start3A_415, %dma_start3A_416] : memref<4x64xi32, #tpu.memory_space<vmem>> -> memref<1x64xi32, #tpu.memory_space<vmem>>
      %dma_start3A_418 = tpu.memref_squeeze %dma_start3A_417 : memref<1x64xi32, #tpu.memory_space<vmem>> -> memref<64xi32, #tpu.memory_space<vmem>>
      %dma_start3A_419 = arith.constant 0 : i32
      %dma_start3A_420 = arith.constant 0 : i32
      %dma_start3A_421 = tpu.memref_slice %arg2[%dma_start3A_419, %dma_start3A_420] : memref<10000x128xf32, #tpu.memory_space<hbm>> -> memref<10000x128xf32, #tpu.memory_space<hbm>>
      tpu.enqueue_indirect_dma source(%dma_start3A_421 : memref<10000x128xf32, #tpu.memory_space<hbm>>) target(%arg8 : memref<64x128xf32, #tpu.memory_space<vmem>>) offsets(%dma_start3A_418 : memref<64xi32, #tpu.memory_space<vmem>>) semaphore(%arg10 : memref<!tpu.dma_semaphore, #tpu.memory_space<semaphore_mem>>)
      %dma_wait3A_422 = arith.constant 2 : i32
      %dma_wait3A_423 = arith.constant 0 : i32
      %dma_wait3A_424 = tpu.memref_slice %arg7[%dma_wait3A_422, %dma_wait3A_423] : memref<4x64xi32, #tpu.memory_space<vmem>> -> memref<1x64xi32, #tpu.memory_space<vmem>>
      %dma_wait3A_425 = tpu.memref_squeeze %dma_wait3A_424 : memref<1x64xi32, #tpu.memory_space<vmem>> -> memref<64xi32, #tpu.memory_space<vmem>>
      %dma_wait3A_426 = arith.constant 0 : i32
      %dma_wait3A_427 = arith.constant 0 : i32
      %dma_wait3A_428 = tpu.memref_slice %arg2[%dma_wait3A_426, %dma_wait3A_427] : memref<10000x128xf32, #tpu.memory_space<hbm>> -> memref<10000x128xf32, #tpu.memory_space<hbm>>
      tpu.wait_indirect_dma semaphore(%arg11 : memref<!tpu.dma_semaphore, #tpu.memory_space<semaphore_mem>>) src(%dma_wait3A_428 : memref<10000x128xf32, #tpu.memory_space<hbm>>) dst(%arg9 : memref<64x128xf32, #tpu.memory_space<vmem>>)
      %run_scoped3A_429 = arith.constant 3 : i32
      "tpu.region"() ({
        %run_scoped3A_430 = tpu.sem_alloc : memref<!tpu.dma_semaphore, #tpu.memory_space<semaphore_mem>>
        %dma_start3A_431 = arith.constant 0 : i32
        %dma_start3A_432 = tpu.memref_slice %arg7[%run_scoped3A_429, %dma_start3A_431] : memref<4x64xi32, #tpu.memory_space<vmem>> -> memref<1x64xi32, #tpu.memory_space<vmem>>
        %dma_start3A_433 = tpu.memref_squeeze %dma_start3A_432 : memref<1x64xi32, #tpu.memory_space<vmem>> -> memref<64xi32, #tpu.memory_space<vmem>>
        %dma_start3A_434 = arith.constant 0 : i32
        %dma_start3A_435 = arith.constant 0 : i32
        %dma_start3A_436 = tpu.memref_slice %arg12[%dma_start3A_434, %dma_start3A_435] : memref<10240x128xf32, #tpu.memory_space<vmem_shared>> -> memref<10240x128xf32, #tpu.memory_space<vmem_shared>>
        tpu.enqueue_indirect_dma source(%arg9 : memref<64x128xf32, #tpu.memory_space<vmem>>) target(%dma_start3A_436 : memref<10240x128xf32, #tpu.memory_space<vmem_shared>>) offsets(%dma_start3A_433 : memref<64xi32, #tpu.memory_space<vmem>>) semaphore(%run_scoped3A_430 : memref<!tpu.dma_semaphore, #tpu.memory_space<semaphore_mem>>) {add = true}
        %dma_wait3A_437 = arith.constant 0 : i32
        %dma_wait3A_438 = tpu.memref_slice %arg7[%run_scoped3A_429, %dma_wait3A_437] : memref<4x64xi32, #tpu.memory_space<vmem>> -> memref<1x64xi32, #tpu.memory_space<vmem>>
        %dma_wait3A_439 = tpu.memref_squeeze %dma_wait3A_438 : memref<1x64xi32, #tpu.memory_space<vmem>> -> memref<64xi32, #tpu.memory_space<vmem>>
        %dma_wait3A_440 = arith.constant 0 : i32
        %dma_wait3A_441 = arith.constant 0 : i32
        %dma_wait3A_442 = tpu.memref_slice %arg12[%dma_wait3A_440, %dma_wait3A_441] : memref<10240x128xf32, #tpu.memory_space<vmem_shared>> -> memref<10240x128xf32, #tpu.memory_space<vmem_shared>>
        tpu.wait_indirect_dma semaphore(%run_scoped3A_430 : memref<!tpu.dma_semaphore, #tpu.memory_space<semaphore_mem>>) src(%arg9 : memref<64x128xf32, #tpu.memory_space<vmem>>) dst(%dma_wait3A_442 : memref<10240x128xf32, #tpu.memory_space<vmem_shared>>)
        tpu.yield
      }) : () -> ()
    }
    %scan3A_139 = arith.constant 78 : i32
    %dma_wait3A = arith.constant 0 : i32
    %dma_wait3A_140 = arith.constant 0 : i32
    %dma_wait3A_141 = tpu.memref_slice %arg7[%dma_wait3A, %dma_wait3A_140] : memref<4x64xi32, #tpu.memory_space<vmem>> -> memref<1x64xi32, #tpu.memory_space<vmem>>
    %dma_wait3A_142 = tpu.memref_squeeze %dma_wait3A_141 : memref<1x64xi32, #tpu.memory_space<vmem>> -> memref<64xi32, #tpu.memory_space<vmem>>
    %dma_wait3A_143 = arith.constant 0 : i32
    %dma_wait3A_144 = arith.constant 0 : i32
    %dma_wait3A_145 = tpu.memref_slice %arg2[%dma_wait3A_143, %dma_wait3A_144] : memref<10000x128xf32, #tpu.memory_space<hbm>> -> memref<10000x128xf32, #tpu.memory_space<hbm>>
    tpu.wait_indirect_dma semaphore(%arg10 : memref<!tpu.dma_semaphore, #tpu.memory_space<semaphore_mem>>) src(%dma_wait3A_145 : memref<10000x128xf32, #tpu.memory_space<hbm>>) dst(%arg8 : memref<64x128xf32, #tpu.memory_space<vmem>>)
    %run_scoped3A = arith.constant 1 : i32
    "tpu.region"() ({
      %run_scoped3A_217 = tpu.sem_alloc : memref<!tpu.dma_semaphore, #tpu.memory_space<semaphore_mem>>
      %dma_start3A_218 = arith.constant 0 : i32
      %dma_start3A_219 = tpu.memref_slice %arg7[%run_scoped3A, %dma_start3A_218] : memref<4x64xi32, #tpu.memory_space<vmem>> -> memref<1x64xi32, #tpu.memory_space<vmem>>
      %dma_start3A_220 = tpu.memref_squeeze %dma_start3A_219 : memref<1x64xi32, #tpu.memory_space<vmem>> -> memref<64xi32, #tpu.memory_space<vmem>>
      %dma_start3A_221 = arith.constant 0 : i32
      %dma_start3A_222 = arith.constant 0 : i32
      %dma_start3A_223 = tpu.memref_slice %arg12[%dma_start3A_221, %dma_start3A_222] : memref<10240x128xf32, #tpu.memory_space<vmem_shared>> -> memref<10240x128xf32, #tpu.memory_space<vmem_shared>>
      tpu.enqueue_indirect_dma source(%arg8 : memref<64x128xf32, #tpu.memory_space<vmem>>) target(%dma_start3A_223 : memref<10240x128xf32, #tpu.memory_space<vmem_shared>>) offsets(%dma_start3A_220 : memref<64xi32, #tpu.memory_space<vmem>>) semaphore(%run_scoped3A_217 : memref<!tpu.dma_semaphore, #tpu.memory_space<semaphore_mem>>) {add = true}
      %dma_wait3A_224 = arith.constant 0 : i32
      %dma_wait3A_225 = tpu.memref_slice %arg7[%run_scoped3A, %dma_wait3A_224] : memref<4x64xi32, #tpu.memory_space<vmem>> -> memref<1x64xi32, #tpu.memory_space<vmem>>
      %dma_wait3A_226 = tpu.memref_squeeze %dma_wait3A_225 : memref<1x64xi32, #tpu.memory_space<vmem>> -> memref<64xi32, #tpu.memory_space<vmem>>
      %dma_wait3A_227 = arith.constant 0 : i32
      %dma_wait3A_228 = arith.constant 0 : i32
      %dma_wait3A_229 = tpu.memref_slice %arg12[%dma_wait3A_227, %dma_wait3A_228] : memref<10240x128xf32, #tpu.memory_space<vmem_shared>> -> memref<10240x128xf32, #tpu.memory_space<vmem_shared>>
      tpu.wait_indirect_dma semaphore(%run_scoped3A_217 : memref<!tpu.dma_semaphore, #tpu.memory_space<semaphore_mem>>) src(%arg8 : memref<64x128xf32, #tpu.memory_space<vmem>>) dst(%dma_wait3A_229 : memref<10240x128xf32, #tpu.memory_space<vmem_shared>>)
      tpu.yield
    }) : () -> ()
    %barrier3A_146 = arith.constant 0 : index
    tpu.barrier barrier_id(%barrier3A_146)
    %mul3A_147 = arith.constant 640 : i32
    %mul3A_148 = arith.muli %arg1, %mul3A_147 : i32
    %add3A_149 = arith.constant 0 : i32
    %add3A_150 = arith.addi %mul3A_148, %add3A_149 : i32
    "tpu.region"() ({
      %run_scoped3A_217 = tpu.sem_alloc : memref<!tpu.dma_semaphore, #tpu.memory_space<semaphore_mem>>
      %dma_start3A_218 = arith.constant 0 : i32
      %dma_start3A_219 = tpu.memref_slice %arg12[%add3A_150, %dma_start3A_218] : memref<10240x128xf32, #tpu.memory_space<vmem_shared>> -> memref<64x128xf32, #tpu.memory_space<vmem_shared>>
      %dma_start3A_220 = arith.constant 0 : i32
      %dma_start3A_221 = tpu.memref_slice %arg12[%add3A_150, %dma_start3A_220] : memref<10240x128xf32, #tpu.memory_space<vmem_shared>> -> memref<64x128xf32, #tpu.memory_space<vmem_shared>>
      tpu.enqueue_dma source(%dma_start3A_221 : memref<64x128xf32, #tpu.memory_space<vmem_shared>>) target(%arg8 : memref<64x128xf32, #tpu.memory_space<vmem>>) target_semaphore(%run_scoped3A_217 : memref<!tpu.dma_semaphore, #tpu.memory_space<semaphore_mem>>)
      %dma_wait3A_222 = arith.constant 0 : i32
      %dma_wait3A_223 = tpu.memref_slice %arg12[%add3A_150, %dma_wait3A_222] : memref<10240x128xf32, #tpu.memory_space<vmem_shared>> -> memref<64x128xf32, #tpu.memory_space<vmem_shared>>
      %dma_wait3A_224 = arith.constant 0 : i32
      %dma_wait3A_225 = tpu.memref_slice %arg12[%add3A_150, %dma_wait3A_224] : memref<10240x128xf32, #tpu.memory_space<vmem_shared>> -> memref<64x128xf32, #tpu.memory_space<vmem_shared>>
      tpu.wait_dma2 semaphore(%run_scoped3A_217 : memref<!tpu.dma_semaphore, #tpu.memory_space<semaphore_mem>>) src(%dma_wait3A_225 : memref<64x128xf32, #tpu.memory_space<vmem_shared>>) dst(%arg8 : memref<64x128xf32, #tpu.memory_space<vmem>>)
      tpu.yield
    }) : () -> ()
    %mul3A_151 = arith.constant 10240 : i32
    %mul3A_152 = arith.muli %arg0, %mul3A_151 : i32
    %add3A_153 = arith.addi %mul3A_152, %add3A_150 : i32
    "tpu.region"() ({
      %run_scoped3A_217 = tpu.sem_alloc : memref<!tpu.dma_semaphore, #tpu.memory_space<semaphore_mem>>
      %dma_start3A_218 = arith.constant 0 : i32
      %dma_start3A_219 = tpu.memref_slice %arg5[%add3A_153, %dma_start3A_218] : memref<20480x128xf32, #tpu.memory_space<hbm>> -> memref<64x128xf32, #tpu.memory_space<hbm>>
      %dma_start3A_220 = arith.constant 0 : i32
      %dma_start3A_221 = tpu.memref_slice %arg5[%add3A_153, %dma_start3A_220] : memref<20480x128xf32, #tpu.memory_space<hbm>> -> memref<64x128xf32, #tpu.memory_space<hbm>>
      tpu.enqueue_dma source(%arg8 : memref<64x128xf32, #tpu.memory_space<vmem>>) target(%dma_start3A_221 : memref<64x128xf32, #tpu.memory_space<hbm>>) target_semaphore(%run_scoped3A_217 : memref<!tpu.dma_semaphore, #tpu.memory_space<semaphore_mem>>)
      %dma_wait3A_222 = arith.constant 0 : i32
      %dma_wait3A_223 = tpu.memref_slice %arg5[%add3A_153, %dma_wait3A_222] : memref<20480x128xf32, #tpu.memory_space<hbm>> -> memref<64x128xf32, #tpu.memory_space<hbm>>
      %dma_wait3A_224 = arith.constant 0 : i32
      %dma_wait3A_225 = tpu.memref_slice %arg5[%add3A_153, %dma_wait3A_224] : memref<20480x128xf32, #tpu.memory_space<hbm>> -> memref<64x128xf32, #tpu.memory_space<hbm>>
      tpu.wait_dma2 semaphore(%run_scoped3A_217 : memref<!tpu.dma_semaphore, #tpu.memory_space<semaphore_mem>>) src(%arg8 : memref<64x128xf32, #tpu.memory_space<vmem>>) dst(%dma_wait3A_225 : memref<64x128xf32, #tpu.memory_space<hbm>>)
      tpu.yield
    }) : () -> ()
    %mul3A_154 = arith.constant 640 : i32
    %mul3A_155 = arith.muli %arg1, %mul3A_154 : i32
    %add3A_156 = arith.constant 64 : i32
    %add3A_157 = arith.addi %mul3A_155, %add3A_156 : i32
    "tpu.region"() ({
      %run_scoped3A_217 = tpu.sem_alloc : memref<!tpu.dma_semaphore, #tpu.memory_space<semaphore_mem>>
      %dma_start3A_218 = arith.constant 0 : i32
      %dma_start3A_219 = tpu.memref_slice %arg12[%add3A_157, %dma_start3A_218] : memref<10240x128xf32, #tpu.memory_space<vmem_shared>> -> memref<64x128xf32, #tpu.memory_space<vmem_shared>>
      %dma_start3A_220 = arith.constant 0 : i32
      %dma_start3A_221 = tpu.memref_slice %arg12[%add3A_157, %dma_start3A_220] : memref<10240x128xf32, #tpu.memory_space<vmem_shared>> -> memref<64x128xf32, #tpu.memory_space<vmem_shared>>
      tpu.enqueue_dma source(%dma_start3A_221 : memref<64x128xf32, #tpu.memory_space<vmem_shared>>) target(%arg8 : memref<64x128xf32, #tpu.memory_space<vmem>>) target_semaphore(%run_scoped3A_217 : memref<!tpu.dma_semaphore, #tpu.memory_space<semaphore_mem>>)
      %dma_wait3A_222 = arith.constant 0 : i32
      %dma_wait3A_223 = tpu.memref_slice %arg12[%add3A_157, %dma_wait3A_222] : memref<10240x128xf32, #tpu.memory_space<vmem_shared>> -> memref<64x128xf32, #tpu.memory_space<vmem_shared>>
      %dma_wait3A_224 = arith.constant 0 : i32
      %dma_wait3A_225 = tpu.memref_slice %arg12[%add3A_157, %dma_wait3A_224] : memref<10240x128xf32, #tpu.memory_space<vmem_shared>> -> memref<64x128xf32, #tpu.memory_space<vmem_shared>>
      tpu.wait_dma2 semaphore(%run_scoped3A_217 : memref<!tpu.dma_semaphore, #tpu.memory_space<semaphore_mem>>) src(%dma_wait3A_225 : memref<64x128xf32, #tpu.memory_space<vmem_shared>>) dst(%arg8 : memref<64x128xf32, #tpu.memory_space<vmem>>)
      tpu.yield
    }) : () -> ()
    %mul3A_158 = arith.constant 10240 : i32
    %mul3A_159 = arith.muli %arg0, %mul3A_158 : i32
    %add3A_160 = arith.addi %mul3A_159, %add3A_157 : i32
    "tpu.region"() ({
      %run_scoped3A_217 = tpu.sem_alloc : memref<!tpu.dma_semaphore, #tpu.memory_space<semaphore_mem>>
      %dma_start3A_218 = arith.constant 0 : i32
      %dma_start3A_219 = tpu.memref_slice %arg5[%add3A_160, %dma_start3A_218] : memref<20480x128xf32, #tpu.memory_space<hbm>> -> memref<64x128xf32, #tpu.memory_space<hbm>>
      %dma_start3A_220 = arith.constant 0 : i32
      %dma_start3A_221 = tpu.memref_slice %arg5[%add3A_160, %dma_start3A_220] : memref<20480x128xf32, #tpu.memory_space<hbm>> -> memref<64x128xf32, #tpu.memory_space<hbm>>
      tpu.enqueue_dma source(%arg8 : memref<64x128xf32, #tpu.memory_space<vmem>>) target(%dma_start3A_221 : memref<64x128xf32, #tpu.memory_space<hbm>>) target_semaphore(%run_scoped3A_217 : memref<!tpu.dma_semaphore, #tpu.memory_space<semaphore_mem>>)
      %dma_wait3A_222 = arith.constant 0 : i32
      %dma_wait3A_223 = tpu.memref_slice %arg5[%add3A_160, %dma_wait3A_222] : memref<20480x128xf32, #tpu.memory_space<hbm>> -> memref<64x128xf32, #tpu.memory_space<hbm>>
      %dma_wait3A_224 = arith.constant 0 : i32
      %dma_wait3A_225 = tpu.memref_slice %arg5[%add3A_160, %dma_wait3A_224] : memref<20480x128xf32, #tpu.memory_space<hbm>> -> memref<64x128xf32, #tpu.memory_space<hbm>>
      tpu.wait_dma2 semaphore(%run_scoped3A_217 : memref<!tpu.dma_semaphore, #tpu.memory_space<semaphore_mem>>) src(%arg8 : memref<64x128xf32, #tpu.memory_space<vmem>>) dst(%dma_wait3A_225 : memref<64x128xf32, #tpu.memory_space<hbm>>)
      tpu.yield
    }) : () -> ()
    %mul3A_161 = arith.constant 640 : i32
    %mul3A_162 = arith.muli %arg1, %mul3A_161 : i32
    %add3A_163 = arith.constant 128 : i32
    %add3A_164 = arith.addi %mul3A_162, %add3A_163 : i32
    "tpu.region"() ({
      %run_scoped3A_217 = tpu.sem_alloc : memref<!tpu.dma_semaphore, #tpu.memory_space<semaphore_mem>>
      %dma_start3A_218 = arith.constant 0 : i32
      %dma_start3A_219 = tpu.memref_slice %arg12[%add3A_164, %dma_start3A_218] : memref<10240x128xf32, #tpu.memory_space<vmem_shared>> -> memref<64x128xf32, #tpu.memory_space<vmem_shared>>
      %dma_start3A_220 = arith.constant 0 : i32
      %dma_start3A_221 = tpu.memref_slice %arg12[%add3A_164, %dma_start3A_220] : memref<10240x128xf32, #tpu.memory_space<vmem_shared>> -> memref<64x128xf32, #tpu.memory_space<vmem_shared>>
      tpu.enqueue_dma source(%dma_start3A_221 : memref<64x128xf32, #tpu.memory_space<vmem_shared>>) target(%arg8 : memref<64x128xf32, #tpu.memory_space<vmem>>) target_semaphore(%run_scoped3A_217 : memref<!tpu.dma_semaphore, #tpu.memory_space<semaphore_mem>>)
      %dma_wait3A_222 = arith.constant 0 : i32
      %dma_wait3A_223 = tpu.memref_slice %arg12[%add3A_164, %dma_wait3A_222] : memref<10240x128xf32, #tpu.memory_space<vmem_shared>> -> memref<64x128xf32, #tpu.memory_space<vmem_shared>>
      %dma_wait3A_224 = arith.constant 0 : i32
      %dma_wait3A_225 = tpu.memref_slice %arg12[%add3A_164, %dma_wait3A_224] : memref<10240x128xf32, #tpu.memory_space<vmem_shared>> -> memref<64x128xf32, #tpu.memory_space<vmem_shared>>
      tpu.wait_dma2 semaphore(%run_scoped3A_217 : memref<!tpu.dma_semaphore, #tpu.memory_space<semaphore_mem>>) src(%dma_wait3A_225 : memref<64x128xf32, #tpu.memory_space<vmem_shared>>) dst(%arg8 : memref<64x128xf32, #tpu.memory_space<vmem>>)
      tpu.yield
    }) : () -> ()
    %mul3A_165 = arith.constant 10240 : i32
    %mul3A_166 = arith.muli %arg0, %mul3A_165 : i32
    %add3A_167 = arith.addi %mul3A_166, %add3A_164 : i32
    "tpu.region"() ({
      %run_scoped3A_217 = tpu.sem_alloc : memref<!tpu.dma_semaphore, #tpu.memory_space<semaphore_mem>>
      %dma_start3A_218 = arith.constant 0 : i32
      %dma_start3A_219 = tpu.memref_slice %arg5[%add3A_167, %dma_start3A_218] : memref<20480x128xf32, #tpu.memory_space<hbm>> -> memref<64x128xf32, #tpu.memory_space<hbm>>
      %dma_start3A_220 = arith.constant 0 : i32
      %dma_start3A_221 = tpu.memref_slice %arg5[%add3A_167, %dma_start3A_220] : memref<20480x128xf32, #tpu.memory_space<hbm>> -> memref<64x128xf32, #tpu.memory_space<hbm>>
      tpu.enqueue_dma source(%arg8 : memref<64x128xf32, #tpu.memory_space<vmem>>) target(%dma_start3A_221 : memref<64x128xf32, #tpu.memory_space<hbm>>) target_semaphore(%run_scoped3A_217 : memref<!tpu.dma_semaphore, #tpu.memory_space<semaphore_mem>>)
      %dma_wait3A_222 = arith.constant 0 : i32
      %dma_wait3A_223 = tpu.memref_slice %arg5[%add3A_167, %dma_wait3A_222] : memref<20480x128xf32, #tpu.memory_space<hbm>> -> memref<64x128xf32, #tpu.memory_space<hbm>>
      %dma_wait3A_224 = arith.constant 0 : i32
      %dma_wait3A_225 = tpu.memref_slice %arg5[%add3A_167, %dma_wait3A_224] : memref<20480x128xf32, #tpu.memory_space<hbm>> -> memref<64x128xf32, #tpu.memory_space<hbm>>
      tpu.wait_dma2 semaphore(%run_scoped3A_217 : memref<!tpu.dma_semaphore, #tpu.memory_space<semaphore_mem>>) src(%arg8 : memref<64x128xf32, #tpu.memory_space<vmem>>) dst(%dma_wait3A_225 : memref<64x128xf32, #tpu.memory_space<hbm>>)
      tpu.yield
    }) : () -> ()
    %mul3A_168 = arith.constant 640 : i32
    %mul3A_169 = arith.muli %arg1, %mul3A_168 : i32
    %add3A_170 = arith.constant 192 : i32
    %add3A_171 = arith.addi %mul3A_169, %add3A_170 : i32
    "tpu.region"() ({
      %run_scoped3A_217 = tpu.sem_alloc : memref<!tpu.dma_semaphore, #tpu.memory_space<semaphore_mem>>
      %dma_start3A_218 = arith.constant 0 : i32
      %dma_start3A_219 = tpu.memref_slice %arg12[%add3A_171, %dma_start3A_218] : memref<10240x128xf32, #tpu.memory_space<vmem_shared>> -> memref<64x128xf32, #tpu.memory_space<vmem_shared>>
      %dma_start3A_220 = arith.constant 0 : i32
      %dma_start3A_221 = tpu.memref_slice %arg12[%add3A_171, %dma_start3A_220] : memref<10240x128xf32, #tpu.memory_space<vmem_shared>> -> memref<64x128xf32, #tpu.memory_space<vmem_shared>>
      tpu.enqueue_dma source(%dma_start3A_221 : memref<64x128xf32, #tpu.memory_space<vmem_shared>>) target(%arg8 : memref<64x128xf32, #tpu.memory_space<vmem>>) target_semaphore(%run_scoped3A_217 : memref<!tpu.dma_semaphore, #tpu.memory_space<semaphore_mem>>)
      %dma_wait3A_222 = arith.constant 0 : i32
      %dma_wait3A_223 = tpu.memref_slice %arg12[%add3A_171, %dma_wait3A_222] : memref<10240x128xf32, #tpu.memory_space<vmem_shared>> -> memref<64x128xf32, #tpu.memory_space<vmem_shared>>
      %dma_wait3A_224 = arith.constant 0 : i32
      %dma_wait3A_225 = tpu.memref_slice %arg12[%add3A_171, %dma_wait3A_224] : memref<10240x128xf32, #tpu.memory_space<vmem_shared>> -> memref<64x128xf32, #tpu.memory_space<vmem_shared>>
      tpu.wait_dma2 semaphore(%run_scoped3A_217 : memref<!tpu.dma_semaphore, #tpu.memory_space<semaphore_mem>>) src(%dma_wait3A_225 : memref<64x128xf32, #tpu.memory_space<vmem_shared>>) dst(%arg8 : memref<64x128xf32, #tpu.memory_space<vmem>>)
      tpu.yield
    }) : () -> ()
    %mul3A_172 = arith.constant 10240 : i32
    %mul3A_173 = arith.muli %arg0, %mul3A_172 : i32
    %add3A_174 = arith.addi %mul3A_173, %add3A_171 : i32
    "tpu.region"() ({
      %run_scoped3A_217 = tpu.sem_alloc : memref<!tpu.dma_semaphore, #tpu.memory_space<semaphore_mem>>
      %dma_start3A_218 = arith.constant 0 : i32
      %dma_start3A_219 = tpu.memref_slice %arg5[%add3A_174, %dma_start3A_218] : memref<20480x128xf32, #tpu.memory_space<hbm>> -> memref<64x128xf32, #tpu.memory_space<hbm>>
      %dma_start3A_220 = arith.constant 0 : i32
      %dma_start3A_221 = tpu.memref_slice %arg5[%add3A_174, %dma_start3A_220] : memref<20480x128xf32, #tpu.memory_space<hbm>> -> memref<64x128xf32, #tpu.memory_space<hbm>>
      tpu.enqueue_dma source(%arg8 : memref<64x128xf32, #tpu.memory_space<vmem>>) target(%dma_start3A_221 : memref<64x128xf32, #tpu.memory_space<hbm>>) target_semaphore(%run_scoped3A_217 : memref<!tpu.dma_semaphore, #tpu.memory_space<semaphore_mem>>)
      %dma_wait3A_222 = arith.constant 0 : i32
      %dma_wait3A_223 = tpu.memref_slice %arg5[%add3A_174, %dma_wait3A_222] : memref<20480x128xf32, #tpu.memory_space<hbm>> -> memref<64x128xf32, #tpu.memory_space<hbm>>
      %dma_wait3A_224 = arith.constant 0 : i32
      %dma_wait3A_225 = tpu.memref_slice %arg5[%add3A_174, %dma_wait3A_224] : memref<20480x128xf32, #tpu.memory_space<hbm>> -> memref<64x128xf32, #tpu.memory_space<hbm>>
      tpu.wait_dma2 semaphore(%run_scoped3A_217 : memref<!tpu.dma_semaphore, #tpu.memory_space<semaphore_mem>>) src(%arg8 : memref<64x128xf32, #tpu.memory_space<vmem>>) dst(%dma_wait3A_225 : memref<64x128xf32, #tpu.memory_space<hbm>>)
      tpu.yield
    }) : () -> ()
    %mul3A_175 = arith.constant 640 : i32
    %mul3A_176 = arith.muli %arg1, %mul3A_175 : i32
    %add3A_177 = arith.constant 256 : i32
    %add3A_178 = arith.addi %mul3A_176, %add3A_177 : i32
    "tpu.region"() ({
      %run_scoped3A_217 = tpu.sem_alloc : memref<!tpu.dma_semaphore, #tpu.memory_space<semaphore_mem>>
      %dma_start3A_218 = arith.constant 0 : i32
      %dma_start3A_219 = tpu.memref_slice %arg12[%add3A_178, %dma_start3A_218] : memref<10240x128xf32, #tpu.memory_space<vmem_shared>> -> memref<64x128xf32, #tpu.memory_space<vmem_shared>>
      %dma_start3A_220 = arith.constant 0 : i32
      %dma_start3A_221 = tpu.memref_slice %arg12[%add3A_178, %dma_start3A_220] : memref<10240x128xf32, #tpu.memory_space<vmem_shared>> -> memref<64x128xf32, #tpu.memory_space<vmem_shared>>
      tpu.enqueue_dma source(%dma_start3A_221 : memref<64x128xf32, #tpu.memory_space<vmem_shared>>) target(%arg8 : memref<64x128xf32, #tpu.memory_space<vmem>>) target_semaphore(%run_scoped3A_217 : memref<!tpu.dma_semaphore, #tpu.memory_space<semaphore_mem>>)
      %dma_wait3A_222 = arith.constant 0 : i32
      %dma_wait3A_223 = tpu.memref_slice %arg12[%add3A_178, %dma_wait3A_222] : memref<10240x128xf32, #tpu.memory_space<vmem_shared>> -> memref<64x128xf32, #tpu.memory_space<vmem_shared>>
      %dma_wait3A_224 = arith.constant 0 : i32
      %dma_wait3A_225 = tpu.memref_slice %arg12[%add3A_178, %dma_wait3A_224] : memref<10240x128xf32, #tpu.memory_space<vmem_shared>> -> memref<64x128xf32, #tpu.memory_space<vmem_shared>>
      tpu.wait_dma2 semaphore(%run_scoped3A_217 : memref<!tpu.dma_semaphore, #tpu.memory_space<semaphore_mem>>) src(%dma_wait3A_225 : memref<64x128xf32, #tpu.memory_space<vmem_shared>>) dst(%arg8 : memref<64x128xf32, #tpu.memory_space<vmem>>)
      tpu.yield
    }) : () -> ()
    %mul3A_179 = arith.constant 10240 : i32
    %mul3A_180 = arith.muli %arg0, %mul3A_179 : i32
    %add3A_181 = arith.addi %mul3A_180, %add3A_178 : i32
    "tpu.region"() ({
      %run_scoped3A_217 = tpu.sem_alloc : memref<!tpu.dma_semaphore, #tpu.memory_space<semaphore_mem>>
      %dma_start3A_218 = arith.constant 0 : i32
      %dma_start3A_219 = tpu.memref_slice %arg5[%add3A_181, %dma_start3A_218] : memref<20480x128xf32, #tpu.memory_space<hbm>> -> memref<64x128xf32, #tpu.memory_space<hbm>>
      %dma_start3A_220 = arith.constant 0 : i32
      %dma_start3A_221 = tpu.memref_slice %arg5[%add3A_181, %dma_start3A_220] : memref<20480x128xf32, #tpu.memory_space<hbm>> -> memref<64x128xf32, #tpu.memory_space<hbm>>
      tpu.enqueue_dma source(%arg8 : memref<64x128xf32, #tpu.memory_space<vmem>>) target(%dma_start3A_221 : memref<64x128xf32, #tpu.memory_space<hbm>>) target_semaphore(%run_scoped3A_217 : memref<!tpu.dma_semaphore, #tpu.memory_space<semaphore_mem>>)
      %dma_wait3A_222 = arith.constant 0 : i32
      %dma_wait3A_223 = tpu.memref_slice %arg5[%add3A_181, %dma_wait3A_222] : memref<20480x128xf32, #tpu.memory_space<hbm>> -> memref<64x128xf32, #tpu.memory_space<hbm>>
      %dma_wait3A_224 = arith.constant 0 : i32
      %dma_wait3A_225 = tpu.memref_slice %arg5[%add3A_181, %dma_wait3A_224] : memref<20480x128xf32, #tpu.memory_space<hbm>> -> memref<64x128xf32, #tpu.memory_space<hbm>>
      tpu.wait_dma2 semaphore(%run_scoped3A_217 : memref<!tpu.dma_semaphore, #tpu.memory_space<semaphore_mem>>) src(%arg8 : memref<64x128xf32, #tpu.memory_space<vmem>>) dst(%dma_wait3A_225 : memref<64x128xf32, #tpu.memory_space<hbm>>)
      tpu.yield
    }) : () -> ()
    %mul3A_182 = arith.constant 640 : i32
    %mul3A_183 = arith.muli %arg1, %mul3A_182 : i32
    %add3A_184 = arith.constant 320 : i32
    %add3A_185 = arith.addi %mul3A_183, %add3A_184 : i32
    "tpu.region"() ({
      %run_scoped3A_217 = tpu.sem_alloc : memref<!tpu.dma_semaphore, #tpu.memory_space<semaphore_mem>>
      %dma_start3A_218 = arith.constant 0 : i32
      %dma_start3A_219 = tpu.memref_slice %arg12[%add3A_185, %dma_start3A_218] : memref<10240x128xf32, #tpu.memory_space<vmem_shared>> -> memref<64x128xf32, #tpu.memory_space<vmem_shared>>
      %dma_start3A_220 = arith.constant 0 : i32
      %dma_start3A_221 = tpu.memref_slice %arg12[%add3A_185, %dma_start3A_220] : memref<10240x128xf32, #tpu.memory_space<vmem_shared>> -> memref<64x128xf32, #tpu.memory_space<vmem_shared>>
      tpu.enqueue_dma source(%dma_start3A_221 : memref<64x128xf32, #tpu.memory_space<vmem_shared>>) target(%arg8 : memref<64x128xf32, #tpu.memory_space<vmem>>) target_semaphore(%run_scoped3A_217 : memref<!tpu.dma_semaphore, #tpu.memory_space<semaphore_mem>>)
      %dma_wait3A_222 = arith.constant 0 : i32
      %dma_wait3A_223 = tpu.memref_slice %arg12[%add3A_185, %dma_wait3A_222] : memref<10240x128xf32, #tpu.memory_space<vmem_shared>> -> memref<64x128xf32, #tpu.memory_space<vmem_shared>>
      %dma_wait3A_224 = arith.constant 0 : i32
      %dma_wait3A_225 = tpu.memref_slice %arg12[%add3A_185, %dma_wait3A_224] : memref<10240x128xf32, #tpu.memory_space<vmem_shared>> -> memref<64x128xf32, #tpu.memory_space<vmem_shared>>
      tpu.wait_dma2 semaphore(%run_scoped3A_217 : memref<!tpu.dma_semaphore, #tpu.memory_space<semaphore_mem>>) src(%dma_wait3A_225 : memref<64x128xf32, #tpu.memory_space<vmem_shared>>) dst(%arg8 : memref<64x128xf32, #tpu.memory_space<vmem>>)
      tpu.yield
    }) : () -> ()
    %mul3A_186 = arith.constant 10240 : i32
    %mul3A_187 = arith.muli %arg0, %mul3A_186 : i32
    %add3A_188 = arith.addi %mul3A_187, %add3A_185 : i32
    "tpu.region"() ({
      %run_scoped3A_217 = tpu.sem_alloc : memref<!tpu.dma_semaphore, #tpu.memory_space<semaphore_mem>>
      %dma_start3A_218 = arith.constant 0 : i32
      %dma_start3A_219 = tpu.memref_slice %arg5[%add3A_188, %dma_start3A_218] : memref<20480x128xf32, #tpu.memory_space<hbm>> -> memref<64x128xf32, #tpu.memory_space<hbm>>
      %dma_start3A_220 = arith.constant 0 : i32
      %dma_start3A_221 = tpu.memref_slice %arg5[%add3A_188, %dma_start3A_220] : memref<20480x128xf32, #tpu.memory_space<hbm>> -> memref<64x128xf32, #tpu.memory_space<hbm>>
      tpu.enqueue_dma source(%arg8 : memref<64x128xf32, #tpu.memory_space<vmem>>) target(%dma_start3A_221 : memref<64x128xf32, #tpu.memory_space<hbm>>) target_semaphore(%run_scoped3A_217 : memref<!tpu.dma_semaphore, #tpu.memory_space<semaphore_mem>>)
      %dma_wait3A_222 = arith.constant 0 : i32
      %dma_wait3A_223 = tpu.memref_slice %arg5[%add3A_188, %dma_wait3A_222] : memref<20480x128xf32, #tpu.memory_space<hbm>> -> memref<64x128xf32, #tpu.memory_space<hbm>>
      %dma_wait3A_224 = arith.constant 0 : i32
      %dma_wait3A_225 = tpu.memref_slice %arg5[%add3A_188, %dma_wait3A_224] : memref<20480x128xf32, #tpu.memory_space<hbm>> -> memref<64x128xf32, #tpu.memory_space<hbm>>
      tpu.wait_dma2 semaphore(%run_scoped3A_217 : memref<!tpu.dma_semaphore, #tpu.memory_space<semaphore_mem>>) src(%arg8 : memref<64x128xf32, #tpu.memory_space<vmem>>) dst(%dma_wait3A_225 : memref<64x128xf32, #tpu.memory_space<hbm>>)
      tpu.yield
    }) : () -> ()
    %mul3A_189 = arith.constant 640 : i32
    %mul3A_190 = arith.muli %arg1, %mul3A_189 : i32
    %add3A_191 = arith.constant 384 : i32
    %add3A_192 = arith.addi %mul3A_190, %add3A_191 : i32
    "tpu.region"() ({
      %run_scoped3A_217 = tpu.sem_alloc : memref<!tpu.dma_semaphore, #tpu.memory_space<semaphore_mem>>
      %dma_start3A_218 = arith.constant 0 : i32
      %dma_start3A_219 = tpu.memref_slice %arg12[%add3A_192, %dma_start3A_218] : memref<10240x128xf32, #tpu.memory_space<vmem_shared>> -> memref<64x128xf32, #tpu.memory_space<vmem_shared>>
      %dma_start3A_220 = arith.constant 0 : i32
      %dma_start3A_221 = tpu.memref_slice %arg12[%add3A_192, %dma_start3A_220] : memref<10240x128xf32, #tpu.memory_space<vmem_shared>> -> memref<64x128xf32, #tpu.memory_space<vmem_shared>>
      tpu.enqueue_dma source(%dma_start3A_221 : memref<64x128xf32, #tpu.memory_space<vmem_shared>>) target(%arg8 : memref<64x128xf32, #tpu.memory_space<vmem>>) target_semaphore(%run_scoped3A_217 : memref<!tpu.dma_semaphore, #tpu.memory_space<semaphore_mem>>)
      %dma_wait3A_222 = arith.constant 0 : i32
      %dma_wait3A_223 = tpu.memref_slice %arg12[%add3A_192, %dma_wait3A_222] : memref<10240x128xf32, #tpu.memory_space<vmem_shared>> -> memref<64x128xf32, #tpu.memory_space<vmem_shared>>
      %dma_wait3A_224 = arith.constant 0 : i32
      %dma_wait3A_225 = tpu.memref_slice %arg12[%add3A_192, %dma_wait3A_224] : memref<10240x128xf32, #tpu.memory_space<vmem_shared>> -> memref<64x128xf32, #tpu.memory_space<vmem_shared>>
      tpu.wait_dma2 semaphore(%run_scoped3A_217 : memref<!tpu.dma_semaphore, #tpu.memory_space<semaphore_mem>>) src(%dma_wait3A_225 : memref<64x128xf32, #tpu.memory_space<vmem_shared>>) dst(%arg8 : memref<64x128xf32, #tpu.memory_space<vmem>>)
      tpu.yield
    }) : () -> ()
    %mul3A_193 = arith.constant 10240 : i32
    %mul3A_194 = arith.muli %arg0, %mul3A_193 : i32
    %add3A_195 = arith.addi %mul3A_194, %add3A_192 : i32
    "tpu.region"() ({
      %run_scoped3A_217 = tpu.sem_alloc : memref<!tpu.dma_semaphore, #tpu.memory_space<semaphore_mem>>
      %dma_start3A_218 = arith.constant 0 : i32
      %dma_start3A_219 = tpu.memref_slice %arg5[%add3A_195, %dma_start3A_218] : memref<20480x128xf32, #tpu.memory_space<hbm>> -> memref<64x128xf32, #tpu.memory_space<hbm>>
      %dma_start3A_220 = arith.constant 0 : i32
      %dma_start3A_221 = tpu.memref_slice %arg5[%add3A_195, %dma_start3A_220] : memref<20480x128xf32, #tpu.memory_space<hbm>> -> memref<64x128xf32, #tpu.memory_space<hbm>>
      tpu.enqueue_dma source(%arg8 : memref<64x128xf32, #tpu.memory_space<vmem>>) target(%dma_start3A_221 : memref<64x128xf32, #tpu.memory_space<hbm>>) target_semaphore(%run_scoped3A_217 : memref<!tpu.dma_semaphore, #tpu.memory_space<semaphore_mem>>)
      %dma_wait3A_222 = arith.constant 0 : i32
      %dma_wait3A_223 = tpu.memref_slice %arg5[%add3A_195, %dma_wait3A_222] : memref<20480x128xf32, #tpu.memory_space<hbm>> -> memref<64x128xf32, #tpu.memory_space<hbm>>
      %dma_wait3A_224 = arith.constant 0 : i32
      %dma_wait3A_225 = tpu.memref_slice %arg5[%add3A_195, %dma_wait3A_224] : memref<20480x128xf32, #tpu.memory_space<hbm>> -> memref<64x128xf32, #tpu.memory_space<hbm>>
      tpu.wait_dma2 semaphore(%run_scoped3A_217 : memref<!tpu.dma_semaphore, #tpu.memory_space<semaphore_mem>>) src(%arg8 : memref<64x128xf32, #tpu.memory_space<vmem>>) dst(%dma_wait3A_225 : memref<64x128xf32, #tpu.memory_space<hbm>>)
      tpu.yield
    }) : () -> ()
    %mul3A_196 = arith.constant 640 : i32
    %mul3A_197 = arith.muli %arg1, %mul3A_196 : i32
    %add3A_198 = arith.constant 448 : i32
    %add3A_199 = arith.addi %mul3A_197, %add3A_198 : i32
    "tpu.region"() ({
      %run_scoped3A_217 = tpu.sem_alloc : memref<!tpu.dma_semaphore, #tpu.memory_space<semaphore_mem>>
      %dma_start3A_218 = arith.constant 0 : i32
      %dma_start3A_219 = tpu.memref_slice %arg12[%add3A_199, %dma_start3A_218] : memref<10240x128xf32, #tpu.memory_space<vmem_shared>> -> memref<64x128xf32, #tpu.memory_space<vmem_shared>>
      %dma_start3A_220 = arith.constant 0 : i32
      %dma_start3A_221 = tpu.memref_slice %arg12[%add3A_199, %dma_start3A_220] : memref<10240x128xf32, #tpu.memory_space<vmem_shared>> -> memref<64x128xf32, #tpu.memory_space<vmem_shared>>
      tpu.enqueue_dma source(%dma_start3A_221 : memref<64x128xf32, #tpu.memory_space<vmem_shared>>) target(%arg8 : memref<64x128xf32, #tpu.memory_space<vmem>>) target_semaphore(%run_scoped3A_217 : memref<!tpu.dma_semaphore, #tpu.memory_space<semaphore_mem>>)
      %dma_wait3A_222 = arith.constant 0 : i32
      %dma_wait3A_223 = tpu.memref_slice %arg12[%add3A_199, %dma_wait3A_222] : memref<10240x128xf32, #tpu.memory_space<vmem_shared>> -> memref<64x128xf32, #tpu.memory_space<vmem_shared>>
      %dma_wait3A_224 = arith.constant 0 : i32
      %dma_wait3A_225 = tpu.memref_slice %arg12[%add3A_199, %dma_wait3A_224] : memref<10240x128xf32, #tpu.memory_space<vmem_shared>> -> memref<64x128xf32, #tpu.memory_space<vmem_shared>>
      tpu.wait_dma2 semaphore(%run_scoped3A_217 : memref<!tpu.dma_semaphore, #tpu.memory_space<semaphore_mem>>) src(%dma_wait3A_225 : memref<64x128xf32, #tpu.memory_space<vmem_shared>>) dst(%arg8 : memref<64x128xf32, #tpu.memory_space<vmem>>)
      tpu.yield
    }) : () -> ()
    %mul3A_200 = arith.constant 10240 : i32
    %mul3A_201 = arith.muli %arg0, %mul3A_200 : i32
    %add3A_202 = arith.addi %mul3A_201, %add3A_199 : i32
    "tpu.region"() ({
      %run_scoped3A_217 = tpu.sem_alloc : memref<!tpu.dma_semaphore, #tpu.memory_space<semaphore_mem>>
      %dma_start3A_218 = arith.constant 0 : i32
      %dma_start3A_219 = tpu.memref_slice %arg5[%add3A_202, %dma_start3A_218] : memref<20480x128xf32, #tpu.memory_space<hbm>> -> memref<64x128xf32, #tpu.memory_space<hbm>>
      %dma_start3A_220 = arith.constant 0 : i32
      %dma_start3A_221 = tpu.memref_slice %arg5[%add3A_202, %dma_start3A_220] : memref<20480x128xf32, #tpu.memory_space<hbm>> -> memref<64x128xf32, #tpu.memory_space<hbm>>
      tpu.enqueue_dma source(%arg8 : memref<64x128xf32, #tpu.memory_space<vmem>>) target(%dma_start3A_221 : memref<64x128xf32, #tpu.memory_space<hbm>>) target_semaphore(%run_scoped3A_217 : memref<!tpu.dma_semaphore, #tpu.memory_space<semaphore_mem>>)
      %dma_wait3A_222 = arith.constant 0 : i32
      %dma_wait3A_223 = tpu.memref_slice %arg5[%add3A_202, %dma_wait3A_222] : memref<20480x128xf32, #tpu.memory_space<hbm>> -> memref<64x128xf32, #tpu.memory_space<hbm>>
      %dma_wait3A_224 = arith.constant 0 : i32
      %dma_wait3A_225 = tpu.memref_slice %arg5[%add3A_202, %dma_wait3A_224] : memref<20480x128xf32, #tpu.memory_space<hbm>> -> memref<64x128xf32, #tpu.memory_space<hbm>>
      tpu.wait_dma2 semaphore(%run_scoped3A_217 : memref<!tpu.dma_semaphore, #tpu.memory_space<semaphore_mem>>) src(%arg8 : memref<64x128xf32, #tpu.memory_space<vmem>>) dst(%dma_wait3A_225 : memref<64x128xf32, #tpu.memory_space<hbm>>)
      tpu.yield
    }) : () -> ()
    %mul3A_203 = arith.constant 640 : i32
    %mul3A_204 = arith.muli %arg1, %mul3A_203 : i32
    %add3A_205 = arith.constant 512 : i32
    %add3A_206 = arith.addi %mul3A_204, %add3A_205 : i32
    "tpu.region"() ({
      %run_scoped3A_217 = tpu.sem_alloc : memref<!tpu.dma_semaphore, #tpu.memory_space<semaphore_mem>>
      %dma_start3A_218 = arith.constant 0 : i32
      %dma_start3A_219 = tpu.memref_slice %arg12[%add3A_206, %dma_start3A_218] : memref<10240x128xf32, #tpu.memory_space<vmem_shared>> -> memref<64x128xf32, #tpu.memory_space<vmem_shared>>
      %dma_start3A_220 = arith.constant 0 : i32
      %dma_start3A_221 = tpu.memref_slice %arg12[%add3A_206, %dma_start3A_220] : memref<10240x128xf32, #tpu.memory_space<vmem_shared>> -> memref<64x128xf32, #tpu.memory_space<vmem_shared>>
      tpu.enqueue_dma source(%dma_start3A_221 : memref<64x128xf32, #tpu.memory_space<vmem_shared>>) target(%arg8 : memref<64x128xf32, #tpu.memory_space<vmem>>) target_semaphore(%run_scoped3A_217 : memref<!tpu.dma_semaphore, #tpu.memory_space<semaphore_mem>>)
      %dma_wait3A_222 = arith.constant 0 : i32
      %dma_wait3A_223 = tpu.memref_slice %arg12[%add3A_206, %dma_wait3A_222] : memref<10240x128xf32, #tpu.memory_space<vmem_shared>> -> memref<64x128xf32, #tpu.memory_space<vmem_shared>>
      %dma_wait3A_224 = arith.constant 0 : i32
      %dma_wait3A_225 = tpu.memref_slice %arg12[%add3A_206, %dma_wait3A_224] : memref<10240x128xf32, #tpu.memory_space<vmem_shared>> -> memref<64x128xf32, #tpu.memory_space<vmem_shared>>
      tpu.wait_dma2 semaphore(%run_scoped3A_217 : memref<!tpu.dma_semaphore, #tpu.memory_space<semaphore_mem>>) src(%dma_wait3A_225 : memref<64x128xf32, #tpu.memory_space<vmem_shared>>) dst(%arg8 : memref<64x128xf32, #tpu.memory_space<vmem>>)
      tpu.yield
    }) : () -> ()
    %mul3A_207 = arith.constant 10240 : i32
    %mul3A_208 = arith.muli %arg0, %mul3A_207 : i32
    %add3A_209 = arith.addi %mul3A_208, %add3A_206 : i32
    "tpu.region"() ({
      %run_scoped3A_217 = tpu.sem_alloc : memref<!tpu.dma_semaphore, #tpu.memory_space<semaphore_mem>>
      %dma_start3A_218 = arith.constant 0 : i32
      %dma_start3A_219 = tpu.memref_slice %arg5[%add3A_209, %dma_start3A_218] : memref<20480x128xf32, #tpu.memory_space<hbm>> -> memref<64x128xf32, #tpu.memory_space<hbm>>
      %dma_start3A_220 = arith.constant 0 : i32
      %dma_start3A_221 = tpu.memref_slice %arg5[%add3A_209, %dma_start3A_220] : memref<20480x128xf32, #tpu.memory_space<hbm>> -> memref<64x128xf32, #tpu.memory_space<hbm>>
      tpu.enqueue_dma source(%arg8 : memref<64x128xf32, #tpu.memory_space<vmem>>) target(%dma_start3A_221 : memref<64x128xf32, #tpu.memory_space<hbm>>) target_semaphore(%run_scoped3A_217 : memref<!tpu.dma_semaphore, #tpu.memory_space<semaphore_mem>>)
      %dma_wait3A_222 = arith.constant 0 : i32
      %dma_wait3A_223 = tpu.memref_slice %arg5[%add3A_209, %dma_wait3A_222] : memref<20480x128xf32, #tpu.memory_space<hbm>> -> memref<64x128xf32, #tpu.memory_space<hbm>>
      %dma_wait3A_224 = arith.constant 0 : i32
      %dma_wait3A_225 = tpu.memref_slice %arg5[%add3A_209, %dma_wait3A_224] : memref<20480x128xf32, #tpu.memory_space<hbm>> -> memref<64x128xf32, #tpu.memory_space<hbm>>
      tpu.wait_dma2 semaphore(%run_scoped3A_217 : memref<!tpu.dma_semaphore, #tpu.memory_space<semaphore_mem>>) src(%arg8 : memref<64x128xf32, #tpu.memory_space<vmem>>) dst(%dma_wait3A_225 : memref<64x128xf32, #tpu.memory_space<hbm>>)
      tpu.yield
    }) : () -> ()
    %mul3A_210 = arith.constant 640 : i32
    %mul3A_211 = arith.muli %arg1, %mul3A_210 : i32
    %add3A_212 = arith.constant 576 : i32
    %add3A_213 = arith.addi %mul3A_211, %add3A_212 : i32
    "tpu.region"() ({
      %run_scoped3A_217 = tpu.sem_alloc : memref<!tpu.dma_semaphore, #tpu.memory_space<semaphore_mem>>
      %dma_start3A_218 = arith.constant 0 : i32
      %dma_start3A_219 = tpu.memref_slice %arg12[%add3A_213, %dma_start3A_218] : memref<10240x128xf32, #tpu.memory_space<vmem_shared>> -> memref<64x128xf32, #tpu.memory_space<vmem_shared>>
      %dma_start3A_220 = arith.constant 0 : i32
      %dma_start3A_221 = tpu.memref_slice %arg12[%add3A_213, %dma_start3A_220] : memref<10240x128xf32, #tpu.memory_space<vmem_shared>> -> memref<64x128xf32, #tpu.memory_space<vmem_shared>>
      tpu.enqueue_dma source(%dma_start3A_221 : memref<64x128xf32, #tpu.memory_space<vmem_shared>>) target(%arg8 : memref<64x128xf32, #tpu.memory_space<vmem>>) target_semaphore(%run_scoped3A_217 : memref<!tpu.dma_semaphore, #tpu.memory_space<semaphore_mem>>)
      %dma_wait3A_222 = arith.constant 0 : i32
      %dma_wait3A_223 = tpu.memref_slice %arg12[%add3A_213, %dma_wait3A_222] : memref<10240x128xf32, #tpu.memory_space<vmem_shared>> -> memref<64x128xf32, #tpu.memory_space<vmem_shared>>
      %dma_wait3A_224 = arith.constant 0 : i32
      %dma_wait3A_225 = tpu.memref_slice %arg12[%add3A_213, %dma_wait3A_224] : memref<10240x128xf32, #tpu.memory_space<vmem_shared>> -> memref<64x128xf32, #tpu.memory_space<vmem_shared>>
      tpu.wait_dma2 semaphore(%run_scoped3A_217 : memref<!tpu.dma_semaphore, #tpu.memory_space<semaphore_mem>>) src(%dma_wait3A_225 : memref<64x128xf32, #tpu.memory_space<vmem_shared>>) dst(%arg8 : memref<64x128xf32, #tpu.memory_space<vmem>>)
      tpu.yield
    }) : () -> ()
    %mul3A_214 = arith.constant 10240 : i32
    %mul3A_215 = arith.muli %arg0, %mul3A_214 : i32
    %add3A_216 = arith.addi %mul3A_215, %add3A_213 : i32
    "tpu.region"() ({
      %run_scoped3A_217 = tpu.sem_alloc : memref<!tpu.dma_semaphore, #tpu.memory_space<semaphore_mem>>
      %dma_start3A_218 = arith.constant 0 : i32
      %dma_start3A_219 = tpu.memref_slice %arg5[%add3A_216, %dma_start3A_218] : memref<20480x128xf32, #tpu.memory_space<hbm>> -> memref<64x128xf32, #tpu.memory_space<hbm>>
      %dma_start3A_220 = arith.constant 0 : i32
      %dma_start3A_221 = tpu.memref_slice %arg5[%add3A_216, %dma_start3A_220] : memref<20480x128xf32, #tpu.memory_space<hbm>> -> memref<64x128xf32, #tpu.memory_space<hbm>>
      tpu.enqueue_dma source(%arg8 : memref<64x128xf32, #tpu.memory_space<vmem>>) target(%dma_start3A_221 : memref<64x128xf32, #tpu.memory_space<hbm>>) target_semaphore(%run_scoped3A_217 : memref<!tpu.dma_semaphore, #tpu.memory_space<semaphore_mem>>)
      %dma_wait3A_222 = arith.constant 0 : i32
      %dma_wait3A_223 = tpu.memref_slice %arg5[%add3A_216, %dma_wait3A_222] : memref<20480x128xf32, #tpu.memory_space<hbm>> -> memref<64x128xf32, #tpu.memory_space<hbm>>
      %dma_wait3A_224 = arith.constant 0 : i32
      %dma_wait3A_225 = tpu.memref_slice %arg5[%add3A_216, %dma_wait3A_224] : memref<20480x128xf32, #tpu.memory_space<hbm>> -> memref<64x128xf32, #tpu.memory_space<hbm>>
      tpu.wait_dma2 semaphore(%run_scoped3A_217 : memref<!tpu.dma_semaphore, #tpu.memory_space<semaphore_mem>>) src(%arg8 : memref<64x128xf32, #tpu.memory_space<vmem>>) dst(%dma_wait3A_225 : memref<64x128xf32, #tpu.memory_space<hbm>>)
      tpu.yield
    }) : () -> ()
    return
  }
}

#map = affine_map<(d0, d1) -> (0, 0)>
#map1 = affine_map<(d0, d1) -> (0, 0, 0)>
module attributes {stable_mosaic.version = 14 : i64} {
  func.func @_sc_agg(%arg0: i32, %arg1: i32, %arg2: memref<10000x128xf32, #tpu.memory_space<hbm>>, %arg3: memref<32x157x64xi32, #tpu.memory_space<hbm>>, %arg4: memref<64x128xf32, #tpu.memory_space<hbm>>, %arg5: memref<20480x128xf32, #tpu.memory_space<hbm>>, %arg6: memref<157x64xi32, #tpu.memory_space<vmem>>, %arg7: memref<4x64xi32, #tpu.memory_space<vmem>>, %arg8: memref<64x128xf32, #tpu.memory_space<vmem>>, %arg9: memref<64x128xf32, #tpu.memory_space<vmem>>, %arg10: memref<!tpu.dma_semaphore, #tpu.memory_space<semaphore_mem>>, %arg11: memref<!tpu.dma_semaphore, #tpu.memory_space<semaphore_mem>>, %arg12: memref<10240x128xf32, #tpu.memory_space<vmem_shared>>) attributes {dimension_semantics = [#tpu.dimension_semantics<core_parallel>, #tpu.dimension_semantics<subcore_parallel>], iteration_bounds = array<i64: 2, 16>, scalar_prefetch = 0 : i64, scratch_operands = 7 : i64, tpu.core_type = #tpu.core_type<sc_vector_subcore>, window_params = [{transform_indices = #map}, {transform_indices = #map1}, {transform_indices = #map}, {transform_indices = #map}]} {
    %mul3A = arith.constant 16 : i32
    %mul3A_0 = arith.muli %arg0, %mul3A : i32
    %add3A = arith.addi %mul3A_0, %arg1 : i32
    "tpu.region"() ({
      %run_scoped3A_217 = tpu.sem_alloc : memref<!tpu.dma_semaphore, #tpu.memory_space<semaphore_mem>>
      %dma_start3A_218 = arith.constant 0 : i32
      %dma_start3A_219 = arith.constant 0 : i32
      %dma_start3A_220 = tpu.memref_slice %arg3[%add3A, %dma_start3A_218, %dma_start3A_219] : memref<32x157x64xi32, #tpu.memory_space<hbm>> -> memref<1x157x64xi32, #tpu.memory_space<hbm>>
      %dma_start3A_221 = tpu.memref_squeeze %dma_start3A_220 : memref<1x157x64xi32, #tpu.memory_space<hbm>> -> memref<157x64xi32, #tpu.memory_space<hbm>>
      %dma_start3A_222 = arith.constant 0 : i32
      %dma_start3A_223 = arith.constant 0 : i32
      %dma_start3A_224 = tpu.memref_slice %arg3[%add3A, %dma_start3A_222, %dma_start3A_223] : memref<32x157x64xi32, #tpu.memory_space<hbm>> -> memref<1x157x64xi32, #tpu.memory_space<hbm>>
      %dma_start3A_225 = tpu.memref_squeeze %dma_start3A_224 : memref<1x157x64xi32, #tpu.memory_space<hbm>> -> memref<157x64xi32, #tpu.memory_space<hbm>>
      tpu.enqueue_dma source(%dma_start3A_225 : memref<157x64xi32, #tpu.memory_space<hbm>>) target(%arg6 : memref<157x64xi32, #tpu.memory_space<vmem>>) target_semaphore(%run_scoped3A_217 : memref<!tpu.dma_semaphore, #tpu.memory_space<semaphore_mem>>)
      %dma_wait3A_226 = arith.constant 0 : i32
      %dma_wait3A_227 = arith.constant 0 : i32
      %dma_wait3A_228 = tpu.memref_slice %arg3[%add3A, %dma_wait3A_226, %dma_wait3A_227] : memref<32x157x64xi32, #tpu.memory_space<hbm>> -> memref<1x157x64xi32, #tpu.memory_space<hbm>>
      %dma_wait3A_229 = tpu.memref_squeeze %dma_wait3A_228 : memref<1x157x64xi32, #tpu.memory_space<hbm>> -> memref<157x64xi32, #tpu.memory_space<hbm>>
      %dma_wait3A_230 = arith.constant 0 : i32
      %dma_wait3A_231 = arith.constant 0 : i32
      %dma_wait3A_232 = tpu.memref_slice %arg3[%add3A, %dma_wait3A_230, %dma_wait3A_231] : memref<32x157x64xi32, #tpu.memory_space<hbm>> -> memref<1x157x64xi32, #tpu.memory_space<hbm>>
      %dma_wait3A_233 = tpu.memref_squeeze %dma_wait3A_232 : memref<1x157x64xi32, #tpu.memory_space<hbm>> -> memref<157x64xi32, #tpu.memory_space<hbm>>
      tpu.wait_dma2 semaphore(%run_scoped3A_217 : memref<!tpu.dma_semaphore, #tpu.memory_space<semaphore_mem>>) src(%dma_wait3A_233 : memref<157x64xi32, #tpu.memory_space<hbm>>) dst(%arg6 : memref<157x64xi32, #tpu.memory_space<vmem>>)
      tpu.yield
    }) : () -> ()
    "tpu.region"() ({
      %run_scoped3A_217 = tpu.sem_alloc : memref<!tpu.dma_semaphore, #tpu.memory_space<semaphore_mem>>
      tpu.enqueue_dma source(%arg4 : memref<64x128xf32, #tpu.memory_space<hbm>>) target(%arg8 : memref<64x128xf32, #tpu.memory_space<vmem>>) target_semaphore(%run_scoped3A_217 : memref<!tpu.dma_semaphore, #tpu.memory_space<semaphore_mem>>)
      tpu.wait_dma2 semaphore(%run_scoped3A_217 : memref<!tpu.dma_semaphore, #tpu.memory_space<semaphore_mem>>) src(%arg4 : memref<64x128xf32, #tpu.memory_space<hbm>>) dst(%arg8 : memref<64x128xf32, #tpu.memory_space<vmem>>)
      tpu.yield
    }) : () -> ()
    %mul3A_1 = arith.constant 640 : i32
    %mul3A_2 = arith.muli %arg1, %mul3A_1 : i32
    %add3A_3 = arith.constant 0 : i32
    %add3A_4 = arith.addi %mul3A_2, %add3A_3 : i32
    "tpu.region"() ({
      %run_scoped3A_217 = tpu.sem_alloc : memref<!tpu.dma_semaphore, #tpu.memory_space<semaphore_mem>>
      %dma_start3A_218 = arith.constant 0 : i32
      %dma_start3A_219 = tpu.memref_slice %arg12[%add3A_4, %dma_start3A_218] : memref<10240x128xf32, #tpu.memory_space<vmem_shared>> -> memref<64x128xf32, #tpu.memory_space<vmem_shared>>
      %dma_start3A_220 = arith.constant 0 : i32
      %dma_start3A_221 = tpu.memref_slice %arg12[%add3A_4, %dma_start3A_220] : memref<10240x128xf32, #tpu.memory_space<vmem_shared>> -> memref<64x128xf32, #tpu.memory_space<vmem_shared>>
      tpu.enqueue_dma source(%arg8 : memref<64x128xf32, #tpu.memory_space<vmem>>) target(%dma_start3A_221 : memref<64x128xf32, #tpu.memory_space<vmem_shared>>) target_semaphore(%run_scoped3A_217 : memref<!tpu.dma_semaphore, #tpu.memory_space<semaphore_mem>>)
      %dma_wait3A_222 = arith.constant 0 : i32
      %dma_wait3A_223 = tpu.memref_slice %arg12[%add3A_4, %dma_wait3A_222] : memref<10240x128xf32, #tpu.memory_space<vmem_shared>> -> memref<64x128xf32, #tpu.memory_space<vmem_shared>>
      %dma_wait3A_224 = arith.constant 0 : i32
      %dma_wait3A_225 = tpu.memref_slice %arg12[%add3A_4, %dma_wait3A_224] : memref<10240x128xf32, #tpu.memory_space<vmem_shared>> -> memref<64x128xf32, #tpu.memory_space<vmem_shared>>
      tpu.wait_dma2 semaphore(%run_scoped3A_217 : memref<!tpu.dma_semaphore, #tpu.memory_space<semaphore_mem>>) src(%arg8 : memref<64x128xf32, #tpu.memory_space<vmem>>) dst(%dma_wait3A_225 : memref<64x128xf32, #tpu.memory_space<vmem_shared>>)
      tpu.yield
    }) : () -> ()
    %mul3A_5 = arith.constant 640 : i32
    %mul3A_6 = arith.muli %arg1, %mul3A_5 : i32
    %add3A_7 = arith.constant 64 : i32
    %add3A_8 = arith.addi %mul3A_6, %add3A_7 : i32
    "tpu.region"() ({
      %run_scoped3A_217 = tpu.sem_alloc : memref<!tpu.dma_semaphore, #tpu.memory_space<semaphore_mem>>
      %dma_start3A_218 = arith.constant 0 : i32
      %dma_start3A_219 = tpu.memref_slice %arg12[%add3A_8, %dma_start3A_218] : memref<10240x128xf32, #tpu.memory_space<vmem_shared>> -> memref<64x128xf32, #tpu.memory_space<vmem_shared>>
      %dma_start3A_220 = arith.constant 0 : i32
      %dma_start3A_221 = tpu.memref_slice %arg12[%add3A_8, %dma_start3A_220] : memref<10240x128xf32, #tpu.memory_space<vmem_shared>> -> memref<64x128xf32, #tpu.memory_space<vmem_shared>>
      tpu.enqueue_dma source(%arg8 : memref<64x128xf32, #tpu.memory_space<vmem>>) target(%dma_start3A_221 : memref<64x128xf32, #tpu.memory_space<vmem_shared>>) target_semaphore(%run_scoped3A_217 : memref<!tpu.dma_semaphore, #tpu.memory_space<semaphore_mem>>)
      %dma_wait3A_222 = arith.constant 0 : i32
      %dma_wait3A_223 = tpu.memref_slice %arg12[%add3A_8, %dma_wait3A_222] : memref<10240x128xf32, #tpu.memory_space<vmem_shared>> -> memref<64x128xf32, #tpu.memory_space<vmem_shared>>
      %dma_wait3A_224 = arith.constant 0 : i32
      %dma_wait3A_225 = tpu.memref_slice %arg12[%add3A_8, %dma_wait3A_224] : memref<10240x128xf32, #tpu.memory_space<vmem_shared>> -> memref<64x128xf32, #tpu.memory_space<vmem_shared>>
      tpu.wait_dma2 semaphore(%run_scoped3A_217 : memref<!tpu.dma_semaphore, #tpu.memory_space<semaphore_mem>>) src(%arg8 : memref<64x128xf32, #tpu.memory_space<vmem>>) dst(%dma_wait3A_225 : memref<64x128xf32, #tpu.memory_space<vmem_shared>>)
      tpu.yield
    }) : () -> ()
    %mul3A_9 = arith.constant 640 : i32
    %mul3A_10 = arith.muli %arg1, %mul3A_9 : i32
    %add3A_11 = arith.constant 128 : i32
    %add3A_12 = arith.addi %mul3A_10, %add3A_11 : i32
    "tpu.region"() ({
      %run_scoped3A_217 = tpu.sem_alloc : memref<!tpu.dma_semaphore, #tpu.memory_space<semaphore_mem>>
      %dma_start3A_218 = arith.constant 0 : i32
      %dma_start3A_219 = tpu.memref_slice %arg12[%add3A_12, %dma_start3A_218] : memref<10240x128xf32, #tpu.memory_space<vmem_shared>> -> memref<64x128xf32, #tpu.memory_space<vmem_shared>>
      %dma_start3A_220 = arith.constant 0 : i32
      %dma_start3A_221 = tpu.memref_slice %arg12[%add3A_12, %dma_start3A_220] : memref<10240x128xf32, #tpu.memory_space<vmem_shared>> -> memref<64x128xf32, #tpu.memory_space<vmem_shared>>
      tpu.enqueue_dma source(%arg8 : memref<64x128xf32, #tpu.memory_space<vmem>>) target(%dma_start3A_221 : memref<64x128xf32, #tpu.memory_space<vmem_shared>>) target_semaphore(%run_scoped3A_217 : memref<!tpu.dma_semaphore, #tpu.memory_space<semaphore_mem>>)
      %dma_wait3A_222 = arith.constant 0 : i32
      %dma_wait3A_223 = tpu.memref_slice %arg12[%add3A_12, %dma_wait3A_222] : memref<10240x128xf32, #tpu.memory_space<vmem_shared>> -> memref<64x128xf32, #tpu.memory_space<vmem_shared>>
      %dma_wait3A_224 = arith.constant 0 : i32
      %dma_wait3A_225 = tpu.memref_slice %arg12[%add3A_12, %dma_wait3A_224] : memref<10240x128xf32, #tpu.memory_space<vmem_shared>> -> memref<64x128xf32, #tpu.memory_space<vmem_shared>>
      tpu.wait_dma2 semaphore(%run_scoped3A_217 : memref<!tpu.dma_semaphore, #tpu.memory_space<semaphore_mem>>) src(%arg8 : memref<64x128xf32, #tpu.memory_space<vmem>>) dst(%dma_wait3A_225 : memref<64x128xf32, #tpu.memory_space<vmem_shared>>)
      tpu.yield
    }) : () -> ()
    %mul3A_13 = arith.constant 640 : i32
    %mul3A_14 = arith.muli %arg1, %mul3A_13 : i32
    %add3A_15 = arith.constant 192 : i32
    %add3A_16 = arith.addi %mul3A_14, %add3A_15 : i32
    "tpu.region"() ({
      %run_scoped3A_217 = tpu.sem_alloc : memref<!tpu.dma_semaphore, #tpu.memory_space<semaphore_mem>>
      %dma_start3A_218 = arith.constant 0 : i32
      %dma_start3A_219 = tpu.memref_slice %arg12[%add3A_16, %dma_start3A_218] : memref<10240x128xf32, #tpu.memory_space<vmem_shared>> -> memref<64x128xf32, #tpu.memory_space<vmem_shared>>
      %dma_start3A_220 = arith.constant 0 : i32
      %dma_start3A_221 = tpu.memref_slice %arg12[%add3A_16, %dma_start3A_220] : memref<10240x128xf32, #tpu.memory_space<vmem_shared>> -> memref<64x128xf32, #tpu.memory_space<vmem_shared>>
      tpu.enqueue_dma source(%arg8 : memref<64x128xf32, #tpu.memory_space<vmem>>) target(%dma_start3A_221 : memref<64x128xf32, #tpu.memory_space<vmem_shared>>) target_semaphore(%run_scoped3A_217 : memref<!tpu.dma_semaphore, #tpu.memory_space<semaphore_mem>>)
      %dma_wait3A_222 = arith.constant 0 : i32
      %dma_wait3A_223 = tpu.memref_slice %arg12[%add3A_16, %dma_wait3A_222] : memref<10240x128xf32, #tpu.memory_space<vmem_shared>> -> memref<64x128xf32, #tpu.memory_space<vmem_shared>>
      %dma_wait3A_224 = arith.constant 0 : i32
      %dma_wait3A_225 = tpu.memref_slice %arg12[%add3A_16, %dma_wait3A_224] : memref<10240x128xf32, #tpu.memory_space<vmem_shared>> -> memref<64x128xf32, #tpu.memory_space<vmem_shared>>
      tpu.wait_dma2 semaphore(%run_scoped3A_217 : memref<!tpu.dma_semaphore, #tpu.memory_space<semaphore_mem>>) src(%arg8 : memref<64x128xf32, #tpu.memory_space<vmem>>) dst(%dma_wait3A_225 : memref<64x128xf32, #tpu.memory_space<vmem_shared>>)
      tpu.yield
    }) : () -> ()
    %mul3A_17 = arith.constant 640 : i32
    %mul3A_18 = arith.muli %arg1, %mul3A_17 : i32
    %add3A_19 = arith.constant 256 : i32
    %add3A_20 = arith.addi %mul3A_18, %add3A_19 : i32
    "tpu.region"() ({
      %run_scoped3A_217 = tpu.sem_alloc : memref<!tpu.dma_semaphore, #tpu.memory_space<semaphore_mem>>
      %dma_start3A_218 = arith.constant 0 : i32
      %dma_start3A_219 = tpu.memref_slice %arg12[%add3A_20, %dma_start3A_218] : memref<10240x128xf32, #tpu.memory_space<vmem_shared>> -> memref<64x128xf32, #tpu.memory_space<vmem_shared>>
      %dma_start3A_220 = arith.constant 0 : i32
      %dma_start3A_221 = tpu.memref_slice %arg12[%add3A_20, %dma_start3A_220] : memref<10240x128xf32, #tpu.memory_space<vmem_shared>> -> memref<64x128xf32, #tpu.memory_space<vmem_shared>>
      tpu.enqueue_dma source(%arg8 : memref<64x128xf32, #tpu.memory_space<vmem>>) target(%dma_start3A_221 : memref<64x128xf32, #tpu.memory_space<vmem_shared>>) target_semaphore(%run_scoped3A_217 : memref<!tpu.dma_semaphore, #tpu.memory_space<semaphore_mem>>)
      %dma_wait3A_222 = arith.constant 0 : i32
      %dma_wait3A_223 = tpu.memref_slice %arg12[%add3A_20, %dma_wait3A_222] : memref<10240x128xf32, #tpu.memory_space<vmem_shared>> -> memref<64x128xf32, #tpu.memory_space<vmem_shared>>
      %dma_wait3A_224 = arith.constant 0 : i32
      %dma_wait3A_225 = tpu.memref_slice %arg12[%add3A_20, %dma_wait3A_224] : memref<10240x128xf32, #tpu.memory_space<vmem_shared>> -> memref<64x128xf32, #tpu.memory_space<vmem_shared>>
      tpu.wait_dma2 semaphore(%run_scoped3A_217 : memref<!tpu.dma_semaphore, #tpu.memory_space<semaphore_mem>>) src(%arg8 : memref<64x128xf32, #tpu.memory_space<vmem>>) dst(%dma_wait3A_225 : memref<64x128xf32, #tpu.memory_space<vmem_shared>>)
      tpu.yield
    }) : () -> ()
    %mul3A_21 = arith.constant 640 : i32
    %mul3A_22 = arith.muli %arg1, %mul3A_21 : i32
    %add3A_23 = arith.constant 320 : i32
    %add3A_24 = arith.addi %mul3A_22, %add3A_23 : i32
    "tpu.region"() ({
      %run_scoped3A_217 = tpu.sem_alloc : memref<!tpu.dma_semaphore, #tpu.memory_space<semaphore_mem>>
      %dma_start3A_218 = arith.constant 0 : i32
      %dma_start3A_219 = tpu.memref_slice %arg12[%add3A_24, %dma_start3A_218] : memref<10240x128xf32, #tpu.memory_space<vmem_shared>> -> memref<64x128xf32, #tpu.memory_space<vmem_shared>>
      %dma_start3A_220 = arith.constant 0 : i32
      %dma_start3A_221 = tpu.memref_slice %arg12[%add3A_24, %dma_start3A_220] : memref<10240x128xf32, #tpu.memory_space<vmem_shared>> -> memref<64x128xf32, #tpu.memory_space<vmem_shared>>
      tpu.enqueue_dma source(%arg8 : memref<64x128xf32, #tpu.memory_space<vmem>>) target(%dma_start3A_221 : memref<64x128xf32, #tpu.memory_space<vmem_shared>>) target_semaphore(%run_scoped3A_217 : memref<!tpu.dma_semaphore, #tpu.memory_space<semaphore_mem>>)
      %dma_wait3A_222 = arith.constant 0 : i32
      %dma_wait3A_223 = tpu.memref_slice %arg12[%add3A_24, %dma_wait3A_222] : memref<10240x128xf32, #tpu.memory_space<vmem_shared>> -> memref<64x128xf32, #tpu.memory_space<vmem_shared>>
      %dma_wait3A_224 = arith.constant 0 : i32
      %dma_wait3A_225 = tpu.memref_slice %arg12[%add3A_24, %dma_wait3A_224] : memref<10240x128xf32, #tpu.memory_space<vmem_shared>> -> memref<64x128xf32, #tpu.memory_space<vmem_shared>>
      tpu.wait_dma2 semaphore(%run_scoped3A_217 : memref<!tpu.dma_semaphore, #tpu.memory_space<semaphore_mem>>) src(%arg8 : memref<64x128xf32, #tpu.memory_space<vmem>>) dst(%dma_wait3A_225 : memref<64x128xf32, #tpu.memory_space<vmem_shared>>)
      tpu.yield
    }) : () -> ()
    %mul3A_25 = arith.constant 640 : i32
    %mul3A_26 = arith.muli %arg1, %mul3A_25 : i32
    %add3A_27 = arith.constant 384 : i32
    %add3A_28 = arith.addi %mul3A_26, %add3A_27 : i32
    "tpu.region"() ({
      %run_scoped3A_217 = tpu.sem_alloc : memref<!tpu.dma_semaphore, #tpu.memory_space<semaphore_mem>>
      %dma_start3A_218 = arith.constant 0 : i32
      %dma_start3A_219 = tpu.memref_slice %arg12[%add3A_28, %dma_start3A_218] : memref<10240x128xf32, #tpu.memory_space<vmem_shared>> -> memref<64x128xf32, #tpu.memory_space<vmem_shared>>
      %dma_start3A_220 = arith.constant 0 : i32
      %dma_start3A_221 = tpu.memref_slice %arg12[%add3A_28, %dma_start3A_220] : memref<10240x128xf32, #tpu.memory_space<vmem_shared>> -> memref<64x128xf32, #tpu.memory_space<vmem_shared>>
      tpu.enqueue_dma source(%arg8 : memref<64x128xf32, #tpu.memory_space<vmem>>) target(%dma_start3A_221 : memref<64x128xf32, #tpu.memory_space<vmem_shared>>) target_semaphore(%run_scoped3A_217 : memref<!tpu.dma_semaphore, #tpu.memory_space<semaphore_mem>>)
      %dma_wait3A_222 = arith.constant 0 : i32
      %dma_wait3A_223 = tpu.memref_slice %arg12[%add3A_28, %dma_wait3A_222] : memref<10240x128xf32, #tpu.memory_space<vmem_shared>> -> memref<64x128xf32, #tpu.memory_space<vmem_shared>>
      %dma_wait3A_224 = arith.constant 0 : i32
      %dma_wait3A_225 = tpu.memref_slice %arg12[%add3A_28, %dma_wait3A_224] : memref<10240x128xf32, #tpu.memory_space<vmem_shared>> -> memref<64x128xf32, #tpu.memory_space<vmem_shared>>
      tpu.wait_dma2 semaphore(%run_scoped3A_217 : memref<!tpu.dma_semaphore, #tpu.memory_space<semaphore_mem>>) src(%arg8 : memref<64x128xf32, #tpu.memory_space<vmem>>) dst(%dma_wait3A_225 : memref<64x128xf32, #tpu.memory_space<vmem_shared>>)
      tpu.yield
    }) : () -> ()
    %mul3A_29 = arith.constant 640 : i32
    %mul3A_30 = arith.muli %arg1, %mul3A_29 : i32
    %add3A_31 = arith.constant 448 : i32
    %add3A_32 = arith.addi %mul3A_30, %add3A_31 : i32
    "tpu.region"() ({
      %run_scoped3A_217 = tpu.sem_alloc : memref<!tpu.dma_semaphore, #tpu.memory_space<semaphore_mem>>
      %dma_start3A_218 = arith.constant 0 : i32
      %dma_start3A_219 = tpu.memref_slice %arg12[%add3A_32, %dma_start3A_218] : memref<10240x128xf32, #tpu.memory_space<vmem_shared>> -> memref<64x128xf32, #tpu.memory_space<vmem_shared>>
      %dma_start3A_220 = arith.constant 0 : i32
      %dma_start3A_221 = tpu.memref_slice %arg12[%add3A_32, %dma_start3A_220] : memref<10240x128xf32, #tpu.memory_space<vmem_shared>> -> memref<64x128xf32, #tpu.memory_space<vmem_shared>>
      tpu.enqueue_dma source(%arg8 : memref<64x128xf32, #tpu.memory_space<vmem>>) target(%dma_start3A_221 : memref<64x128xf32, #tpu.memory_space<vmem_shared>>) target_semaphore(%run_scoped3A_217 : memref<!tpu.dma_semaphore, #tpu.memory_space<semaphore_mem>>)
      %dma_wait3A_222 = arith.constant 0 : i32
      %dma_wait3A_223 = tpu.memref_slice %arg12[%add3A_32, %dma_wait3A_222] : memref<10240x128xf32, #tpu.memory_space<vmem_shared>> -> memref<64x128xf32, #tpu.memory_space<vmem_shared>>
      %dma_wait3A_224 = arith.constant 0 : i32
      %dma_wait3A_225 = tpu.memref_slice %arg12[%add3A_32, %dma_wait3A_224] : memref<10240x128xf32, #tpu.memory_space<vmem_shared>> -> memref<64x128xf32, #tpu.memory_space<vmem_shared>>
      tpu.wait_dma2 semaphore(%run_scoped3A_217 : memref<!tpu.dma_semaphore, #tpu.memory_space<semaphore_mem>>) src(%arg8 : memref<64x128xf32, #tpu.memory_space<vmem>>) dst(%dma_wait3A_225 : memref<64x128xf32, #tpu.memory_space<vmem_shared>>)
      tpu.yield
    }) : () -> ()
    %mul3A_33 = arith.constant 640 : i32
    %mul3A_34 = arith.muli %arg1, %mul3A_33 : i32
    %add3A_35 = arith.constant 512 : i32
    %add3A_36 = arith.addi %mul3A_34, %add3A_35 : i32
    "tpu.region"() ({
      %run_scoped3A_217 = tpu.sem_alloc : memref<!tpu.dma_semaphore, #tpu.memory_space<semaphore_mem>>
      %dma_start3A_218 = arith.constant 0 : i32
      %dma_start3A_219 = tpu.memref_slice %arg12[%add3A_36, %dma_start3A_218] : memref<10240x128xf32, #tpu.memory_space<vmem_shared>> -> memref<64x128xf32, #tpu.memory_space<vmem_shared>>
      %dma_start3A_220 = arith.constant 0 : i32
      %dma_start3A_221 = tpu.memref_slice %arg12[%add3A_36, %dma_start3A_220] : memref<10240x128xf32, #tpu.memory_space<vmem_shared>> -> memref<64x128xf32, #tpu.memory_space<vmem_shared>>
      tpu.enqueue_dma source(%arg8 : memref<64x128xf32, #tpu.memory_space<vmem>>) target(%dma_start3A_221 : memref<64x128xf32, #tpu.memory_space<vmem_shared>>) target_semaphore(%run_scoped3A_217 : memref<!tpu.dma_semaphore, #tpu.memory_space<semaphore_mem>>)
      %dma_wait3A_222 = arith.constant 0 : i32
      %dma_wait3A_223 = tpu.memref_slice %arg12[%add3A_36, %dma_wait3A_222] : memref<10240x128xf32, #tpu.memory_space<vmem_shared>> -> memref<64x128xf32, #tpu.memory_space<vmem_shared>>
      %dma_wait3A_224 = arith.constant 0 : i32
      %dma_wait3A_225 = tpu.memref_slice %arg12[%add3A_36, %dma_wait3A_224] : memref<10240x128xf32, #tpu.memory_space<vmem_shared>> -> memref<64x128xf32, #tpu.memory_space<vmem_shared>>
      tpu.wait_dma2 semaphore(%run_scoped3A_217 : memref<!tpu.dma_semaphore, #tpu.memory_space<semaphore_mem>>) src(%arg8 : memref<64x128xf32, #tpu.memory_space<vmem>>) dst(%dma_wait3A_225 : memref<64x128xf32, #tpu.memory_space<vmem_shared>>)
      tpu.yield
    }) : () -> ()
    %mul3A_37 = arith.constant 640 : i32
    %mul3A_38 = arith.muli %arg1, %mul3A_37 : i32
    %add3A_39 = arith.constant 576 : i32
    %add3A_40 = arith.addi %mul3A_38, %add3A_39 : i32
    "tpu.region"() ({
      %run_scoped3A_217 = tpu.sem_alloc : memref<!tpu.dma_semaphore, #tpu.memory_space<semaphore_mem>>
      %dma_start3A_218 = arith.constant 0 : i32
      %dma_start3A_219 = tpu.memref_slice %arg12[%add3A_40, %dma_start3A_218] : memref<10240x128xf32, #tpu.memory_space<vmem_shared>> -> memref<64x128xf32, #tpu.memory_space<vmem_shared>>
      %dma_start3A_220 = arith.constant 0 : i32
      %dma_start3A_221 = tpu.memref_slice %arg12[%add3A_40, %dma_start3A_220] : memref<10240x128xf32, #tpu.memory_space<vmem_shared>> -> memref<64x128xf32, #tpu.memory_space<vmem_shared>>
      tpu.enqueue_dma source(%arg8 : memref<64x128xf32, #tpu.memory_space<vmem>>) target(%dma_start3A_221 : memref<64x128xf32, #tpu.memory_space<vmem_shared>>) target_semaphore(%run_scoped3A_217 : memref<!tpu.dma_semaphore, #tpu.memory_space<semaphore_mem>>)
      %dma_wait3A_222 = arith.constant 0 : i32
      %dma_wait3A_223 = tpu.memref_slice %arg12[%add3A_40, %dma_wait3A_222] : memref<10240x128xf32, #tpu.memory_space<vmem_shared>> -> memref<64x128xf32, #tpu.memory_space<vmem_shared>>
      %dma_wait3A_224 = arith.constant 0 : i32
      %dma_wait3A_225 = tpu.memref_slice %arg12[%add3A_40, %dma_wait3A_224] : memref<10240x128xf32, #tpu.memory_space<vmem_shared>> -> memref<64x128xf32, #tpu.memory_space<vmem_shared>>
      tpu.wait_dma2 semaphore(%run_scoped3A_217 : memref<!tpu.dma_semaphore, #tpu.memory_space<semaphore_mem>>) src(%arg8 : memref<64x128xf32, #tpu.memory_space<vmem>>) dst(%dma_wait3A_225 : memref<64x128xf32, #tpu.memory_space<vmem_shared>>)
      tpu.yield
    }) : () -> ()
    %barrier3A = arith.constant 0 : index
    tpu.barrier barrier_id(%barrier3A)
    %get3A = arith.constant 0 : i32
    %get3A_41 = arith.index_cast %get3A : i32 to index
    %get3A_42 = arith.constant 0 : index
    %get3A_43 = tpu.vector_load %arg6[%get3A_41, %get3A_42] {strides = array<i32>} : memref<157x64xi32, #tpu.memory_space<vmem>>, vector<1x16xi32>,
    %get3A_44 = vector.shape_cast %get3A_43 : vector<1x16xi32> to vector<16xi32>
    %and3A = arith.constant 65535 : i32
    %and3A_45 = vector.broadcast %and3A : i32 to vector<16xi32>
    %and3A_46 = arith.andi %get3A_44, %and3A_45 : vector<16xi32>
    %swap3A = arith.constant 0 : i32
    %swap3A_47 = arith.index_cast %swap3A : i32 to index
    %swap3A_48 = arith.constant 0 : index
    %swap3A_49 = tpu.vector_load %arg7[%swap3A_47, %swap3A_48] {strides = array<i32>} : memref<4x64xi32, #tpu.memory_space<vmem>>, vector<1x16xi32>,
    %swap3A_50 = vector.shape_cast %swap3A_49 : vector<1x16xi32> to vector<16xi32>
    %swap3A_51 = vector.shape_cast %and3A_46 : vector<16xi32> to vector<1x16xi32>
    tpu.vector_store %arg7[%swap3A_47, %swap3A_48], %swap3A_51 {strides = array<i32>} : memref<4x64xi32, #tpu.memory_space<vmem>>, vector<1x16xi32>,
    %shift_right_logical3A = arith.constant 16 : i32
    %shift_right_logical3A_52 = vector.broadcast %shift_right_logical3A : i32 to vector<16xi32>
    %shift_right_logical3A_53 = arith.shrui %get3A_44, %shift_right_logical3A_52 : vector<16xi32>
    %swap3A_54 = arith.constant 1 : i32
    %swap3A_55 = arith.index_cast %swap3A_54 : i32 to index
    %swap3A_56 = arith.constant 0 : index
    %swap3A_57 = tpu.vector_load %arg7[%swap3A_55, %swap3A_56] {strides = array<i32>} : memref<4x64xi32, #tpu.memory_space<vmem>>, vector<1x16xi32>,
    %swap3A_58 = vector.shape_cast %swap3A_57 : vector<1x16xi32> to vector<16xi32>
    %swap3A_59 = vector.shape_cast %shift_right_logical3A_53 : vector<16xi32> to vector<1x16xi32>
    tpu.vector_store %arg7[%swap3A_55, %swap3A_56], %swap3A_59 {strides = array<i32>} : memref<4x64xi32, #tpu.memory_space<vmem>>, vector<1x16xi32>,
    %get3A_60 = arith.constant 0 : i32
    %get3A_61 = arith.index_cast %get3A_60 : i32 to index
    %get3A_62 = arith.constant 16 : index
    %get3A_63 = tpu.vector_load %arg6[%get3A_61, %get3A_62] {strides = array<i32>} : memref<157x64xi32, #tpu.memory_space<vmem>>, vector<1x16xi32>,
    %get3A_64 = vector.shape_cast %get3A_63 : vector<1x16xi32> to vector<16xi32>
    %and3A_65 = arith.constant 65535 : i32
    %and3A_66 = vector.broadcast %and3A_65 : i32 to vector<16xi32>
    %and3A_67 = arith.andi %get3A_64, %and3A_66 : vector<16xi32>
    %swap3A_68 = arith.constant 0 : i32
    %swap3A_69 = arith.index_cast %swap3A_68 : i32 to index
    %swap3A_70 = arith.constant 16 : index
    %swap3A_71 = tpu.vector_load %arg7[%swap3A_69, %swap3A_70] {strides = array<i32>} : memref<4x64xi32, #tpu.memory_space<vmem>>, vector<1x16xi32>,
    %swap3A_72 = vector.shape_cast %swap3A_71 : vector<1x16xi32> to vector<16xi32>
    %swap3A_73 = vector.shape_cast %and3A_67 : vector<16xi32> to vector<1x16xi32>
    tpu.vector_store %arg7[%swap3A_69, %swap3A_70], %swap3A_73 {strides = array<i32>} : memref<4x64xi32, #tpu.memory_space<vmem>>, vector<1x16xi32>,
    %shift_right_logical3A_74 = arith.constant 16 : i32
    %shift_right_logical3A_75 = vector.broadcast %shift_right_logical3A_74 : i32 to vector<16xi32>
    %shift_right_logical3A_76 = arith.shrui %get3A_64, %shift_right_logical3A_75 : vector<16xi32>
    %swap3A_77 = arith.constant 1 : i32
    %swap3A_78 = arith.index_cast %swap3A_77 : i32 to index
    %swap3A_79 = arith.constant 16 : index
    %swap3A_80 = tpu.vector_load %arg7[%swap3A_78, %swap3A_79] {strides = array<i32>} : memref<4x64xi32, #tpu.memory_space<vmem>>, vector<1x16xi32>,
    %swap3A_81 = vector.shape_cast %swap3A_80 : vector<1x16xi32> to vector<16xi32>
    %swap3A_82 = vector.shape_cast %shift_right_logical3A_76 : vector<16xi32> to vector<1x16xi32>
    tpu.vector_store %arg7[%swap3A_78, %swap3A_79], %swap3A_82 {strides = array<i32>} : memref<4x64xi32, #tpu.memory_space<vmem>>, vector<1x16xi32>,
    %get3A_83 = arith.constant 0 : i32
    %get3A_84 = arith.index_cast %get3A_83 : i32 to index
    %get3A_85 = arith.constant 32 : index
    %get3A_86 = tpu.vector_load %arg6[%get3A_84, %get3A_85] {strides = array<i32>} : memref<157x64xi32, #tpu.memory_space<vmem>>, vector<1x16xi32>,
    %get3A_87 = vector.shape_cast %get3A_86 : vector<1x16xi32> to vector<16xi32>
    %and3A_88 = arith.constant 65535 : i32
    %and3A_89 = vector.broadcast %and3A_88 : i32 to vector<16xi32>
    %and3A_90 = arith.andi %get3A_87, %and3A_89 : vector<16xi32>
    %swap3A_91 = arith.constant 0 : i32
    %swap3A_92 = arith.index_cast %swap3A_91 : i32 to index
    %swap3A_93 = arith.constant 32 : index
    %swap3A_94 = tpu.vector_load %arg7[%swap3A_92, %swap3A_93] {strides = array<i32>} : memref<4x64xi32, #tpu.memory_space<vmem>>, vector<1x16xi32>,
    %swap3A_95 = vector.shape_cast %swap3A_94 : vector<1x16xi32> to vector<16xi32>
    %swap3A_96 = vector.shape_cast %and3A_90 : vector<16xi32> to vector<1x16xi32>
    tpu.vector_store %arg7[%swap3A_92, %swap3A_93], %swap3A_96 {strides = array<i32>} : memref<4x64xi32, #tpu.memory_space<vmem>>, vector<1x16xi32>,
    %shift_right_logical3A_97 = arith.constant 16 : i32
    %shift_right_logical3A_98 = vector.broadcast %shift_right_logical3A_97 : i32 to vector<16xi32>
    %shift_right_logical3A_99 = arith.shrui %get3A_87, %shift_right_logical3A_98 : vector<16xi32>
    %swap3A_100 = arith.constant 1 : i32
    %swap3A_101 = arith.index_cast %swap3A_100 : i32 to index
    %swap3A_102 = arith.constant 32 : index
    %swap3A_103 = tpu.vector_load %arg7[%swap3A_101, %swap3A_102] {strides = array<i32>} : memref<4x64xi32, #tpu.memory_space<vmem>>, vector<1x16xi32>,
    %swap3A_104 = vector.shape_cast %swap3A_103 : vector<1x16xi32> to vector<16xi32>
    %swap3A_105 = vector.shape_cast %shift_right_logical3A_99 : vector<16xi32> to vector<1x16xi32>
    tpu.vector_store %arg7[%swap3A_101, %swap3A_102], %swap3A_105 {strides = array<i32>} : memref<4x64xi32, #tpu.memory_space<vmem>>, vector<1x16xi32>,
    %get3A_106 = arith.constant 0 : i32
    %get3A_107 = arith.index_cast %get3A_106 : i32 to index
    %get3A_108 = arith.constant 48 : index
    %get3A_109 = tpu.vector_load %arg6[%get3A_107, %get3A_108] {strides = array<i32>} : memref<157x64xi32, #tpu.memory_space<vmem>>, vector<1x16xi32>,
    %get3A_110 = vector.shape_cast %get3A_109 : vector<1x16xi32> to vector<16xi32>
    %and3A_111 = arith.constant 65535 : i32
    %and3A_112 = vector.broadcast %and3A_111 : i32 to vector<16xi32>
    %and3A_113 = arith.andi %get3A_110, %and3A_112 : vector<16xi32>
    %swap3A_114 = arith.constant 0 : i32
    %swap3A_115 = arith.index_cast %swap3A_114 : i32 to index
    %swap3A_116 = arith.constant 48 : index
    %swap3A_117 = tpu.vector_load %arg7[%swap3A_115, %swap3A_116] {strides = array<i32>} : memref<4x64xi32, #tpu.memory_space<vmem>>, vector<1x16xi32>,
    %swap3A_118 = vector.shape_cast %swap3A_117 : vector<1x16xi32> to vector<16xi32>
    %swap3A_119 = vector.shape_cast %and3A_113 : vector<16xi32> to vector<1x16xi32>
    tpu.vector_store %arg7[%swap3A_115, %swap3A_116], %swap3A_119 {strides = array<i32>} : memref<4x64xi32, #tpu.memory_space<vmem>>, vector<1x16xi32>,
    %shift_right_logical3A_120 = arith.constant 16 : i32
    %shift_right_logical3A_121 = vector.broadcast %shift_right_logical3A_120 : i32 to vector<16xi32>
    %shift_right_logical3A_122 = arith.shrui %get3A_110, %shift_right_logical3A_121 : vector<16xi32>
    %swap3A_123 = arith.constant 1 : i32
    %swap3A_124 = arith.index_cast %swap3A_123 : i32 to index
    %swap3A_125 = arith.constant 48 : index
    %swap3A_126 = tpu.vector_load %arg7[%swap3A_124, %swap3A_125] {strides = array<i32>} : memref<4x64xi32, #tpu.memory_space<vmem>>, vector<1x16xi32>,
    %swap3A_127 = vector.shape_cast %swap3A_126 : vector<1x16xi32> to vector<16xi32>
    %swap3A_128 = vector.shape_cast %shift_right_logical3A_122 : vector<16xi32> to vector<1x16xi32>
    tpu.vector_store %arg7[%swap3A_124, %swap3A_125], %swap3A_128 {strides = array<i32>} : memref<4x64xi32, #tpu.memory_space<vmem>>, vector<1x16xi32>,
    %dma_start3A = arith.constant 0 : i32
    %dma_start3A_129 = arith.constant 0 : i32
    %dma_start3A_130 = tpu.memref_slice %arg7[%dma_start3A, %dma_start3A_129] : memref<4x64xi32, #tpu.memory_space<vmem>> -> memref<1x64xi32, #tpu.memory_space<vmem>>
    %dma_start3A_131 = tpu.memref_squeeze %dma_start3A_130 : memref<1x64xi32, #tpu.memory_space<vmem>> -> memref<64xi32, #tpu.memory_space<vmem>>
    %dma_start3A_132 = arith.constant 0 : i32
    %dma_start3A_133 = arith.constant 0 : i32
    %dma_start3A_134 = tpu.memref_slice %arg2[%dma_start3A_132, %dma_start3A_133] : memref<10000x128xf32, #tpu.memory_space<hbm>> -> memref<10000x128xf32, #tpu.memory_space<hbm>>
    tpu.enqueue_indirect_dma source(%dma_start3A_134 : memref<10000x128xf32, #tpu.memory_space<hbm>>) target(%arg8 : memref<64x128xf32, #tpu.memory_space<vmem>>) offsets(%dma_start3A_131 : memref<64xi32, #tpu.memory_space<vmem>>) semaphore(%arg10 : memref<!tpu.dma_semaphore, #tpu.memory_space<semaphore_mem>>)
    %scan3A = arith.constant 0 : i32
    %scan3A_135 = arith.constant 0 : i32
    %scan3A_136 = arith.constant 78 : i32
    %scan3A_137 = arith.addi %scan3A_135, %scan3A_136 : i32
    %scan3A_138 = arith.constant 1 : i32
    scf.for %scan3A_217 = %scan3A_135 to %scan3A_137 step %scan3A_138  : i32 {
      %mul3A_218 = arith.constant 2 : i32
      %mul3A_219 = arith.muli %mul3A_218, %scan3A_217 : i32
      %add3A_220 = arith.constant 1 : i32
      %add3A_221 = arith.addi %mul3A_219, %add3A_220 : i32
      %get3A_222 = arith.index_cast %add3A_221 : i32 to index
      %get3A_223 = arith.constant 0 : index
      %get3A_224 = tpu.vector_load %arg6[%get3A_222, %get3A_223] {strides = array<i32>} : memref<157x64xi32, #tpu.memory_space<vmem>>, vector<1x16xi32>,
      %get3A_225 = vector.shape_cast %get3A_224 : vector<1x16xi32> to vector<16xi32>
      %and3A_226 = arith.constant 65535 : i32
      %and3A_227 = vector.broadcast %and3A_226 : i32 to vector<16xi32>
      %and3A_228 = arith.andi %get3A_225, %and3A_227 : vector<16xi32>
      %swap3A_229 = arith.constant 2 : i32
      %swap3A_230 = arith.index_cast %swap3A_229 : i32 to index
      %swap3A_231 = arith.constant 0 : index
      %swap3A_232 = tpu.vector_load %arg7[%swap3A_230, %swap3A_231] {strides = array<i32>} : memref<4x64xi32, #tpu.memory_space<vmem>>, vector<1x16xi32>,
      %swap3A_233 = vector.shape_cast %swap3A_232 : vector<1x16xi32> to vector<16xi32>
      %swap3A_234 = vector.shape_cast %and3A_228 : vector<16xi32> to vector<1x16xi32>
      tpu.vector_store %arg7[%swap3A_230, %swap3A_231], %swap3A_234 {strides = array<i32>} : memref<4x64xi32, #tpu.memory_space<vmem>>, vector<1x16xi32>,
      %shift_right_logical3A_235 = arith.constant 16 : i32
      %shift_right_logical3A_236 = vector.broadcast %shift_right_logical3A_235 : i32 to vector<16xi32>
      %shift_right_logical3A_237 = arith.shrui %get3A_225, %shift_right_logical3A_236 : vector<16xi32>
      %swap3A_238 = arith.constant 3 : i32
      %swap3A_239 = arith.index_cast %swap3A_238 : i32 to index
      %swap3A_240 = arith.constant 0 : index
      %swap3A_241 = tpu.vector_load %arg7[%swap3A_239, %swap3A_240] {strides = array<i32>} : memref<4x64xi32, #tpu.memory_space<vmem>>, vector<1x16xi32>,
      %swap3A_242 = vector.shape_cast %swap3A_241 : vector<1x16xi32> to vector<16xi32>
      %swap3A_243 = vector.shape_cast %shift_right_logical3A_237 : vector<16xi32> to vector<1x16xi32>
      tpu.vector_store %arg7[%swap3A_239, %swap3A_240], %swap3A_243 {strides = array<i32>} : memref<4x64xi32, #tpu.memory_space<vmem>>, vector<1x16xi32>,
      %get3A_244 = arith.index_cast %add3A_221 : i32 to index
      %get3A_245 = arith.constant 16 : index
      %get3A_246 = tpu.vector_load %arg6[%get3A_244, %get3A_245] {strides = array<i32>} : memref<157x64xi32, #tpu.memory_space<vmem>>, vector<1x16xi32>,
      %get3A_247 = vector.shape_cast %get3A_246 : vector<1x16xi32> to vector<16xi32>
      %and3A_248 = arith.constant 65535 : i32
      %and3A_249 = vector.broadcast %and3A_248 : i32 to vector<16xi32>
      %and3A_250 = arith.andi %get3A_247, %and3A_249 : vector<16xi32>
      %swap3A_251 = arith.constant 2 : i32
      %swap3A_252 = arith.index_cast %swap3A_251 : i32 to index
      %swap3A_253 = arith.constant 16 : index
      %swap3A_254 = tpu.vector_load %arg7[%swap3A_252, %swap3A_253] {strides = array<i32>} : memref<4x64xi32, #tpu.memory_space<vmem>>, vector<1x16xi32>,
      %swap3A_255 = vector.shape_cast %swap3A_254 : vector<1x16xi32> to vector<16xi32>
      %swap3A_256 = vector.shape_cast %and3A_250 : vector<16xi32> to vector<1x16xi32>
      tpu.vector_store %arg7[%swap3A_252, %swap3A_253], %swap3A_256 {strides = array<i32>} : memref<4x64xi32, #tpu.memory_space<vmem>>, vector<1x16xi32>,
      %shift_right_logical3A_257 = arith.constant 16 : i32
      %shift_right_logical3A_258 = vector.broadcast %shift_right_logical3A_257 : i32 to vector<16xi32>
      %shift_right_logical3A_259 = arith.shrui %get3A_247, %shift_right_logical3A_258 : vector<16xi32>
      %swap3A_260 = arith.constant 3 : i32
      %swap3A_261 = arith.index_cast %swap3A_260 : i32 to index
      %swap3A_262 = arith.constant 16 : index
      %swap3A_263 = tpu.vector_load %arg7[%swap3A_261, %swap3A_262] {strides = array<i32>} : memref<4x64xi32, #tpu.memory_space<vmem>>, vector<1x16xi32>,
      %swap3A_264 = vector.shape_cast %swap3A_263 : vector<1x16xi32> to vector<16xi32>
      %swap3A_265 = vector.shape_cast %shift_right_logical3A_259 : vector<16xi32> to vector<1x16xi32>
      tpu.vector_store %arg7[%swap3A_261, %swap3A_262], %swap3A_265 {strides = array<i32>} : memref<4x64xi32, #tpu.memory_space<vmem>>, vector<1x16xi32>,
      %get3A_266 = arith.index_cast %add3A_221 : i32 to index
      %get3A_267 = arith.constant 32 : index
      %get3A_268 = tpu.vector_load %arg6[%get3A_266, %get3A_267] {strides = array<i32>} : memref<157x64xi32, #tpu.memory_space<vmem>>, vector<1x16xi32>,
      %get3A_269 = vector.shape_cast %get3A_268 : vector<1x16xi32> to vector<16xi32>
      %and3A_270 = arith.constant 65535 : i32
      %and3A_271 = vector.broadcast %and3A_270 : i32 to vector<16xi32>
      %and3A_272 = arith.andi %get3A_269, %and3A_271 : vector<16xi32>
      %swap3A_273 = arith.constant 2 : i32
      %swap3A_274 = arith.index_cast %swap3A_273 : i32 to index
      %swap3A_275 = arith.constant 32 : index
      %swap3A_276 = tpu.vector_load %arg7[%swap3A_274, %swap3A_275] {strides = array<i32>} : memref<4x64xi32, #tpu.memory_space<vmem>>, vector<1x16xi32>,
      %swap3A_277 = vector.shape_cast %swap3A_276 : vector<1x16xi32> to vector<16xi32>
      %swap3A_278 = vector.shape_cast %and3A_272 : vector<16xi32> to vector<1x16xi32>
      tpu.vector_store %arg7[%swap3A_274, %swap3A_275], %swap3A_278 {strides = array<i32>} : memref<4x64xi32, #tpu.memory_space<vmem>>, vector<1x16xi32>,
      %shift_right_logical3A_279 = arith.constant 16 : i32
      %shift_right_logical3A_280 = vector.broadcast %shift_right_logical3A_279 : i32 to vector<16xi32>
      %shift_right_logical3A_281 = arith.shrui %get3A_269, %shift_right_logical3A_280 : vector<16xi32>
      %swap3A_282 = arith.constant 3 : i32
      %swap3A_283 = arith.index_cast %swap3A_282 : i32 to index
      %swap3A_284 = arith.constant 32 : index
      %swap3A_285 = tpu.vector_load %arg7[%swap3A_283, %swap3A_284] {strides = array<i32>} : memref<4x64xi32, #tpu.memory_space<vmem>>, vector<1x16xi32>,
      %swap3A_286 = vector.shape_cast %swap3A_285 : vector<1x16xi32> to vector<16xi32>
      %swap3A_287 = vector.shape_cast %shift_right_logical3A_281 : vector<16xi32> to vector<1x16xi32>
      tpu.vector_store %arg7[%swap3A_283, %swap3A_284], %swap3A_287 {strides = array<i32>} : memref<4x64xi32, #tpu.memory_space<vmem>>, vector<1x16xi32>,
      %get3A_288 = arith.index_cast %add3A_221 : i32 to index
      %get3A_289 = arith.constant 48 : index
      %get3A_290 = tpu.vector_load %arg6[%get3A_288, %get3A_289] {strides = array<i32>} : memref<157x64xi32, #tpu.memory_space<vmem>>, vector<1x16xi32>,
      %get3A_291 = vector.shape_cast %get3A_290 : vector<1x16xi32> to vector<16xi32>
      %and3A_292 = arith.constant 65535 : i32
      %and3A_293 = vector.broadcast %and3A_292 : i32 to vector<16xi32>
      %and3A_294 = arith.andi %get3A_291, %and3A_293 : vector<16xi32>
      %swap3A_295 = arith.constant 2 : i32
      %swap3A_296 = arith.index_cast %swap3A_295 : i32 to index
      %swap3A_297 = arith.constant 48 : index
      %swap3A_298 = tpu.vector_load %arg7[%swap3A_296, %swap3A_297] {strides = array<i32>} : memref<4x64xi32, #tpu.memory_space<vmem>>, vector<1x16xi32>,
      %swap3A_299 = vector.shape_cast %swap3A_298 : vector<1x16xi32> to vector<16xi32>
      %swap3A_300 = vector.shape_cast %and3A_294 : vector<16xi32> to vector<1x16xi32>
      tpu.vector_store %arg7[%swap3A_296, %swap3A_297], %swap3A_300 {strides = array<i32>} : memref<4x64xi32, #tpu.memory_space<vmem>>, vector<1x16xi32>,
      %shift_right_logical3A_301 = arith.constant 16 : i32
      %shift_right_logical3A_302 = vector.broadcast %shift_right_logical3A_301 : i32 to vector<16xi32>
      %shift_right_logical3A_303 = arith.shrui %get3A_291, %shift_right_logical3A_302 : vector<16xi32>
      %swap3A_304 = arith.constant 3 : i32
      %swap3A_305 = arith.index_cast %swap3A_304 : i32 to index
      %swap3A_306 = arith.constant 48 : index
      %swap3A_307 = tpu.vector_load %arg7[%swap3A_305, %swap3A_306] {strides = array<i32>} : memref<4x64xi32, #tpu.memory_space<vmem>>, vector<1x16xi32>,
      %swap3A_308 = vector.shape_cast %swap3A_307 : vector<1x16xi32> to vector<16xi32>
      %swap3A_309 = vector.shape_cast %shift_right_logical3A_303 : vector<16xi32> to vector<1x16xi32>
      tpu.vector_store %arg7[%swap3A_305, %swap3A_306], %swap3A_309 {strides = array<i32>} : memref<4x64xi32, #tpu.memory_space<vmem>>, vector<1x16xi32>,
      %dma_start3A_310 = arith.constant 2 : i32
      %dma_start3A_311 = arith.constant 0 : i32
      %dma_start3A_312 = tpu.memref_slice %arg7[%dma_start3A_310, %dma_start3A_311] : memref<4x64xi32, #tpu.memory_space<vmem>> -> memref<1x64xi32, #tpu.memory_space<vmem>>
      %dma_start3A_313 = tpu.memref_squeeze %dma_start3A_312 : memref<1x64xi32, #tpu.memory_space<vmem>> -> memref<64xi32, #tpu.memory_space<vmem>>
      %dma_start3A_314 = arith.constant 0 : i32
      %dma_start3A_315 = arith.constant 0 : i32
      %dma_start3A_316 = tpu.memref_slice %arg2[%dma_start3A_314, %dma_start3A_315] : memref<10000x128xf32, #tpu.memory_space<hbm>> -> memref<10000x128xf32, #tpu.memory_space<hbm>>
      tpu.enqueue_indirect_dma source(%dma_start3A_316 : memref<10000x128xf32, #tpu.memory_space<hbm>>) target(%arg9 : memref<64x128xf32, #tpu.memory_space<vmem>>) offsets(%dma_start3A_313 : memref<64xi32, #tpu.memory_space<vmem>>) semaphore(%arg11 : memref<!tpu.dma_semaphore, #tpu.memory_space<semaphore_mem>>)
      %dma_wait3A_317 = arith.constant 0 : i32
      %dma_wait3A_318 = arith.constant 0 : i32
      %dma_wait3A_319 = tpu.memref_slice %arg7[%dma_wait3A_317, %dma_wait3A_318] : memref<4x64xi32, #tpu.memory_space<vmem>> -> memref<1x64xi32, #tpu.memory_space<vmem>>
      %dma_wait3A_320 = tpu.memref_squeeze %dma_wait3A_319 : memref<1x64xi32, #tpu.memory_space<vmem>> -> memref<64xi32, #tpu.memory_space<vmem>>
      %dma_wait3A_321 = arith.constant 0 : i32
      %dma_wait3A_322 = arith.constant 0 : i32
      %dma_wait3A_323 = tpu.memref_slice %arg2[%dma_wait3A_321, %dma_wait3A_322] : memref<10000x128xf32, #tpu.memory_space<hbm>> -> memref<10000x128xf32, #tpu.memory_space<hbm>>
      tpu.wait_indirect_dma semaphore(%arg10 : memref<!tpu.dma_semaphore, #tpu.memory_space<semaphore_mem>>) src(%dma_wait3A_323 : memref<10000x128xf32, #tpu.memory_space<hbm>>) dst(%arg8 : memref<64x128xf32, #tpu.memory_space<vmem>>)
      %run_scoped3A_324 = arith.constant 1 : i32
      "tpu.region"() ({
        %run_scoped3A_430 = tpu.sem_alloc : memref<!tpu.dma_semaphore, #tpu.memory_space<semaphore_mem>>
        %dma_start3A_431 = arith.constant 0 : i32
        %dma_start3A_432 = tpu.memref_slice %arg7[%run_scoped3A_324, %dma_start3A_431] : memref<4x64xi32, #tpu.memory_space<vmem>> -> memref<1x64xi32, #tpu.memory_space<vmem>>
        %dma_start3A_433 = tpu.memref_squeeze %dma_start3A_432 : memref<1x64xi32, #tpu.memory_space<vmem>> -> memref<64xi32, #tpu.memory_space<vmem>>
        %dma_start3A_434 = arith.constant 0 : i32
        %dma_start3A_435 = arith.constant 0 : i32
        %dma_start3A_436 = tpu.memref_slice %arg12[%dma_start3A_434, %dma_start3A_435] : memref<10240x128xf32, #tpu.memory_space<vmem_shared>> -> memref<10240x128xf32, #tpu.memory_space<vmem_shared>>
        tpu.enqueue_indirect_dma source(%arg8 : memref<64x128xf32, #tpu.memory_space<vmem>>) target(%dma_start3A_436 : memref<10240x128xf32, #tpu.memory_space<vmem_shared>>) offsets(%dma_start3A_433 : memref<64xi32, #tpu.memory_space<vmem>>) semaphore(%run_scoped3A_430 : memref<!tpu.dma_semaphore, #tpu.memory_space<semaphore_mem>>) {add = true}
        %dma_wait3A_437 = arith.constant 0 : i32
        %dma_wait3A_438 = tpu.memref_slice %arg7[%run_scoped3A_324, %dma_wait3A_437] : memref<4x64xi32, #tpu.memory_space<vmem>> -> memref<1x64xi32, #tpu.memory_space<vmem>>
        %dma_wait3A_439 = tpu.memref_squeeze %dma_wait3A_438 : memref<1x64xi32, #tpu.memory_space<vmem>> -> memref<64xi32, #tpu.memory_space<vmem>>
        %dma_wait3A_440 = arith.constant 0 : i32
        %dma_wait3A_441 = arith.constant 0 : i32
        %dma_wait3A_442 = tpu.memref_slice %arg12[%dma_wait3A_440, %dma_wait3A_441] : memref<10240x128xf32, #tpu.memory_space<vmem_shared>> -> memref<10240x128xf32, #tpu.memory_space<vmem_shared>>
        tpu.wait_indirect_dma semaphore(%run_scoped3A_430 : memref<!tpu.dma_semaphore, #tpu.memory_space<semaphore_mem>>) src(%arg8 : memref<64x128xf32, #tpu.memory_space<vmem>>) dst(%dma_wait3A_442 : memref<10240x128xf32, #tpu.memory_space<vmem_shared>>)
        tpu.yield
      }) : () -> ()
      %add3A_325 = arith.constant 2 : i32
      %add3A_326 = arith.addi %mul3A_219, %add3A_325 : i32
      %get3A_327 = arith.index_cast %add3A_326 : i32 to index
      %get3A_328 = arith.constant 0 : index
      %get3A_329 = tpu.vector_load %arg6[%get3A_327, %get3A_328] {strides = array<i32>} : memref<157x64xi32, #tpu.memory_space<vmem>>, vector<1x16xi32>,
      %get3A_330 = vector.shape_cast %get3A_329 : vector<1x16xi32> to vector<16xi32>
      %and3A_331 = arith.constant 65535 : i32
      %and3A_332 = vector.broadcast %and3A_331 : i32 to vector<16xi32>
      %and3A_333 = arith.andi %get3A_330, %and3A_332 : vector<16xi32>
      %swap3A_334 = arith.constant 0 : i32
      %swap3A_335 = arith.index_cast %swap3A_334 : i32 to index
      %swap3A_336 = arith.constant 0 : index
      %swap3A_337 = tpu.vector_load %arg7[%swap3A_335, %swap3A_336] {strides = array<i32>} : memref<4x64xi32, #tpu.memory_space<vmem>>, vector<1x16xi32>,
      %swap3A_338 = vector.shape_cast %swap3A_337 : vector<1x16xi32> to vector<16xi32>
      %swap3A_339 = vector.shape_cast %and3A_333 : vector<16xi32> to vector<1x16xi32>
      tpu.vector_store %arg7[%swap3A_335, %swap3A_336], %swap3A_339 {strides = array<i32>} : memref<4x64xi32, #tpu.memory_space<vmem>>, vector<1x16xi32>,
      %shift_right_logical3A_340 = arith.constant 16 : i32
      %shift_right_logical3A_341 = vector.broadcast %shift_right_logical3A_340 : i32 to vector<16xi32>
      %shift_right_logical3A_342 = arith.shrui %get3A_330, %shift_right_logical3A_341 : vector<16xi32>
      %swap3A_343 = arith.constant 1 : i32
      %swap3A_344 = arith.index_cast %swap3A_343 : i32 to index
      %swap3A_345 = arith.constant 0 : index
      %swap3A_346 = tpu.vector_load %arg7[%swap3A_344, %swap3A_345] {strides = array<i32>} : memref<4x64xi32, #tpu.memory_space<vmem>>, vector<1x16xi32>,
      %swap3A_347 = vector.shape_cast %swap3A_346 : vector<1x16xi32> to vector<16xi32>
      %swap3A_348 = vector.shape_cast %shift_right_logical3A_342 : vector<16xi32> to vector<1x16xi32>
      tpu.vector_store %arg7[%swap3A_344, %swap3A_345], %swap3A_348 {strides = array<i32>} : memref<4x64xi32, #tpu.memory_space<vmem>>, vector<1x16xi32>,
      %get3A_349 = arith.index_cast %add3A_326 : i32 to index
      %get3A_350 = arith.constant 16 : index
      %get3A_351 = tpu.vector_load %arg6[%get3A_349, %get3A_350] {strides = array<i32>} : memref<157x64xi32, #tpu.memory_space<vmem>>, vector<1x16xi32>,
      %get3A_352 = vector.shape_cast %get3A_351 : vector<1x16xi32> to vector<16xi32>
      %and3A_353 = arith.constant 65535 : i32
      %and3A_354 = vector.broadcast %and3A_353 : i32 to vector<16xi32>
      %and3A_355 = arith.andi %get3A_352, %and3A_354 : vector<16xi32>
      %swap3A_356 = arith.constant 0 : i32
      %swap3A_357 = arith.index_cast %swap3A_356 : i32 to index
      %swap3A_358 = arith.constant 16 : index
      %swap3A_359 = tpu.vector_load %arg7[%swap3A_357, %swap3A_358] {strides = array<i32>} : memref<4x64xi32, #tpu.memory_space<vmem>>, vector<1x16xi32>,
      %swap3A_360 = vector.shape_cast %swap3A_359 : vector<1x16xi32> to vector<16xi32>
      %swap3A_361 = vector.shape_cast %and3A_355 : vector<16xi32> to vector<1x16xi32>
      tpu.vector_store %arg7[%swap3A_357, %swap3A_358], %swap3A_361 {strides = array<i32>} : memref<4x64xi32, #tpu.memory_space<vmem>>, vector<1x16xi32>,
      %shift_right_logical3A_362 = arith.constant 16 : i32
      %shift_right_logical3A_363 = vector.broadcast %shift_right_logical3A_362 : i32 to vector<16xi32>
      %shift_right_logical3A_364 = arith.shrui %get3A_352, %shift_right_logical3A_363 : vector<16xi32>
      %swap3A_365 = arith.constant 1 : i32
      %swap3A_366 = arith.index_cast %swap3A_365 : i32 to index
      %swap3A_367 = arith.constant 16 : index
      %swap3A_368 = tpu.vector_load %arg7[%swap3A_366, %swap3A_367] {strides = array<i32>} : memref<4x64xi32, #tpu.memory_space<vmem>>, vector<1x16xi32>,
      %swap3A_369 = vector.shape_cast %swap3A_368 : vector<1x16xi32> to vector<16xi32>
      %swap3A_370 = vector.shape_cast %shift_right_logical3A_364 : vector<16xi32> to vector<1x16xi32>
      tpu.vector_store %arg7[%swap3A_366, %swap3A_367], %swap3A_370 {strides = array<i32>} : memref<4x64xi32, #tpu.memory_space<vmem>>, vector<1x16xi32>,
      %get3A_371 = arith.index_cast %add3A_326 : i32 to index
      %get3A_372 = arith.constant 32 : index
      %get3A_373 = tpu.vector_load %arg6[%get3A_371, %get3A_372] {strides = array<i32>} : memref<157x64xi32, #tpu.memory_space<vmem>>, vector<1x16xi32>,
      %get3A_374 = vector.shape_cast %get3A_373 : vector<1x16xi32> to vector<16xi32>
      %and3A_375 = arith.constant 65535 : i32
      %and3A_376 = vector.broadcast %and3A_375 : i32 to vector<16xi32>
      %and3A_377 = arith.andi %get3A_374, %and3A_376 : vector<16xi32>
      %swap3A_378 = arith.constant 0 : i32
      %swap3A_379 = arith.index_cast %swap3A_378 : i32 to index
      %swap3A_380 = arith.constant 32 : index
      %swap3A_381 = tpu.vector_load %arg7[%swap3A_379, %swap3A_380] {strides = array<i32>} : memref<4x64xi32, #tpu.memory_space<vmem>>, vector<1x16xi32>,
      %swap3A_382 = vector.shape_cast %swap3A_381 : vector<1x16xi32> to vector<16xi32>
      %swap3A_383 = vector.shape_cast %and3A_377 : vector<16xi32> to vector<1x16xi32>
      tpu.vector_store %arg7[%swap3A_379, %swap3A_380], %swap3A_383 {strides = array<i32>} : memref<4x64xi32, #tpu.memory_space<vmem>>, vector<1x16xi32>,
      %shift_right_logical3A_384 = arith.constant 16 : i32
      %shift_right_logical3A_385 = vector.broadcast %shift_right_logical3A_384 : i32 to vector<16xi32>
      %shift_right_logical3A_386 = arith.shrui %get3A_374, %shift_right_logical3A_385 : vector<16xi32>
      %swap3A_387 = arith.constant 1 : i32
      %swap3A_388 = arith.index_cast %swap3A_387 : i32 to index
      %swap3A_389 = arith.constant 32 : index
      %swap3A_390 = tpu.vector_load %arg7[%swap3A_388, %swap3A_389] {strides = array<i32>} : memref<4x64xi32, #tpu.memory_space<vmem>>, vector<1x16xi32>,
      %swap3A_391 = vector.shape_cast %swap3A_390 : vector<1x16xi32> to vector<16xi32>
      %swap3A_392 = vector.shape_cast %shift_right_logical3A_386 : vector<16xi32> to vector<1x16xi32>
      tpu.vector_store %arg7[%swap3A_388, %swap3A_389], %swap3A_392 {strides = array<i32>} : memref<4x64xi32, #tpu.memory_space<vmem>>, vector<1x16xi32>,
      %get3A_393 = arith.index_cast %add3A_326 : i32 to index
      %get3A_394 = arith.constant 48 : index
      %get3A_395 = tpu.vector_load %arg6[%get3A_393, %get3A_394] {strides = array<i32>} : memref<157x64xi32, #tpu.memory_space<vmem>>, vector<1x16xi32>,
      %get3A_396 = vector.shape_cast %get3A_395 : vector<1x16xi32> to vector<16xi32>
      %and3A_397 = arith.constant 65535 : i32
      %and3A_398 = vector.broadcast %and3A_397 : i32 to vector<16xi32>
      %and3A_399 = arith.andi %get3A_396, %and3A_398 : vector<16xi32>
      %swap3A_400 = arith.constant 0 : i32
      %swap3A_401 = arith.index_cast %swap3A_400 : i32 to index
      %swap3A_402 = arith.constant 48 : index
      %swap3A_403 = tpu.vector_load %arg7[%swap3A_401, %swap3A_402] {strides = array<i32>} : memref<4x64xi32, #tpu.memory_space<vmem>>, vector<1x16xi32>,
      %swap3A_404 = vector.shape_cast %swap3A_403 : vector<1x16xi32> to vector<16xi32>
      %swap3A_405 = vector.shape_cast %and3A_399 : vector<16xi32> to vector<1x16xi32>
      tpu.vector_store %arg7[%swap3A_401, %swap3A_402], %swap3A_405 {strides = array<i32>} : memref<4x64xi32, #tpu.memory_space<vmem>>, vector<1x16xi32>,
      %shift_right_logical3A_406 = arith.constant 16 : i32
      %shift_right_logical3A_407 = vector.broadcast %shift_right_logical3A_406 : i32 to vector<16xi32>
      %shift_right_logical3A_408 = arith.shrui %get3A_396, %shift_right_logical3A_407 : vector<16xi32>
      %swap3A_409 = arith.constant 1 : i32
      %swap3A_410 = arith.index_cast %swap3A_409 : i32 to index
      %swap3A_411 = arith.constant 48 : index
      %swap3A_412 = tpu.vector_load %arg7[%swap3A_410, %swap3A_411] {strides = array<i32>} : memref<4x64xi32, #tpu.memory_space<vmem>>, vector<1x16xi32>,
      %swap3A_413 = vector.shape_cast %swap3A_412 : vector<1x16xi32> to vector<16xi32>
      %swap3A_414 = vector.shape_cast %shift_right_logical3A_408 : vector<16xi32> to vector<1x16xi32>
      tpu.vector_store %arg7[%swap3A_410, %swap3A_411], %swap3A_414 {strides = array<i32>} : memref<4x64xi32, #tpu.memory_space<vmem>>, vector<1x16xi32>,
      %dma_start3A_415 = arith.constant 0 : i32
      %dma_start3A_416 = arith.constant 0 : i32
      %dma_start3A_417 = tpu.memref_slice %arg7[%dma_start3A_415, %dma_start3A_416] : memref<4x64xi32, #tpu.memory_space<vmem>> -> memref<1x64xi32, #tpu.memory_space<vmem>>
      %dma_start3A_418 = tpu.memref_squeeze %dma_start3A_417 : memref<1x64xi32, #tpu.memory_space<vmem>> -> memref<64xi32, #tpu.memory_space<vmem>>
      %dma_start3A_419 = arith.constant 0 : i32
      %dma_start3A_420 = arith.constant 0 : i32
      %dma_start3A_421 = tpu.memref_slice %arg2[%dma_start3A_419, %dma_start3A_420] : memref<10000x128xf32, #tpu.memory_space<hbm>> -> memref<10000x128xf32, #tpu.memory_space<hbm>>
      tpu.enqueue_indirect_dma source(%dma_start3A_421 : memref<10000x128xf32, #tpu.memory_space<hbm>>) target(%arg8 : memref<64x128xf32, #tpu.memory_space<vmem>>) offsets(%dma_start3A_418 : memref<64xi32, #tpu.memory_space<vmem>>) semaphore(%arg10 : memref<!tpu.dma_semaphore, #tpu.memory_space<semaphore_mem>>)
      %dma_wait3A_422 = arith.constant 2 : i32
      %dma_wait3A_423 = arith.constant 0 : i32
      %dma_wait3A_424 = tpu.memref_slice %arg7[%dma_wait3A_422, %dma_wait3A_423] : memref<4x64xi32, #tpu.memory_space<vmem>> -> memref<1x64xi32, #tpu.memory_space<vmem>>
      %dma_wait3A_425 = tpu.memref_squeeze %dma_wait3A_424 : memref<1x64xi32, #tpu.memory_space<vmem>> -> memref<64xi32, #tpu.memory_space<vmem>>
      %dma_wait3A_426 = arith.constant 0 : i32
      %dma_wait3A_427 = arith.constant 0 : i32
      %dma_wait3A_428 = tpu.memref_slice %arg2[%dma_wait3A_426, %dma_wait3A_427] : memref<10000x128xf32, #tpu.memory_space<hbm>> -> memref<10000x128xf32, #tpu.memory_space<hbm>>
      tpu.wait_indirect_dma semaphore(%arg11 : memref<!tpu.dma_semaphore, #tpu.memory_space<semaphore_mem>>) src(%dma_wait3A_428 : memref<10000x128xf32, #tpu.memory_space<hbm>>) dst(%arg9 : memref<64x128xf32, #tpu.memory_space<vmem>>)
      %run_scoped3A_429 = arith.constant 3 : i32
      "tpu.region"() ({
        %run_scoped3A_430 = tpu.sem_alloc : memref<!tpu.dma_semaphore, #tpu.memory_space<semaphore_mem>>
        %dma_start3A_431 = arith.constant 0 : i32
        %dma_start3A_432 = tpu.memref_slice %arg7[%run_scoped3A_429, %dma_start3A_431] : memref<4x64xi32, #tpu.memory_space<vmem>> -> memref<1x64xi32, #tpu.memory_space<vmem>>
        %dma_start3A_433 = tpu.memref_squeeze %dma_start3A_432 : memref<1x64xi32, #tpu.memory_space<vmem>> -> memref<64xi32, #tpu.memory_space<vmem>>
        %dma_start3A_434 = arith.constant 0 : i32
        %dma_start3A_435 = arith.constant 0 : i32
        %dma_start3A_436 = tpu.memref_slice %arg12[%dma_start3A_434, %dma_start3A_435] : memref<10240x128xf32, #tpu.memory_space<vmem_shared>> -> memref<10240x128xf32, #tpu.memory_space<vmem_shared>>
        tpu.enqueue_indirect_dma source(%arg9 : memref<64x128xf32, #tpu.memory_space<vmem>>) target(%dma_start3A_436 : memref<10240x128xf32, #tpu.memory_space<vmem_shared>>) offsets(%dma_start3A_433 : memref<64xi32, #tpu.memory_space<vmem>>) semaphore(%run_scoped3A_430 : memref<!tpu.dma_semaphore, #tpu.memory_space<semaphore_mem>>) {add = true}
        %dma_wait3A_437 = arith.constant 0 : i32
        %dma_wait3A_438 = tpu.memref_slice %arg7[%run_scoped3A_429, %dma_wait3A_437] : memref<4x64xi32, #tpu.memory_space<vmem>> -> memref<1x64xi32, #tpu.memory_space<vmem>>
        %dma_wait3A_439 = tpu.memref_squeeze %dma_wait3A_438 : memref<1x64xi32, #tpu.memory_space<vmem>> -> memref<64xi32, #tpu.memory_space<vmem>>
        %dma_wait3A_440 = arith.constant 0 : i32
        %dma_wait3A_441 = arith.constant 0 : i32
        %dma_wait3A_442 = tpu.memref_slice %arg12[%dma_wait3A_440, %dma_wait3A_441] : memref<10240x128xf32, #tpu.memory_space<vmem_shared>> -> memref<10240x128xf32, #tpu.memory_space<vmem_shared>>
        tpu.wait_indirect_dma semaphore(%run_scoped3A_430 : memref<!tpu.dma_semaphore, #tpu.memory_space<semaphore_mem>>) src(%arg9 : memref<64x128xf32, #tpu.memory_space<vmem>>) dst(%dma_wait3A_442 : memref<10240x128xf32, #tpu.memory_space<vmem_shared>>)
        tpu.yield
      }) : () -> ()
    }
    %scan3A_139 = arith.constant 78 : i32
    %dma_wait3A = arith.constant 0 : i32
    %dma_wait3A_140 = arith.constant 0 : i32
    %dma_wait3A_141 = tpu.memref_slice %arg7[%dma_wait3A, %dma_wait3A_140] : memref<4x64xi32, #tpu.memory_space<vmem>> -> memref<1x64xi32, #tpu.memory_space<vmem>>
    %dma_wait3A_142 = tpu.memref_squeeze %dma_wait3A_141 : memref<1x64xi32, #tpu.memory_space<vmem>> -> memref<64xi32, #tpu.memory_space<vmem>>
    %dma_wait3A_143 = arith.constant 0 : i32
    %dma_wait3A_144 = arith.constant 0 : i32
    %dma_wait3A_145 = tpu.memref_slice %arg2[%dma_wait3A_143, %dma_wait3A_144] : memref<10000x128xf32, #tpu.memory_space<hbm>> -> memref<10000x128xf32, #tpu.memory_space<hbm>>
    tpu.wait_indirect_dma semaphore(%arg10 : memref<!tpu.dma_semaphore, #tpu.memory_space<semaphore_mem>>) src(%dma_wait3A_145 : memref<10000x128xf32, #tpu.memory_space<hbm>>) dst(%arg8 : memref<64x128xf32, #tpu.memory_space<vmem>>)
    %run_scoped3A = arith.constant 1 : i32
    "tpu.region"() ({
      %run_scoped3A_217 = tpu.sem_alloc : memref<!tpu.dma_semaphore, #tpu.memory_space<semaphore_mem>>
      %dma_start3A_218 = arith.constant 0 : i32
      %dma_start3A_219 = tpu.memref_slice %arg7[%run_scoped3A, %dma_start3A_218] : memref<4x64xi32, #tpu.memory_space<vmem>> -> memref<1x64xi32, #tpu.memory_space<vmem>>
      %dma_start3A_220 = tpu.memref_squeeze %dma_start3A_219 : memref<1x64xi32, #tpu.memory_space<vmem>> -> memref<64xi32, #tpu.memory_space<vmem>>
      %dma_start3A_221 = arith.constant 0 : i32
      %dma_start3A_222 = arith.constant 0 : i32
      %dma_start3A_223 = tpu.memref_slice %arg12[%dma_start3A_221, %dma_start3A_222] : memref<10240x128xf32, #tpu.memory_space<vmem_shared>> -> memref<10240x128xf32, #tpu.memory_space<vmem_shared>>
      tpu.enqueue_indirect_dma source(%arg8 : memref<64x128xf32, #tpu.memory_space<vmem>>) target(%dma_start3A_223 : memref<10240x128xf32, #tpu.memory_space<vmem_shared>>) offsets(%dma_start3A_220 : memref<64xi32, #tpu.memory_space<vmem>>) semaphore(%run_scoped3A_217 : memref<!tpu.dma_semaphore, #tpu.memory_space<semaphore_mem>>) {add = true}
      %dma_wait3A_224 = arith.constant 0 : i32
      %dma_wait3A_225 = tpu.memref_slice %arg7[%run_scoped3A, %dma_wait3A_224] : memref<4x64xi32, #tpu.memory_space<vmem>> -> memref<1x64xi32, #tpu.memory_space<vmem>>
      %dma_wait3A_226 = tpu.memref_squeeze %dma_wait3A_225 : memref<1x64xi32, #tpu.memory_space<vmem>> -> memref<64xi32, #tpu.memory_space<vmem>>
      %dma_wait3A_227 = arith.constant 0 : i32
      %dma_wait3A_228 = arith.constant 0 : i32
      %dma_wait3A_229 = tpu.memref_slice %arg12[%dma_wait3A_227, %dma_wait3A_228] : memref<10240x128xf32, #tpu.memory_space<vmem_shared>> -> memref<10240x128xf32, #tpu.memory_space<vmem_shared>>
      tpu.wait_indirect_dma semaphore(%run_scoped3A_217 : memref<!tpu.dma_semaphore, #tpu.memory_space<semaphore_mem>>) src(%arg8 : memref<64x128xf32, #tpu.memory_space<vmem>>) dst(%dma_wait3A_229 : memref<10240x128xf32, #tpu.memory_space<vmem_shared>>)
      tpu.yield
    }) : () -> ()
    %barrier3A_146 = arith.constant 0 : index
    tpu.barrier barrier_id(%barrier3A_146)
    %mul3A_147 = arith.constant 640 : i32
    %mul3A_148 = arith.muli %arg1, %mul3A_147 : i32
    %add3A_149 = arith.constant 0 : i32
    %add3A_150 = arith.addi %mul3A_148, %add3A_149 : i32
    "tpu.region"() ({
      %run_scoped3A_217 = tpu.sem_alloc : memref<!tpu.dma_semaphore, #tpu.memory_space<semaphore_mem>>
      %dma_start3A_218 = arith.constant 0 : i32
      %dma_start3A_219 = tpu.memref_slice %arg12[%add3A_150, %dma_start3A_218] : memref<10240x128xf32, #tpu.memory_space<vmem_shared>> -> memref<64x128xf32, #tpu.memory_space<vmem_shared>>
      %dma_start3A_220 = arith.constant 0 : i32
      %dma_start3A_221 = tpu.memref_slice %arg12[%add3A_150, %dma_start3A_220] : memref<10240x128xf32, #tpu.memory_space<vmem_shared>> -> memref<64x128xf32, #tpu.memory_space<vmem_shared>>
      tpu.enqueue_dma source(%dma_start3A_221 : memref<64x128xf32, #tpu.memory_space<vmem_shared>>) target(%arg8 : memref<64x128xf32, #tpu.memory_space<vmem>>) target_semaphore(%run_scoped3A_217 : memref<!tpu.dma_semaphore, #tpu.memory_space<semaphore_mem>>)
      %dma_wait3A_222 = arith.constant 0 : i32
      %dma_wait3A_223 = tpu.memref_slice %arg12[%add3A_150, %dma_wait3A_222] : memref<10240x128xf32, #tpu.memory_space<vmem_shared>> -> memref<64x128xf32, #tpu.memory_space<vmem_shared>>
      %dma_wait3A_224 = arith.constant 0 : i32
      %dma_wait3A_225 = tpu.memref_slice %arg12[%add3A_150, %dma_wait3A_224] : memref<10240x128xf32, #tpu.memory_space<vmem_shared>> -> memref<64x128xf32, #tpu.memory_space<vmem_shared>>
      tpu.wait_dma2 semaphore(%run_scoped3A_217 : memref<!tpu.dma_semaphore, #tpu.memory_space<semaphore_mem>>) src(%dma_wait3A_225 : memref<64x128xf32, #tpu.memory_space<vmem_shared>>) dst(%arg8 : memref<64x128xf32, #tpu.memory_space<vmem>>)
      tpu.yield
    }) : () -> ()
    %mul3A_151 = arith.constant 10240 : i32
    %mul3A_152 = arith.muli %arg0, %mul3A_151 : i32
    %add3A_153 = arith.addi %mul3A_152, %add3A_150 : i32
    "tpu.region"() ({
      %run_scoped3A_217 = tpu.sem_alloc : memref<!tpu.dma_semaphore, #tpu.memory_space<semaphore_mem>>
      %dma_start3A_218 = arith.constant 0 : i32
      %dma_start3A_219 = tpu.memref_slice %arg5[%add3A_153, %dma_start3A_218] : memref<20480x128xf32, #tpu.memory_space<hbm>> -> memref<64x128xf32, #tpu.memory_space<hbm>>
      %dma_start3A_220 = arith.constant 0 : i32
      %dma_start3A_221 = tpu.memref_slice %arg5[%add3A_153, %dma_start3A_220] : memref<20480x128xf32, #tpu.memory_space<hbm>> -> memref<64x128xf32, #tpu.memory_space<hbm>>
      tpu.enqueue_dma source(%arg8 : memref<64x128xf32, #tpu.memory_space<vmem>>) target(%dma_start3A_221 : memref<64x128xf32, #tpu.memory_space<hbm>>) target_semaphore(%run_scoped3A_217 : memref<!tpu.dma_semaphore, #tpu.memory_space<semaphore_mem>>)
      %dma_wait3A_222 = arith.constant 0 : i32
      %dma_wait3A_223 = tpu.memref_slice %arg5[%add3A_153, %dma_wait3A_222] : memref<20480x128xf32, #tpu.memory_space<hbm>> -> memref<64x128xf32, #tpu.memory_space<hbm>>
      %dma_wait3A_224 = arith.constant 0 : i32
      %dma_wait3A_225 = tpu.memref_slice %arg5[%add3A_153, %dma_wait3A_224] : memref<20480x128xf32, #tpu.memory_space<hbm>> -> memref<64x128xf32, #tpu.memory_space<hbm>>
      tpu.wait_dma2 semaphore(%run_scoped3A_217 : memref<!tpu.dma_semaphore, #tpu.memory_space<semaphore_mem>>) src(%arg8 : memref<64x128xf32, #tpu.memory_space<vmem>>) dst(%dma_wait3A_225 : memref<64x128xf32, #tpu.memory_space<hbm>>)
      tpu.yield
    }) : () -> ()
    %mul3A_154 = arith.constant 640 : i32
    %mul3A_155 = arith.muli %arg1, %mul3A_154 : i32
    %add3A_156 = arith.constant 64 : i32
    %add3A_157 = arith.addi %mul3A_155, %add3A_156 : i32
    "tpu.region"() ({
      %run_scoped3A_217 = tpu.sem_alloc : memref<!tpu.dma_semaphore, #tpu.memory_space<semaphore_mem>>
      %dma_start3A_218 = arith.constant 0 : i32
      %dma_start3A_219 = tpu.memref_slice %arg12[%add3A_157, %dma_start3A_218] : memref<10240x128xf32, #tpu.memory_space<vmem_shared>> -> memref<64x128xf32, #tpu.memory_space<vmem_shared>>
      %dma_start3A_220 = arith.constant 0 : i32
      %dma_start3A_221 = tpu.memref_slice %arg12[%add3A_157, %dma_start3A_220] : memref<10240x128xf32, #tpu.memory_space<vmem_shared>> -> memref<64x128xf32, #tpu.memory_space<vmem_shared>>
      tpu.enqueue_dma source(%dma_start3A_221 : memref<64x128xf32, #tpu.memory_space<vmem_shared>>) target(%arg8 : memref<64x128xf32, #tpu.memory_space<vmem>>) target_semaphore(%run_scoped3A_217 : memref<!tpu.dma_semaphore, #tpu.memory_space<semaphore_mem>>)
      %dma_wait3A_222 = arith.constant 0 : i32
      %dma_wait3A_223 = tpu.memref_slice %arg12[%add3A_157, %dma_wait3A_222] : memref<10240x128xf32, #tpu.memory_space<vmem_shared>> -> memref<64x128xf32, #tpu.memory_space<vmem_shared>>
      %dma_wait3A_224 = arith.constant 0 : i32
      %dma_wait3A_225 = tpu.memref_slice %arg12[%add3A_157, %dma_wait3A_224] : memref<10240x128xf32, #tpu.memory_space<vmem_shared>> -> memref<64x128xf32, #tpu.memory_space<vmem_shared>>
      tpu.wait_dma2 semaphore(%run_scoped3A_217 : memref<!tpu.dma_semaphore, #tpu.memory_space<semaphore_mem>>) src(%dma_wait3A_225 : memref<64x128xf32, #tpu.memory_space<vmem_shared>>) dst(%arg8 : memref<64x128xf32, #tpu.memory_space<vmem>>)
      tpu.yield
    }) : () -> ()
    %mul3A_158 = arith.constant 10240 : i32
    %mul3A_159 = arith.muli %arg0, %mul3A_158 : i32
    %add3A_160 = arith.addi %mul3A_159, %add3A_157 : i32
    "tpu.region"() ({
      %run_scoped3A_217 = tpu.sem_alloc : memref<!tpu.dma_semaphore, #tpu.memory_space<semaphore_mem>>
      %dma_start3A_218 = arith.constant 0 : i32
      %dma_start3A_219 = tpu.memref_slice %arg5[%add3A_160, %dma_start3A_218] : memref<20480x128xf32, #tpu.memory_space<hbm>> -> memref<64x128xf32, #tpu.memory_space<hbm>>
      %dma_start3A_220 = arith.constant 0 : i32
      %dma_start3A_221 = tpu.memref_slice %arg5[%add3A_160, %dma_start3A_220] : memref<20480x128xf32, #tpu.memory_space<hbm>> -> memref<64x128xf32, #tpu.memory_space<hbm>>
      tpu.enqueue_dma source(%arg8 : memref<64x128xf32, #tpu.memory_space<vmem>>) target(%dma_start3A_221 : memref<64x128xf32, #tpu.memory_space<hbm>>) target_semaphore(%run_scoped3A_217 : memref<!tpu.dma_semaphore, #tpu.memory_space<semaphore_mem>>)
      %dma_wait3A_222 = arith.constant 0 : i32
      %dma_wait3A_223 = tpu.memref_slice %arg5[%add3A_160, %dma_wait3A_222] : memref<20480x128xf32, #tpu.memory_space<hbm>> -> memref<64x128xf32, #tpu.memory_space<hbm>>
      %dma_wait3A_224 = arith.constant 0 : i32
      %dma_wait3A_225 = tpu.memref_slice %arg5[%add3A_160, %dma_wait3A_224] : memref<20480x128xf32, #tpu.memory_space<hbm>> -> memref<64x128xf32, #tpu.memory_space<hbm>>
      tpu.wait_dma2 semaphore(%run_scoped3A_217 : memref<!tpu.dma_semaphore, #tpu.memory_space<semaphore_mem>>) src(%arg8 : memref<64x128xf32, #tpu.memory_space<vmem>>) dst(%dma_wait3A_225 : memref<64x128xf32, #tpu.memory_space<hbm>>)
      tpu.yield
    }) : () -> ()
    %mul3A_161 = arith.constant 640 : i32
    %mul3A_162 = arith.muli %arg1, %mul3A_161 : i32
    %add3A_163 = arith.constant 128 : i32
    %add3A_164 = arith.addi %mul3A_162, %add3A_163 : i32
    "tpu.region"() ({
      %run_scoped3A_217 = tpu.sem_alloc : memref<!tpu.dma_semaphore, #tpu.memory_space<semaphore_mem>>
      %dma_start3A_218 = arith.constant 0 : i32
      %dma_start3A_219 = tpu.memref_slice %arg12[%add3A_164, %dma_start3A_218] : memref<10240x128xf32, #tpu.memory_space<vmem_shared>> -> memref<64x128xf32, #tpu.memory_space<vmem_shared>>
      %dma_start3A_220 = arith.constant 0 : i32
      %dma_start3A_221 = tpu.memref_slice %arg12[%add3A_164, %dma_start3A_220] : memref<10240x128xf32, #tpu.memory_space<vmem_shared>> -> memref<64x128xf32, #tpu.memory_space<vmem_shared>>
      tpu.enqueue_dma source(%dma_start3A_221 : memref<64x128xf32, #tpu.memory_space<vmem_shared>>) target(%arg8 : memref<64x128xf32, #tpu.memory_space<vmem>>) target_semaphore(%run_scoped3A_217 : memref<!tpu.dma_semaphore, #tpu.memory_space<semaphore_mem>>)
      %dma_wait3A_222 = arith.constant 0 : i32
      %dma_wait3A_223 = tpu.memref_slice %arg12[%add3A_164, %dma_wait3A_222] : memref<10240x128xf32, #tpu.memory_space<vmem_shared>> -> memref<64x128xf32, #tpu.memory_space<vmem_shared>>
      %dma_wait3A_224 = arith.constant 0 : i32
      %dma_wait3A_225 = tpu.memref_slice %arg12[%add3A_164, %dma_wait3A_224] : memref<10240x128xf32, #tpu.memory_space<vmem_shared>> -> memref<64x128xf32, #tpu.memory_space<vmem_shared>>
      tpu.wait_dma2 semaphore(%run_scoped3A_217 : memref<!tpu.dma_semaphore, #tpu.memory_space<semaphore_mem>>) src(%dma_wait3A_225 : memref<64x128xf32, #tpu.memory_space<vmem_shared>>) dst(%arg8 : memref<64x128xf32, #tpu.memory_space<vmem>>)
      tpu.yield
    }) : () -> ()
    %mul3A_165 = arith.constant 10240 : i32
    %mul3A_166 = arith.muli %arg0, %mul3A_165 : i32
    %add3A_167 = arith.addi %mul3A_166, %add3A_164 : i32
    "tpu.region"() ({
      %run_scoped3A_217 = tpu.sem_alloc : memref<!tpu.dma_semaphore, #tpu.memory_space<semaphore_mem>>
      %dma_start3A_218 = arith.constant 0 : i32
      %dma_start3A_219 = tpu.memref_slice %arg5[%add3A_167, %dma_start3A_218] : memref<20480x128xf32, #tpu.memory_space<hbm>> -> memref<64x128xf32, #tpu.memory_space<hbm>>
      %dma_start3A_220 = arith.constant 0 : i32
      %dma_start3A_221 = tpu.memref_slice %arg5[%add3A_167, %dma_start3A_220] : memref<20480x128xf32, #tpu.memory_space<hbm>> -> memref<64x128xf32, #tpu.memory_space<hbm>>
      tpu.enqueue_dma source(%arg8 : memref<64x128xf32, #tpu.memory_space<vmem>>) target(%dma_start3A_221 : memref<64x128xf32, #tpu.memory_space<hbm>>) target_semaphore(%run_scoped3A_217 : memref<!tpu.dma_semaphore, #tpu.memory_space<semaphore_mem>>)
      %dma_wait3A_222 = arith.constant 0 : i32
      %dma_wait3A_223 = tpu.memref_slice %arg5[%add3A_167, %dma_wait3A_222] : memref<20480x128xf32, #tpu.memory_space<hbm>> -> memref<64x128xf32, #tpu.memory_space<hbm>>
      %dma_wait3A_224 = arith.constant 0 : i32
      %dma_wait3A_225 = tpu.memref_slice %arg5[%add3A_167, %dma_wait3A_224] : memref<20480x128xf32, #tpu.memory_space<hbm>> -> memref<64x128xf32, #tpu.memory_space<hbm>>
      tpu.wait_dma2 semaphore(%run_scoped3A_217 : memref<!tpu.dma_semaphore, #tpu.memory_space<semaphore_mem>>) src(%arg8 : memref<64x128xf32, #tpu.memory_space<vmem>>) dst(%dma_wait3A_225 : memref<64x128xf32, #tpu.memory_space<hbm>>)
      tpu.yield
    }) : () -> ()
    %mul3A_168 = arith.constant 640 : i32
    %mul3A_169 = arith.muli %arg1, %mul3A_168 : i32
    %add3A_170 = arith.constant 192 : i32
    %add3A_171 = arith.addi %mul3A_169, %add3A_170 : i32
    "tpu.region"() ({
      %run_scoped3A_217 = tpu.sem_alloc : memref<!tpu.dma_semaphore, #tpu.memory_space<semaphore_mem>>
      %dma_start3A_218 = arith.constant 0 : i32
      %dma_start3A_219 = tpu.memref_slice %arg12[%add3A_171, %dma_start3A_218] : memref<10240x128xf32, #tpu.memory_space<vmem_shared>> -> memref<64x128xf32, #tpu.memory_space<vmem_shared>>
      %dma_start3A_220 = arith.constant 0 : i32
      %dma_start3A_221 = tpu.memref_slice %arg12[%add3A_171, %dma_start3A_220] : memref<10240x128xf32, #tpu.memory_space<vmem_shared>> -> memref<64x128xf32, #tpu.memory_space<vmem_shared>>
      tpu.enqueue_dma source(%dma_start3A_221 : memref<64x128xf32, #tpu.memory_space<vmem_shared>>) target(%arg8 : memref<64x128xf32, #tpu.memory_space<vmem>>) target_semaphore(%run_scoped3A_217 : memref<!tpu.dma_semaphore, #tpu.memory_space<semaphore_mem>>)
      %dma_wait3A_222 = arith.constant 0 : i32
      %dma_wait3A_223 = tpu.memref_slice %arg12[%add3A_171, %dma_wait3A_222] : memref<10240x128xf32, #tpu.memory_space<vmem_shared>> -> memref<64x128xf32, #tpu.memory_space<vmem_shared>>
      %dma_wait3A_224 = arith.constant 0 : i32
      %dma_wait3A_225 = tpu.memref_slice %arg12[%add3A_171, %dma_wait3A_224] : memref<10240x128xf32, #tpu.memory_space<vmem_shared>> -> memref<64x128xf32, #tpu.memory_space<vmem_shared>>
      tpu.wait_dma2 semaphore(%run_scoped3A_217 : memref<!tpu.dma_semaphore, #tpu.memory_space<semaphore_mem>>) src(%dma_wait3A_225 : memref<64x128xf32, #tpu.memory_space<vmem_shared>>) dst(%arg8 : memref<64x128xf32, #tpu.memory_space<vmem>>)
      tpu.yield
    }) : () -> ()
    %mul3A_172 = arith.constant 10240 : i32
    %mul3A_173 = arith.muli %arg0, %mul3A_172 : i32
    %add3A_174 = arith.addi %mul3A_173, %add3A_171 : i32
    "tpu.region"() ({
      %run_scoped3A_217 = tpu.sem_alloc : memref<!tpu.dma_semaphore, #tpu.memory_space<semaphore_mem>>
      %dma_start3A_218 = arith.constant 0 : i32
      %dma_start3A_219 = tpu.memref_slice %arg5[%add3A_174, %dma_start3A_218] : memref<20480x128xf32, #tpu.memory_space<hbm>> -> memref<64x128xf32, #tpu.memory_space<hbm>>
      %dma_start3A_220 = arith.constant 0 : i32
      %dma_start3A_221 = tpu.memref_slice %arg5[%add3A_174, %dma_start3A_220] : memref<20480x128xf32, #tpu.memory_space<hbm>> -> memref<64x128xf32, #tpu.memory_space<hbm>>
      tpu.enqueue_dma source(%arg8 : memref<64x128xf32, #tpu.memory_space<vmem>>) target(%dma_start3A_221 : memref<64x128xf32, #tpu.memory_space<hbm>>) target_semaphore(%run_scoped3A_217 : memref<!tpu.dma_semaphore, #tpu.memory_space<semaphore_mem>>)
      %dma_wait3A_222 = arith.constant 0 : i32
      %dma_wait3A_223 = tpu.memref_slice %arg5[%add3A_174, %dma_wait3A_222] : memref<20480x128xf32, #tpu.memory_space<hbm>> -> memref<64x128xf32, #tpu.memory_space<hbm>>
      %dma_wait3A_224 = arith.constant 0 : i32
      %dma_wait3A_225 = tpu.memref_slice %arg5[%add3A_174, %dma_wait3A_224] : memref<20480x128xf32, #tpu.memory_space<hbm>> -> memref<64x128xf32, #tpu.memory_space<hbm>>
      tpu.wait_dma2 semaphore(%run_scoped3A_217 : memref<!tpu.dma_semaphore, #tpu.memory_space<semaphore_mem>>) src(%arg8 : memref<64x128xf32, #tpu.memory_space<vmem>>) dst(%dma_wait3A_225 : memref<64x128xf32, #tpu.memory_space<hbm>>)
      tpu.yield
    }) : () -> ()
    %mul3A_175 = arith.constant 640 : i32
    %mul3A_176 = arith.muli %arg1, %mul3A_175 : i32
    %add3A_177 = arith.constant 256 : i32
    %add3A_178 = arith.addi %mul3A_176, %add3A_177 : i32
    "tpu.region"() ({
      %run_scoped3A_217 = tpu.sem_alloc : memref<!tpu.dma_semaphore, #tpu.memory_space<semaphore_mem>>
      %dma_start3A_218 = arith.constant 0 : i32
      %dma_start3A_219 = tpu.memref_slice %arg12[%add3A_178, %dma_start3A_218] : memref<10240x128xf32, #tpu.memory_space<vmem_shared>> -> memref<64x128xf32, #tpu.memory_space<vmem_shared>>
      %dma_start3A_220 = arith.constant 0 : i32
      %dma_start3A_221 = tpu.memref_slice %arg12[%add3A_178, %dma_start3A_220] : memref<10240x128xf32, #tpu.memory_space<vmem_shared>> -> memref<64x128xf32, #tpu.memory_space<vmem_shared>>
      tpu.enqueue_dma source(%dma_start3A_221 : memref<64x128xf32, #tpu.memory_space<vmem_shared>>) target(%arg8 : memref<64x128xf32, #tpu.memory_space<vmem>>) target_semaphore(%run_scoped3A_217 : memref<!tpu.dma_semaphore, #tpu.memory_space<semaphore_mem>>)
      %dma_wait3A_222 = arith.constant 0 : i32
      %dma_wait3A_223 = tpu.memref_slice %arg12[%add3A_178, %dma_wait3A_222] : memref<10240x128xf32, #tpu.memory_space<vmem_shared>> -> memref<64x128xf32, #tpu.memory_space<vmem_shared>>
      %dma_wait3A_224 = arith.constant 0 : i32
      %dma_wait3A_225 = tpu.memref_slice %arg12[%add3A_178, %dma_wait3A_224] : memref<10240x128xf32, #tpu.memory_space<vmem_shared>> -> memref<64x128xf32, #tpu.memory_space<vmem_shared>>
      tpu.wait_dma2 semaphore(%run_scoped3A_217 : memref<!tpu.dma_semaphore, #tpu.memory_space<semaphore_mem>>) src(%dma_wait3A_225 : memref<64x128xf32, #tpu.memory_space<vmem_shared>>) dst(%arg8 : memref<64x128xf32, #tpu.memory_space<vmem>>)
      tpu.yield
    }) : () -> ()
    %mul3A_179 = arith.constant 10240 : i32
    %mul3A_180 = arith.muli %arg0, %mul3A_179 : i32
    %add3A_181 = arith.addi %mul3A_180, %add3A_178 : i32
    "tpu.region"() ({
      %run_scoped3A_217 = tpu.sem_alloc : memref<!tpu.dma_semaphore, #tpu.memory_space<semaphore_mem>>
      %dma_start3A_218 = arith.constant 0 : i32
      %dma_start3A_219 = tpu.memref_slice %arg5[%add3A_181, %dma_start3A_218] : memref<20480x128xf32, #tpu.memory_space<hbm>> -> memref<64x128xf32, #tpu.memory_space<hbm>>
      %dma_start3A_220 = arith.constant 0 : i32
      %dma_start3A_221 = tpu.memref_slice %arg5[%add3A_181, %dma_start3A_220] : memref<20480x128xf32, #tpu.memory_space<hbm>> -> memref<64x128xf32, #tpu.memory_space<hbm>>
      tpu.enqueue_dma source(%arg8 : memref<64x128xf32, #tpu.memory_space<vmem>>) target(%dma_start3A_221 : memref<64x128xf32, #tpu.memory_space<hbm>>) target_semaphore(%run_scoped3A_217 : memref<!tpu.dma_semaphore, #tpu.memory_space<semaphore_mem>>)
      %dma_wait3A_222 = arith.constant 0 : i32
      %dma_wait3A_223 = tpu.memref_slice %arg5[%add3A_181, %dma_wait3A_222] : memref<20480x128xf32, #tpu.memory_space<hbm>> -> memref<64x128xf32, #tpu.memory_space<hbm>>
      %dma_wait3A_224 = arith.constant 0 : i32
      %dma_wait3A_225 = tpu.memref_slice %arg5[%add3A_181, %dma_wait3A_224] : memref<20480x128xf32, #tpu.memory_space<hbm>> -> memref<64x128xf32, #tpu.memory_space<hbm>>
      tpu.wait_dma2 semaphore(%run_scoped3A_217 : memref<!tpu.dma_semaphore, #tpu.memory_space<semaphore_mem>>) src(%arg8 : memref<64x128xf32, #tpu.memory_space<vmem>>) dst(%dma_wait3A_225 : memref<64x128xf32, #tpu.memory_space<hbm>>)
      tpu.yield
    }) : () -> ()
    %mul3A_182 = arith.constant 640 : i32
    %mul3A_183 = arith.muli %arg1, %mul3A_182 : i32
    %add3A_184 = arith.constant 320 : i32
    %add3A_185 = arith.addi %mul3A_183, %add3A_184 : i32
    "tpu.region"() ({
      %run_scoped3A_217 = tpu.sem_alloc : memref<!tpu.dma_semaphore, #tpu.memory_space<semaphore_mem>>
      %dma_start3A_218 = arith.constant 0 : i32
      %dma_start3A_219 = tpu.memref_slice %arg12[%add3A_185, %dma_start3A_218] : memref<10240x128xf32, #tpu.memory_space<vmem_shared>> -> memref<64x128xf32, #tpu.memory_space<vmem_shared>>
      %dma_start3A_220 = arith.constant 0 : i32
      %dma_start3A_221 = tpu.memref_slice %arg12[%add3A_185, %dma_start3A_220] : memref<10240x128xf32, #tpu.memory_space<vmem_shared>> -> memref<64x128xf32, #tpu.memory_space<vmem_shared>>
      tpu.enqueue_dma source(%dma_start3A_221 : memref<64x128xf32, #tpu.memory_space<vmem_shared>>) target(%arg8 : memref<64x128xf32, #tpu.memory_space<vmem>>) target_semaphore(%run_scoped3A_217 : memref<!tpu.dma_semaphore, #tpu.memory_space<semaphore_mem>>)
      %dma_wait3A_222 = arith.constant 0 : i32
      %dma_wait3A_223 = tpu.memref_slice %arg12[%add3A_185, %dma_wait3A_222] : memref<10240x128xf32, #tpu.memory_space<vmem_shared>> -> memref<64x128xf32, #tpu.memory_space<vmem_shared>>
      %dma_wait3A_224 = arith.constant 0 : i32
      %dma_wait3A_225 = tpu.memref_slice %arg12[%add3A_185, %dma_wait3A_224] : memref<10240x128xf32, #tpu.memory_space<vmem_shared>> -> memref<64x128xf32, #tpu.memory_space<vmem_shared>>
      tpu.wait_dma2 semaphore(%run_scoped3A_217 : memref<!tpu.dma_semaphore, #tpu.memory_space<semaphore_mem>>) src(%dma_wait3A_225 : memref<64x128xf32, #tpu.memory_space<vmem_shared>>) dst(%arg8 : memref<64x128xf32, #tpu.memory_space<vmem>>)
      tpu.yield
    }) : () -> ()
    %mul3A_186 = arith.constant 10240 : i32
    %mul3A_187 = arith.muli %arg0, %mul3A_186 : i32
    %add3A_188 = arith.addi %mul3A_187, %add3A_185 : i32
    "tpu.region"() ({
      %run_scoped3A_217 = tpu.sem_alloc : memref<!tpu.dma_semaphore, #tpu.memory_space<semaphore_mem>>
      %dma_start3A_218 = arith.constant 0 : i32
      %dma_start3A_219 = tpu.memref_slice %arg5[%add3A_188, %dma_start3A_218] : memref<20480x128xf32, #tpu.memory_space<hbm>> -> memref<64x128xf32, #tpu.memory_space<hbm>>
      %dma_start3A_220 = arith.constant 0 : i32
      %dma_start3A_221 = tpu.memref_slice %arg5[%add3A_188, %dma_start3A_220] : memref<20480x128xf32, #tpu.memory_space<hbm>> -> memref<64x128xf32, #tpu.memory_space<hbm>>
      tpu.enqueue_dma source(%arg8 : memref<64x128xf32, #tpu.memory_space<vmem>>) target(%dma_start3A_221 : memref<64x128xf32, #tpu.memory_space<hbm>>) target_semaphore(%run_scoped3A_217 : memref<!tpu.dma_semaphore, #tpu.memory_space<semaphore_mem>>)
      %dma_wait3A_222 = arith.constant 0 : i32
      %dma_wait3A_223 = tpu.memref_slice %arg5[%add3A_188, %dma_wait3A_222] : memref<20480x128xf32, #tpu.memory_space<hbm>> -> memref<64x128xf32, #tpu.memory_space<hbm>>
      %dma_wait3A_224 = arith.constant 0 : i32
      %dma_wait3A_225 = tpu.memref_slice %arg5[%add3A_188, %dma_wait3A_224] : memref<20480x128xf32, #tpu.memory_space<hbm>> -> memref<64x128xf32, #tpu.memory_space<hbm>>
      tpu.wait_dma2 semaphore(%run_scoped3A_217 : memref<!tpu.dma_semaphore, #tpu.memory_space<semaphore_mem>>) src(%arg8 : memref<64x128xf32, #tpu.memory_space<vmem>>) dst(%dma_wait3A_225 : memref<64x128xf32, #tpu.memory_space<hbm>>)
      tpu.yield
    }) : () -> ()
    %mul3A_189 = arith.constant 640 : i32
    %mul3A_190 = arith.muli %arg1, %mul3A_189 : i32
    %add3A_191 = arith.constant 384 : i32
    %add3A_192 = arith.addi %mul3A_190, %add3A_191 : i32
    "tpu.region"() ({
      %run_scoped3A_217 = tpu.sem_alloc : memref<!tpu.dma_semaphore, #tpu.memory_space<semaphore_mem>>
      %dma_start3A_218 = arith.constant 0 : i32
      %dma_start3A_219 = tpu.memref_slice %arg12[%add3A_192, %dma_start3A_218] : memref<10240x128xf32, #tpu.memory_space<vmem_shared>> -> memref<64x128xf32, #tpu.memory_space<vmem_shared>>
      %dma_start3A_220 = arith.constant 0 : i32
      %dma_start3A_221 = tpu.memref_slice %arg12[%add3A_192, %dma_start3A_220] : memref<10240x128xf32, #tpu.memory_space<vmem_shared>> -> memref<64x128xf32, #tpu.memory_space<vmem_shared>>
      tpu.enqueue_dma source(%dma_start3A_221 : memref<64x128xf32, #tpu.memory_space<vmem_shared>>) target(%arg8 : memref<64x128xf32, #tpu.memory_space<vmem>>) target_semaphore(%run_scoped3A_217 : memref<!tpu.dma_semaphore, #tpu.memory_space<semaphore_mem>>)
      %dma_wait3A_222 = arith.constant 0 : i32
      %dma_wait3A_223 = tpu.memref_slice %arg12[%add3A_192, %dma_wait3A_222] : memref<10240x128xf32, #tpu.memory_space<vmem_shared>> -> memref<64x128xf32, #tpu.memory_space<vmem_shared>>
      %dma_wait3A_224 = arith.constant 0 : i32
      %dma_wait3A_225 = tpu.memref_slice %arg12[%add3A_192, %dma_wait3A_224] : memref<10240x128xf32, #tpu.memory_space<vmem_shared>> -> memref<64x128xf32, #tpu.memory_space<vmem_shared>>
      tpu.wait_dma2 semaphore(%run_scoped3A_217 : memref<!tpu.dma_semaphore, #tpu.memory_space<semaphore_mem>>) src(%dma_wait3A_225 : memref<64x128xf32, #tpu.memory_space<vmem_shared>>) dst(%arg8 : memref<64x128xf32, #tpu.memory_space<vmem>>)
      tpu.yield
    }) : () -> ()
    %mul3A_193 = arith.constant 10240 : i32
    %mul3A_194 = arith.muli %arg0, %mul3A_193 : i32
    %add3A_195 = arith.addi %mul3A_194, %add3A_192 : i32
    "tpu.region"() ({
      %run_scoped3A_217 = tpu.sem_alloc : memref<!tpu.dma_semaphore, #tpu.memory_space<semaphore_mem>>
      %dma_start3A_218 = arith.constant 0 : i32
      %dma_start3A_219 = tpu.memref_slice %arg5[%add3A_195, %dma_start3A_218] : memref<20480x128xf32, #tpu.memory_space<hbm>> -> memref<64x128xf32, #tpu.memory_space<hbm>>
      %dma_start3A_220 = arith.constant 0 : i32
      %dma_start3A_221 = tpu.memref_slice %arg5[%add3A_195, %dma_start3A_220] : memref<20480x128xf32, #tpu.memory_space<hbm>> -> memref<64x128xf32, #tpu.memory_space<hbm>>
      tpu.enqueue_dma source(%arg8 : memref<64x128xf32, #tpu.memory_space<vmem>>) target(%dma_start3A_221 : memref<64x128xf32, #tpu.memory_space<hbm>>) target_semaphore(%run_scoped3A_217 : memref<!tpu.dma_semaphore, #tpu.memory_space<semaphore_mem>>)
      %dma_wait3A_222 = arith.constant 0 : i32
      %dma_wait3A_223 = tpu.memref_slice %arg5[%add3A_195, %dma_wait3A_222] : memref<20480x128xf32, #tpu.memory_space<hbm>> -> memref<64x128xf32, #tpu.memory_space<hbm>>
      %dma_wait3A_224 = arith.constant 0 : i32
      %dma_wait3A_225 = tpu.memref_slice %arg5[%add3A_195, %dma_wait3A_224] : memref<20480x128xf32, #tpu.memory_space<hbm>> -> memref<64x128xf32, #tpu.memory_space<hbm>>
      tpu.wait_dma2 semaphore(%run_scoped3A_217 : memref<!tpu.dma_semaphore, #tpu.memory_space<semaphore_mem>>) src(%arg8 : memref<64x128xf32, #tpu.memory_space<vmem>>) dst(%dma_wait3A_225 : memref<64x128xf32, #tpu.memory_space<hbm>>)
      tpu.yield
    }) : () -> ()
    %mul3A_196 = arith.constant 640 : i32
    %mul3A_197 = arith.muli %arg1, %mul3A_196 : i32
    %add3A_198 = arith.constant 448 : i32
    %add3A_199 = arith.addi %mul3A_197, %add3A_198 : i32
    "tpu.region"() ({
      %run_scoped3A_217 = tpu.sem_alloc : memref<!tpu.dma_semaphore, #tpu.memory_space<semaphore_mem>>
      %dma_start3A_218 = arith.constant 0 : i32
      %dma_start3A_219 = tpu.memref_slice %arg12[%add3A_199, %dma_start3A_218] : memref<10240x128xf32, #tpu.memory_space<vmem_shared>> -> memref<64x128xf32, #tpu.memory_space<vmem_shared>>
      %dma_start3A_220 = arith.constant 0 : i32
      %dma_start3A_221 = tpu.memref_slice %arg12[%add3A_199, %dma_start3A_220] : memref<10240x128xf32, #tpu.memory_space<vmem_shared>> -> memref<64x128xf32, #tpu.memory_space<vmem_shared>>
      tpu.enqueue_dma source(%dma_start3A_221 : memref<64x128xf32, #tpu.memory_space<vmem_shared>>) target(%arg8 : memref<64x128xf32, #tpu.memory_space<vmem>>) target_semaphore(%run_scoped3A_217 : memref<!tpu.dma_semaphore, #tpu.memory_space<semaphore_mem>>)
      %dma_wait3A_222 = arith.constant 0 : i32
      %dma_wait3A_223 = tpu.memref_slice %arg12[%add3A_199, %dma_wait3A_222] : memref<10240x128xf32, #tpu.memory_space<vmem_shared>> -> memref<64x128xf32, #tpu.memory_space<vmem_shared>>
      %dma_wait3A_224 = arith.constant 0 : i32
      %dma_wait3A_225 = tpu.memref_slice %arg12[%add3A_199, %dma_wait3A_224] : memref<10240x128xf32, #tpu.memory_space<vmem_shared>> -> memref<64x128xf32, #tpu.memory_space<vmem_shared>>
      tpu.wait_dma2 semaphore(%run_scoped3A_217 : memref<!tpu.dma_semaphore, #tpu.memory_space<semaphore_mem>>) src(%dma_wait3A_225 : memref<64x128xf32, #tpu.memory_space<vmem_shared>>) dst(%arg8 : memref<64x128xf32, #tpu.memory_space<vmem>>)
      tpu.yield
    }) : () -> ()
    %mul3A_200 = arith.constant 10240 : i32
    %mul3A_201 = arith.muli %arg0, %mul3A_200 : i32
    %add3A_202 = arith.addi %mul3A_201, %add3A_199 : i32
    "tpu.region"() ({
      %run_scoped3A_217 = tpu.sem_alloc : memref<!tpu.dma_semaphore, #tpu.memory_space<semaphore_mem>>
      %dma_start3A_218 = arith.constant 0 : i32
      %dma_start3A_219 = tpu.memref_slice %arg5[%add3A_202, %dma_start3A_218] : memref<20480x128xf32, #tpu.memory_space<hbm>> -> memref<64x128xf32, #tpu.memory_space<hbm>>
      %dma_start3A_220 = arith.constant 0 : i32
      %dma_start3A_221 = tpu.memref_slice %arg5[%add3A_202, %dma_start3A_220] : memref<20480x128xf32, #tpu.memory_space<hbm>> -> memref<64x128xf32, #tpu.memory_space<hbm>>
      tpu.enqueue_dma source(%arg8 : memref<64x128xf32, #tpu.memory_space<vmem>>) target(%dma_start3A_221 : memref<64x128xf32, #tpu.memory_space<hbm>>) target_semaphore(%run_scoped3A_217 : memref<!tpu.dma_semaphore, #tpu.memory_space<semaphore_mem>>)
      %dma_wait3A_222 = arith.constant 0 : i32
      %dma_wait3A_223 = tpu.memref_slice %arg5[%add3A_202, %dma_wait3A_222] : memref<20480x128xf32, #tpu.memory_space<hbm>> -> memref<64x128xf32, #tpu.memory_space<hbm>>
      %dma_wait3A_224 = arith.constant 0 : i32
      %dma_wait3A_225 = tpu.memref_slice %arg5[%add3A_202, %dma_wait3A_224] : memref<20480x128xf32, #tpu.memory_space<hbm>> -> memref<64x128xf32, #tpu.memory_space<hbm>>
      tpu.wait_dma2 semaphore(%run_scoped3A_217 : memref<!tpu.dma_semaphore, #tpu.memory_space<semaphore_mem>>) src(%arg8 : memref<64x128xf32, #tpu.memory_space<vmem>>) dst(%dma_wait3A_225 : memref<64x128xf32, #tpu.memory_space<hbm>>)
      tpu.yield
    }) : () -> ()
    %mul3A_203 = arith.constant 640 : i32
    %mul3A_204 = arith.muli %arg1, %mul3A_203 : i32
    %add3A_205 = arith.constant 512 : i32
    %add3A_206 = arith.addi %mul3A_204, %add3A_205 : i32
    "tpu.region"() ({
      %run_scoped3A_217 = tpu.sem_alloc : memref<!tpu.dma_semaphore, #tpu.memory_space<semaphore_mem>>
      %dma_start3A_218 = arith.constant 0 : i32
      %dma_start3A_219 = tpu.memref_slice %arg12[%add3A_206, %dma_start3A_218] : memref<10240x128xf32, #tpu.memory_space<vmem_shared>> -> memref<64x128xf32, #tpu.memory_space<vmem_shared>>
      %dma_start3A_220 = arith.constant 0 : i32
      %dma_start3A_221 = tpu.memref_slice %arg12[%add3A_206, %dma_start3A_220] : memref<10240x128xf32, #tpu.memory_space<vmem_shared>> -> memref<64x128xf32, #tpu.memory_space<vmem_shared>>
      tpu.enqueue_dma source(%dma_start3A_221 : memref<64x128xf32, #tpu.memory_space<vmem_shared>>) target(%arg8 : memref<64x128xf32, #tpu.memory_space<vmem>>) target_semaphore(%run_scoped3A_217 : memref<!tpu.dma_semaphore, #tpu.memory_space<semaphore_mem>>)
      %dma_wait3A_222 = arith.constant 0 : i32
      %dma_wait3A_223 = tpu.memref_slice %arg12[%add3A_206, %dma_wait3A_222] : memref<10240x128xf32, #tpu.memory_space<vmem_shared>> -> memref<64x128xf32, #tpu.memory_space<vmem_shared>>
      %dma_wait3A_224 = arith.constant 0 : i32
      %dma_wait3A_225 = tpu.memref_slice %arg12[%add3A_206, %dma_wait3A_224] : memref<10240x128xf32, #tpu.memory_space<vmem_shared>> -> memref<64x128xf32, #tpu.memory_space<vmem_shared>>
      tpu.wait_dma2 semaphore(%run_scoped3A_217 : memref<!tpu.dma_semaphore, #tpu.memory_space<semaphore_mem>>) src(%dma_wait3A_225 : memref<64x128xf32, #tpu.memory_space<vmem_shared>>) dst(%arg8 : memref<64x128xf32, #tpu.memory_space<vmem>>)
      tpu.yield
    }) : () -> ()
    %mul3A_207 = arith.constant 10240 : i32
    %mul3A_208 = arith.muli %arg0, %mul3A_207 : i32
    %add3A_209 = arith.addi %mul3A_208, %add3A_206 : i32
    "tpu.region"() ({
      %run_scoped3A_217 = tpu.sem_alloc : memref<!tpu.dma_semaphore, #tpu.memory_space<semaphore_mem>>
      %dma_start3A_218 = arith.constant 0 : i32
      %dma_start3A_219 = tpu.memref_slice %arg5[%add3A_209, %dma_start3A_218] : memref<20480x128xf32, #tpu.memory_space<hbm>> -> memref<64x128xf32, #tpu.memory_space<hbm>>
      %dma_start3A_220 = arith.constant 0 : i32
      %dma_start3A_221 = tpu.memref_slice %arg5[%add3A_209, %dma_start3A_220] : memref<20480x128xf32, #tpu.memory_space<hbm>> -> memref<64x128xf32, #tpu.memory_space<hbm>>
      tpu.enqueue_dma source(%arg8 : memref<64x128xf32, #tpu.memory_space<vmem>>) target(%dma_start3A_221 : memref<64x128xf32, #tpu.memory_space<hbm>>) target_semaphore(%run_scoped3A_217 : memref<!tpu.dma_semaphore, #tpu.memory_space<semaphore_mem>>)
      %dma_wait3A_222 = arith.constant 0 : i32
      %dma_wait3A_223 = tpu.memref_slice %arg5[%add3A_209, %dma_wait3A_222] : memref<20480x128xf32, #tpu.memory_space<hbm>> -> memref<64x128xf32, #tpu.memory_space<hbm>>
      %dma_wait3A_224 = arith.constant 0 : i32
      %dma_wait3A_225 = tpu.memref_slice %arg5[%add3A_209, %dma_wait3A_224] : memref<20480x128xf32, #tpu.memory_space<hbm>> -> memref<64x128xf32, #tpu.memory_space<hbm>>
      tpu.wait_dma2 semaphore(%run_scoped3A_217 : memref<!tpu.dma_semaphore, #tpu.memory_space<semaphore_mem>>) src(%arg8 : memref<64x128xf32, #tpu.memory_space<vmem>>) dst(%dma_wait3A_225 : memref<64x128xf32, #tpu.memory_space<hbm>>)
      tpu.yield
    }) : () -> ()
    %mul3A_210 = arith.constant 640 : i32
    %mul3A_211 = arith.muli %arg1, %mul3A_210 : i32
    %add3A_212 = arith.constant 576 : i32
    %add3A_213 = arith.addi %mul3A_211, %add3A_212 : i32
    "tpu.region"() ({
      %run_scoped3A_217 = tpu.sem_alloc : memref<!tpu.dma_semaphore, #tpu.memory_space<semaphore_mem>>
      %dma_start3A_218 = arith.constant 0 : i32
      %dma_start3A_219 = tpu.memref_slice %arg12[%add3A_213, %dma_start3A_218] : memref<10240x128xf32, #tpu.memory_space<vmem_shared>> -> memref<64x128xf32, #tpu.memory_space<vmem_shared>>
      %dma_start3A_220 = arith.constant 0 : i32
      %dma_start3A_221 = tpu.memref_slice %arg12[%add3A_213, %dma_start3A_220] : memref<10240x128xf32, #tpu.memory_space<vmem_shared>> -> memref<64x128xf32, #tpu.memory_space<vmem_shared>>
      tpu.enqueue_dma source(%dma_start3A_221 : memref<64x128xf32, #tpu.memory_space<vmem_shared>>) target(%arg8 : memref<64x128xf32, #tpu.memory_space<vmem>>) target_semaphore(%run_scoped3A_217 : memref<!tpu.dma_semaphore, #tpu.memory_space<semaphore_mem>>)
      %dma_wait3A_222 = arith.constant 0 : i32
      %dma_wait3A_223 = tpu.memref_slice %arg12[%add3A_213, %dma_wait3A_222] : memref<10240x128xf32, #tpu.memory_space<vmem_shared>> -> memref<64x128xf32, #tpu.memory_space<vmem_shared>>
      %dma_wait3A_224 = arith.constant 0 : i32
      %dma_wait3A_225 = tpu.memref_slice %arg12[%add3A_213, %dma_wait3A_224] : memref<10240x128xf32, #tpu.memory_space<vmem_shared>> -> memref<64x128xf32, #tpu.memory_space<vmem_shared>>
      tpu.wait_dma2 semaphore(%run_scoped3A_217 : memref<!tpu.dma_semaphore, #tpu.memory_space<semaphore_mem>>) src(%dma_wait3A_225 : memref<64x128xf32, #tpu.memory_space<vmem_shared>>) dst(%arg8 : memref<64x128xf32, #tpu.memory_space<vmem>>)
      tpu.yield
    }) : () -> ()
    %mul3A_214 = arith.constant 10240 : i32
    %mul3A_215 = arith.muli %arg0, %mul3A_214 : i32
    %add3A_216 = arith.addi %mul3A_215, %add3A_213 : i32
    "tpu.region"() ({
      %run_scoped3A_217 = tpu.sem_alloc : memref<!tpu.dma_semaphore, #tpu.memory_space<semaphore_mem>>
      %dma_start3A_218 = arith.constant 0 : i32
      %dma_start3A_219 = tpu.memref_slice %arg5[%add3A_216, %dma_start3A_218] : memref<20480x128xf32, #tpu.memory_space<hbm>> -> memref<64x128xf32, #tpu.memory_space<hbm>>
      %dma_start3A_220 = arith.constant 0 : i32
      %dma_start3A_221 = tpu.memref_slice %arg5[%add3A_216, %dma_start3A_220] : memref<20480x128xf32, #tpu.memory_space<hbm>> -> memref<64x128xf32, #tpu.memory_space<hbm>>
      tpu.enqueue_dma source(%arg8 : memref<64x128xf32, #tpu.memory_space<vmem>>) target(%dma_start3A_221 : memref<64x128xf32, #tpu.memory_space<hbm>>) target_semaphore(%run_scoped3A_217 : memref<!tpu.dma_semaphore, #tpu.memory_space<semaphore_mem>>)
      %dma_wait3A_222 = arith.constant 0 : i32
      %dma_wait3A_223 = tpu.memref_slice %arg5[%add3A_216, %dma_wait3A_222] : memref<20480x128xf32, #tpu.memory_space<hbm>> -> memref<64x128xf32, #tpu.memory_space<hbm>>
      %dma_wait3A_224 = arith.constant 0 : i32
      %dma_wait3A_225 = tpu.memref_slice %arg5[%add3A_216, %dma_wait3A_224] : memref<20480x128xf32, #tpu.memory_space<hbm>> -> memref<64x128xf32, #tpu.memory_space<hbm>>
      tpu.wait_dma2 semaphore(%run_scoped3A_217 : memref<!tpu.dma_semaphore, #tpu.memory_space<semaphore_mem>>) src(%arg8 : memref<64x128xf32, #tpu.memory_space<vmem>>) dst(%dma_wait3A_225 : memref<64x128xf32, #tpu.memory_space<hbm>>)
      tpu.yield
    }) : () -> ()
    return
  }
}

#map = affine_map<(d0, d1) -> (0, 0)>
#map1 = affine_map<(d0, d1) -> (0, 0, 0)>
module attributes {stable_mosaic.version = 14 : i64} {
  func.func @_sc_agg(%arg0: i32, %arg1: i32, %arg2: memref<10000x128xf32, #tpu.memory_space<hbm>>, %arg3: memref<32x157x64xi32, #tpu.memory_space<hbm>>, %arg4: memref<64x128xf32, #tpu.memory_space<hbm>>, %arg5: memref<20480x128xf32, #tpu.memory_space<hbm>>, %arg6: memref<157x64xi32, #tpu.memory_space<vmem>>, %arg7: memref<4x64xi32, #tpu.memory_space<vmem>>, %arg8: memref<64x128xf32, #tpu.memory_space<vmem>>, %arg9: memref<64x128xf32, #tpu.memory_space<vmem>>, %arg10: memref<!tpu.dma_semaphore, #tpu.memory_space<semaphore_mem>>, %arg11: memref<!tpu.dma_semaphore, #tpu.memory_space<semaphore_mem>>, %arg12: memref<10240x128xf32, #tpu.memory_space<vmem_shared>>) attributes {dimension_semantics = [#tpu.dimension_semantics<core_parallel>, #tpu.dimension_semantics<subcore_parallel>], iteration_bounds = array<i64: 2, 16>, scalar_prefetch = 0 : i64, scratch_operands = 7 : i64, tpu.core_type = #tpu.core_type<sc_vector_subcore>, window_params = [{transform_indices = #map}, {transform_indices = #map1}, {transform_indices = #map}, {transform_indices = #map}]} {
    %mul3A = arith.constant 16 : i32
    %mul3A_0 = arith.muli %arg0, %mul3A : i32
    %add3A = arith.addi %mul3A_0, %arg1 : i32
    "tpu.region"() ({
      %run_scoped3A_217 = tpu.sem_alloc : memref<!tpu.dma_semaphore, #tpu.memory_space<semaphore_mem>>
      %dma_start3A_218 = arith.constant 0 : i32
      %dma_start3A_219 = arith.constant 0 : i32
      %dma_start3A_220 = tpu.memref_slice %arg3[%add3A, %dma_start3A_218, %dma_start3A_219] : memref<32x157x64xi32, #tpu.memory_space<hbm>> -> memref<1x157x64xi32, #tpu.memory_space<hbm>>
      %dma_start3A_221 = tpu.memref_squeeze %dma_start3A_220 : memref<1x157x64xi32, #tpu.memory_space<hbm>> -> memref<157x64xi32, #tpu.memory_space<hbm>>
      %dma_start3A_222 = arith.constant 0 : i32
      %dma_start3A_223 = arith.constant 0 : i32
      %dma_start3A_224 = tpu.memref_slice %arg3[%add3A, %dma_start3A_222, %dma_start3A_223] : memref<32x157x64xi32, #tpu.memory_space<hbm>> -> memref<1x157x64xi32, #tpu.memory_space<hbm>>
      %dma_start3A_225 = tpu.memref_squeeze %dma_start3A_224 : memref<1x157x64xi32, #tpu.memory_space<hbm>> -> memref<157x64xi32, #tpu.memory_space<hbm>>
      tpu.enqueue_dma source(%dma_start3A_225 : memref<157x64xi32, #tpu.memory_space<hbm>>) target(%arg6 : memref<157x64xi32, #tpu.memory_space<vmem>>) target_semaphore(%run_scoped3A_217 : memref<!tpu.dma_semaphore, #tpu.memory_space<semaphore_mem>>)
      %dma_wait3A_226 = arith.constant 0 : i32
      %dma_wait3A_227 = arith.constant 0 : i32
      %dma_wait3A_228 = tpu.memref_slice %arg3[%add3A, %dma_wait3A_226, %dma_wait3A_227] : memref<32x157x64xi32, #tpu.memory_space<hbm>> -> memref<1x157x64xi32, #tpu.memory_space<hbm>>
      %dma_wait3A_229 = tpu.memref_squeeze %dma_wait3A_228 : memref<1x157x64xi32, #tpu.memory_space<hbm>> -> memref<157x64xi32, #tpu.memory_space<hbm>>
      %dma_wait3A_230 = arith.constant 0 : i32
      %dma_wait3A_231 = arith.constant 0 : i32
      %dma_wait3A_232 = tpu.memref_slice %arg3[%add3A, %dma_wait3A_230, %dma_wait3A_231] : memref<32x157x64xi32, #tpu.memory_space<hbm>> -> memref<1x157x64xi32, #tpu.memory_space<hbm>>
      %dma_wait3A_233 = tpu.memref_squeeze %dma_wait3A_232 : memref<1x157x64xi32, #tpu.memory_space<hbm>> -> memref<157x64xi32, #tpu.memory_space<hbm>>
      tpu.wait_dma2 semaphore(%run_scoped3A_217 : memref<!tpu.dma_semaphore, #tpu.memory_space<semaphore_mem>>) src(%dma_wait3A_233 : memref<157x64xi32, #tpu.memory_space<hbm>>) dst(%arg6 : memref<157x64xi32, #tpu.memory_space<vmem>>)
      tpu.yield
    }) : () -> ()
    "tpu.region"() ({
      %run_scoped3A_217 = tpu.sem_alloc : memref<!tpu.dma_semaphore, #tpu.memory_space<semaphore_mem>>
      tpu.enqueue_dma source(%arg4 : memref<64x128xf32, #tpu.memory_space<hbm>>) target(%arg8 : memref<64x128xf32, #tpu.memory_space<vmem>>) target_semaphore(%run_scoped3A_217 : memref<!tpu.dma_semaphore, #tpu.memory_space<semaphore_mem>>)
      tpu.wait_dma2 semaphore(%run_scoped3A_217 : memref<!tpu.dma_semaphore, #tpu.memory_space<semaphore_mem>>) src(%arg4 : memref<64x128xf32, #tpu.memory_space<hbm>>) dst(%arg8 : memref<64x128xf32, #tpu.memory_space<vmem>>)
      tpu.yield
    }) : () -> ()
    %mul3A_1 = arith.constant 640 : i32
    %mul3A_2 = arith.muli %arg1, %mul3A_1 : i32
    %add3A_3 = arith.constant 0 : i32
    %add3A_4 = arith.addi %mul3A_2, %add3A_3 : i32
    "tpu.region"() ({
      %run_scoped3A_217 = tpu.sem_alloc : memref<!tpu.dma_semaphore, #tpu.memory_space<semaphore_mem>>
      %dma_start3A_218 = arith.constant 0 : i32
      %dma_start3A_219 = tpu.memref_slice %arg12[%add3A_4, %dma_start3A_218] : memref<10240x128xf32, #tpu.memory_space<vmem_shared>> -> memref<64x128xf32, #tpu.memory_space<vmem_shared>>
      %dma_start3A_220 = arith.constant 0 : i32
      %dma_start3A_221 = tpu.memref_slice %arg12[%add3A_4, %dma_start3A_220] : memref<10240x128xf32, #tpu.memory_space<vmem_shared>> -> memref<64x128xf32, #tpu.memory_space<vmem_shared>>
      tpu.enqueue_dma source(%arg8 : memref<64x128xf32, #tpu.memory_space<vmem>>) target(%dma_start3A_221 : memref<64x128xf32, #tpu.memory_space<vmem_shared>>) target_semaphore(%run_scoped3A_217 : memref<!tpu.dma_semaphore, #tpu.memory_space<semaphore_mem>>)
      %dma_wait3A_222 = arith.constant 0 : i32
      %dma_wait3A_223 = tpu.memref_slice %arg12[%add3A_4, %dma_wait3A_222] : memref<10240x128xf32, #tpu.memory_space<vmem_shared>> -> memref<64x128xf32, #tpu.memory_space<vmem_shared>>
      %dma_wait3A_224 = arith.constant 0 : i32
      %dma_wait3A_225 = tpu.memref_slice %arg12[%add3A_4, %dma_wait3A_224] : memref<10240x128xf32, #tpu.memory_space<vmem_shared>> -> memref<64x128xf32, #tpu.memory_space<vmem_shared>>
      tpu.wait_dma2 semaphore(%run_scoped3A_217 : memref<!tpu.dma_semaphore, #tpu.memory_space<semaphore_mem>>) src(%arg8 : memref<64x128xf32, #tpu.memory_space<vmem>>) dst(%dma_wait3A_225 : memref<64x128xf32, #tpu.memory_space<vmem_shared>>)
      tpu.yield
    }) : () -> ()
    %mul3A_5 = arith.constant 640 : i32
    %mul3A_6 = arith.muli %arg1, %mul3A_5 : i32
    %add3A_7 = arith.constant 64 : i32
    %add3A_8 = arith.addi %mul3A_6, %add3A_7 : i32
    "tpu.region"() ({
      %run_scoped3A_217 = tpu.sem_alloc : memref<!tpu.dma_semaphore, #tpu.memory_space<semaphore_mem>>
      %dma_start3A_218 = arith.constant 0 : i32
      %dma_start3A_219 = tpu.memref_slice %arg12[%add3A_8, %dma_start3A_218] : memref<10240x128xf32, #tpu.memory_space<vmem_shared>> -> memref<64x128xf32, #tpu.memory_space<vmem_shared>>
      %dma_start3A_220 = arith.constant 0 : i32
      %dma_start3A_221 = tpu.memref_slice %arg12[%add3A_8, %dma_start3A_220] : memref<10240x128xf32, #tpu.memory_space<vmem_shared>> -> memref<64x128xf32, #tpu.memory_space<vmem_shared>>
      tpu.enqueue_dma source(%arg8 : memref<64x128xf32, #tpu.memory_space<vmem>>) target(%dma_start3A_221 : memref<64x128xf32, #tpu.memory_space<vmem_shared>>) target_semaphore(%run_scoped3A_217 : memref<!tpu.dma_semaphore, #tpu.memory_space<semaphore_mem>>)
      %dma_wait3A_222 = arith.constant 0 : i32
      %dma_wait3A_223 = tpu.memref_slice %arg12[%add3A_8, %dma_wait3A_222] : memref<10240x128xf32, #tpu.memory_space<vmem_shared>> -> memref<64x128xf32, #tpu.memory_space<vmem_shared>>
      %dma_wait3A_224 = arith.constant 0 : i32
      %dma_wait3A_225 = tpu.memref_slice %arg12[%add3A_8, %dma_wait3A_224] : memref<10240x128xf32, #tpu.memory_space<vmem_shared>> -> memref<64x128xf32, #tpu.memory_space<vmem_shared>>
      tpu.wait_dma2 semaphore(%run_scoped3A_217 : memref<!tpu.dma_semaphore, #tpu.memory_space<semaphore_mem>>) src(%arg8 : memref<64x128xf32, #tpu.memory_space<vmem>>) dst(%dma_wait3A_225 : memref<64x128xf32, #tpu.memory_space<vmem_shared>>)
      tpu.yield
    }) : () -> ()
    %mul3A_9 = arith.constant 640 : i32
    %mul3A_10 = arith.muli %arg1, %mul3A_9 : i32
    %add3A_11 = arith.constant 128 : i32
    %add3A_12 = arith.addi %mul3A_10, %add3A_11 : i32
    "tpu.region"() ({
      %run_scoped3A_217 = tpu.sem_alloc : memref<!tpu.dma_semaphore, #tpu.memory_space<semaphore_mem>>
      %dma_start3A_218 = arith.constant 0 : i32
      %dma_start3A_219 = tpu.memref_slice %arg12[%add3A_12, %dma_start3A_218] : memref<10240x128xf32, #tpu.memory_space<vmem_shared>> -> memref<64x128xf32, #tpu.memory_space<vmem_shared>>
      %dma_start3A_220 = arith.constant 0 : i32
      %dma_start3A_221 = tpu.memref_slice %arg12[%add3A_12, %dma_start3A_220] : memref<10240x128xf32, #tpu.memory_space<vmem_shared>> -> memref<64x128xf32, #tpu.memory_space<vmem_shared>>
      tpu.enqueue_dma source(%arg8 : memref<64x128xf32, #tpu.memory_space<vmem>>) target(%dma_start3A_221 : memref<64x128xf32, #tpu.memory_space<vmem_shared>>) target_semaphore(%run_scoped3A_217 : memref<!tpu.dma_semaphore, #tpu.memory_space<semaphore_mem>>)
      %dma_wait3A_222 = arith.constant 0 : i32
      %dma_wait3A_223 = tpu.memref_slice %arg12[%add3A_12, %dma_wait3A_222] : memref<10240x128xf32, #tpu.memory_space<vmem_shared>> -> memref<64x128xf32, #tpu.memory_space<vmem_shared>>
      %dma_wait3A_224 = arith.constant 0 : i32
      %dma_wait3A_225 = tpu.memref_slice %arg12[%add3A_12, %dma_wait3A_224] : memref<10240x128xf32, #tpu.memory_space<vmem_shared>> -> memref<64x128xf32, #tpu.memory_space<vmem_shared>>
      tpu.wait_dma2 semaphore(%run_scoped3A_217 : memref<!tpu.dma_semaphore, #tpu.memory_space<semaphore_mem>>) src(%arg8 : memref<64x128xf32, #tpu.memory_space<vmem>>) dst(%dma_wait3A_225 : memref<64x128xf32, #tpu.memory_space<vmem_shared>>)
      tpu.yield
    }) : () -> ()
    %mul3A_13 = arith.constant 640 : i32
    %mul3A_14 = arith.muli %arg1, %mul3A_13 : i32
    %add3A_15 = arith.constant 192 : i32
    %add3A_16 = arith.addi %mul3A_14, %add3A_15 : i32
    "tpu.region"() ({
      %run_scoped3A_217 = tpu.sem_alloc : memref<!tpu.dma_semaphore, #tpu.memory_space<semaphore_mem>>
      %dma_start3A_218 = arith.constant 0 : i32
      %dma_start3A_219 = tpu.memref_slice %arg12[%add3A_16, %dma_start3A_218] : memref<10240x128xf32, #tpu.memory_space<vmem_shared>> -> memref<64x128xf32, #tpu.memory_space<vmem_shared>>
      %dma_start3A_220 = arith.constant 0 : i32
      %dma_start3A_221 = tpu.memref_slice %arg12[%add3A_16, %dma_start3A_220] : memref<10240x128xf32, #tpu.memory_space<vmem_shared>> -> memref<64x128xf32, #tpu.memory_space<vmem_shared>>
      tpu.enqueue_dma source(%arg8 : memref<64x128xf32, #tpu.memory_space<vmem>>) target(%dma_start3A_221 : memref<64x128xf32, #tpu.memory_space<vmem_shared>>) target_semaphore(%run_scoped3A_217 : memref<!tpu.dma_semaphore, #tpu.memory_space<semaphore_mem>>)
      %dma_wait3A_222 = arith.constant 0 : i32
      %dma_wait3A_223 = tpu.memref_slice %arg12[%add3A_16, %dma_wait3A_222] : memref<10240x128xf32, #tpu.memory_space<vmem_shared>> -> memref<64x128xf32, #tpu.memory_space<vmem_shared>>
      %dma_wait3A_224 = arith.constant 0 : i32
      %dma_wait3A_225 = tpu.memref_slice %arg12[%add3A_16, %dma_wait3A_224] : memref<10240x128xf32, #tpu.memory_space<vmem_shared>> -> memref<64x128xf32, #tpu.memory_space<vmem_shared>>
      tpu.wait_dma2 semaphore(%run_scoped3A_217 : memref<!tpu.dma_semaphore, #tpu.memory_space<semaphore_mem>>) src(%arg8 : memref<64x128xf32, #tpu.memory_space<vmem>>) dst(%dma_wait3A_225 : memref<64x128xf32, #tpu.memory_space<vmem_shared>>)
      tpu.yield
    }) : () -> ()
    %mul3A_17 = arith.constant 640 : i32
    %mul3A_18 = arith.muli %arg1, %mul3A_17 : i32
    %add3A_19 = arith.constant 256 : i32
    %add3A_20 = arith.addi %mul3A_18, %add3A_19 : i32
    "tpu.region"() ({
      %run_scoped3A_217 = tpu.sem_alloc : memref<!tpu.dma_semaphore, #tpu.memory_space<semaphore_mem>>
      %dma_start3A_218 = arith.constant 0 : i32
      %dma_start3A_219 = tpu.memref_slice %arg12[%add3A_20, %dma_start3A_218] : memref<10240x128xf32, #tpu.memory_space<vmem_shared>> -> memref<64x128xf32, #tpu.memory_space<vmem_shared>>
      %dma_start3A_220 = arith.constant 0 : i32
      %dma_start3A_221 = tpu.memref_slice %arg12[%add3A_20, %dma_start3A_220] : memref<10240x128xf32, #tpu.memory_space<vmem_shared>> -> memref<64x128xf32, #tpu.memory_space<vmem_shared>>
      tpu.enqueue_dma source(%arg8 : memref<64x128xf32, #tpu.memory_space<vmem>>) target(%dma_start3A_221 : memref<64x128xf32, #tpu.memory_space<vmem_shared>>) target_semaphore(%run_scoped3A_217 : memref<!tpu.dma_semaphore, #tpu.memory_space<semaphore_mem>>)
      %dma_wait3A_222 = arith.constant 0 : i32
      %dma_wait3A_223 = tpu.memref_slice %arg12[%add3A_20, %dma_wait3A_222] : memref<10240x128xf32, #tpu.memory_space<vmem_shared>> -> memref<64x128xf32, #tpu.memory_space<vmem_shared>>
      %dma_wait3A_224 = arith.constant 0 : i32
      %dma_wait3A_225 = tpu.memref_slice %arg12[%add3A_20, %dma_wait3A_224] : memref<10240x128xf32, #tpu.memory_space<vmem_shared>> -> memref<64x128xf32, #tpu.memory_space<vmem_shared>>
      tpu.wait_dma2 semaphore(%run_scoped3A_217 : memref<!tpu.dma_semaphore, #tpu.memory_space<semaphore_mem>>) src(%arg8 : memref<64x128xf32, #tpu.memory_space<vmem>>) dst(%dma_wait3A_225 : memref<64x128xf32, #tpu.memory_space<vmem_shared>>)
      tpu.yield
    }) : () -> ()
    %mul3A_21 = arith.constant 640 : i32
    %mul3A_22 = arith.muli %arg1, %mul3A_21 : i32
    %add3A_23 = arith.constant 320 : i32
    %add3A_24 = arith.addi %mul3A_22, %add3A_23 : i32
    "tpu.region"() ({
      %run_scoped3A_217 = tpu.sem_alloc : memref<!tpu.dma_semaphore, #tpu.memory_space<semaphore_mem>>
      %dma_start3A_218 = arith.constant 0 : i32
      %dma_start3A_219 = tpu.memref_slice %arg12[%add3A_24, %dma_start3A_218] : memref<10240x128xf32, #tpu.memory_space<vmem_shared>> -> memref<64x128xf32, #tpu.memory_space<vmem_shared>>
      %dma_start3A_220 = arith.constant 0 : i32
      %dma_start3A_221 = tpu.memref_slice %arg12[%add3A_24, %dma_start3A_220] : memref<10240x128xf32, #tpu.memory_space<vmem_shared>> -> memref<64x128xf32, #tpu.memory_space<vmem_shared>>
      tpu.enqueue_dma source(%arg8 : memref<64x128xf32, #tpu.memory_space<vmem>>) target(%dma_start3A_221 : memref<64x128xf32, #tpu.memory_space<vmem_shared>>) target_semaphore(%run_scoped3A_217 : memref<!tpu.dma_semaphore, #tpu.memory_space<semaphore_mem>>)
      %dma_wait3A_222 = arith.constant 0 : i32
      %dma_wait3A_223 = tpu.memref_slice %arg12[%add3A_24, %dma_wait3A_222] : memref<10240x128xf32, #tpu.memory_space<vmem_shared>> -> memref<64x128xf32, #tpu.memory_space<vmem_shared>>
      %dma_wait3A_224 = arith.constant 0 : i32
      %dma_wait3A_225 = tpu.memref_slice %arg12[%add3A_24, %dma_wait3A_224] : memref<10240x128xf32, #tpu.memory_space<vmem_shared>> -> memref<64x128xf32, #tpu.memory_space<vmem_shared>>
      tpu.wait_dma2 semaphore(%run_scoped3A_217 : memref<!tpu.dma_semaphore, #tpu.memory_space<semaphore_mem>>) src(%arg8 : memref<64x128xf32, #tpu.memory_space<vmem>>) dst(%dma_wait3A_225 : memref<64x128xf32, #tpu.memory_space<vmem_shared>>)
      tpu.yield
    }) : () -> ()
    %mul3A_25 = arith.constant 640 : i32
    %mul3A_26 = arith.muli %arg1, %mul3A_25 : i32
    %add3A_27 = arith.constant 384 : i32
    %add3A_28 = arith.addi %mul3A_26, %add3A_27 : i32
    "tpu.region"() ({
      %run_scoped3A_217 = tpu.sem_alloc : memref<!tpu.dma_semaphore, #tpu.memory_space<semaphore_mem>>
      %dma_start3A_218 = arith.constant 0 : i32
      %dma_start3A_219 = tpu.memref_slice %arg12[%add3A_28, %dma_start3A_218] : memref<10240x128xf32, #tpu.memory_space<vmem_shared>> -> memref<64x128xf32, #tpu.memory_space<vmem_shared>>
      %dma_start3A_220 = arith.constant 0 : i32
      %dma_start3A_221 = tpu.memref_slice %arg12[%add3A_28, %dma_start3A_220] : memref<10240x128xf32, #tpu.memory_space<vmem_shared>> -> memref<64x128xf32, #tpu.memory_space<vmem_shared>>
      tpu.enqueue_dma source(%arg8 : memref<64x128xf32, #tpu.memory_space<vmem>>) target(%dma_start3A_221 : memref<64x128xf32, #tpu.memory_space<vmem_shared>>) target_semaphore(%run_scoped3A_217 : memref<!tpu.dma_semaphore, #tpu.memory_space<semaphore_mem>>)
      %dma_wait3A_222 = arith.constant 0 : i32
      %dma_wait3A_223 = tpu.memref_slice %arg12[%add3A_28, %dma_wait3A_222] : memref<10240x128xf32, #tpu.memory_space<vmem_shared>> -> memref<64x128xf32, #tpu.memory_space<vmem_shared>>
      %dma_wait3A_224 = arith.constant 0 : i32
      %dma_wait3A_225 = tpu.memref_slice %arg12[%add3A_28, %dma_wait3A_224] : memref<10240x128xf32, #tpu.memory_space<vmem_shared>> -> memref<64x128xf32, #tpu.memory_space<vmem_shared>>
      tpu.wait_dma2 semaphore(%run_scoped3A_217 : memref<!tpu.dma_semaphore, #tpu.memory_space<semaphore_mem>>) src(%arg8 : memref<64x128xf32, #tpu.memory_space<vmem>>) dst(%dma_wait3A_225 : memref<64x128xf32, #tpu.memory_space<vmem_shared>>)
      tpu.yield
    }) : () -> ()
    %mul3A_29 = arith.constant 640 : i32
    %mul3A_30 = arith.muli %arg1, %mul3A_29 : i32
    %add3A_31 = arith.constant 448 : i32
    %add3A_32 = arith.addi %mul3A_30, %add3A_31 : i32
    "tpu.region"() ({
      %run_scoped3A_217 = tpu.sem_alloc : memref<!tpu.dma_semaphore, #tpu.memory_space<semaphore_mem>>
      %dma_start3A_218 = arith.constant 0 : i32
      %dma_start3A_219 = tpu.memref_slice %arg12[%add3A_32, %dma_start3A_218] : memref<10240x128xf32, #tpu.memory_space<vmem_shared>> -> memref<64x128xf32, #tpu.memory_space<vmem_shared>>
      %dma_start3A_220 = arith.constant 0 : i32
      %dma_start3A_221 = tpu.memref_slice %arg12[%add3A_32, %dma_start3A_220] : memref<10240x128xf32, #tpu.memory_space<vmem_shared>> -> memref<64x128xf32, #tpu.memory_space<vmem_shared>>
      tpu.enqueue_dma source(%arg8 : memref<64x128xf32, #tpu.memory_space<vmem>>) target(%dma_start3A_221 : memref<64x128xf32, #tpu.memory_space<vmem_shared>>) target_semaphore(%run_scoped3A_217 : memref<!tpu.dma_semaphore, #tpu.memory_space<semaphore_mem>>)
      %dma_wait3A_222 = arith.constant 0 : i32
      %dma_wait3A_223 = tpu.memref_slice %arg12[%add3A_32, %dma_wait3A_222] : memref<10240x128xf32, #tpu.memory_space<vmem_shared>> -> memref<64x128xf32, #tpu.memory_space<vmem_shared>>
      %dma_wait3A_224 = arith.constant 0 : i32
      %dma_wait3A_225 = tpu.memref_slice %arg12[%add3A_32, %dma_wait3A_224] : memref<10240x128xf32, #tpu.memory_space<vmem_shared>> -> memref<64x128xf32, #tpu.memory_space<vmem_shared>>
      tpu.wait_dma2 semaphore(%run_scoped3A_217 : memref<!tpu.dma_semaphore, #tpu.memory_space<semaphore_mem>>) src(%arg8 : memref<64x128xf32, #tpu.memory_space<vmem>>) dst(%dma_wait3A_225 : memref<64x128xf32, #tpu.memory_space<vmem_shared>>)
      tpu.yield
    }) : () -> ()
    %mul3A_33 = arith.constant 640 : i32
    %mul3A_34 = arith.muli %arg1, %mul3A_33 : i32
    %add3A_35 = arith.constant 512 : i32
    %add3A_36 = arith.addi %mul3A_34, %add3A_35 : i32
    "tpu.region"() ({
      %run_scoped3A_217 = tpu.sem_alloc : memref<!tpu.dma_semaphore, #tpu.memory_space<semaphore_mem>>
      %dma_start3A_218 = arith.constant 0 : i32
      %dma_start3A_219 = tpu.memref_slice %arg12[%add3A_36, %dma_start3A_218] : memref<10240x128xf32, #tpu.memory_space<vmem_shared>> -> memref<64x128xf32, #tpu.memory_space<vmem_shared>>
      %dma_start3A_220 = arith.constant 0 : i32
      %dma_start3A_221 = tpu.memref_slice %arg12[%add3A_36, %dma_start3A_220] : memref<10240x128xf32, #tpu.memory_space<vmem_shared>> -> memref<64x128xf32, #tpu.memory_space<vmem_shared>>
      tpu.enqueue_dma source(%arg8 : memref<64x128xf32, #tpu.memory_space<vmem>>) target(%dma_start3A_221 : memref<64x128xf32, #tpu.memory_space<vmem_shared>>) target_semaphore(%run_scoped3A_217 : memref<!tpu.dma_semaphore, #tpu.memory_space<semaphore_mem>>)
      %dma_wait3A_222 = arith.constant 0 : i32
      %dma_wait3A_223 = tpu.memref_slice %arg12[%add3A_36, %dma_wait3A_222] : memref<10240x128xf32, #tpu.memory_space<vmem_shared>> -> memref<64x128xf32, #tpu.memory_space<vmem_shared>>
      %dma_wait3A_224 = arith.constant 0 : i32
      %dma_wait3A_225 = tpu.memref_slice %arg12[%add3A_36, %dma_wait3A_224] : memref<10240x128xf32, #tpu.memory_space<vmem_shared>> -> memref<64x128xf32, #tpu.memory_space<vmem_shared>>
      tpu.wait_dma2 semaphore(%run_scoped3A_217 : memref<!tpu.dma_semaphore, #tpu.memory_space<semaphore_mem>>) src(%arg8 : memref<64x128xf32, #tpu.memory_space<vmem>>) dst(%dma_wait3A_225 : memref<64x128xf32, #tpu.memory_space<vmem_shared>>)
      tpu.yield
    }) : () -> ()
    %mul3A_37 = arith.constant 640 : i32
    %mul3A_38 = arith.muli %arg1, %mul3A_37 : i32
    %add3A_39 = arith.constant 576 : i32
    %add3A_40 = arith.addi %mul3A_38, %add3A_39 : i32
    "tpu.region"() ({
      %run_scoped3A_217 = tpu.sem_alloc : memref<!tpu.dma_semaphore, #tpu.memory_space<semaphore_mem>>
      %dma_start3A_218 = arith.constant 0 : i32
      %dma_start3A_219 = tpu.memref_slice %arg12[%add3A_40, %dma_start3A_218] : memref<10240x128xf32, #tpu.memory_space<vmem_shared>> -> memref<64x128xf32, #tpu.memory_space<vmem_shared>>
      %dma_start3A_220 = arith.constant 0 : i32
      %dma_start3A_221 = tpu.memref_slice %arg12[%add3A_40, %dma_start3A_220] : memref<10240x128xf32, #tpu.memory_space<vmem_shared>> -> memref<64x128xf32, #tpu.memory_space<vmem_shared>>
      tpu.enqueue_dma source(%arg8 : memref<64x128xf32, #tpu.memory_space<vmem>>) target(%dma_start3A_221 : memref<64x128xf32, #tpu.memory_space<vmem_shared>>) target_semaphore(%run_scoped3A_217 : memref<!tpu.dma_semaphore, #tpu.memory_space<semaphore_mem>>)
      %dma_wait3A_222 = arith.constant 0 : i32
      %dma_wait3A_223 = tpu.memref_slice %arg12[%add3A_40, %dma_wait3A_222] : memref<10240x128xf32, #tpu.memory_space<vmem_shared>> -> memref<64x128xf32, #tpu.memory_space<vmem_shared>>
      %dma_wait3A_224 = arith.constant 0 : i32
      %dma_wait3A_225 = tpu.memref_slice %arg12[%add3A_40, %dma_wait3A_224] : memref<10240x128xf32, #tpu.memory_space<vmem_shared>> -> memref<64x128xf32, #tpu.memory_space<vmem_shared>>
      tpu.wait_dma2 semaphore(%run_scoped3A_217 : memref<!tpu.dma_semaphore, #tpu.memory_space<semaphore_mem>>) src(%arg8 : memref<64x128xf32, #tpu.memory_space<vmem>>) dst(%dma_wait3A_225 : memref<64x128xf32, #tpu.memory_space<vmem_shared>>)
      tpu.yield
    }) : () -> ()
    %barrier3A = arith.constant 0 : index
    tpu.barrier barrier_id(%barrier3A)
    %get3A = arith.constant 0 : i32
    %get3A_41 = arith.index_cast %get3A : i32 to index
    %get3A_42 = arith.constant 0 : index
    %get3A_43 = tpu.vector_load %arg6[%get3A_41, %get3A_42] {strides = array<i32>} : memref<157x64xi32, #tpu.memory_space<vmem>>, vector<1x16xi32>,
    %get3A_44 = vector.shape_cast %get3A_43 : vector<1x16xi32> to vector<16xi32>
    %and3A = arith.constant 65535 : i32
    %and3A_45 = vector.broadcast %and3A : i32 to vector<16xi32>
    %and3A_46 = arith.andi %get3A_44, %and3A_45 : vector<16xi32>
    %swap3A = arith.constant 0 : i32
    %swap3A_47 = arith.index_cast %swap3A : i32 to index
    %swap3A_48 = arith.constant 0 : index
    %swap3A_49 = tpu.vector_load %arg7[%swap3A_47, %swap3A_48] {strides = array<i32>} : memref<4x64xi32, #tpu.memory_space<vmem>>, vector<1x16xi32>,
    %swap3A_50 = vector.shape_cast %swap3A_49 : vector<1x16xi32> to vector<16xi32>
    %swap3A_51 = vector.shape_cast %and3A_46 : vector<16xi32> to vector<1x16xi32>
    tpu.vector_store %arg7[%swap3A_47, %swap3A_48], %swap3A_51 {strides = array<i32>} : memref<4x64xi32, #tpu.memory_space<vmem>>, vector<1x16xi32>,
    %shift_right_logical3A = arith.constant 16 : i32
    %shift_right_logical3A_52 = vector.broadcast %shift_right_logical3A : i32 to vector<16xi32>
    %shift_right_logical3A_53 = arith.shrui %get3A_44, %shift_right_logical3A_52 : vector<16xi32>
    %swap3A_54 = arith.constant 1 : i32
    %swap3A_55 = arith.index_cast %swap3A_54 : i32 to index
    %swap3A_56 = arith.constant 0 : index
    %swap3A_57 = tpu.vector_load %arg7[%swap3A_55, %swap3A_56] {strides = array<i32>} : memref<4x64xi32, #tpu.memory_space<vmem>>, vector<1x16xi32>,
    %swap3A_58 = vector.shape_cast %swap3A_57 : vector<1x16xi32> to vector<16xi32>
    %swap3A_59 = vector.shape_cast %shift_right_logical3A_53 : vector<16xi32> to vector<1x16xi32>
    tpu.vector_store %arg7[%swap3A_55, %swap3A_56], %swap3A_59 {strides = array<i32>} : memref<4x64xi32, #tpu.memory_space<vmem>>, vector<1x16xi32>,
    %get3A_60 = arith.constant 0 : i32
    %get3A_61 = arith.index_cast %get3A_60 : i32 to index
    %get3A_62 = arith.constant 16 : index
    %get3A_63 = tpu.vector_load %arg6[%get3A_61, %get3A_62] {strides = array<i32>} : memref<157x64xi32, #tpu.memory_space<vmem>>, vector<1x16xi32>,
    %get3A_64 = vector.shape_cast %get3A_63 : vector<1x16xi32> to vector<16xi32>
    %and3A_65 = arith.constant 65535 : i32
    %and3A_66 = vector.broadcast %and3A_65 : i32 to vector<16xi32>
    %and3A_67 = arith.andi %get3A_64, %and3A_66 : vector<16xi32>
    %swap3A_68 = arith.constant 0 : i32
    %swap3A_69 = arith.index_cast %swap3A_68 : i32 to index
    %swap3A_70 = arith.constant 16 : index
    %swap3A_71 = tpu.vector_load %arg7[%swap3A_69, %swap3A_70] {strides = array<i32>} : memref<4x64xi32, #tpu.memory_space<vmem>>, vector<1x16xi32>,
    %swap3A_72 = vector.shape_cast %swap3A_71 : vector<1x16xi32> to vector<16xi32>
    %swap3A_73 = vector.shape_cast %and3A_67 : vector<16xi32> to vector<1x16xi32>
    tpu.vector_store %arg7[%swap3A_69, %swap3A_70], %swap3A_73 {strides = array<i32>} : memref<4x64xi32, #tpu.memory_space<vmem>>, vector<1x16xi32>,
    %shift_right_logical3A_74 = arith.constant 16 : i32
    %shift_right_logical3A_75 = vector.broadcast %shift_right_logical3A_74 : i32 to vector<16xi32>
    %shift_right_logical3A_76 = arith.shrui %get3A_64, %shift_right_logical3A_75 : vector<16xi32>
    %swap3A_77 = arith.constant 1 : i32
    %swap3A_78 = arith.index_cast %swap3A_77 : i32 to index
    %swap3A_79 = arith.constant 16 : index
    %swap3A_80 = tpu.vector_load %arg7[%swap3A_78, %swap3A_79] {strides = array<i32>} : memref<4x64xi32, #tpu.memory_space<vmem>>, vector<1x16xi32>,
    %swap3A_81 = vector.shape_cast %swap3A_80 : vector<1x16xi32> to vector<16xi32>
    %swap3A_82 = vector.shape_cast %shift_right_logical3A_76 : vector<16xi32> to vector<1x16xi32>
    tpu.vector_store %arg7[%swap3A_78, %swap3A_79], %swap3A_82 {strides = array<i32>} : memref<4x64xi32, #tpu.memory_space<vmem>>, vector<1x16xi32>,
    %get3A_83 = arith.constant 0 : i32
    %get3A_84 = arith.index_cast %get3A_83 : i32 to index
    %get3A_85 = arith.constant 32 : index
    %get3A_86 = tpu.vector_load %arg6[%get3A_84, %get3A_85] {strides = array<i32>} : memref<157x64xi32, #tpu.memory_space<vmem>>, vector<1x16xi32>,
    %get3A_87 = vector.shape_cast %get3A_86 : vector<1x16xi32> to vector<16xi32>
    %and3A_88 = arith.constant 65535 : i32
    %and3A_89 = vector.broadcast %and3A_88 : i32 to vector<16xi32>
    %and3A_90 = arith.andi %get3A_87, %and3A_89 : vector<16xi32>
    %swap3A_91 = arith.constant 0 : i32
    %swap3A_92 = arith.index_cast %swap3A_91 : i32 to index
    %swap3A_93 = arith.constant 32 : index
    %swap3A_94 = tpu.vector_load %arg7[%swap3A_92, %swap3A_93] {strides = array<i32>} : memref<4x64xi32, #tpu.memory_space<vmem>>, vector<1x16xi32>,
    %swap3A_95 = vector.shape_cast %swap3A_94 : vector<1x16xi32> to vector<16xi32>
    %swap3A_96 = vector.shape_cast %and3A_90 : vector<16xi32> to vector<1x16xi32>
    tpu.vector_store %arg7[%swap3A_92, %swap3A_93], %swap3A_96 {strides = array<i32>} : memref<4x64xi32, #tpu.memory_space<vmem>>, vector<1x16xi32>,
    %shift_right_logical3A_97 = arith.constant 16 : i32
    %shift_right_logical3A_98 = vector.broadcast %shift_right_logical3A_97 : i32 to vector<16xi32>
    %shift_right_logical3A_99 = arith.shrui %get3A_87, %shift_right_logical3A_98 : vector<16xi32>
    %swap3A_100 = arith.constant 1 : i32
    %swap3A_101 = arith.index_cast %swap3A_100 : i32 to index
    %swap3A_102 = arith.constant 32 : index
    %swap3A_103 = tpu.vector_load %arg7[%swap3A_101, %swap3A_102] {strides = array<i32>} : memref<4x64xi32, #tpu.memory_space<vmem>>, vector<1x16xi32>,
    %swap3A_104 = vector.shape_cast %swap3A_103 : vector<1x16xi32> to vector<16xi32>
    %swap3A_105 = vector.shape_cast %shift_right_logical3A_99 : vector<16xi32> to vector<1x16xi32>
    tpu.vector_store %arg7[%swap3A_101, %swap3A_102], %swap3A_105 {strides = array<i32>} : memref<4x64xi32, #tpu.memory_space<vmem>>, vector<1x16xi32>,
    %get3A_106 = arith.constant 0 : i32
    %get3A_107 = arith.index_cast %get3A_106 : i32 to index
    %get3A_108 = arith.constant 48 : index
    %get3A_109 = tpu.vector_load %arg6[%get3A_107, %get3A_108] {strides = array<i32>} : memref<157x64xi32, #tpu.memory_space<vmem>>, vector<1x16xi32>,
    %get3A_110 = vector.shape_cast %get3A_109 : vector<1x16xi32> to vector<16xi32>
    %and3A_111 = arith.constant 65535 : i32
    %and3A_112 = vector.broadcast %and3A_111 : i32 to vector<16xi32>
    %and3A_113 = arith.andi %get3A_110, %and3A_112 : vector<16xi32>
    %swap3A_114 = arith.constant 0 : i32
    %swap3A_115 = arith.index_cast %swap3A_114 : i32 to index
    %swap3A_116 = arith.constant 48 : index
    %swap3A_117 = tpu.vector_load %arg7[%swap3A_115, %swap3A_116] {strides = array<i32>} : memref<4x64xi32, #tpu.memory_space<vmem>>, vector<1x16xi32>,
    %swap3A_118 = vector.shape_cast %swap3A_117 : vector<1x16xi32> to vector<16xi32>
    %swap3A_119 = vector.shape_cast %and3A_113 : vector<16xi32> to vector<1x16xi32>
    tpu.vector_store %arg7[%swap3A_115, %swap3A_116], %swap3A_119 {strides = array<i32>} : memref<4x64xi32, #tpu.memory_space<vmem>>, vector<1x16xi32>,
    %shift_right_logical3A_120 = arith.constant 16 : i32
    %shift_right_logical3A_121 = vector.broadcast %shift_right_logical3A_120 : i32 to vector<16xi32>
    %shift_right_logical3A_122 = arith.shrui %get3A_110, %shift_right_logical3A_121 : vector<16xi32>
    %swap3A_123 = arith.constant 1 : i32
    %swap3A_124 = arith.index_cast %swap3A_123 : i32 to index
    %swap3A_125 = arith.constant 48 : index
    %swap3A_126 = tpu.vector_load %arg7[%swap3A_124, %swap3A_125] {strides = array<i32>} : memref<4x64xi32, #tpu.memory_space<vmem>>, vector<1x16xi32>,
    %swap3A_127 = vector.shape_cast %swap3A_126 : vector<1x16xi32> to vector<16xi32>
    %swap3A_128 = vector.shape_cast %shift_right_logical3A_122 : vector<16xi32> to vector<1x16xi32>
    tpu.vector_store %arg7[%swap3A_124, %swap3A_125], %swap3A_128 {strides = array<i32>} : memref<4x64xi32, #tpu.memory_space<vmem>>, vector<1x16xi32>,
    %dma_start3A = arith.constant 0 : i32
    %dma_start3A_129 = arith.constant 0 : i32
    %dma_start3A_130 = tpu.memref_slice %arg7[%dma_start3A, %dma_start3A_129] : memref<4x64xi32, #tpu.memory_space<vmem>> -> memref<1x64xi32, #tpu.memory_space<vmem>>
    %dma_start3A_131 = tpu.memref_squeeze %dma_start3A_130 : memref<1x64xi32, #tpu.memory_space<vmem>> -> memref<64xi32, #tpu.memory_space<vmem>>
    %dma_start3A_132 = arith.constant 0 : i32
    %dma_start3A_133 = arith.constant 0 : i32
    %dma_start3A_134 = tpu.memref_slice %arg2[%dma_start3A_132, %dma_start3A_133] : memref<10000x128xf32, #tpu.memory_space<hbm>> -> memref<10000x128xf32, #tpu.memory_space<hbm>>
    tpu.enqueue_indirect_dma source(%dma_start3A_134 : memref<10000x128xf32, #tpu.memory_space<hbm>>) target(%arg8 : memref<64x128xf32, #tpu.memory_space<vmem>>) offsets(%dma_start3A_131 : memref<64xi32, #tpu.memory_space<vmem>>) semaphore(%arg10 : memref<!tpu.dma_semaphore, #tpu.memory_space<semaphore_mem>>)
    %scan3A = arith.constant 0 : i32
    %scan3A_135 = arith.constant 0 : i32
    %scan3A_136 = arith.constant 78 : i32
    %scan3A_137 = arith.addi %scan3A_135, %scan3A_136 : i32
    %scan3A_138 = arith.constant 1 : i32
    scf.for %scan3A_217 = %scan3A_135 to %scan3A_137 step %scan3A_138  : i32 {
      %mul3A_218 = arith.constant 2 : i32
      %mul3A_219 = arith.muli %mul3A_218, %scan3A_217 : i32
      %add3A_220 = arith.constant 1 : i32
      %add3A_221 = arith.addi %mul3A_219, %add3A_220 : i32
      %get3A_222 = arith.index_cast %add3A_221 : i32 to index
      %get3A_223 = arith.constant 0 : index
      %get3A_224 = tpu.vector_load %arg6[%get3A_222, %get3A_223] {strides = array<i32>} : memref<157x64xi32, #tpu.memory_space<vmem>>, vector<1x16xi32>,
      %get3A_225 = vector.shape_cast %get3A_224 : vector<1x16xi32> to vector<16xi32>
      %and3A_226 = arith.constant 65535 : i32
      %and3A_227 = vector.broadcast %and3A_226 : i32 to vector<16xi32>
      %and3A_228 = arith.andi %get3A_225, %and3A_227 : vector<16xi32>
      %swap3A_229 = arith.constant 2 : i32
      %swap3A_230 = arith.index_cast %swap3A_229 : i32 to index
      %swap3A_231 = arith.constant 0 : index
      %swap3A_232 = tpu.vector_load %arg7[%swap3A_230, %swap3A_231] {strides = array<i32>} : memref<4x64xi32, #tpu.memory_space<vmem>>, vector<1x16xi32>,
      %swap3A_233 = vector.shape_cast %swap3A_232 : vector<1x16xi32> to vector<16xi32>
      %swap3A_234 = vector.shape_cast %and3A_228 : vector<16xi32> to vector<1x16xi32>
      tpu.vector_store %arg7[%swap3A_230, %swap3A_231], %swap3A_234 {strides = array<i32>} : memref<4x64xi32, #tpu.memory_space<vmem>>, vector<1x16xi32>,
      %shift_right_logical3A_235 = arith.constant 16 : i32
      %shift_right_logical3A_236 = vector.broadcast %shift_right_logical3A_235 : i32 to vector<16xi32>
      %shift_right_logical3A_237 = arith.shrui %get3A_225, %shift_right_logical3A_236 : vector<16xi32>
      %swap3A_238 = arith.constant 3 : i32
      %swap3A_239 = arith.index_cast %swap3A_238 : i32 to index
      %swap3A_240 = arith.constant 0 : index
      %swap3A_241 = tpu.vector_load %arg7[%swap3A_239, %swap3A_240] {strides = array<i32>} : memref<4x64xi32, #tpu.memory_space<vmem>>, vector<1x16xi32>,
      %swap3A_242 = vector.shape_cast %swap3A_241 : vector<1x16xi32> to vector<16xi32>
      %swap3A_243 = vector.shape_cast %shift_right_logical3A_237 : vector<16xi32> to vector<1x16xi32>
      tpu.vector_store %arg7[%swap3A_239, %swap3A_240], %swap3A_243 {strides = array<i32>} : memref<4x64xi32, #tpu.memory_space<vmem>>, vector<1x16xi32>,
      %get3A_244 = arith.index_cast %add3A_221 : i32 to index
      %get3A_245 = arith.constant 16 : index
      %get3A_246 = tpu.vector_load %arg6[%get3A_244, %get3A_245] {strides = array<i32>} : memref<157x64xi32, #tpu.memory_space<vmem>>, vector<1x16xi32>,
      %get3A_247 = vector.shape_cast %get3A_246 : vector<1x16xi32> to vector<16xi32>
      %and3A_248 = arith.constant 65535 : i32
      %and3A_249 = vector.broadcast %and3A_248 : i32 to vector<16xi32>
      %and3A_250 = arith.andi %get3A_247, %and3A_249 : vector<16xi32>
      %swap3A_251 = arith.constant 2 : i32
      %swap3A_252 = arith.index_cast %swap3A_251 : i32 to index
      %swap3A_253 = arith.constant 16 : index
      %swap3A_254 = tpu.vector_load %arg7[%swap3A_252, %swap3A_253] {strides = array<i32>} : memref<4x64xi32, #tpu.memory_space<vmem>>, vector<1x16xi32>,
      %swap3A_255 = vector.shape_cast %swap3A_254 : vector<1x16xi32> to vector<16xi32>
      %swap3A_256 = vector.shape_cast %and3A_250 : vector<16xi32> to vector<1x16xi32>
      tpu.vector_store %arg7[%swap3A_252, %swap3A_253], %swap3A_256 {strides = array<i32>} : memref<4x64xi32, #tpu.memory_space<vmem>>, vector<1x16xi32>,
      %shift_right_logical3A_257 = arith.constant 16 : i32
      %shift_right_logical3A_258 = vector.broadcast %shift_right_logical3A_257 : i32 to vector<16xi32>
      %shift_right_logical3A_259 = arith.shrui %get3A_247, %shift_right_logical3A_258 : vector<16xi32>
      %swap3A_260 = arith.constant 3 : i32
      %swap3A_261 = arith.index_cast %swap3A_260 : i32 to index
      %swap3A_262 = arith.constant 16 : index
      %swap3A_263 = tpu.vector_load %arg7[%swap3A_261, %swap3A_262] {strides = array<i32>} : memref<4x64xi32, #tpu.memory_space<vmem>>, vector<1x16xi32>,
      %swap3A_264 = vector.shape_cast %swap3A_263 : vector<1x16xi32> to vector<16xi32>
      %swap3A_265 = vector.shape_cast %shift_right_logical3A_259 : vector<16xi32> to vector<1x16xi32>
      tpu.vector_store %arg7[%swap3A_261, %swap3A_262], %swap3A_265 {strides = array<i32>} : memref<4x64xi32, #tpu.memory_space<vmem>>, vector<1x16xi32>,
      %get3A_266 = arith.index_cast %add3A_221 : i32 to index
      %get3A_267 = arith.constant 32 : index
      %get3A_268 = tpu.vector_load %arg6[%get3A_266, %get3A_267] {strides = array<i32>} : memref<157x64xi32, #tpu.memory_space<vmem>>, vector<1x16xi32>,
      %get3A_269 = vector.shape_cast %get3A_268 : vector<1x16xi32> to vector<16xi32>
      %and3A_270 = arith.constant 65535 : i32
      %and3A_271 = vector.broadcast %and3A_270 : i32 to vector<16xi32>
      %and3A_272 = arith.andi %get3A_269, %and3A_271 : vector<16xi32>
      %swap3A_273 = arith.constant 2 : i32
      %swap3A_274 = arith.index_cast %swap3A_273 : i32 to index
      %swap3A_275 = arith.constant 32 : index
      %swap3A_276 = tpu.vector_load %arg7[%swap3A_274, %swap3A_275] {strides = array<i32>} : memref<4x64xi32, #tpu.memory_space<vmem>>, vector<1x16xi32>,
      %swap3A_277 = vector.shape_cast %swap3A_276 : vector<1x16xi32> to vector<16xi32>
      %swap3A_278 = vector.shape_cast %and3A_272 : vector<16xi32> to vector<1x16xi32>
      tpu.vector_store %arg7[%swap3A_274, %swap3A_275], %swap3A_278 {strides = array<i32>} : memref<4x64xi32, #tpu.memory_space<vmem>>, vector<1x16xi32>,
      %shift_right_logical3A_279 = arith.constant 16 : i32
      %shift_right_logical3A_280 = vector.broadcast %shift_right_logical3A_279 : i32 to vector<16xi32>
      %shift_right_logical3A_281 = arith.shrui %get3A_269, %shift_right_logical3A_280 : vector<16xi32>
      %swap3A_282 = arith.constant 3 : i32
      %swap3A_283 = arith.index_cast %swap3A_282 : i32 to index
      %swap3A_284 = arith.constant 32 : index
      %swap3A_285 = tpu.vector_load %arg7[%swap3A_283, %swap3A_284] {strides = array<i32>} : memref<4x64xi32, #tpu.memory_space<vmem>>, vector<1x16xi32>,
      %swap3A_286 = vector.shape_cast %swap3A_285 : vector<1x16xi32> to vector<16xi32>
      %swap3A_287 = vector.shape_cast %shift_right_logical3A_281 : vector<16xi32> to vector<1x16xi32>
      tpu.vector_store %arg7[%swap3A_283, %swap3A_284], %swap3A_287 {strides = array<i32>} : memref<4x64xi32, #tpu.memory_space<vmem>>, vector<1x16xi32>,
      %get3A_288 = arith.index_cast %add3A_221 : i32 to index
      %get3A_289 = arith.constant 48 : index
      %get3A_290 = tpu.vector_load %arg6[%get3A_288, %get3A_289] {strides = array<i32>} : memref<157x64xi32, #tpu.memory_space<vmem>>, vector<1x16xi32>,
      %get3A_291 = vector.shape_cast %get3A_290 : vector<1x16xi32> to vector<16xi32>
      %and3A_292 = arith.constant 65535 : i32
      %and3A_293 = vector.broadcast %and3A_292 : i32 to vector<16xi32>
      %and3A_294 = arith.andi %get3A_291, %and3A_293 : vector<16xi32>
      %swap3A_295 = arith.constant 2 : i32
      %swap3A_296 = arith.index_cast %swap3A_295 : i32 to index
      %swap3A_297 = arith.constant 48 : index
      %swap3A_298 = tpu.vector_load %arg7[%swap3A_296, %swap3A_297] {strides = array<i32>} : memref<4x64xi32, #tpu.memory_space<vmem>>, vector<1x16xi32>,
      %swap3A_299 = vector.shape_cast %swap3A_298 : vector<1x16xi32> to vector<16xi32>
      %swap3A_300 = vector.shape_cast %and3A_294 : vector<16xi32> to vector<1x16xi32>
      tpu.vector_store %arg7[%swap3A_296, %swap3A_297], %swap3A_300 {strides = array<i32>} : memref<4x64xi32, #tpu.memory_space<vmem>>, vector<1x16xi32>,
      %shift_right_logical3A_301 = arith.constant 16 : i32
      %shift_right_logical3A_302 = vector.broadcast %shift_right_logical3A_301 : i32 to vector<16xi32>
      %shift_right_logical3A_303 = arith.shrui %get3A_291, %shift_right_logical3A_302 : vector<16xi32>
      %swap3A_304 = arith.constant 3 : i32
      %swap3A_305 = arith.index_cast %swap3A_304 : i32 to index
      %swap3A_306 = arith.constant 48 : index
      %swap3A_307 = tpu.vector_load %arg7[%swap3A_305, %swap3A_306] {strides = array<i32>} : memref<4x64xi32, #tpu.memory_space<vmem>>, vector<1x16xi32>,
      %swap3A_308 = vector.shape_cast %swap3A_307 : vector<1x16xi32> to vector<16xi32>
      %swap3A_309 = vector.shape_cast %shift_right_logical3A_303 : vector<16xi32> to vector<1x16xi32>
      tpu.vector_store %arg7[%swap3A_305, %swap3A_306], %swap3A_309 {strides = array<i32>} : memref<4x64xi32, #tpu.memory_space<vmem>>, vector<1x16xi32>,
      %dma_start3A_310 = arith.constant 2 : i32
      %dma_start3A_311 = arith.constant 0 : i32
      %dma_start3A_312 = tpu.memref_slice %arg7[%dma_start3A_310, %dma_start3A_311] : memref<4x64xi32, #tpu.memory_space<vmem>> -> memref<1x64xi32, #tpu.memory_space<vmem>>
      %dma_start3A_313 = tpu.memref_squeeze %dma_start3A_312 : memref<1x64xi32, #tpu.memory_space<vmem>> -> memref<64xi32, #tpu.memory_space<vmem>>
      %dma_start3A_314 = arith.constant 0 : i32
      %dma_start3A_315 = arith.constant 0 : i32
      %dma_start3A_316 = tpu.memref_slice %arg2[%dma_start3A_314, %dma_start3A_315] : memref<10000x128xf32, #tpu.memory_space<hbm>> -> memref<10000x128xf32, #tpu.memory_space<hbm>>
      tpu.enqueue_indirect_dma source(%dma_start3A_316 : memref<10000x128xf32, #tpu.memory_space<hbm>>) target(%arg9 : memref<64x128xf32, #tpu.memory_space<vmem>>) offsets(%dma_start3A_313 : memref<64xi32, #tpu.memory_space<vmem>>) semaphore(%arg11 : memref<!tpu.dma_semaphore, #tpu.memory_space<semaphore_mem>>)
      %dma_wait3A_317 = arith.constant 0 : i32
      %dma_wait3A_318 = arith.constant 0 : i32
      %dma_wait3A_319 = tpu.memref_slice %arg7[%dma_wait3A_317, %dma_wait3A_318] : memref<4x64xi32, #tpu.memory_space<vmem>> -> memref<1x64xi32, #tpu.memory_space<vmem>>
      %dma_wait3A_320 = tpu.memref_squeeze %dma_wait3A_319 : memref<1x64xi32, #tpu.memory_space<vmem>> -> memref<64xi32, #tpu.memory_space<vmem>>
      %dma_wait3A_321 = arith.constant 0 : i32
      %dma_wait3A_322 = arith.constant 0 : i32
      %dma_wait3A_323 = tpu.memref_slice %arg2[%dma_wait3A_321, %dma_wait3A_322] : memref<10000x128xf32, #tpu.memory_space<hbm>> -> memref<10000x128xf32, #tpu.memory_space<hbm>>
      tpu.wait_indirect_dma semaphore(%arg10 : memref<!tpu.dma_semaphore, #tpu.memory_space<semaphore_mem>>) src(%dma_wait3A_323 : memref<10000x128xf32, #tpu.memory_space<hbm>>) dst(%arg8 : memref<64x128xf32, #tpu.memory_space<vmem>>)
      %run_scoped3A_324 = arith.constant 1 : i32
      "tpu.region"() ({
        %run_scoped3A_430 = tpu.sem_alloc : memref<!tpu.dma_semaphore, #tpu.memory_space<semaphore_mem>>
        %dma_start3A_431 = arith.constant 0 : i32
        %dma_start3A_432 = tpu.memref_slice %arg7[%run_scoped3A_324, %dma_start3A_431] : memref<4x64xi32, #tpu.memory_space<vmem>> -> memref<1x64xi32, #tpu.memory_space<vmem>>
        %dma_start3A_433 = tpu.memref_squeeze %dma_start3A_432 : memref<1x64xi32, #tpu.memory_space<vmem>> -> memref<64xi32, #tpu.memory_space<vmem>>
        %dma_start3A_434 = arith.constant 0 : i32
        %dma_start3A_435 = arith.constant 0 : i32
        %dma_start3A_436 = tpu.memref_slice %arg12[%dma_start3A_434, %dma_start3A_435] : memref<10240x128xf32, #tpu.memory_space<vmem_shared>> -> memref<10240x128xf32, #tpu.memory_space<vmem_shared>>
        tpu.enqueue_indirect_dma source(%arg8 : memref<64x128xf32, #tpu.memory_space<vmem>>) target(%dma_start3A_436 : memref<10240x128xf32, #tpu.memory_space<vmem_shared>>) offsets(%dma_start3A_433 : memref<64xi32, #tpu.memory_space<vmem>>) semaphore(%run_scoped3A_430 : memref<!tpu.dma_semaphore, #tpu.memory_space<semaphore_mem>>) {add = true}
        %dma_wait3A_437 = arith.constant 0 : i32
        %dma_wait3A_438 = tpu.memref_slice %arg7[%run_scoped3A_324, %dma_wait3A_437] : memref<4x64xi32, #tpu.memory_space<vmem>> -> memref<1x64xi32, #tpu.memory_space<vmem>>
        %dma_wait3A_439 = tpu.memref_squeeze %dma_wait3A_438 : memref<1x64xi32, #tpu.memory_space<vmem>> -> memref<64xi32, #tpu.memory_space<vmem>>
        %dma_wait3A_440 = arith.constant 0 : i32
        %dma_wait3A_441 = arith.constant 0 : i32
        %dma_wait3A_442 = tpu.memref_slice %arg12[%dma_wait3A_440, %dma_wait3A_441] : memref<10240x128xf32, #tpu.memory_space<vmem_shared>> -> memref<10240x128xf32, #tpu.memory_space<vmem_shared>>
        tpu.wait_indirect_dma semaphore(%run_scoped3A_430 : memref<!tpu.dma_semaphore, #tpu.memory_space<semaphore_mem>>) src(%arg8 : memref<64x128xf32, #tpu.memory_space<vmem>>) dst(%dma_wait3A_442 : memref<10240x128xf32, #tpu.memory_space<vmem_shared>>)
        tpu.yield
      }) : () -> ()
      %add3A_325 = arith.constant 2 : i32
      %add3A_326 = arith.addi %mul3A_219, %add3A_325 : i32
      %get3A_327 = arith.index_cast %add3A_326 : i32 to index
      %get3A_328 = arith.constant 0 : index
      %get3A_329 = tpu.vector_load %arg6[%get3A_327, %get3A_328] {strides = array<i32>} : memref<157x64xi32, #tpu.memory_space<vmem>>, vector<1x16xi32>,
      %get3A_330 = vector.shape_cast %get3A_329 : vector<1x16xi32> to vector<16xi32>
      %and3A_331 = arith.constant 65535 : i32
      %and3A_332 = vector.broadcast %and3A_331 : i32 to vector<16xi32>
      %and3A_333 = arith.andi %get3A_330, %and3A_332 : vector<16xi32>
      %swap3A_334 = arith.constant 0 : i32
      %swap3A_335 = arith.index_cast %swap3A_334 : i32 to index
      %swap3A_336 = arith.constant 0 : index
      %swap3A_337 = tpu.vector_load %arg7[%swap3A_335, %swap3A_336] {strides = array<i32>} : memref<4x64xi32, #tpu.memory_space<vmem>>, vector<1x16xi32>,
      %swap3A_338 = vector.shape_cast %swap3A_337 : vector<1x16xi32> to vector<16xi32>
      %swap3A_339 = vector.shape_cast %and3A_333 : vector<16xi32> to vector<1x16xi32>
      tpu.vector_store %arg7[%swap3A_335, %swap3A_336], %swap3A_339 {strides = array<i32>} : memref<4x64xi32, #tpu.memory_space<vmem>>, vector<1x16xi32>,
      %shift_right_logical3A_340 = arith.constant 16 : i32
      %shift_right_logical3A_341 = vector.broadcast %shift_right_logical3A_340 : i32 to vector<16xi32>
      %shift_right_logical3A_342 = arith.shrui %get3A_330, %shift_right_logical3A_341 : vector<16xi32>
      %swap3A_343 = arith.constant 1 : i32
      %swap3A_344 = arith.index_cast %swap3A_343 : i32 to index
      %swap3A_345 = arith.constant 0 : index
      %swap3A_346 = tpu.vector_load %arg7[%swap3A_344, %swap3A_345] {strides = array<i32>} : memref<4x64xi32, #tpu.memory_space<vmem>>, vector<1x16xi32>,
      %swap3A_347 = vector.shape_cast %swap3A_346 : vector<1x16xi32> to vector<16xi32>
      %swap3A_348 = vector.shape_cast %shift_right_logical3A_342 : vector<16xi32> to vector<1x16xi32>
      tpu.vector_store %arg7[%swap3A_344, %swap3A_345], %swap3A_348 {strides = array<i32>} : memref<4x64xi32, #tpu.memory_space<vmem>>, vector<1x16xi32>,
      %get3A_349 = arith.index_cast %add3A_326 : i32 to index
      %get3A_350 = arith.constant 16 : index
      %get3A_351 = tpu.vector_load %arg6[%get3A_349, %get3A_350] {strides = array<i32>} : memref<157x64xi32, #tpu.memory_space<vmem>>, vector<1x16xi32>,
      %get3A_352 = vector.shape_cast %get3A_351 : vector<1x16xi32> to vector<16xi32>
      %and3A_353 = arith.constant 65535 : i32
      %and3A_354 = vector.broadcast %and3A_353 : i32 to vector<16xi32>
      %and3A_355 = arith.andi %get3A_352, %and3A_354 : vector<16xi32>
      %swap3A_356 = arith.constant 0 : i32
      %swap3A_357 = arith.index_cast %swap3A_356 : i32 to index
      %swap3A_358 = arith.constant 16 : index
      %swap3A_359 = tpu.vector_load %arg7[%swap3A_357, %swap3A_358] {strides = array<i32>} : memref<4x64xi32, #tpu.memory_space<vmem>>, vector<1x16xi32>,
      %swap3A_360 = vector.shape_cast %swap3A_359 : vector<1x16xi32> to vector<16xi32>
      %swap3A_361 = vector.shape_cast %and3A_355 : vector<16xi32> to vector<1x16xi32>
      tpu.vector_store %arg7[%swap3A_357, %swap3A_358], %swap3A_361 {strides = array<i32>} : memref<4x64xi32, #tpu.memory_space<vmem>>, vector<1x16xi32>,
      %shift_right_logical3A_362 = arith.constant 16 : i32
      %shift_right_logical3A_363 = vector.broadcast %shift_right_logical3A_362 : i32 to vector<16xi32>
      %shift_right_logical3A_364 = arith.shrui %get3A_352, %shift_right_logical3A_363 : vector<16xi32>
      %swap3A_365 = arith.constant 1 : i32
      %swap3A_366 = arith.index_cast %swap3A_365 : i32 to index
      %swap3A_367 = arith.constant 16 : index
      %swap3A_368 = tpu.vector_load %arg7[%swap3A_366, %swap3A_367] {strides = array<i32>} : memref<4x64xi32, #tpu.memory_space<vmem>>, vector<1x16xi32>,
      %swap3A_369 = vector.shape_cast %swap3A_368 : vector<1x16xi32> to vector<16xi32>
      %swap3A_370 = vector.shape_cast %shift_right_logical3A_364 : vector<16xi32> to vector<1x16xi32>
      tpu.vector_store %arg7[%swap3A_366, %swap3A_367], %swap3A_370 {strides = array<i32>} : memref<4x64xi32, #tpu.memory_space<vmem>>, vector<1x16xi32>,
      %get3A_371 = arith.index_cast %add3A_326 : i32 to index
      %get3A_372 = arith.constant 32 : index
      %get3A_373 = tpu.vector_load %arg6[%get3A_371, %get3A_372] {strides = array<i32>} : memref<157x64xi32, #tpu.memory_space<vmem>>, vector<1x16xi32>,
      %get3A_374 = vector.shape_cast %get3A_373 : vector<1x16xi32> to vector<16xi32>
      %and3A_375 = arith.constant 65535 : i32
      %and3A_376 = vector.broadcast %and3A_375 : i32 to vector<16xi32>
      %and3A_377 = arith.andi %get3A_374, %and3A_376 : vector<16xi32>
      %swap3A_378 = arith.constant 0 : i32
      %swap3A_379 = arith.index_cast %swap3A_378 : i32 to index
      %swap3A_380 = arith.constant 32 : index
      %swap3A_381 = tpu.vector_load %arg7[%swap3A_379, %swap3A_380] {strides = array<i32>} : memref<4x64xi32, #tpu.memory_space<vmem>>, vector<1x16xi32>,
      %swap3A_382 = vector.shape_cast %swap3A_381 : vector<1x16xi32> to vector<16xi32>
      %swap3A_383 = vector.shape_cast %and3A_377 : vector<16xi32> to vector<1x16xi32>
      tpu.vector_store %arg7[%swap3A_379, %swap3A_380], %swap3A_383 {strides = array<i32>} : memref<4x64xi32, #tpu.memory_space<vmem>>, vector<1x16xi32>,
      %shift_right_logical3A_384 = arith.constant 16 : i32
      %shift_right_logical3A_385 = vector.broadcast %shift_right_logical3A_384 : i32 to vector<16xi32>
      %shift_right_logical3A_386 = arith.shrui %get3A_374, %shift_right_logical3A_385 : vector<16xi32>
      %swap3A_387 = arith.constant 1 : i32
      %swap3A_388 = arith.index_cast %swap3A_387 : i32 to index
      %swap3A_389 = arith.constant 32 : index
      %swap3A_390 = tpu.vector_load %arg7[%swap3A_388, %swap3A_389] {strides = array<i32>} : memref<4x64xi32, #tpu.memory_space<vmem>>, vector<1x16xi32>,
      %swap3A_391 = vector.shape_cast %swap3A_390 : vector<1x16xi32> to vector<16xi32>
      %swap3A_392 = vector.shape_cast %shift_right_logical3A_386 : vector<16xi32> to vector<1x16xi32>
      tpu.vector_store %arg7[%swap3A_388, %swap3A_389], %swap3A_392 {strides = array<i32>} : memref<4x64xi32, #tpu.memory_space<vmem>>, vector<1x16xi32>,
      %get3A_393 = arith.index_cast %add3A_326 : i32 to index
      %get3A_394 = arith.constant 48 : index
      %get3A_395 = tpu.vector_load %arg6[%get3A_393, %get3A_394] {strides = array<i32>} : memref<157x64xi32, #tpu.memory_space<vmem>>, vector<1x16xi32>,
      %get3A_396 = vector.shape_cast %get3A_395 : vector<1x16xi32> to vector<16xi32>
      %and3A_397 = arith.constant 65535 : i32
      %and3A_398 = vector.broadcast %and3A_397 : i32 to vector<16xi32>
      %and3A_399 = arith.andi %get3A_396, %and3A_398 : vector<16xi32>
      %swap3A_400 = arith.constant 0 : i32
      %swap3A_401 = arith.index_cast %swap3A_400 : i32 to index
      %swap3A_402 = arith.constant 48 : index
      %swap3A_403 = tpu.vector_load %arg7[%swap3A_401, %swap3A_402] {strides = array<i32>} : memref<4x64xi32, #tpu.memory_space<vmem>>, vector<1x16xi32>,
      %swap3A_404 = vector.shape_cast %swap3A_403 : vector<1x16xi32> to vector<16xi32>
      %swap3A_405 = vector.shape_cast %and3A_399 : vector<16xi32> to vector<1x16xi32>
      tpu.vector_store %arg7[%swap3A_401, %swap3A_402], %swap3A_405 {strides = array<i32>} : memref<4x64xi32, #tpu.memory_space<vmem>>, vector<1x16xi32>,
      %shift_right_logical3A_406 = arith.constant 16 : i32
      %shift_right_logical3A_407 = vector.broadcast %shift_right_logical3A_406 : i32 to vector<16xi32>
      %shift_right_logical3A_408 = arith.shrui %get3A_396, %shift_right_logical3A_407 : vector<16xi32>
      %swap3A_409 = arith.constant 1 : i32
      %swap3A_410 = arith.index_cast %swap3A_409 : i32 to index
      %swap3A_411 = arith.constant 48 : index
      %swap3A_412 = tpu.vector_load %arg7[%swap3A_410, %swap3A_411] {strides = array<i32>} : memref<4x64xi32, #tpu.memory_space<vmem>>, vector<1x16xi32>,
      %swap3A_413 = vector.shape_cast %swap3A_412 : vector<1x16xi32> to vector<16xi32>
      %swap3A_414 = vector.shape_cast %shift_right_logical3A_408 : vector<16xi32> to vector<1x16xi32>
      tpu.vector_store %arg7[%swap3A_410, %swap3A_411], %swap3A_414 {strides = array<i32>} : memref<4x64xi32, #tpu.memory_space<vmem>>, vector<1x16xi32>,
      %dma_start3A_415 = arith.constant 0 : i32
      %dma_start3A_416 = arith.constant 0 : i32
      %dma_start3A_417 = tpu.memref_slice %arg7[%dma_start3A_415, %dma_start3A_416] : memref<4x64xi32, #tpu.memory_space<vmem>> -> memref<1x64xi32, #tpu.memory_space<vmem>>
      %dma_start3A_418 = tpu.memref_squeeze %dma_start3A_417 : memref<1x64xi32, #tpu.memory_space<vmem>> -> memref<64xi32, #tpu.memory_space<vmem>>
      %dma_start3A_419 = arith.constant 0 : i32
      %dma_start3A_420 = arith.constant 0 : i32
      %dma_start3A_421 = tpu.memref_slice %arg2[%dma_start3A_419, %dma_start3A_420] : memref<10000x128xf32, #tpu.memory_space<hbm>> -> memref<10000x128xf32, #tpu.memory_space<hbm>>
      tpu.enqueue_indirect_dma source(%dma_start3A_421 : memref<10000x128xf32, #tpu.memory_space<hbm>>) target(%arg8 : memref<64x128xf32, #tpu.memory_space<vmem>>) offsets(%dma_start3A_418 : memref<64xi32, #tpu.memory_space<vmem>>) semaphore(%arg10 : memref<!tpu.dma_semaphore, #tpu.memory_space<semaphore_mem>>)
      %dma_wait3A_422 = arith.constant 2 : i32
      %dma_wait3A_423 = arith.constant 0 : i32
      %dma_wait3A_424 = tpu.memref_slice %arg7[%dma_wait3A_422, %dma_wait3A_423] : memref<4x64xi32, #tpu.memory_space<vmem>> -> memref<1x64xi32, #tpu.memory_space<vmem>>
      %dma_wait3A_425 = tpu.memref_squeeze %dma_wait3A_424 : memref<1x64xi32, #tpu.memory_space<vmem>> -> memref<64xi32, #tpu.memory_space<vmem>>
      %dma_wait3A_426 = arith.constant 0 : i32
      %dma_wait3A_427 = arith.constant 0 : i32
      %dma_wait3A_428 = tpu.memref_slice %arg2[%dma_wait3A_426, %dma_wait3A_427] : memref<10000x128xf32, #tpu.memory_space<hbm>> -> memref<10000x128xf32, #tpu.memory_space<hbm>>
      tpu.wait_indirect_dma semaphore(%arg11 : memref<!tpu.dma_semaphore, #tpu.memory_space<semaphore_mem>>) src(%dma_wait3A_428 : memref<10000x128xf32, #tpu.memory_space<hbm>>) dst(%arg9 : memref<64x128xf32, #tpu.memory_space<vmem>>)
      %run_scoped3A_429 = arith.constant 3 : i32
      "tpu.region"() ({
        %run_scoped3A_430 = tpu.sem_alloc : memref<!tpu.dma_semaphore, #tpu.memory_space<semaphore_mem>>
        %dma_start3A_431 = arith.constant 0 : i32
        %dma_start3A_432 = tpu.memref_slice %arg7[%run_scoped3A_429, %dma_start3A_431] : memref<4x64xi32, #tpu.memory_space<vmem>> -> memref<1x64xi32, #tpu.memory_space<vmem>>
        %dma_start3A_433 = tpu.memref_squeeze %dma_start3A_432 : memref<1x64xi32, #tpu.memory_space<vmem>> -> memref<64xi32, #tpu.memory_space<vmem>>
        %dma_start3A_434 = arith.constant 0 : i32
        %dma_start3A_435 = arith.constant 0 : i32
        %dma_start3A_436 = tpu.memref_slice %arg12[%dma_start3A_434, %dma_start3A_435] : memref<10240x128xf32, #tpu.memory_space<vmem_shared>> -> memref<10240x128xf32, #tpu.memory_space<vmem_shared>>
        tpu.enqueue_indirect_dma source(%arg9 : memref<64x128xf32, #tpu.memory_space<vmem>>) target(%dma_start3A_436 : memref<10240x128xf32, #tpu.memory_space<vmem_shared>>) offsets(%dma_start3A_433 : memref<64xi32, #tpu.memory_space<vmem>>) semaphore(%run_scoped3A_430 : memref<!tpu.dma_semaphore, #tpu.memory_space<semaphore_mem>>) {add = true}
        %dma_wait3A_437 = arith.constant 0 : i32
        %dma_wait3A_438 = tpu.memref_slice %arg7[%run_scoped3A_429, %dma_wait3A_437] : memref<4x64xi32, #tpu.memory_space<vmem>> -> memref<1x64xi32, #tpu.memory_space<vmem>>
        %dma_wait3A_439 = tpu.memref_squeeze %dma_wait3A_438 : memref<1x64xi32, #tpu.memory_space<vmem>> -> memref<64xi32, #tpu.memory_space<vmem>>
        %dma_wait3A_440 = arith.constant 0 : i32
        %dma_wait3A_441 = arith.constant 0 : i32
        %dma_wait3A_442 = tpu.memref_slice %arg12[%dma_wait3A_440, %dma_wait3A_441] : memref<10240x128xf32, #tpu.memory_space<vmem_shared>> -> memref<10240x128xf32, #tpu.memory_space<vmem_shared>>
        tpu.wait_indirect_dma semaphore(%run_scoped3A_430 : memref<!tpu.dma_semaphore, #tpu.memory_space<semaphore_mem>>) src(%arg9 : memref<64x128xf32, #tpu.memory_space<vmem>>) dst(%dma_wait3A_442 : memref<10240x128xf32, #tpu.memory_space<vmem_shared>>)
        tpu.yield
      }) : () -> ()
    }
    %scan3A_139 = arith.constant 78 : i32
    %dma_wait3A = arith.constant 0 : i32
    %dma_wait3A_140 = arith.constant 0 : i32
    %dma_wait3A_141 = tpu.memref_slice %arg7[%dma_wait3A, %dma_wait3A_140] : memref<4x64xi32, #tpu.memory_space<vmem>> -> memref<1x64xi32, #tpu.memory_space<vmem>>
    %dma_wait3A_142 = tpu.memref_squeeze %dma_wait3A_141 : memref<1x64xi32, #tpu.memory_space<vmem>> -> memref<64xi32, #tpu.memory_space<vmem>>
    %dma_wait3A_143 = arith.constant 0 : i32
    %dma_wait3A_144 = arith.constant 0 : i32
    %dma_wait3A_145 = tpu.memref_slice %arg2[%dma_wait3A_143, %dma_wait3A_144] : memref<10000x128xf32, #tpu.memory_space<hbm>> -> memref<10000x128xf32, #tpu.memory_space<hbm>>
    tpu.wait_indirect_dma semaphore(%arg10 : memref<!tpu.dma_semaphore, #tpu.memory_space<semaphore_mem>>) src(%dma_wait3A_145 : memref<10000x128xf32, #tpu.memory_space<hbm>>) dst(%arg8 : memref<64x128xf32, #tpu.memory_space<vmem>>)
    %run_scoped3A = arith.constant 1 : i32
    "tpu.region"() ({
      %run_scoped3A_217 = tpu.sem_alloc : memref<!tpu.dma_semaphore, #tpu.memory_space<semaphore_mem>>
      %dma_start3A_218 = arith.constant 0 : i32
      %dma_start3A_219 = tpu.memref_slice %arg7[%run_scoped3A, %dma_start3A_218] : memref<4x64xi32, #tpu.memory_space<vmem>> -> memref<1x64xi32, #tpu.memory_space<vmem>>
      %dma_start3A_220 = tpu.memref_squeeze %dma_start3A_219 : memref<1x64xi32, #tpu.memory_space<vmem>> -> memref<64xi32, #tpu.memory_space<vmem>>
      %dma_start3A_221 = arith.constant 0 : i32
      %dma_start3A_222 = arith.constant 0 : i32
      %dma_start3A_223 = tpu.memref_slice %arg12[%dma_start3A_221, %dma_start3A_222] : memref<10240x128xf32, #tpu.memory_space<vmem_shared>> -> memref<10240x128xf32, #tpu.memory_space<vmem_shared>>
      tpu.enqueue_indirect_dma source(%arg8 : memref<64x128xf32, #tpu.memory_space<vmem>>) target(%dma_start3A_223 : memref<10240x128xf32, #tpu.memory_space<vmem_shared>>) offsets(%dma_start3A_220 : memref<64xi32, #tpu.memory_space<vmem>>) semaphore(%run_scoped3A_217 : memref<!tpu.dma_semaphore, #tpu.memory_space<semaphore_mem>>) {add = true}
      %dma_wait3A_224 = arith.constant 0 : i32
      %dma_wait3A_225 = tpu.memref_slice %arg7[%run_scoped3A, %dma_wait3A_224] : memref<4x64xi32, #tpu.memory_space<vmem>> -> memref<1x64xi32, #tpu.memory_space<vmem>>
      %dma_wait3A_226 = tpu.memref_squeeze %dma_wait3A_225 : memref<1x64xi32, #tpu.memory_space<vmem>> -> memref<64xi32, #tpu.memory_space<vmem>>
      %dma_wait3A_227 = arith.constant 0 : i32
      %dma_wait3A_228 = arith.constant 0 : i32
      %dma_wait3A_229 = tpu.memref_slice %arg12[%dma_wait3A_227, %dma_wait3A_228] : memref<10240x128xf32, #tpu.memory_space<vmem_shared>> -> memref<10240x128xf32, #tpu.memory_space<vmem_shared>>
      tpu.wait_indirect_dma semaphore(%run_scoped3A_217 : memref<!tpu.dma_semaphore, #tpu.memory_space<semaphore_mem>>) src(%arg8 : memref<64x128xf32, #tpu.memory_space<vmem>>) dst(%dma_wait3A_229 : memref<10240x128xf32, #tpu.memory_space<vmem_shared>>)
      tpu.yield
    }) : () -> ()
    %barrier3A_146 = arith.constant 0 : index
    tpu.barrier barrier_id(%barrier3A_146)
    %mul3A_147 = arith.constant 640 : i32
    %mul3A_148 = arith.muli %arg1, %mul3A_147 : i32
    %add3A_149 = arith.constant 0 : i32
    %add3A_150 = arith.addi %mul3A_148, %add3A_149 : i32
    "tpu.region"() ({
      %run_scoped3A_217 = tpu.sem_alloc : memref<!tpu.dma_semaphore, #tpu.memory_space<semaphore_mem>>
      %dma_start3A_218 = arith.constant 0 : i32
      %dma_start3A_219 = tpu.memref_slice %arg12[%add3A_150, %dma_start3A_218] : memref<10240x128xf32, #tpu.memory_space<vmem_shared>> -> memref<64x128xf32, #tpu.memory_space<vmem_shared>>
      %dma_start3A_220 = arith.constant 0 : i32
      %dma_start3A_221 = tpu.memref_slice %arg12[%add3A_150, %dma_start3A_220] : memref<10240x128xf32, #tpu.memory_space<vmem_shared>> -> memref<64x128xf32, #tpu.memory_space<vmem_shared>>
      tpu.enqueue_dma source(%dma_start3A_221 : memref<64x128xf32, #tpu.memory_space<vmem_shared>>) target(%arg8 : memref<64x128xf32, #tpu.memory_space<vmem>>) target_semaphore(%run_scoped3A_217 : memref<!tpu.dma_semaphore, #tpu.memory_space<semaphore_mem>>)
      %dma_wait3A_222 = arith.constant 0 : i32
      %dma_wait3A_223 = tpu.memref_slice %arg12[%add3A_150, %dma_wait3A_222] : memref<10240x128xf32, #tpu.memory_space<vmem_shared>> -> memref<64x128xf32, #tpu.memory_space<vmem_shared>>
      %dma_wait3A_224 = arith.constant 0 : i32
      %dma_wait3A_225 = tpu.memref_slice %arg12[%add3A_150, %dma_wait3A_224] : memref<10240x128xf32, #tpu.memory_space<vmem_shared>> -> memref<64x128xf32, #tpu.memory_space<vmem_shared>>
      tpu.wait_dma2 semaphore(%run_scoped3A_217 : memref<!tpu.dma_semaphore, #tpu.memory_space<semaphore_mem>>) src(%dma_wait3A_225 : memref<64x128xf32, #tpu.memory_space<vmem_shared>>) dst(%arg8 : memref<64x128xf32, #tpu.memory_space<vmem>>)
      tpu.yield
    }) : () -> ()
    %mul3A_151 = arith.constant 10240 : i32
    %mul3A_152 = arith.muli %arg0, %mul3A_151 : i32
    %add3A_153 = arith.addi %mul3A_152, %add3A_150 : i32
    "tpu.region"() ({
      %run_scoped3A_217 = tpu.sem_alloc : memref<!tpu.dma_semaphore, #tpu.memory_space<semaphore_mem>>
      %dma_start3A_218 = arith.constant 0 : i32
      %dma_start3A_219 = tpu.memref_slice %arg5[%add3A_153, %dma_start3A_218] : memref<20480x128xf32, #tpu.memory_space<hbm>> -> memref<64x128xf32, #tpu.memory_space<hbm>>
      %dma_start3A_220 = arith.constant 0 : i32
      %dma_start3A_221 = tpu.memref_slice %arg5[%add3A_153, %dma_start3A_220] : memref<20480x128xf32, #tpu.memory_space<hbm>> -> memref<64x128xf32, #tpu.memory_space<hbm>>
      tpu.enqueue_dma source(%arg8 : memref<64x128xf32, #tpu.memory_space<vmem>>) target(%dma_start3A_221 : memref<64x128xf32, #tpu.memory_space<hbm>>) target_semaphore(%run_scoped3A_217 : memref<!tpu.dma_semaphore, #tpu.memory_space<semaphore_mem>>)
      %dma_wait3A_222 = arith.constant 0 : i32
      %dma_wait3A_223 = tpu.memref_slice %arg5[%add3A_153, %dma_wait3A_222] : memref<20480x128xf32, #tpu.memory_space<hbm>> -> memref<64x128xf32, #tpu.memory_space<hbm>>
      %dma_wait3A_224 = arith.constant 0 : i32
      %dma_wait3A_225 = tpu.memref_slice %arg5[%add3A_153, %dma_wait3A_224] : memref<20480x128xf32, #tpu.memory_space<hbm>> -> memref<64x128xf32, #tpu.memory_space<hbm>>
      tpu.wait_dma2 semaphore(%run_scoped3A_217 : memref<!tpu.dma_semaphore, #tpu.memory_space<semaphore_mem>>) src(%arg8 : memref<64x128xf32, #tpu.memory_space<vmem>>) dst(%dma_wait3A_225 : memref<64x128xf32, #tpu.memory_space<hbm>>)
      tpu.yield
    }) : () -> ()
    %mul3A_154 = arith.constant 640 : i32
    %mul3A_155 = arith.muli %arg1, %mul3A_154 : i32
    %add3A_156 = arith.constant 64 : i32
    %add3A_157 = arith.addi %mul3A_155, %add3A_156 : i32
    "tpu.region"() ({
      %run_scoped3A_217 = tpu.sem_alloc : memref<!tpu.dma_semaphore, #tpu.memory_space<semaphore_mem>>
      %dma_start3A_218 = arith.constant 0 : i32
      %dma_start3A_219 = tpu.memref_slice %arg12[%add3A_157, %dma_start3A_218] : memref<10240x128xf32, #tpu.memory_space<vmem_shared>> -> memref<64x128xf32, #tpu.memory_space<vmem_shared>>
      %dma_start3A_220 = arith.constant 0 : i32
      %dma_start3A_221 = tpu.memref_slice %arg12[%add3A_157, %dma_start3A_220] : memref<10240x128xf32, #tpu.memory_space<vmem_shared>> -> memref<64x128xf32, #tpu.memory_space<vmem_shared>>
      tpu.enqueue_dma source(%dma_start3A_221 : memref<64x128xf32, #tpu.memory_space<vmem_shared>>) target(%arg8 : memref<64x128xf32, #tpu.memory_space<vmem>>) target_semaphore(%run_scoped3A_217 : memref<!tpu.dma_semaphore, #tpu.memory_space<semaphore_mem>>)
      %dma_wait3A_222 = arith.constant 0 : i32
      %dma_wait3A_223 = tpu.memref_slice %arg12[%add3A_157, %dma_wait3A_222] : memref<10240x128xf32, #tpu.memory_space<vmem_shared>> -> memref<64x128xf32, #tpu.memory_space<vmem_shared>>
      %dma_wait3A_224 = arith.constant 0 : i32
      %dma_wait3A_225 = tpu.memref_slice %arg12[%add3A_157, %dma_wait3A_224] : memref<10240x128xf32, #tpu.memory_space<vmem_shared>> -> memref<64x128xf32, #tpu.memory_space<vmem_shared>>
      tpu.wait_dma2 semaphore(%run_scoped3A_217 : memref<!tpu.dma_semaphore, #tpu.memory_space<semaphore_mem>>) src(%dma_wait3A_225 : memref<64x128xf32, #tpu.memory_space<vmem_shared>>) dst(%arg8 : memref<64x128xf32, #tpu.memory_space<vmem>>)
      tpu.yield
    }) : () -> ()
    %mul3A_158 = arith.constant 10240 : i32
    %mul3A_159 = arith.muli %arg0, %mul3A_158 : i32
    %add3A_160 = arith.addi %mul3A_159, %add3A_157 : i32
    "tpu.region"() ({
      %run_scoped3A_217 = tpu.sem_alloc : memref<!tpu.dma_semaphore, #tpu.memory_space<semaphore_mem>>
      %dma_start3A_218 = arith.constant 0 : i32
      %dma_start3A_219 = tpu.memref_slice %arg5[%add3A_160, %dma_start3A_218] : memref<20480x128xf32, #tpu.memory_space<hbm>> -> memref<64x128xf32, #tpu.memory_space<hbm>>
      %dma_start3A_220 = arith.constant 0 : i32
      %dma_start3A_221 = tpu.memref_slice %arg5[%add3A_160, %dma_start3A_220] : memref<20480x128xf32, #tpu.memory_space<hbm>> -> memref<64x128xf32, #tpu.memory_space<hbm>>
      tpu.enqueue_dma source(%arg8 : memref<64x128xf32, #tpu.memory_space<vmem>>) target(%dma_start3A_221 : memref<64x128xf32, #tpu.memory_space<hbm>>) target_semaphore(%run_scoped3A_217 : memref<!tpu.dma_semaphore, #tpu.memory_space<semaphore_mem>>)
      %dma_wait3A_222 = arith.constant 0 : i32
      %dma_wait3A_223 = tpu.memref_slice %arg5[%add3A_160, %dma_wait3A_222] : memref<20480x128xf32, #tpu.memory_space<hbm>> -> memref<64x128xf32, #tpu.memory_space<hbm>>
      %dma_wait3A_224 = arith.constant 0 : i32
      %dma_wait3A_225 = tpu.memref_slice %arg5[%add3A_160, %dma_wait3A_224] : memref<20480x128xf32, #tpu.memory_space<hbm>> -> memref<64x128xf32, #tpu.memory_space<hbm>>
      tpu.wait_dma2 semaphore(%run_scoped3A_217 : memref<!tpu.dma_semaphore, #tpu.memory_space<semaphore_mem>>) src(%arg8 : memref<64x128xf32, #tpu.memory_space<vmem>>) dst(%dma_wait3A_225 : memref<64x128xf32, #tpu.memory_space<hbm>>)
      tpu.yield
    }) : () -> ()
    %mul3A_161 = arith.constant 640 : i32
    %mul3A_162 = arith.muli %arg1, %mul3A_161 : i32
    %add3A_163 = arith.constant 128 : i32
    %add3A_164 = arith.addi %mul3A_162, %add3A_163 : i32
    "tpu.region"() ({
      %run_scoped3A_217 = tpu.sem_alloc : memref<!tpu.dma_semaphore, #tpu.memory_space<semaphore_mem>>
      %dma_start3A_218 = arith.constant 0 : i32
      %dma_start3A_219 = tpu.memref_slice %arg12[%add3A_164, %dma_start3A_218] : memref<10240x128xf32, #tpu.memory_space<vmem_shared>> -> memref<64x128xf32, #tpu.memory_space<vmem_shared>>
      %dma_start3A_220 = arith.constant 0 : i32
      %dma_start3A_221 = tpu.memref_slice %arg12[%add3A_164, %dma_start3A_220] : memref<10240x128xf32, #tpu.memory_space<vmem_shared>> -> memref<64x128xf32, #tpu.memory_space<vmem_shared>>
      tpu.enqueue_dma source(%dma_start3A_221 : memref<64x128xf32, #tpu.memory_space<vmem_shared>>) target(%arg8 : memref<64x128xf32, #tpu.memory_space<vmem>>) target_semaphore(%run_scoped3A_217 : memref<!tpu.dma_semaphore, #tpu.memory_space<semaphore_mem>>)
      %dma_wait3A_222 = arith.constant 0 : i32
      %dma_wait3A_223 = tpu.memref_slice %arg12[%add3A_164, %dma_wait3A_222] : memref<10240x128xf32, #tpu.memory_space<vmem_shared>> -> memref<64x128xf32, #tpu.memory_space<vmem_shared>>
      %dma_wait3A_224 = arith.constant 0 : i32
      %dma_wait3A_225 = tpu.memref_slice %arg12[%add3A_164, %dma_wait3A_224] : memref<10240x128xf32, #tpu.memory_space<vmem_shared>> -> memref<64x128xf32, #tpu.memory_space<vmem_shared>>
      tpu.wait_dma2 semaphore(%run_scoped3A_217 : memref<!tpu.dma_semaphore, #tpu.memory_space<semaphore_mem>>) src(%dma_wait3A_225 : memref<64x128xf32, #tpu.memory_space<vmem_shared>>) dst(%arg8 : memref<64x128xf32, #tpu.memory_space<vmem>>)
      tpu.yield
    }) : () -> ()
    %mul3A_165 = arith.constant 10240 : i32
    %mul3A_166 = arith.muli %arg0, %mul3A_165 : i32
    %add3A_167 = arith.addi %mul3A_166, %add3A_164 : i32
    "tpu.region"() ({
      %run_scoped3A_217 = tpu.sem_alloc : memref<!tpu.dma_semaphore, #tpu.memory_space<semaphore_mem>>
      %dma_start3A_218 = arith.constant 0 : i32
      %dma_start3A_219 = tpu.memref_slice %arg5[%add3A_167, %dma_start3A_218] : memref<20480x128xf32, #tpu.memory_space<hbm>> -> memref<64x128xf32, #tpu.memory_space<hbm>>
      %dma_start3A_220 = arith.constant 0 : i32
      %dma_start3A_221 = tpu.memref_slice %arg5[%add3A_167, %dma_start3A_220] : memref<20480x128xf32, #tpu.memory_space<hbm>> -> memref<64x128xf32, #tpu.memory_space<hbm>>
      tpu.enqueue_dma source(%arg8 : memref<64x128xf32, #tpu.memory_space<vmem>>) target(%dma_start3A_221 : memref<64x128xf32, #tpu.memory_space<hbm>>) target_semaphore(%run_scoped3A_217 : memref<!tpu.dma_semaphore, #tpu.memory_space<semaphore_mem>>)
      %dma_wait3A_222 = arith.constant 0 : i32
      %dma_wait3A_223 = tpu.memref_slice %arg5[%add3A_167, %dma_wait3A_222] : memref<20480x128xf32, #tpu.memory_space<hbm>> -> memref<64x128xf32, #tpu.memory_space<hbm>>
      %dma_wait3A_224 = arith.constant 0 : i32
      %dma_wait3A_225 = tpu.memref_slice %arg5[%add3A_167, %dma_wait3A_224] : memref<20480x128xf32, #tpu.memory_space<hbm>> -> memref<64x128xf32, #tpu.memory_space<hbm>>
      tpu.wait_dma2 semaphore(%run_scoped3A_217 : memref<!tpu.dma_semaphore, #tpu.memory_space<semaphore_mem>>) src(%arg8 : memref<64x128xf32, #tpu.memory_space<vmem>>) dst(%dma_wait3A_225 : memref<64x128xf32, #tpu.memory_space<hbm>>)
      tpu.yield
    }) : () -> ()
    %mul3A_168 = arith.constant 640 : i32
    %mul3A_169 = arith.muli %arg1, %mul3A_168 : i32
    %add3A_170 = arith.constant 192 : i32
    %add3A_171 = arith.addi %mul3A_169, %add3A_170 : i32
    "tpu.region"() ({
      %run_scoped3A_217 = tpu.sem_alloc : memref<!tpu.dma_semaphore, #tpu.memory_space<semaphore_mem>>
      %dma_start3A_218 = arith.constant 0 : i32
      %dma_start3A_219 = tpu.memref_slice %arg12[%add3A_171, %dma_start3A_218] : memref<10240x128xf32, #tpu.memory_space<vmem_shared>> -> memref<64x128xf32, #tpu.memory_space<vmem_shared>>
      %dma_start3A_220 = arith.constant 0 : i32
      %dma_start3A_221 = tpu.memref_slice %arg12[%add3A_171, %dma_start3A_220] : memref<10240x128xf32, #tpu.memory_space<vmem_shared>> -> memref<64x128xf32, #tpu.memory_space<vmem_shared>>
      tpu.enqueue_dma source(%dma_start3A_221 : memref<64x128xf32, #tpu.memory_space<vmem_shared>>) target(%arg8 : memref<64x128xf32, #tpu.memory_space<vmem>>) target_semaphore(%run_scoped3A_217 : memref<!tpu.dma_semaphore, #tpu.memory_space<semaphore_mem>>)
      %dma_wait3A_222 = arith.constant 0 : i32
      %dma_wait3A_223 = tpu.memref_slice %arg12[%add3A_171, %dma_wait3A_222] : memref<10240x128xf32, #tpu.memory_space<vmem_shared>> -> memref<64x128xf32, #tpu.memory_space<vmem_shared>>
      %dma_wait3A_224 = arith.constant 0 : i32
      %dma_wait3A_225 = tpu.memref_slice %arg12[%add3A_171, %dma_wait3A_224] : memref<10240x128xf32, #tpu.memory_space<vmem_shared>> -> memref<64x128xf32, #tpu.memory_space<vmem_shared>>
      tpu.wait_dma2 semaphore(%run_scoped3A_217 : memref<!tpu.dma_semaphore, #tpu.memory_space<semaphore_mem>>) src(%dma_wait3A_225 : memref<64x128xf32, #tpu.memory_space<vmem_shared>>) dst(%arg8 : memref<64x128xf32, #tpu.memory_space<vmem>>)
      tpu.yield
    }) : () -> ()
    %mul3A_172 = arith.constant 10240 : i32
    %mul3A_173 = arith.muli %arg0, %mul3A_172 : i32
    %add3A_174 = arith.addi %mul3A_173, %add3A_171 : i32
    "tpu.region"() ({
      %run_scoped3A_217 = tpu.sem_alloc : memref<!tpu.dma_semaphore, #tpu.memory_space<semaphore_mem>>
      %dma_start3A_218 = arith.constant 0 : i32
      %dma_start3A_219 = tpu.memref_slice %arg5[%add3A_174, %dma_start3A_218] : memref<20480x128xf32, #tpu.memory_space<hbm>> -> memref<64x128xf32, #tpu.memory_space<hbm>>
      %dma_start3A_220 = arith.constant 0 : i32
      %dma_start3A_221 = tpu.memref_slice %arg5[%add3A_174, %dma_start3A_220] : memref<20480x128xf32, #tpu.memory_space<hbm>> -> memref<64x128xf32, #tpu.memory_space<hbm>>
      tpu.enqueue_dma source(%arg8 : memref<64x128xf32, #tpu.memory_space<vmem>>) target(%dma_start3A_221 : memref<64x128xf32, #tpu.memory_space<hbm>>) target_semaphore(%run_scoped3A_217 : memref<!tpu.dma_semaphore, #tpu.memory_space<semaphore_mem>>)
      %dma_wait3A_222 = arith.constant 0 : i32
      %dma_wait3A_223 = tpu.memref_slice %arg5[%add3A_174, %dma_wait3A_222] : memref<20480x128xf32, #tpu.memory_space<hbm>> -> memref<64x128xf32, #tpu.memory_space<hbm>>
      %dma_wait3A_224 = arith.constant 0 : i32
      %dma_wait3A_225 = tpu.memref_slice %arg5[%add3A_174, %dma_wait3A_224] : memref<20480x128xf32, #tpu.memory_space<hbm>> -> memref<64x128xf32, #tpu.memory_space<hbm>>
      tpu.wait_dma2 semaphore(%run_scoped3A_217 : memref<!tpu.dma_semaphore, #tpu.memory_space<semaphore_mem>>) src(%arg8 : memref<64x128xf32, #tpu.memory_space<vmem>>) dst(%dma_wait3A_225 : memref<64x128xf32, #tpu.memory_space<hbm>>)
      tpu.yield
    }) : () -> ()
    %mul3A_175 = arith.constant 640 : i32
    %mul3A_176 = arith.muli %arg1, %mul3A_175 : i32
    %add3A_177 = arith.constant 256 : i32
    %add3A_178 = arith.addi %mul3A_176, %add3A_177 : i32
    "tpu.region"() ({
      %run_scoped3A_217 = tpu.sem_alloc : memref<!tpu.dma_semaphore, #tpu.memory_space<semaphore_mem>>
      %dma_start3A_218 = arith.constant 0 : i32
      %dma_start3A_219 = tpu.memref_slice %arg12[%add3A_178, %dma_start3A_218] : memref<10240x128xf32, #tpu.memory_space<vmem_shared>> -> memref<64x128xf32, #tpu.memory_space<vmem_shared>>
      %dma_start3A_220 = arith.constant 0 : i32
      %dma_start3A_221 = tpu.memref_slice %arg12[%add3A_178, %dma_start3A_220] : memref<10240x128xf32, #tpu.memory_space<vmem_shared>> -> memref<64x128xf32, #tpu.memory_space<vmem_shared>>
      tpu.enqueue_dma source(%dma_start3A_221 : memref<64x128xf32, #tpu.memory_space<vmem_shared>>) target(%arg8 : memref<64x128xf32, #tpu.memory_space<vmem>>) target_semaphore(%run_scoped3A_217 : memref<!tpu.dma_semaphore, #tpu.memory_space<semaphore_mem>>)
      %dma_wait3A_222 = arith.constant 0 : i32
      %dma_wait3A_223 = tpu.memref_slice %arg12[%add3A_178, %dma_wait3A_222] : memref<10240x128xf32, #tpu.memory_space<vmem_shared>> -> memref<64x128xf32, #tpu.memory_space<vmem_shared>>
      %dma_wait3A_224 = arith.constant 0 : i32
      %dma_wait3A_225 = tpu.memref_slice %arg12[%add3A_178, %dma_wait3A_224] : memref<10240x128xf32, #tpu.memory_space<vmem_shared>> -> memref<64x128xf32, #tpu.memory_space<vmem_shared>>
      tpu.wait_dma2 semaphore(%run_scoped3A_217 : memref<!tpu.dma_semaphore, #tpu.memory_space<semaphore_mem>>) src(%dma_wait3A_225 : memref<64x128xf32, #tpu.memory_space<vmem_shared>>) dst(%arg8 : memref<64x128xf32, #tpu.memory_space<vmem>>)
      tpu.yield
    }) : () -> ()
    %mul3A_179 = arith.constant 10240 : i32
    %mul3A_180 = arith.muli %arg0, %mul3A_179 : i32
    %add3A_181 = arith.addi %mul3A_180, %add3A_178 : i32
    "tpu.region"() ({
      %run_scoped3A_217 = tpu.sem_alloc : memref<!tpu.dma_semaphore, #tpu.memory_space<semaphore_mem>>
      %dma_start3A_218 = arith.constant 0 : i32
      %dma_start3A_219 = tpu.memref_slice %arg5[%add3A_181, %dma_start3A_218] : memref<20480x128xf32, #tpu.memory_space<hbm>> -> memref<64x128xf32, #tpu.memory_space<hbm>>
      %dma_start3A_220 = arith.constant 0 : i32
      %dma_start3A_221 = tpu.memref_slice %arg5[%add3A_181, %dma_start3A_220] : memref<20480x128xf32, #tpu.memory_space<hbm>> -> memref<64x128xf32, #tpu.memory_space<hbm>>
      tpu.enqueue_dma source(%arg8 : memref<64x128xf32, #tpu.memory_space<vmem>>) target(%dma_start3A_221 : memref<64x128xf32, #tpu.memory_space<hbm>>) target_semaphore(%run_scoped3A_217 : memref<!tpu.dma_semaphore, #tpu.memory_space<semaphore_mem>>)
      %dma_wait3A_222 = arith.constant 0 : i32
      %dma_wait3A_223 = tpu.memref_slice %arg5[%add3A_181, %dma_wait3A_222] : memref<20480x128xf32, #tpu.memory_space<hbm>> -> memref<64x128xf32, #tpu.memory_space<hbm>>
      %dma_wait3A_224 = arith.constant 0 : i32
      %dma_wait3A_225 = tpu.memref_slice %arg5[%add3A_181, %dma_wait3A_224] : memref<20480x128xf32, #tpu.memory_space<hbm>> -> memref<64x128xf32, #tpu.memory_space<hbm>>
      tpu.wait_dma2 semaphore(%run_scoped3A_217 : memref<!tpu.dma_semaphore, #tpu.memory_space<semaphore_mem>>) src(%arg8 : memref<64x128xf32, #tpu.memory_space<vmem>>) dst(%dma_wait3A_225 : memref<64x128xf32, #tpu.memory_space<hbm>>)
      tpu.yield
    }) : () -> ()
    %mul3A_182 = arith.constant 640 : i32
    %mul3A_183 = arith.muli %arg1, %mul3A_182 : i32
    %add3A_184 = arith.constant 320 : i32
    %add3A_185 = arith.addi %mul3A_183, %add3A_184 : i32
    "tpu.region"() ({
      %run_scoped3A_217 = tpu.sem_alloc : memref<!tpu.dma_semaphore, #tpu.memory_space<semaphore_mem>>
      %dma_start3A_218 = arith.constant 0 : i32
      %dma_start3A_219 = tpu.memref_slice %arg12[%add3A_185, %dma_start3A_218] : memref<10240x128xf32, #tpu.memory_space<vmem_shared>> -> memref<64x128xf32, #tpu.memory_space<vmem_shared>>
      %dma_start3A_220 = arith.constant 0 : i32
      %dma_start3A_221 = tpu.memref_slice %arg12[%add3A_185, %dma_start3A_220] : memref<10240x128xf32, #tpu.memory_space<vmem_shared>> -> memref<64x128xf32, #tpu.memory_space<vmem_shared>>
      tpu.enqueue_dma source(%dma_start3A_221 : memref<64x128xf32, #tpu.memory_space<vmem_shared>>) target(%arg8 : memref<64x128xf32, #tpu.memory_space<vmem>>) target_semaphore(%run_scoped3A_217 : memref<!tpu.dma_semaphore, #tpu.memory_space<semaphore_mem>>)
      %dma_wait3A_222 = arith.constant 0 : i32
      %dma_wait3A_223 = tpu.memref_slice %arg12[%add3A_185, %dma_wait3A_222] : memref<10240x128xf32, #tpu.memory_space<vmem_shared>> -> memref<64x128xf32, #tpu.memory_space<vmem_shared>>
      %dma_wait3A_224 = arith.constant 0 : i32
      %dma_wait3A_225 = tpu.memref_slice %arg12[%add3A_185, %dma_wait3A_224] : memref<10240x128xf32, #tpu.memory_space<vmem_shared>> -> memref<64x128xf32, #tpu.memory_space<vmem_shared>>
      tpu.wait_dma2 semaphore(%run_scoped3A_217 : memref<!tpu.dma_semaphore, #tpu.memory_space<semaphore_mem>>) src(%dma_wait3A_225 : memref<64x128xf32, #tpu.memory_space<vmem_shared>>) dst(%arg8 : memref<64x128xf32, #tpu.memory_space<vmem>>)
      tpu.yield
    }) : () -> ()
    %mul3A_186 = arith.constant 10240 : i32
    %mul3A_187 = arith.muli %arg0, %mul3A_186 : i32
    %add3A_188 = arith.addi %mul3A_187, %add3A_185 : i32
    "tpu.region"() ({
      %run_scoped3A_217 = tpu.sem_alloc : memref<!tpu.dma_semaphore, #tpu.memory_space<semaphore_mem>>
      %dma_start3A_218 = arith.constant 0 : i32
      %dma_start3A_219 = tpu.memref_slice %arg5[%add3A_188, %dma_start3A_218] : memref<20480x128xf32, #tpu.memory_space<hbm>> -> memref<64x128xf32, #tpu.memory_space<hbm>>
      %dma_start3A_220 = arith.constant 0 : i32
      %dma_start3A_221 = tpu.memref_slice %arg5[%add3A_188, %dma_start3A_220] : memref<20480x128xf32, #tpu.memory_space<hbm>> -> memref<64x128xf32, #tpu.memory_space<hbm>>
      tpu.enqueue_dma source(%arg8 : memref<64x128xf32, #tpu.memory_space<vmem>>) target(%dma_start3A_221 : memref<64x128xf32, #tpu.memory_space<hbm>>) target_semaphore(%run_scoped3A_217 : memref<!tpu.dma_semaphore, #tpu.memory_space<semaphore_mem>>)
      %dma_wait3A_222 = arith.constant 0 : i32
      %dma_wait3A_223 = tpu.memref_slice %arg5[%add3A_188, %dma_wait3A_222] : memref<20480x128xf32, #tpu.memory_space<hbm>> -> memref<64x128xf32, #tpu.memory_space<hbm>>
      %dma_wait3A_224 = arith.constant 0 : i32
      %dma_wait3A_225 = tpu.memref_slice %arg5[%add3A_188, %dma_wait3A_224] : memref<20480x128xf32, #tpu.memory_space<hbm>> -> memref<64x128xf32, #tpu.memory_space<hbm>>
      tpu.wait_dma2 semaphore(%run_scoped3A_217 : memref<!tpu.dma_semaphore, #tpu.memory_space<semaphore_mem>>) src(%arg8 : memref<64x128xf32, #tpu.memory_space<vmem>>) dst(%dma_wait3A_225 : memref<64x128xf32, #tpu.memory_space<hbm>>)
      tpu.yield
    }) : () -> ()
    %mul3A_189 = arith.constant 640 : i32
    %mul3A_190 = arith.muli %arg1, %mul3A_189 : i32
    %add3A_191 = arith.constant 384 : i32
    %add3A_192 = arith.addi %mul3A_190, %add3A_191 : i32
    "tpu.region"() ({
      %run_scoped3A_217 = tpu.sem_alloc : memref<!tpu.dma_semaphore, #tpu.memory_space<semaphore_mem>>
      %dma_start3A_218 = arith.constant 0 : i32
      %dma_start3A_219 = tpu.memref_slice %arg12[%add3A_192, %dma_start3A_218] : memref<10240x128xf32, #tpu.memory_space<vmem_shared>> -> memref<64x128xf32, #tpu.memory_space<vmem_shared>>
      %dma_start3A_220 = arith.constant 0 : i32
      %dma_start3A_221 = tpu.memref_slice %arg12[%add3A_192, %dma_start3A_220] : memref<10240x128xf32, #tpu.memory_space<vmem_shared>> -> memref<64x128xf32, #tpu.memory_space<vmem_shared>>
      tpu.enqueue_dma source(%dma_start3A_221 : memref<64x128xf32, #tpu.memory_space<vmem_shared>>) target(%arg8 : memref<64x128xf32, #tpu.memory_space<vmem>>) target_semaphore(%run_scoped3A_217 : memref<!tpu.dma_semaphore, #tpu.memory_space<semaphore_mem>>)
      %dma_wait3A_222 = arith.constant 0 : i32
      %dma_wait3A_223 = tpu.memref_slice %arg12[%add3A_192, %dma_wait3A_222] : memref<10240x128xf32, #tpu.memory_space<vmem_shared>> -> memref<64x128xf32, #tpu.memory_space<vmem_shared>>
      %dma_wait3A_224 = arith.constant 0 : i32
      %dma_wait3A_225 = tpu.memref_slice %arg12[%add3A_192, %dma_wait3A_224] : memref<10240x128xf32, #tpu.memory_space<vmem_shared>> -> memref<64x128xf32, #tpu.memory_space<vmem_shared>>
      tpu.wait_dma2 semaphore(%run_scoped3A_217 : memref<!tpu.dma_semaphore, #tpu.memory_space<semaphore_mem>>) src(%dma_wait3A_225 : memref<64x128xf32, #tpu.memory_space<vmem_shared>>) dst(%arg8 : memref<64x128xf32, #tpu.memory_space<vmem>>)
      tpu.yield
    }) : () -> ()
    %mul3A_193 = arith.constant 10240 : i32
    %mul3A_194 = arith.muli %arg0, %mul3A_193 : i32
    %add3A_195 = arith.addi %mul3A_194, %add3A_192 : i32
    "tpu.region"() ({
      %run_scoped3A_217 = tpu.sem_alloc : memref<!tpu.dma_semaphore, #tpu.memory_space<semaphore_mem>>
      %dma_start3A_218 = arith.constant 0 : i32
      %dma_start3A_219 = tpu.memref_slice %arg5[%add3A_195, %dma_start3A_218] : memref<20480x128xf32, #tpu.memory_space<hbm>> -> memref<64x128xf32, #tpu.memory_space<hbm>>
      %dma_start3A_220 = arith.constant 0 : i32
      %dma_start3A_221 = tpu.memref_slice %arg5[%add3A_195, %dma_start3A_220] : memref<20480x128xf32, #tpu.memory_space<hbm>> -> memref<64x128xf32, #tpu.memory_space<hbm>>
      tpu.enqueue_dma source(%arg8 : memref<64x128xf32, #tpu.memory_space<vmem>>) target(%dma_start3A_221 : memref<64x128xf32, #tpu.memory_space<hbm>>) target_semaphore(%run_scoped3A_217 : memref<!tpu.dma_semaphore, #tpu.memory_space<semaphore_mem>>)
      %dma_wait3A_222 = arith.constant 0 : i32
      %dma_wait3A_223 = tpu.memref_slice %arg5[%add3A_195, %dma_wait3A_222] : memref<20480x128xf32, #tpu.memory_space<hbm>> -> memref<64x128xf32, #tpu.memory_space<hbm>>
      %dma_wait3A_224 = arith.constant 0 : i32
      %dma_wait3A_225 = tpu.memref_slice %arg5[%add3A_195, %dma_wait3A_224] : memref<20480x128xf32, #tpu.memory_space<hbm>> -> memref<64x128xf32, #tpu.memory_space<hbm>>
      tpu.wait_dma2 semaphore(%run_scoped3A_217 : memref<!tpu.dma_semaphore, #tpu.memory_space<semaphore_mem>>) src(%arg8 : memref<64x128xf32, #tpu.memory_space<vmem>>) dst(%dma_wait3A_225 : memref<64x128xf32, #tpu.memory_space<hbm>>)
      tpu.yield
    }) : () -> ()
    %mul3A_196 = arith.constant 640 : i32
    %mul3A_197 = arith.muli %arg1, %mul3A_196 : i32
    %add3A_198 = arith.constant 448 : i32
    %add3A_199 = arith.addi %mul3A_197, %add3A_198 : i32
    "tpu.region"() ({
      %run_scoped3A_217 = tpu.sem_alloc : memref<!tpu.dma_semaphore, #tpu.memory_space<semaphore_mem>>
      %dma_start3A_218 = arith.constant 0 : i32
      %dma_start3A_219 = tpu.memref_slice %arg12[%add3A_199, %dma_start3A_218] : memref<10240x128xf32, #tpu.memory_space<vmem_shared>> -> memref<64x128xf32, #tpu.memory_space<vmem_shared>>
      %dma_start3A_220 = arith.constant 0 : i32
      %dma_start3A_221 = tpu.memref_slice %arg12[%add3A_199, %dma_start3A_220] : memref<10240x128xf32, #tpu.memory_space<vmem_shared>> -> memref<64x128xf32, #tpu.memory_space<vmem_shared>>
      tpu.enqueue_dma source(%dma_start3A_221 : memref<64x128xf32, #tpu.memory_space<vmem_shared>>) target(%arg8 : memref<64x128xf32, #tpu.memory_space<vmem>>) target_semaphore(%run_scoped3A_217 : memref<!tpu.dma_semaphore, #tpu.memory_space<semaphore_mem>>)
      %dma_wait3A_222 = arith.constant 0 : i32
      %dma_wait3A_223 = tpu.memref_slice %arg12[%add3A_199, %dma_wait3A_222] : memref<10240x128xf32, #tpu.memory_space<vmem_shared>> -> memref<64x128xf32, #tpu.memory_space<vmem_shared>>
      %dma_wait3A_224 = arith.constant 0 : i32
      %dma_wait3A_225 = tpu.memref_slice %arg12[%add3A_199, %dma_wait3A_224] : memref<10240x128xf32, #tpu.memory_space<vmem_shared>> -> memref<64x128xf32, #tpu.memory_space<vmem_shared>>
      tpu.wait_dma2 semaphore(%run_scoped3A_217 : memref<!tpu.dma_semaphore, #tpu.memory_space<semaphore_mem>>) src(%dma_wait3A_225 : memref<64x128xf32, #tpu.memory_space<vmem_shared>>) dst(%arg8 : memref<64x128xf32, #tpu.memory_space<vmem>>)
      tpu.yield
    }) : () -> ()
    %mul3A_200 = arith.constant 10240 : i32
    %mul3A_201 = arith.muli %arg0, %mul3A_200 : i32
    %add3A_202 = arith.addi %mul3A_201, %add3A_199 : i32
    "tpu.region"() ({
      %run_scoped3A_217 = tpu.sem_alloc : memref<!tpu.dma_semaphore, #tpu.memory_space<semaphore_mem>>
      %dma_start3A_218 = arith.constant 0 : i32
      %dma_start3A_219 = tpu.memref_slice %arg5[%add3A_202, %dma_start3A_218] : memref<20480x128xf32, #tpu.memory_space<hbm>> -> memref<64x128xf32, #tpu.memory_space<hbm>>
      %dma_start3A_220 = arith.constant 0 : i32
      %dma_start3A_221 = tpu.memref_slice %arg5[%add3A_202, %dma_start3A_220] : memref<20480x128xf32, #tpu.memory_space<hbm>> -> memref<64x128xf32, #tpu.memory_space<hbm>>
      tpu.enqueue_dma source(%arg8 : memref<64x128xf32, #tpu.memory_space<vmem>>) target(%dma_start3A_221 : memref<64x128xf32, #tpu.memory_space<hbm>>) target_semaphore(%run_scoped3A_217 : memref<!tpu.dma_semaphore, #tpu.memory_space<semaphore_mem>>)
      %dma_wait3A_222 = arith.constant 0 : i32
      %dma_wait3A_223 = tpu.memref_slice %arg5[%add3A_202, %dma_wait3A_222] : memref<20480x128xf32, #tpu.memory_space<hbm>> -> memref<64x128xf32, #tpu.memory_space<hbm>>
      %dma_wait3A_224 = arith.constant 0 : i32
      %dma_wait3A_225 = tpu.memref_slice %arg5[%add3A_202, %dma_wait3A_224] : memref<20480x128xf32, #tpu.memory_space<hbm>> -> memref<64x128xf32, #tpu.memory_space<hbm>>
      tpu.wait_dma2 semaphore(%run_scoped3A_217 : memref<!tpu.dma_semaphore, #tpu.memory_space<semaphore_mem>>) src(%arg8 : memref<64x128xf32, #tpu.memory_space<vmem>>) dst(%dma_wait3A_225 : memref<64x128xf32, #tpu.memory_space<hbm>>)
      tpu.yield
    }) : () -> ()
    %mul3A_203 = arith.constant 640 : i32
    %mul3A_204 = arith.muli %arg1, %mul3A_203 : i32
    %add3A_205 = arith.constant 512 : i32
    %add3A_206 = arith.addi %mul3A_204, %add3A_205 : i32
    "tpu.region"() ({
      %run_scoped3A_217 = tpu.sem_alloc : memref<!tpu.dma_semaphore, #tpu.memory_space<semaphore_mem>>
      %dma_start3A_218 = arith.constant 0 : i32
      %dma_start3A_219 = tpu.memref_slice %arg12[%add3A_206, %dma_start3A_218] : memref<10240x128xf32, #tpu.memory_space<vmem_shared>> -> memref<64x128xf32, #tpu.memory_space<vmem_shared>>
      %dma_start3A_220 = arith.constant 0 : i32
      %dma_start3A_221 = tpu.memref_slice %arg12[%add3A_206, %dma_start3A_220] : memref<10240x128xf32, #tpu.memory_space<vmem_shared>> -> memref<64x128xf32, #tpu.memory_space<vmem_shared>>
      tpu.enqueue_dma source(%dma_start3A_221 : memref<64x128xf32, #tpu.memory_space<vmem_shared>>) target(%arg8 : memref<64x128xf32, #tpu.memory_space<vmem>>) target_semaphore(%run_scoped3A_217 : memref<!tpu.dma_semaphore, #tpu.memory_space<semaphore_mem>>)
      %dma_wait3A_222 = arith.constant 0 : i32
      %dma_wait3A_223 = tpu.memref_slice %arg12[%add3A_206, %dma_wait3A_222] : memref<10240x128xf32, #tpu.memory_space<vmem_shared>> -> memref<64x128xf32, #tpu.memory_space<vmem_shared>>
      %dma_wait3A_224 = arith.constant 0 : i32
      %dma_wait3A_225 = tpu.memref_slice %arg12[%add3A_206, %dma_wait3A_224] : memref<10240x128xf32, #tpu.memory_space<vmem_shared>> -> memref<64x128xf32, #tpu.memory_space<vmem_shared>>
      tpu.wait_dma2 semaphore(%run_scoped3A_217 : memref<!tpu.dma_semaphore, #tpu.memory_space<semaphore_mem>>) src(%dma_wait3A_225 : memref<64x128xf32, #tpu.memory_space<vmem_shared>>) dst(%arg8 : memref<64x128xf32, #tpu.memory_space<vmem>>)
      tpu.yield
    }) : () -> ()
    %mul3A_207 = arith.constant 10240 : i32
    %mul3A_208 = arith.muli %arg0, %mul3A_207 : i32
    %add3A_209 = arith.addi %mul3A_208, %add3A_206 : i32
    "tpu.region"() ({
      %run_scoped3A_217 = tpu.sem_alloc : memref<!tpu.dma_semaphore, #tpu.memory_space<semaphore_mem>>
      %dma_start3A_218 = arith.constant 0 : i32
      %dma_start3A_219 = tpu.memref_slice %arg5[%add3A_209, %dma_start3A_218] : memref<20480x128xf32, #tpu.memory_space<hbm>> -> memref<64x128xf32, #tpu.memory_space<hbm>>
      %dma_start3A_220 = arith.constant 0 : i32
      %dma_start3A_221 = tpu.memref_slice %arg5[%add3A_209, %dma_start3A_220] : memref<20480x128xf32, #tpu.memory_space<hbm>> -> memref<64x128xf32, #tpu.memory_space<hbm>>
      tpu.enqueue_dma source(%arg8 : memref<64x128xf32, #tpu.memory_space<vmem>>) target(%dma_start3A_221 : memref<64x128xf32, #tpu.memory_space<hbm>>) target_semaphore(%run_scoped3A_217 : memref<!tpu.dma_semaphore, #tpu.memory_space<semaphore_mem>>)
      %dma_wait3A_222 = arith.constant 0 : i32
      %dma_wait3A_223 = tpu.memref_slice %arg5[%add3A_209, %dma_wait3A_222] : memref<20480x128xf32, #tpu.memory_space<hbm>> -> memref<64x128xf32, #tpu.memory_space<hbm>>
      %dma_wait3A_224 = arith.constant 0 : i32
      %dma_wait3A_225 = tpu.memref_slice %arg5[%add3A_209, %dma_wait3A_224] : memref<20480x128xf32, #tpu.memory_space<hbm>> -> memref<64x128xf32, #tpu.memory_space<hbm>>
      tpu.wait_dma2 semaphore(%run_scoped3A_217 : memref<!tpu.dma_semaphore, #tpu.memory_space<semaphore_mem>>) src(%arg8 : memref<64x128xf32, #tpu.memory_space<vmem>>) dst(%dma_wait3A_225 : memref<64x128xf32, #tpu.memory_space<hbm>>)
      tpu.yield
    }) : () -> ()
    %mul3A_210 = arith.constant 640 : i32
    %mul3A_211 = arith.muli %arg1, %mul3A_210 : i32
    %add3A_212 = arith.constant 576 : i32
    %add3A_213 = arith.addi %mul3A_211, %add3A_212 : i32
    "tpu.region"() ({
      %run_scoped3A_217 = tpu.sem_alloc : memref<!tpu.dma_semaphore, #tpu.memory_space<semaphore_mem>>
      %dma_start3A_218 = arith.constant 0 : i32
      %dma_start3A_219 = tpu.memref_slice %arg12[%add3A_213, %dma_start3A_218] : memref<10240x128xf32, #tpu.memory_space<vmem_shared>> -> memref<64x128xf32, #tpu.memory_space<vmem_shared>>
      %dma_start3A_220 = arith.constant 0 : i32
      %dma_start3A_221 = tpu.memref_slice %arg12[%add3A_213, %dma_start3A_220] : memref<10240x128xf32, #tpu.memory_space<vmem_shared>> -> memref<64x128xf32, #tpu.memory_space<vmem_shared>>
      tpu.enqueue_dma source(%dma_start3A_221 : memref<64x128xf32, #tpu.memory_space<vmem_shared>>) target(%arg8 : memref<64x128xf32, #tpu.memory_space<vmem>>) target_semaphore(%run_scoped3A_217 : memref<!tpu.dma_semaphore, #tpu.memory_space<semaphore_mem>>)
      %dma_wait3A_222 = arith.constant 0 : i32
      %dma_wait3A_223 = tpu.memref_slice %arg12[%add3A_213, %dma_wait3A_222] : memref<10240x128xf32, #tpu.memory_space<vmem_shared>> -> memref<64x128xf32, #tpu.memory_space<vmem_shared>>
      %dma_wait3A_224 = arith.constant 0 : i32
      %dma_wait3A_225 = tpu.memref_slice %arg12[%add3A_213, %dma_wait3A_224] : memref<10240x128xf32, #tpu.memory_space<vmem_shared>> -> memref<64x128xf32, #tpu.memory_space<vmem_shared>>
      tpu.wait_dma2 semaphore(%run_scoped3A_217 : memref<!tpu.dma_semaphore, #tpu.memory_space<semaphore_mem>>) src(%dma_wait3A_225 : memref<64x128xf32, #tpu.memory_space<vmem_shared>>) dst(%arg8 : memref<64x128xf32, #tpu.memory_space<vmem>>)
      tpu.yield
    }) : () -> ()
    %mul3A_214 = arith.constant 10240 : i32
    %mul3A_215 = arith.muli %arg0, %mul3A_214 : i32
    %add3A_216 = arith.addi %mul3A_215, %add3A_213 : i32
    "tpu.region"() ({
      %run_scoped3A_217 = tpu.sem_alloc : memref<!tpu.dma_semaphore, #tpu.memory_space<semaphore_mem>>
      %dma_start3A_218 = arith.constant 0 : i32
      %dma_start3A_219 = tpu.memref_slice %arg5[%add3A_216, %dma_start3A_218] : memref<20480x128xf32, #tpu.memory_space<hbm>> -> memref<64x128xf32, #tpu.memory_space<hbm>>
      %dma_start3A_220 = arith.constant 0 : i32
      %dma_start3A_221 = tpu.memref_slice %arg5[%add3A_216, %dma_start3A_220] : memref<20480x128xf32, #tpu.memory_space<hbm>> -> memref<64x128xf32, #tpu.memory_space<hbm>>
      tpu.enqueue_dma source(%arg8 : memref<64x128xf32, #tpu.memory_space<vmem>>) target(%dma_start3A_221 : memref<64x128xf32, #tpu.memory_space<hbm>>) target_semaphore(%run_scoped3A_217 : memref<!tpu.dma_semaphore, #tpu.memory_space<semaphore_mem>>)
      %dma_wait3A_222 = arith.constant 0 : i32
      %dma_wait3A_223 = tpu.memref_slice %arg5[%add3A_216, %dma_wait3A_222] : memref<20480x128xf32, #tpu.memory_space<hbm>> -> memref<64x128xf32, #tpu.memory_space<hbm>>
      %dma_wait3A_224 = arith.constant 0 : i32
      %dma_wait3A_225 = tpu.memref_slice %arg5[%add3A_216, %dma_wait3A_224] : memref<20480x128xf32, #tpu.memory_space<hbm>> -> memref<64x128xf32, #tpu.memory_space<hbm>>
      tpu.wait_dma2 semaphore(%run_scoped3A_217 : memref<!tpu.dma_semaphore, #tpu.memory_space<semaphore_mem>>) src(%arg8 : memref<64x128xf32, #tpu.memory_space<vmem>>) dst(%dma_wait3A_225 : memref<64x128xf32, #tpu.memory_space<hbm>>)
      tpu.yield
    }) : () -> ()
    return
  }
}

module attributes {stable_mosaic.version = 14 : i64} {
  func.func @_tc_mm_body(%arg0: i32, %arg1: memref<1000x128xf32, #tpu.memory_space<vmem>>, %arg2: memref<128x128xf32, #tpu.memory_space<vmem>>, %arg3: memref<1000x128xf32, #tpu.memory_space<vmem>>) attributes {dimension_semantics = [#tpu.dimension_semantics<arbitrary>], iteration_bounds = array<i64: 10>, scalar_prefetch = 0 : i64, scratch_operands = 0 : i64, tpu.core_type = #tpu.core_type<tc>, window_params = [{transform_indices = @transform_0, window_bounds = array<i64: 1000, 128>}, {pipeline_mode = #tpu.pipeline_mode<synchronous>, transform_indices = @transform_1, window_bounds = array<i64: 128, 128>}, {transform_indices = @transform_2, window_bounds = array<i64: 1000, 128>}]} {
    %get3A = arith.constant 0 : index
    %get3A_0 = arith.constant 0 : index
    %get3A_1 = vector.load %arg1[%get3A, %get3A_0] : memref<1000x128xf32, #tpu.memory_space<vmem>>, vector<1000x128xf32>
    %get3A_2 = arith.constant 0 : index
    %get3A_3 = arith.constant 0 : index
    %get3A_4 = vector.load %arg2[%get3A_2, %get3A_3] : memref<128x128xf32, #tpu.memory_space<vmem>>, vector<128x128xf32>
    %dot_general3A = arith.constant dense<0.000000e+00> : vector<1000x128xf32>
    %dot_general3A_5 = tpu.matmul %get3A_1, %get3A_4, %dot_general3A {dimension_numbers = #tpu.dot_dimension_numbers<[1], [0], [0], [1], [0, 0, 1, 1], [], []>, transpose_lhs_hint = false} : vector<1000x128xf32>, vector<128x128xf32>, vector<1000x128xf32> -> vector<1000x128xf32>
    %swap3A = arith.constant 0 : index
    %swap3A_6 = arith.constant 0 : index
    %swap3A_7 = vector.load %arg3[%swap3A, %swap3A_6] : memref<1000x128xf32, #tpu.memory_space<vmem>>, vector<1000x128xf32>
    tpu.vector_store %arg3[%swap3A, %swap3A_6], %dot_general3A_5 {strides = array<i32>} : memref<1000x128xf32, #tpu.memory_space<vmem>>, vector<1000x128xf32>,
    return
  }
  func.func @transform_0(%arg0: i32) -> (i32, i32) {
    %c0_i32 = arith.constant 0 : i32
    %c0_i32_0 = arith.constant 0 : i32
    return %arg0, %c0_i32 : i32, i32
  }
  func.func @transform_1(%arg0: i32) -> (i32, i32) {
    %c0_i32 = arith.constant 0 : i32
    %c0_i32_0 = arith.constant 0 : i32
    %c0_i32_1 = arith.constant 0 : i32
    return %c0_i32, %c0_i32_0 : i32, i32
  }
  func.func @transform_2(%arg0: i32) -> (i32, i32) {
    %c0_i32 = arith.constant 0 : i32
    %c0_i32_0 = arith.constant 0 : i32
    return %arg0, %c0_i32 : i32, i32
  }
}

module attributes {stable_mosaic.version = 14 : i64} {
  func.func @_tc1_body(%arg0: i32, %arg1: memref<1000x2xf32, #tpu.memory_space<vmem>>, %arg2: memref<1000x128xf32, #tpu.memory_space<vmem>>, %arg3: memref<1000x128xf32, #tpu.memory_space<vmem>>, %arg4: memref<1000x1xf32, #tpu.memory_space<vmem>>) attributes {dimension_semantics = [#tpu.dimension_semantics<arbitrary>], iteration_bounds = array<i64: 10>, scalar_prefetch = 0 : i64, scratch_operands = 0 : i64, tpu.core_type = #tpu.core_type<tc>, window_params = [{transform_indices = @transform_0, window_bounds = array<i64: 1000, 2>}, {transform_indices = @transform_1, window_bounds = array<i64: 1000, 128>}, {transform_indices = @transform_2, window_bounds = array<i64: 1000, 128>}, {transform_indices = @transform_3, window_bounds = array<i64: 1000, 1>}]} {
    %get3A = arith.constant 0 : index
    %get3A_0 = arith.constant 0 : index
    %get3A_1 = vector.load %arg1[%get3A, %get3A_0] : memref<1000x2xf32, #tpu.memory_space<vmem>>, vector<1000x2xf32>
    %reduce_sum3A = arith.constant dense<0.000000e+00> : vector<1000xf32>
    %reduce_sum3A_2 = vector.multi_reduction <add>, %get3A_1, %reduce_sum3A [1] : vector<1000x2xf32> to vector<1000xf32>
    %broadcast_in_dim3A = vector.shape_cast %reduce_sum3A_2 : vector<1000xf32> to vector<1000x1xf32>
    %add3A = arith.constant 1.000000e+00 : f32
    %add3A_3 = vector.broadcast %add3A : f32 to vector<1000x1xf32>
    %add3A_4 = arith.addf %broadcast_in_dim3A, %add3A_3 : vector<1000x1xf32>
    %rsqrt3A = math.rsqrt %add3A_4 : vector<1000x1xf32>
    %swap3A = arith.constant 0 : index
    %swap3A_5 = arith.constant 0 : index
    %swap3A_6 = vector.load %arg4[%swap3A, %swap3A_5] : memref<1000x1xf32, #tpu.memory_space<vmem>>, vector<1000x1xf32>
    tpu.vector_store %arg4[%swap3A, %swap3A_5], %rsqrt3A {strides = array<i32>} : memref<1000x1xf32, #tpu.memory_space<vmem>>, vector<1000x1xf32>,
    %get3A_7 = arith.constant 0 : index
    %get3A_8 = arith.constant 0 : index
    %get3A_9 = vector.load %arg2[%get3A_7, %get3A_8] : memref<1000x128xf32, #tpu.memory_space<vmem>>, vector<1000x128xf32>
    %mul3A = vector.broadcast %rsqrt3A : vector<1000x1xf32> to vector<1000x128xf32>
    %mul3A_10 = arith.mulf %get3A_9, %mul3A : vector<1000x128xf32>
    %swap3A_11 = arith.constant 0 : index
    %swap3A_12 = arith.constant 0 : index
    %swap3A_13 = vector.load %arg3[%swap3A_11, %swap3A_12] : memref<1000x128xf32, #tpu.memory_space<vmem>>, vector<1000x128xf32>
    tpu.vector_store %arg3[%swap3A_11, %swap3A_12], %mul3A_10 {strides = array<i32>} : memref<1000x128xf32, #tpu.memory_space<vmem>>, vector<1000x128xf32>,
    return
  }
  func.func @transform_0(%arg0: i32) -> (i32, i32) {
    %c0_i32 = arith.constant 0 : i32
    %c0_i32_0 = arith.constant 0 : i32
    return %arg0, %c0_i32 : i32, i32
  }
  func.func @transform_1(%arg0: i32) -> (i32, i32) {
    %c0_i32 = arith.constant 0 : i32
    %c0_i32_0 = arith.constant 0 : i32
    return %arg0, %c0_i32 : i32, i32
  }
  func.func @transform_2(%arg0: i32) -> (i32, i32) {
    %c0_i32 = arith.constant 0 : i32
    %c0_i32_0 = arith.constant 0 : i32
    return %arg0, %c0_i32 : i32, i32
  }
  func.func @transform_3(%arg0: i32) -> (i32, i32) {
    %c0_i32 = arith.constant 0 : i32
    %c0_i32_0 = arith.constant 0 : i32
    return %arg0, %c0_i32 : i32, i32
  }
}

module attributes {stable_mosaic.version = 14 : i64} {
  func.func @_tc_mid_body(%arg0: i32, %arg1: memref<2x1000x128xf32, #tpu.memory_space<vmem>>, %arg2: memref<1000x128xf32, #tpu.memory_space<vmem>>, %arg3: memref<1000x1xf32, #tpu.memory_space<vmem>>, %arg4: memref<1x128xf32, #tpu.memory_space<vmem>>, %arg5: memref<128x128xf32, #tpu.memory_space<vmem>>, %arg6: memref<1000x128xf32, #tpu.memory_space<vmem>>) attributes {dimension_semantics = [#tpu.dimension_semantics<arbitrary>], iteration_bounds = array<i64: 10>, scalar_prefetch = 0 : i64, scratch_operands = 0 : i64, tpu.core_type = #tpu.core_type<tc>, window_params = [{transform_indices = @transform_0, window_bounds = array<i64: 2, 1000, 128>}, {transform_indices = @transform_1, window_bounds = array<i64: 1000, 128>}, {transform_indices = @transform_2, window_bounds = array<i64: 1000, 1>}, {pipeline_mode = #tpu.pipeline_mode<synchronous>, transform_indices = @transform_3, window_bounds = array<i64: 1, 128>}, {pipeline_mode = #tpu.pipeline_mode<synchronous>, transform_indices = @transform_4, window_bounds = array<i64: 128, 128>}, {transform_indices = @transform_5, window_bounds = array<i64: 1000, 128>}]} {
    %get3A = arith.constant 0 : index
    %get3A_0 = arith.constant 0 : index
    %get3A_1 = vector.load %arg3[%get3A, %get3A_0] : memref<1000x1xf32, #tpu.memory_space<vmem>>, vector<1000x1xf32>
    %get3A_2 = arith.constant 0 : index
    %get3A_3 = arith.constant 0 : index
    %get3A_4 = arith.constant 0 : index
    %get3A_5 = vector.load %arg1[%get3A_2, %get3A_3, %get3A_4] : memref<2x1000x128xf32, #tpu.memory_space<vmem>>, vector<1x1000x128xf32>
    %get3A_6 = vector.shape_cast %get3A_5 : vector<1x1000x128xf32> to vector<1000x128xf32>
    %get3A_7 = arith.constant 1 : index
    %get3A_8 = arith.constant 0 : index
    %get3A_9 = arith.constant 0 : index
    %get3A_10 = vector.load %arg1[%get3A_7, %get3A_8, %get3A_9] : memref<2x1000x128xf32, #tpu.memory_space<vmem>>, vector<1x1000x128xf32>
    %get3A_11 = vector.shape_cast %get3A_10 : vector<1x1000x128xf32> to vector<1000x128xf32>
    %add3A = arith.addf %get3A_6, %get3A_11 : vector<1000x128xf32>
    %get3A_12 = arith.constant 0 : index
    %get3A_13 = arith.constant 0 : index
    %get3A_14 = vector.load %arg2[%get3A_12, %get3A_13] : memref<1000x128xf32, #tpu.memory_space<vmem>>, vector<1000x128xf32>
    %add3A_15 = arith.addf %add3A, %get3A_14 : vector<1000x128xf32>
    %mul3A = vector.broadcast %get3A_1 : vector<1000x1xf32> to vector<1000x128xf32>
    %mul3A_16 = arith.mulf %add3A_15, %mul3A : vector<1000x128xf32>
    %get3A_17 = arith.constant 0 : index
    %get3A_18 = arith.constant 0 : index
    %get3A_19 = vector.load %arg4[%get3A_17, %get3A_18] : memref<1x128xf32, #tpu.memory_space<vmem>>, vector<1x128xf32>
    %add3A_20 = vector.broadcast %get3A_19 : vector<1x128xf32> to vector<1000x128xf32>
    %add3A_21 = arith.addf %mul3A_16, %add3A_20 : vector<1000x128xf32>
    %max3A = arith.constant 0.000000e+00 : f32
    %max3A_22 = vector.broadcast %max3A : f32 to vector<1000x128xf32>
    %max3A_23 = arith.maximumf %add3A_21, %max3A_22 : vector<1000x128xf32>
    %get3A_24 = arith.constant 0 : index
    %get3A_25 = arith.constant 0 : index
    %get3A_26 = vector.load %arg5[%get3A_24, %get3A_25] : memref<128x128xf32, #tpu.memory_space<vmem>>, vector<128x128xf32>
    %dot_general3A = arith.constant dense<0.000000e+00> : vector<1000x128xf32>
    %dot_general3A_27 = tpu.matmul %max3A_23, %get3A_26, %dot_general3A {dimension_numbers = #tpu.dot_dimension_numbers<[1], [0], [0], [1], [0, 0, 1, 1], [], []>, transpose_lhs_hint = false} : vector<1000x128xf32>, vector<128x128xf32>, vector<1000x128xf32> -> vector<1000x128xf32>
    %mul3A_28 = vector.broadcast %get3A_1 : vector<1000x1xf32> to vector<1000x128xf32>
    %mul3A_29 = arith.mulf %dot_general3A_27, %mul3A_28 : vector<1000x128xf32>
    %swap3A = arith.constant 0 : index
    %swap3A_30 = arith.constant 0 : index
    %swap3A_31 = vector.load %arg6[%swap3A, %swap3A_30] : memref<1000x128xf32, #tpu.memory_space<vmem>>, vector<1000x128xf32>
    tpu.vector_store %arg6[%swap3A, %swap3A_30], %mul3A_29 {strides = array<i32>} : memref<1000x128xf32, #tpu.memory_space<vmem>>, vector<1000x128xf32>,
    return
  }
  func.func @transform_0(%arg0: i32) -> (i32, i32, i32) {
    %c0_i32 = arith.constant 0 : i32
    %c0_i32_0 = arith.constant 0 : i32
    %c0_i32_1 = arith.constant 0 : i32
    return %c0_i32, %arg0, %c0_i32_0 : i32, i32, i32
  }
  func.func @transform_1(%arg0: i32) -> (i32, i32) {
    %c0_i32 = arith.constant 0 : i32
    %c0_i32_0 = arith.constant 0 : i32
    return %arg0, %c0_i32 : i32, i32
  }
  func.func @transform_2(%arg0: i32) -> (i32, i32) {
    %c0_i32 = arith.constant 0 : i32
    %c0_i32_0 = arith.constant 0 : i32
    return %arg0, %c0_i32 : i32, i32
  }
  func.func @transform_3(%arg0: i32) -> (i32, i32) {
    %c0_i32 = arith.constant 0 : i32
    %c0_i32_0 = arith.constant 0 : i32
    %c0_i32_1 = arith.constant 0 : i32
    return %c0_i32, %c0_i32_0 : i32, i32
  }
  func.func @transform_4(%arg0: i32) -> (i32, i32) {
    %c0_i32 = arith.constant 0 : i32
    %c0_i32_0 = arith.constant 0 : i32
    %c0_i32_1 = arith.constant 0 : i32
    return %c0_i32, %c0_i32_0 : i32, i32
  }
  func.func @transform_5(%arg0: i32) -> (i32, i32) {
    %c0_i32 = arith.constant 0 : i32
    %c0_i32_0 = arith.constant 0 : i32
    return %arg0, %c0_i32 : i32, i32
  }
}

module attributes {stable_mosaic.version = 14 : i64} {
  func.func @_tc_final_body(%arg0: i32, %arg1: memref<2x1000x128xf32, #tpu.memory_space<vmem>>, %arg2: memref<1000x128xf32, #tpu.memory_space<vmem>>, %arg3: memref<1000x1xf32, #tpu.memory_space<vmem>>, %arg4: memref<1x128xf32, #tpu.memory_space<vmem>>, %arg5: memref<1000x1xi32, #tpu.memory_space<vmem>>, %arg6: memref<128x128xf32, #tpu.memory_space<vmem>>, %arg7: memref<1x128xf32, #tpu.memory_space<vmem>>, %arg8: memref<128x8xf32, #tpu.memory_space<vmem>>, %arg9: memref<1x8xf32, #tpu.memory_space<vmem>>, %arg10: memref<16x8xf32, #tpu.memory_space<vmem>>, %arg11: memref<16x128xf32, #tpu.memory_space<vmem>>, %arg12: memref<16x128xf32, #tpu.memory_space<vmem>>) attributes {dimension_semantics = [#tpu.dimension_semantics<arbitrary>], iteration_bounds = array<i64: 10>, scalar_prefetch = 0 : i64, scratch_operands = 2 : i64, tpu.core_type = #tpu.core_type<tc>, window_params = [{transform_indices = @transform_0, window_bounds = array<i64: 2, 1000, 128>}, {transform_indices = @transform_1, window_bounds = array<i64: 1000, 128>}, {transform_indices = @transform_2, window_bounds = array<i64: 1000, 1>}, {pipeline_mode = #tpu.pipeline_mode<synchronous>, transform_indices = @transform_3, window_bounds = array<i64: 1, 128>}, {transform_indices = @transform_4, window_bounds = array<i64: 1000, 1>}, {pipeline_mode = #tpu.pipeline_mode<synchronous>, transform_indices = @transform_5, window_bounds = array<i64: 128, 128>}, {pipeline_mode = #tpu.pipeline_mode<synchronous>, transform_indices = @transform_6, window_bounds = array<i64: 1, 128>}, {pipeline_mode = #tpu.pipeline_mode<synchronous>, transform_indices = @transform_7, window_bounds = array<i64: 128, 8>}, {pipeline_mode = #tpu.pipeline_mode<synchronous>, transform_indices = @transform_8, window_bounds = array<i64: 1, 8>}, {pipeline_mode = #tpu.pipeline_mode<synchronous>, transform_indices = @transform_9, window_bounds = array<i64: 16, 8>}]} {
    %get3A = arith.constant 0 : index
    %get3A_0 = arith.constant 0 : index
    %get3A_1 = arith.constant 0 : index
    %get3A_2 = vector.load %arg1[%get3A, %get3A_0, %get3A_1] : memref<2x1000x128xf32, #tpu.memory_space<vmem>>, vector<1x1000x128xf32>
    %get3A_3 = vector.shape_cast %get3A_2 : vector<1x1000x128xf32> to vector<1000x128xf32>
    %get3A_4 = arith.constant 1 : index
    %get3A_5 = arith.constant 0 : index
    %get3A_6 = arith.constant 0 : index
    %get3A_7 = vector.load %arg1[%get3A_4, %get3A_5, %get3A_6] : memref<2x1000x128xf32, #tpu.memory_space<vmem>>, vector<1x1000x128xf32>
    %get3A_8 = vector.shape_cast %get3A_7 : vector<1x1000x128xf32> to vector<1000x128xf32>
    %add3A = arith.addf %get3A_3, %get3A_8 : vector<1000x128xf32>
    %get3A_9 = arith.constant 0 : index
    %get3A_10 = arith.constant 0 : index
    %get3A_11 = vector.load %arg2[%get3A_9, %get3A_10] : memref<1000x128xf32, #tpu.memory_space<vmem>>, vector<1000x128xf32>
    %add3A_12 = arith.addf %add3A, %get3A_11 : vector<1000x128xf32>
    %get3A_13 = arith.constant 0 : index
    %get3A_14 = arith.constant 0 : index
    %get3A_15 = vector.load %arg3[%get3A_13, %get3A_14] : memref<1000x1xf32, #tpu.memory_space<vmem>>, vector<1000x1xf32>
    %mul3A = vector.broadcast %get3A_15 : vector<1000x1xf32> to vector<1000x128xf32>
    %mul3A_16 = arith.mulf %add3A_12, %mul3A : vector<1000x128xf32>
    %get3A_17 = arith.constant 0 : index
    %get3A_18 = arith.constant 0 : index
    %get3A_19 = vector.load %arg4[%get3A_17, %get3A_18] : memref<1x128xf32, #tpu.memory_space<vmem>>, vector<1x128xf32>
    %add3A_20 = vector.broadcast %get3A_19 : vector<1x128xf32> to vector<1000x128xf32>
    %add3A_21 = arith.addf %mul3A_16, %add3A_20 : vector<1000x128xf32>
    %max3A = arith.constant 0.000000e+00 : f32
    %max3A_22 = vector.broadcast %max3A : f32 to vector<1000x128xf32>
    %max3A_23 = arith.maximumf %add3A_21, %max3A_22 : vector<1000x128xf32>
    %iota3A = tpu.iota {dimensions = array<i32: 1>} : vector<1x16xi32>
    %get3A_24 = arith.constant 0 : index
    %get3A_25 = arith.constant 0 : index
    %get3A_26 = vector.load %arg5[%get3A_24, %get3A_25] : memref<1000x1xi32, #tpu.memory_space<vmem>>, vector<1000x1xi32>
    %eq3A = vector.broadcast %get3A_26 : vector<1000x1xi32> to vector<1000x16xi32>
    %eq3A_27 = vector.broadcast %iota3A : vector<1x16xi32> to vector<1000x16xi32>
    %eq3A_28 = arith.cmpi eq, %eq3A, %eq3A_27 : vector<1000x16xi32>
    %convert_element_type3A = arith.extui %eq3A_28 : vector<1000x16xi1> to vector<1000x16xi32>
    %convert_element_type3A_29 = arith.sitofp %convert_element_type3A : vector<1000x16xi32> to vector<1000x16xf32>
    %dot_general3A = arith.constant dense<0.000000e+00> : vector<16x128xf32>
    %dot_general3A_30 = tpu.matmul %convert_element_type3A_29, %max3A_23, %dot_general3A {dimension_numbers = #tpu.dot_dimension_numbers<[0], [0], [1], [1], [0, 1, 1, 1], [], []>, transpose_lhs_hint = false} : vector<1000x16xf32>, vector<1000x128xf32>, vector<16x128xf32> -> vector<16x128xf32>
    %broadcast_in_dim3A = arith.constant 1.000000e+00 : f32
    %broadcast_in_dim3A_31 = vector.broadcast %broadcast_in_dim3A : f32 to vector<1000x128xf32>
    %dot_general3A_32 = arith.constant dense<0.000000e+00> : vector<16x128xf32>
    %dot_general3A_33 = tpu.matmul %convert_element_type3A_29, %broadcast_in_dim3A_31, %dot_general3A_32 {dimension_numbers = #tpu.dot_dimension_numbers<[0], [0], [1], [1], [0, 1, 1, 1], [], []>, transpose_lhs_hint = false} : vector<1000x16xf32>, vector<1000x128xf32>, vector<16x128xf32> -> vector<16x128xf32>
    %eq3A_34 = arith.constant 0 : i32
    %eq3A_35 = arith.cmpi eq, %arg0, %eq3A_34 : i32
    %convert_element_type3A_36 = arith.extui %eq3A_35 : i1 to i32
    %cond3A = arith.constant 0 : i32
    %cond3A_37 = arith.cmpi ne, %convert_element_type3A_36, %cond3A : i32
    scf.if %cond3A_37 {
      %broadcast_in_dim3A_56 = arith.constant 0.000000e+00 : f32
      %broadcast_in_dim3A_57 = vector.broadcast %broadcast_in_dim3A_56 : f32 to vector<16x128xf32>
      %swap3A_58 = arith.constant 0 : index
      %swap3A_59 = arith.constant 0 : index
      %swap3A_60 = vector.load %arg11[%swap3A_58, %swap3A_59] : memref<16x128xf32, #tpu.memory_space<vmem>>, vector<16x128xf32>
      tpu.vector_store %arg11[%swap3A_58, %swap3A_59], %broadcast_in_dim3A_57 {strides = array<i32>} : memref<16x128xf32, #tpu.memory_space<vmem>>, vector<16x128xf32>,
      %broadcast_in_dim3A_61 = arith.constant 0.000000e+00 : f32
      %broadcast_in_dim3A_62 = vector.broadcast %broadcast_in_dim3A_61 : f32 to vector<16x128xf32>
      %swap3A_63 = arith.constant 0 : index
      %swap3A_64 = arith.constant 0 : index
      %swap3A_65 = vector.load %arg12[%swap3A_63, %swap3A_64] : memref<16x128xf32, #tpu.memory_space<vmem>>, vector<16x128xf32>
      tpu.vector_store %arg12[%swap3A_63, %swap3A_64], %broadcast_in_dim3A_62 {strides = array<i32>} : memref<16x128xf32, #tpu.memory_space<vmem>>, vector<16x128xf32>,
    } else {
    }
    %get3A_38 = arith.constant 0 : index
    %get3A_39 = arith.constant 0 : index
    %get3A_40 = vector.load %arg11[%get3A_38, %get3A_39] : memref<16x128xf32, #tpu.memory_space<vmem>>, vector<16x128xf32>
    %add3A_41 = arith.addf %get3A_40, %dot_general3A_30 : vector<16x128xf32>
    %swap3A = arith.constant 0 : index
    %swap3A_42 = arith.constant 0 : index
    %swap3A_43 = vector.load %arg11[%swap3A, %swap3A_42] : memref<16x128xf32, #tpu.memory_space<vmem>>, vector<16x128xf32>
    tpu.vector_store %arg11[%swap3A, %swap3A_42], %add3A_41 {strides = array<i32>} : memref<16x128xf32, #tpu.memory_space<vmem>>, vector<16x128xf32>,
    %get3A_44 = arith.constant 0 : index
    %get3A_45 = arith.constant 0 : index
    %get3A_46 = vector.load %arg12[%get3A_44, %get3A_45] : memref<16x128xf32, #tpu.memory_space<vmem>>, vector<16x128xf32>
    %add3A_47 = arith.addf %get3A_46, %dot_general3A_33 : vector<16x128xf32>
    %swap3A_48 = arith.constant 0 : index
    %swap3A_49 = arith.constant 0 : index
    %swap3A_50 = vector.load %arg12[%swap3A_48, %swap3A_49] : memref<16x128xf32, #tpu.memory_space<vmem>>, vector<16x128xf32>
    tpu.vector_store %arg12[%swap3A_48, %swap3A_49], %add3A_47 {strides = array<i32>} : memref<16x128xf32, #tpu.memory_space<vmem>>, vector<16x128xf32>,
    %eq3A_51 = arith.constant 9 : i32
    %eq3A_52 = arith.cmpi eq, %arg0, %eq3A_51 : i32
    %convert_element_type3A_53 = arith.extui %eq3A_52 : i1 to i32
    %cond3A_54 = arith.constant 0 : i32
    %cond3A_55 = arith.cmpi ne, %convert_element_type3A_53, %cond3A_54 : i32
    scf.if %cond3A_55 {
      %get3A_56 = arith.constant 0 : index
      %get3A_57 = arith.constant 0 : index
      %get3A_58 = vector.load %arg11[%get3A_56, %get3A_57] : memref<16x128xf32, #tpu.memory_space<vmem>>, vector<16x128xf32>
      %get3A_59 = arith.constant 0 : index
      %get3A_60 = arith.constant 0 : index
      %get3A_61 = vector.load %arg12[%get3A_59, %get3A_60] : memref<16x128xf32, #tpu.memory_space<vmem>>, vector<16x128xf32>
      %max3A_62 = arith.constant 1.000000e+00 : f32
      %max3A_63 = vector.broadcast %max3A_62 : f32 to vector<16x128xf32>
      %max3A_64 = arith.maximumf %get3A_61, %max3A_63 : vector<16x128xf32>
      %div3A = arith.divf %get3A_58, %max3A_64 : vector<16x128xf32>
      %get3A_65 = arith.constant 0 : index
      %get3A_66 = arith.constant 0 : index
      %get3A_67 = vector.load %arg6[%get3A_65, %get3A_66] : memref<128x128xf32, #tpu.memory_space<vmem>>, vector<128x128xf32>
      %dot_general3A_68 = arith.constant dense<0.000000e+00> : vector<16x128xf32>
      %dot_general3A_69 = tpu.matmul %div3A, %get3A_67, %dot_general3A_68 {dimension_numbers = #tpu.dot_dimension_numbers<[1], [0], [0], [1], [0, 0, 1, 1], [], []>, transpose_lhs_hint = false} : vector<16x128xf32>, vector<128x128xf32>, vector<16x128xf32> -> vector<16x128xf32>
      %get3A_70 = arith.constant 0 : index
      %get3A_71 = arith.constant 0 : index
      %get3A_72 = vector.load %arg7[%get3A_70, %get3A_71] : memref<1x128xf32, #tpu.memory_space<vmem>>, vector<1x128xf32>
      %add3A_73 = vector.broadcast %get3A_72 : vector<1x128xf32> to vector<16x128xf32>
      %add3A_74 = arith.addf %dot_general3A_69, %add3A_73 : vector<16x128xf32>
      %max3A_75 = arith.constant 0.000000e+00 : f32
      %max3A_76 = vector.broadcast %max3A_75 : f32 to vector<16x128xf32>
      %max3A_77 = arith.maximumf %add3A_74, %max3A_76 : vector<16x128xf32>
      %get3A_78 = arith.constant 0 : index
      %get3A_79 = arith.constant 0 : index
      %get3A_80 = vector.load %arg8[%get3A_78, %get3A_79] : memref<128x8xf32, #tpu.memory_space<vmem>>, vector<128x8xf32>
      %dot_general3A_81 = arith.constant dense<0.000000e+00> : vector<16x8xf32>
      %dot_general3A_82 = tpu.matmul %max3A_77, %get3A_80, %dot_general3A_81 {dimension_numbers = #tpu.dot_dimension_numbers<[1], [0], [0], [1], [0, 0, 1, 1], [], []>, transpose_lhs_hint = false} : vector<16x128xf32>, vector<128x8xf32>, vector<16x8xf32> -> vector<16x8xf32>
      %get3A_83 = arith.constant 0 : index
      %get3A_84 = arith.constant 0 : index
      %get3A_85 = vector.load %arg9[%get3A_83, %get3A_84] : memref<1x8xf32, #tpu.memory_space<vmem>>, vector<1x8xf32>
      %add3A_86 = vector.broadcast %get3A_85 : vector<1x8xf32> to vector<16x8xf32>
      %add3A_87 = arith.addf %dot_general3A_82, %add3A_86 : vector<16x8xf32>
      %swap3A_88 = arith.constant 0 : index
      %swap3A_89 = arith.constant 0 : index
      %swap3A_90 = vector.load %arg10[%swap3A_88, %swap3A_89] : memref<16x8xf32, #tpu.memory_space<vmem>>, vector<16x8xf32>
      tpu.vector_store %arg10[%swap3A_88, %swap3A_89], %add3A_87 {strides = array<i32>} : memref<16x8xf32, #tpu.memory_space<vmem>>, vector<16x8xf32>,
    } else {
    }
    return
  }
  func.func @transform_0(%arg0: i32) -> (i32, i32, i32) {
    %c0_i32 = arith.constant 0 : i32
    %c0_i32_0 = arith.constant 0 : i32
    %c0_i32_1 = arith.constant 0 : i32
    return %c0_i32, %arg0, %c0_i32_0 : i32, i32, i32
  }
  func.func @transform_1(%arg0: i32) -> (i32, i32) {
    %c0_i32 = arith.constant 0 : i32
    %c0_i32_0 = arith.constant 0 : i32
    return %arg0, %c0_i32 : i32, i32
  }
  func.func @transform_2(%arg0: i32) -> (i32, i32) {
    %c0_i32 = arith.constant 0 : i32
    %c0_i32_0 = arith.constant 0 : i32
    return %arg0, %c0_i32 : i32, i32
  }
  func.func @transform_3(%arg0: i32) -> (i32, i32) {
    %c0_i32 = arith.constant 0 : i32
    %c0_i32_0 = arith.constant 0 : i32
    %c0_i32_1 = arith.constant 0 : i32
    return %c0_i32, %c0_i32_0 : i32, i32
  }
  func.func @transform_4(%arg0: i32) -> (i32, i32) {
    %c0_i32 = arith.constant 0 : i32
    %c0_i32_0 = arith.constant 0 : i32
    return %arg0, %c0_i32 : i32, i32
  }
  func.func @transform_5(%arg0: i32) -> (i32, i32) {
    %c0_i32 = arith.constant 0 : i32
    %c0_i32_0 = arith.constant 0 : i32
    %c0_i32_1 = arith.constant 0 : i32
    return %c0_i32, %c0_i32_0 : i32, i32
  }
  func.func @transform_6(%arg0: i32) -> (i32, i32) {
    %c0_i32 = arith.constant 0 : i32
    %c0_i32_0 = arith.constant 0 : i32
    %c0_i32_1 = arith.constant 0 : i32
    return %c0_i32, %c0_i32_0 : i32, i32
  }
  func.func @transform_7(%arg0: i32) -> (i32, i32) {
    %c0_i32 = arith.constant 0 : i32
    %c0_i32_0 = arith.constant 0 : i32
    %c0_i32_1 = arith.constant 0 : i32
    return %c0_i32, %c0_i32_0 : i32, i32
  }
  func.func @transform_8(%arg0: i32) -> (i32, i32) {
    %c0_i32 = arith.constant 0 : i32
    %c0_i32_0 = arith.constant 0 : i32
    %c0_i32_1 = arith.constant 0 : i32
    return %c0_i32, %c0_i32_0 : i32, i32
  }
  func.func @transform_9(%arg0: i32) -> (i32, i32) {
    %c0_i32 = arith.constant 0 : i32
    %c0_i32_0 = arith.constant 0 : i32
    %c0_i32_1 = arith.constant 0 : i32
    return %c0_i32, %c0_i32_0 : i32, i32
  }
}

</mosaic_0001>

<sc_bundles>
// kernel: kernel.11.cloned.1.call-start
scs
__scs_entry_jumppad:
0x0: {  	(pc) =	sbr.rel $0x88, $3  }
0x1: {  	(tag) =	ssettag $0x0;
	lr =	simm.s32 $0x1  }
0x2: {  	[smem:$0x3F94] =	sst lr;
	_ =	strace $0xD0000000  }
0x3: {  	_ = 	snop  }
0x4: {  	_ = 	snop  }
0x5: {  	_ = 	snop  }
0x6: {  	_ = 	snop  }
0x7: {  	_ = 	snop  }
__scs_overlays_trampoline_lowered:
0x8: {  	[smem:$0x3FA3] =	sst s0  }
0x9: {  	[smem:$0x3FA4] =	sst s1  }
0xa: {  	[smem:$0x3FA5] =	sst s2  }
0xb: {  	[smem:$0x3FA6] =	sst s3  }
0xc: {  	[smem:$0x3FA7] =	sst s4  }
0xd: {  	[smem:$0x3FA8] =	sst s5  }
0xe: {  	[smem:$0x3FA9] =	sst s6  }
0xf: {  	[smem:$0x3FAA] =	sst s7  }
0x10: {  	[smem:$0x3FAB] =	sst s8  }
0x11: {  	[smem:$0x3FAC] =	sst s9;
	s0 =	simm.s32 @!p0 $0x0  }
0x12: {  	s1 =	sld [smem:$0x3F92];
	s0 =	simm.s32 @p0 $0x1  }
0x13: {  	[smem:$0x3FAD] =	sst s0;
	s0 =	simm.s32 @!p1 $0x0  }
0x14: {  	s2 =	sld [smem:$0x3F91];
	s0 =	simm.s32 @p1 $0x1  }
0x15: {  	[smem:$0x3FAE] =	sst s0;
	s0 =	simm.s32 @!p2 $0x0  }
0x16: {  	s3 =	sld [smem:$0x3FDB];
	s0 =	simm.s32 @p2 $0x1  }
0x17: {  	s4 =	simm.s32 $0x1BF5;
	[smem:$0x3FB0] =	sst s0  }
0x18: {  	s0 =	sld [smem:$0x3F93];
	_ =	swait.ge [sflag:s4], $0x0  }
0x19: {  	s7 =	sld [smem:$0x3F94]  }
0x1a: {  	s8 =	sadd.s32 $0xFFFFE003, lr  }
0x1b: {  	s9 =	sadd.s32 $0xFFFFFEF7, lr;
	s5 =	simm.s32 $0xFFFFFFFF;
	p2 =	slt.u32 s8, $0xFFFFF086  }
0x1c: {  	p1 =	slt.u32 s9, $0xF7A;
	s5 =	simm.s32 @!p2 $0x0  }
0x1d: {  	s5 =	simm.s32 @p1 $0x1;
	p0 =	seq.s32 s7, s2  }
0x1e: {  	s7 =	smul.u32 @!p0 $0xF7A, s2;
	p2 =	seq.s32 @!p0 s5, $0x0  }
0x1f: {  	s9 =	smul.u32 $0xF7A, s1;
	s8 =	simm.s32 @!p0 $0x1BF5;
	p2 =	por !p2, p0  }
0x20: {  	[sflag:s8] =	ssyncset.s32 @!p0 $0xFFFFF086;
	s6 =	sadd.s32 @!p0 s3, s7;
	s7 =	simm.s32 @!p0 $0x108  }
0x21: {  	s3 =	sadd.s32 s3, s9;
	s6 =	sadd.s32 @!p0 $0x88, s6;
	s7 =	simm.s32 @p2 $0x1082  }
0x22: {  	[simem:s7], [sflag:s8] =	dma.local @!p0 [hbm:s6], $0xF7A  }
0x23: {  	s9 =	sor.u32 $0xD0000000, s2;
	s6 =	simm.s32 $0x108;
	_ =	swait.ge @!p0 [sflag:s8], $0x0  }
0x24: {  	s3 =	sadd.s32 $0x88, s3;
	s6 =	simm.s32 @!p1 $0x1082;
	[sflag:s4] =	ssyncset.s32 $0xFFFFF086  }
0x25: {  	[simem:s6], [sflag:s4] =	dma.local [hbm:s3], $0xF7A  }
0x26: {  	[smem:$0x3F94] =	sst s1;
	(tag) =	ssettag s2;
	_ =	strace s9  }
0x27: {  	s1 =	sld [smem:$0x3FA4]  }
0x28: {  	s2 =	sld [smem:$0x3FA5]  }
0x29: {  	s4 =	sld [smem:$0x3FA7]  }
0x2a: {  	p0 =	seq.s32 s5, $0x0;
	s5 =	sld [smem:$0x3FA8]  }
0x2b: {  	s6 =	sld [smem:$0x3FA9]  }
0x2c: {  	s7 =	sld [smem:$0x3FAA]  }
0x2d: {  	s3 =	simm.s32 $0x108;
	s8 =	sld [smem:$0x3FAB]  }
0x2e: {  	s3 =	simm.s32 @!p0 $0x1082;
	s9 =	sld [smem:$0x3FAC]  }
0x2f: {  	lr =	sadd.s32 s0, s3;
	s0 =	sld [smem:$0x3FA3]  }
0x30: {  	s3 =	sld [smem:$0x3FA6]  }
0x31: {  	[smem:$0x3FAF] =	sst s10  }
0x32: {  	s10 =	sld [smem:$0x3FAD];
	_ =	sdelay $0x3  }
0x33: {  	p0 =	seq.s32 s10, $0x1;
	s10 =	sld [smem:$0x3FAF];
	_ =	sdelay $0x3  }
0x34: {  	[smem:$0x3FAF] =	sst s10  }
0x35: {  	s10 =	sld [smem:$0x3FAE];
	_ =	sdelay $0x3  }
0x36: {  	p1 =	seq.s32 s10, $0x1;
	s10 =	sld [smem:$0x3FAF];
	_ =	sdelay $0x3  }
0x37: {  	[smem:$0x3FAF] =	sst s10  }
0x38: {  	s10 =	sld [smem:$0x3FB0]  }
0x39: {  	_ = 	snop;
	(pc) =	sbr.ind lr, $3  }
0x3a: {  	_ = 	snop  }
0x3b: {  	_ = 	snop  }
0x3c: {  	p2 =	seq.s32 s10, $0x1;
	s10 =	sld [smem:$0x3FAF]  }
0x3d: {  	_ =	shalt  }
0x3e: {  	_ =	shalt  }
0x3f: {  	_ =	shalt  }
0x40: {  	_ =	shalt  }
0x41: {  	_ =	shalt  }
0x42: {  	_ =	shalt  }
0x43: {  	_ =	shalt  }
0x44: {  	_ =	shalt  }
0x45: {  	_ =	shalt  }
0x46: {  	_ =	shalt  }
0x47: {  	_ =	shalt  }
0x48: {  	_ =	shalt  }
0x49: {  	_ =	shalt  }
0x4a: {  	_ =	shalt  }
0x4b: {  	_ =	shalt  }
0x4c: {  	_ =	shalt  }
0x4d: {  	_ =	shalt  }
0x4e: {  	_ =	shalt  }
0x4f: {  	_ =	shalt  }
0x50: {  	_ =	shalt  }
0x51: {  	_ =	shalt  }
0x52: {  	_ =	shalt  }
0x53: {  	_ =	shalt  }
0x54: {  	_ =	shalt  }
0x55: {  	_ =	shalt  }
0x56: {  	_ =	shalt  }
0x57: {  	_ =	shalt  }
0x58: {  	_ =	shalt  }
0x59: {  	_ =	shalt  }
0x5a: {  	_ =	shalt  }
0x5b: {  	_ =	shalt  }
0x5c: {  	_ =	shalt  }
0x5d: {  	_ =	shalt  }
0x5e: {  	_ =	shalt  }
0x5f: {  	_ =	shalt  }
0x60: {  	_ =	shalt  }
0x61: {  	_ =	shalt  }
0x62: {  	_ =	shalt  }
0x63: {  	_ =	shalt  }
0x64: {  	_ =	shalt  }
0x65: {  	_ =	shalt  }
0x66: {  	_ =	shalt  }
0x67: {  	_ =	shalt  }
0x68: {  	_ =	shalt  }
0x69: {  	_ =	shalt  }
0x6a: {  	_ =	shalt  }
0x6b: {  	_ =	shalt  }
0x6c: {  	_ =	shalt  }
0x6d: {  	_ =	shalt  }
0x6e: {  	_ =	shalt  }
0x6f: {  	_ =	shalt  }
0x70: {  	_ =	shalt  }
0x71: {  	_ =	shalt  }
0x72: {  	_ =	shalt  }
0x73: {  	_ =	shalt  }
0x74: {  	_ =	shalt  }
0x75: {  	_ =	shalt  }
0x76: {  	_ =	shalt  }
0x77: {  	_ =	shalt  }
0x78: {  	_ =	shalt  }
0x79: {  	_ =	shalt  }
0x7a: {  	_ =	shalt  }
0x7b: {  	_ =	shalt  }
0x7c: {  	_ =	shalt  }
0x7d: {  	_ =	shalt  }
0x7e: {  	_ =	shalt  }
0x7f: {  	_ =	shalt  }
0x80: {  	_ =	shalt  }
0x81: {  	_ =	shalt  }
0x82: {  	_ =	shalt  }
0x83: {  	_ =	shalt  }
0x84: {  	_ =	shalt  }
0x85: {  	_ =	shalt  }
0x86: {  	_ =	shalt  }
0x87: {  	_ =	shalt  }
.Lfunc_end0:
.L_simem_size_0:
called_computation_lowered:
.L_overlay_start_0:
0x88: {  	s2 =	sld [smem:$0x3FD9]  }
0x89: {  	s3 =	sld [smem:$0x3FFE];
	_ =	sdelay $0x1  }
0x8a: {  	s1 =	srdreg.scid  }
0x8b: {  	s0 =	sand.u32 $0x1, s1  }
0x8c: {  	s17 =	sshll.u32 s0, $0xA;
	s2 =	sadd.s32 s3, s2  }
0x8d: {  	s2 =	sadd.s32 s2, s17  }
0x8e: {  	[smem:$0x3FBB] =	sst s2  }
0x8f: {  	_ = 	snop  }
0x90: {  	s2 =	sld [smem:$0x3FD0];
	(tm) =	ssettm $0x1  }
0x91: {  	s18 =	sld [smem:$0x3FFB];
	_ =	sdelay $0x3  }
0x92: {  	_ =	strace s18  }
0x93: {  	s3 =	sld [smem:$0x3FFC];
	_ =	sdelay $0x3  }
0x94: {  	_ =	strace s3  }
0x95: {  	s3 =	sld [smem:$0x3FFD];
	_ =	sdelay $0x3  }
0x96: {  	_ =	strace s3  }
0x97: {  	_ =	strace $0x8FFFFFFF  }
0x98: {  	s19 =	sld [smem:$0x3FDB];
	_ =	sdelay $0x1  }
0x99: {  	s4 =	simm.s32 $_scs_section_size  }
0x9a: {  	s5 =	simm.s32 $_size__tile_overlayer_lowered;
	s6 =	simm.s32 $_tile_overlayer_lowered  }
0x9b: {  	s22 =	simm.s32 $0x1BFF;
	s21 =	sshll.u32 s6, $0x1;
	s3 =	sadd.s32 s4, s19  }
0x9c: {  	s7 =	simm.s32 $0x0;
	s20 =	sshll.u32 s5, $0x1;
	s5 =	sadd.s32 s21, s3  }
0x9d: {  	[timem:s7], [sflag:s22] =	dma.local [hbm:s5], s20  }
0x9e: {  	_ =	swait.ge [sflag:s22], s20  }
0x9f: {  	s4 =	ssub.s32 $0x0, s20;
	[sflag:s22] =	ssyncset.done $0x0  }
0xa0: {  	[sflag:s22] =	ssyncadd.s32 s4;
	_ =	sdelay $0x1  }
0xa1: {  	s23 =	simm.s32 $0x1B8B  }
0xa2: {  	_ =	swait.ge [sflag:s23], $0x1  }
0xa3: {  	[sflag:s23] =	ssyncset.done $0x0  }
0xa4: {  	s25 =	simm.s32 $0x1B8E;
	s24 =	sld [smem:$0x3FFE];
	[sflag:s23] =	ssyncadd.s32 $0xFFFFFFFF  }
0xa5: {  	s26 =	simm.s32 $execute0_lowered;
	[smem:$0x3FD2] =	sst s25  }
0xa6: {  	s5 =	sshll.u32 s26, $0x1;
	_ =	strace $0x80000046;
	[dreg:$0x1] =	wrdreg $0xFFFFFFFF  }
0xa7: {  	s28 =	simm.s32 $_size_execute0_lowered;
	s3 =	sadd.s32 s3, s5;
	[dreg:$0x0] =	wrdreg $0x0  }
0xa8: {  	s5 =	sshll.u32 s28, $0x1;
	[dreg:$0x2] =	wrdreg s3  }
0xa9: {  	[dreg:$0x3] =	wrdreg s5  }
0xaa: {  	[dreg:$0x4] =	wrdreg $0xC0  }
0xab: {  	_ =	task [dreg:s7], $0x5FFFF  }
0xac: {  	[dreg:$0x1] =	wrdreg $0xFFFFFFFF  }
0xad: {  	[dreg:$0x0] =	wrdreg $0x60  }
0xae: {  	[dreg:$0x2] =	wrdreg s24  }
0xaf: {  	[dreg:$0x3] =	wrdreg s2  }
0xb0: {  	[dreg:$0x4] =	wrdreg $0x55000  }
0xb1: {  	[dreg:$0x5] =	wrdreg $0x9  }
0xb2: {  	_ =	task.clear_ibuf [dreg:s7], $0x6FFFF;
	_ =	strace $0x90000046  }
0xb3: {  	s29 =	simm.s32 $0x9;
	_ =	strace $0x80000048  }
0xb4: {  	_ =	swait.ge [sflag:s29], $0x1  }
0xb5: {  	[sflag:s29] =	ssyncadd.s32 $0xFFFFFFFF  }
0xb6: {  	_ =	strace $0x90000048  }
0xb7: {  	_ =	sfence  }
0xb8: {  	s30 =	sld [smem:$0x0];
	_ =	sdelay $0x2  }
0xb9: {  	s31 =	sshll.u32 s1, $0xD;
	s1 =	sshrl.u32 s1, $0x2  }
0xba: {  	s3 =	sand.u32 $0x4000, s31;
	s1 =	sadd.s32 s1, s30  }
0xbb: {  	s0 =	sor.u32 s3, s0;
	s1 =	sshll.u32 s1, $0x11  }
0xbc: {  	s0 =	sor.u32 s1, s0  }
0xbd: {  	s0 =	sadd.s32 $0x8F2B, s0  }
0xbe: {  	[sflag:s0] =	ssyncadd.remote.s32 $0x1  }
0xbf: {  	_ =	sfence.sel $0xFFFF  }
0xc0: {  	[dreg:$0x0] =	wrdreg $0xFFFFFFFF;
	(pc) =	sbr.abs _section_cstart, $3  }
0xc1: {  	[dreg:$0x1] =	wrdreg $0xFFFFFFFF  }
0xc2: {  	_ =	task.clear_ibuf [dreg:s7], $0x2FFFF;
	_ =	strace $0x9FFFFFFF  }
0xc3: {  	(tm) =	ssettm $0x7FFFFFFF  }
tec
execute0_lowered:
.L_overlay_start_1:
0x0: {  	(tag) =	ssettag $0x1  }
0x1: {  	s6 =	rddreg [dreg:$0x0]  }
0x2: {  	s0 =	srdreg.scid;
	s2 =	rddreg [dreg:$0x1]  }
0x3: {  	s3 =	rddreg [dreg:$0x2];
	s4 =	simm.s32 $0x0;
	s14 =	simm.s32 $0x40  }
0x4: {  	s15 =	simm.s32 $0x5080;
	s5 =	sand.u32 $0x1, s0;
	s0 =	stileid.u32  }
0x5: {  	s16 =	simm.s32 $0x5280;
	s17 =	simm.s32 $0x0;
	s8 =	smul.u32 $0x280, s0  }
0x6: {  	[smem:$0x7FF] =	sst s4;
	s1 =	sshll.u32 s5, $0x4;
	s9 =	smul.u32 $0x2800, s5  }
0x7: {  	s10 =	ssub.s32 $0x2, s5;
	s5 =	sadd.s32 $0x17A00, s6;
	s12 =	sshll.u32 s0, $0x6  }
0x8: {  	s1 =	sor.u32 s0, s1;
	s11 =	sshrl.u32 s10, $0x1;
	s12 =	sor.u32 $0x1C01, s12  }
0x9: {  	s7 =	smul.u32 $0xA00, s1;
	s1 =	rddreg [dreg:$0x3];
	s9 =	sadd.s32 s8, s9  }
0xa: {  	_ =	strace $0x80000047;
	s10 =	ssub.s32 s10, s11;
	s9 =	sshrl.u32 s9, $0x3  }
0xb: {  	s11 =	simm.s32 $0x5200;
	s7 =	sadd.s32 s7, s6;
	s9 =	sadd.s32 s9, s6  }
0xc: {  	s6 =	sadd.s32 $0x3A00, s7;
	s7 =	sadd.s32 s8, s3;
	s8 =	sadd.s32 $0x17C00, s9  }
0xd: {  	s9 =	smax.u32 s10, $0x1;
	s10 =	simm.s32 $0x1;
	s13 =	sshrl.u32 s7, $0x3  }
.LBB2_1:
0xe: {  	[tilespmem:s4], [sflag:$0x1] =	stream.linear.gather [hbm4b:s6+s4], $0x4E80, $0x38;
	[tilespmem:$0x5780] =	vst v63  }
0xf: {  	_ =	swait.ge [sflag:s10], $0x4E80  }
0x10: {  	[sflag:s10] =	ssyncset.done $0x0  }
0x11: {  	[sflag:s10] =	ssyncadd.s32 $0xFFFFB180  }
0x12: {  	[tilespmem:s11], [sflag:$0x1] =	stream.linear.gather [hbm4b:s5+s4], $0x80, $0x38;
	[tilespmem:$0x5780] =	vst v63  }
0x13: {  	_ =	swait.ge [sflag:s10], $0x80  }
0x14: {  	[sflag:s10] =	ssyncset.done $0x0  }
0x15: {  	[sflag:s10] =	ssyncadd.s32 $0xFFFFFF80  }
0x16: {  	[spmem:s13], [sflag:s12] =	dma.local [hbm:s2], $0x50  }
0x17: {  	_ =	swait.ge [sflag:s10], $0x50  }
0x18: {  	[sflag:s10] =	ssyncset.done $0x0  }
0x19: {  	[sflag:s10] =	ssyncadd.s32 $0xFFFFFFB0  }
0x1a: {  	s18 =	simm.s32 $0x0;
	[bflag:$0x0] =	sbarrier.arrive $0xFFFF  }
0x1b: {  	v0 =	vld [tilespmem:s18+$0x0];
	_ =	sdelay $0x4  }
0x1c: {  	v1 =	vand.u32 $0xFFFF, v0  }
0x1d: {  	v0 =	vshrl.u32 v0, $0x10;
	[tilespmem:$0x5000] =	vst v1  }
0x1e: {  	[tilespmem:$0x5080] =	vst v0  }
0x1f: {  	v0 =	vld [tilespmem:s18+$0x10];
	_ =	sdelay $0x4  }
0x20: {  	v1 =	vand.u32 $0xFFFF, v0  }
0x21: {  	v0 =	vshrl.u32 v0, $0x10;
	[tilespmem:$0x5010] =	vst v1  }
0x22: {  	[tilespmem:$0x5090] =	vst v0  }
0x23: {  	v0 =	vld [tilespmem:s18+$0x20];
	_ =	sdelay $0x4  }
0x24: {  	v1 =	vand.u32 $0xFFFF, v0  }
0x25: {  	v0 =	vshrl.u32 v0, $0x10;
	[tilespmem:$0x5020] =	vst v1  }
0x26: {  	[tilespmem:$0x50A0] =	vst v0  }
0x27: {  	v0 =	vld [tilespmem:s18+$0x30];
	_ =	sdelay $0x4  }
0x28: {  	v1 =	vand.u32 $0xFFFF, v0  }
0x29: {  	s18 =	simm.s32 $0x200;
	v0 =	vshrl.u32 v0, $0x10;
	[tilespmem:$0x5030] =	vst v1  }
.LBB2_2:
0x2a: {  	p0 =	sne.s32 s18, $0x13800;
	[tilespmem:$0x50B0] =	vst v0;
	s19 =	smov.u32 s18;
	s18 =	sadd.s32 $0x200, s18  }
0x2b: {  	[spmem:s3] =	stream.indirect.scatter.add.f32 [tilespmem:s11], [sflag:$0x1], $0x1, s15, s14, $0xb8;
	[tilespmem:$0x5780] =	vst v63  }
0x2c: {  	_ =	swait.ge [sflag:s10], $0x40  }
0x2d: {  	[sflag:s10] =	ssyncset.done $0x0  }
0x2e: {  	s19 =	sshra.s32 s19, $0x2;
	[sflag:s10] =	ssyncadd.s32 $0xFFFFFFC0  }
0x2f: {  	v0 =	vld [tilespmem:s19+$0x0];
	_ =	sdelay $0x4  }
0x30: {  	v1 =	vand.u32 $0xFFFF, v0;
	v0 =	vshrl.u32 v0, $0x10  }
0x31: {  	[tilespmem:$0x5000] =	vst v1  }
0x32: {  	[tilespmem:$0x5080] =	vst v0  }
0x33: {  	v0 =	vld [tilespmem:s19+$0x10];
	_ =	sdelay $0x4  }
0x34: {  	v1 =	vand.u32 $0xFFFF, v0;
	v0 =	vshrl.u32 v0, $0x10  }
0x35: {  	[tilespmem:$0x5010] =	vst v1  }
0x36: {  	[tilespmem:$0x5090] =	vst v0  }
0x37: {  	v0 =	vld [tilespmem:s19+$0x20];
	_ =	sdelay $0x4  }
0x38: {  	v1 =	vand.u32 $0xFFFF, v0;
	v0 =	vshrl.u32 v0, $0x10  }
0x39: {  	[tilespmem:$0x5020] =	vst v1  }
0x3a: {  	[tilespmem:$0x50A0] =	vst v0  }
0x3b: {  	v0 =	vld [tilespmem:s19+$0x30];
	_ =	sdelay $0x1  }
.Ltmp0:
0x3c: {  	(pc) =	sbr.rel @p0 .LBB2_2-.Ltmp0, $3  }
0x3d: {  	_ =	sdelay $0x1  }
0x3e: {  	v1 =	vand.u32 $0xFFFF, v0;
	v0 =	vshrl.u32 v0, $0x10  }
0x3f: {  	[tilespmem:$0x5030] =	vst v1  }
0x40: {  	[tilespmem:$0x50B0] =	vst v0  }
0x41: {  	[spmem:s3] =	stream.indirect.scatter.add.f32 [tilespmem:s11], [sflag:$0x1], $0x1, s15, s14, $0xb8;
	[tilespmem:$0x5780] =	vst v63  }
0x42: {  	_ =	swait.ge [sflag:s10], $0x40  }
0x43: {  	[sflag:s10] =	ssyncset.done $0x0  }
0x44: {  	[sflag:s10] =	ssyncadd.s32 $0xFFFFFFC0  }
0x45: {  	[bflag:$0x0] =	sbarrier.arrive $0xFFFF  }
0x46: {  	[tilespmem:s16], [sflag:$0x1] =	stream.linear.gather [spmem:s7], $0x280, $0x38;
	[tilespmem:$0x5780] =	vst v63  }
0x47: {  	s17 =	sadd.s32 $0x1, s17;
	_ =	swait.ge [sflag:s10], $0x280  }
0x48: {  	p0 =	sne.s32 s17, s9;
	[sflag:s10] =	ssyncset.done $0x0  }
.Ltmp1:
0x49: {  	[sflag:s10] =	ssyncadd.s32 $0xFFFFFD80;
	(pc) =	sbr.rel @p0 .LBB2_1-.Ltmp1, $4  }
0x4a: {  	[hbm4b:s8+s4] =	stream.linear.scatter [tilespmem:s16], [sflag:$0x1], $0x280, $0x38;
	[tilespmem:$0x5780] =	vst v63  }
0x4b: {  	_ =	swait.ge [sflag:s10], $0x280  }
0x4c: {  	[sflag:s10] =	ssyncset.done $0x0  }
0x4d: {  	[sflag:s10] =	ssyncadd.s32 $0xFFFFFD80  }
0x4e: {  	_ =	sfence.sel $0x180000  }
0x4f: {  	[bflag:$0x0] =	sbarrier.arrive $0xFFFF  }
0x50: {  	p0 =	sne.s32 s0, $0x0;
	_ =	strace $0x90000047  }
0x51: {  	s0 =	sadd.s32 @!p0 $0x100000, s1;
	[bflag:$0x2] =	sbarrier.arrive $0xFFFF  }
0x52: {  	[sflag:s0] =	ssyncadd.tile.s32 @!p0 $0x1;
	_ =	shalt  }
.Lfunc_end2:
_tile_overlayer_lowered:
.L_overlay_start_2:
0x53: {  	(tag) =	ssettag $0x2  }
0x54: {  	s0 =	rddreg [dreg:$0x0];
	s2 =	stileid.u32  }
0x55: {  	s1 =	rddreg [dreg:$0x1];
	p0 =	sne.s32 s2, $0x0  }
0x56: {  	s3 =	rddreg [dreg:$0x2];
	[bflag:$0x3] =	sbarrier.arrive $0xFFFF;
	s2 =	simm.s32 @!p0 $0x1C01  }
0x57: {  	[timem:s3], [sflag:s2] =	dma.local @!p0 [hbm:s0], s1  }
0x58: {  	s0 =	simm.s32 @!p0 $0x1  }
0x59: {  	_ =	swait.ge @!p0 [sflag:s0], s1  }
0x5a: {  	s1 =	ssub.s32 @!p0 $0x0, s1;
	[sflag:s0] =	ssyncset.done @!p0 $0x0  }
0x5b: {  	[sflag:s0] =	ssyncadd.s32 @!p0 s1  }
0x5c: {  	[bflag:$0x3] =	sbarrier.arrive $0xFFFF  }
0x5d: {  	_ =	shalt  }

// kernel: kernel.14.cloned.1.call-start
scs
__scs_entry_jumppad:
0x0: {  	(pc) =	sbr.rel $0x88, $3  }
0x1: {  	(tag) =	ssettag $0x0;
	lr =	simm.s32 $0x1  }
0x2: {  	[smem:$0x3F94] =	sst lr;
	_ =	strace $0xD0000000  }
0x3: {  	_ = 	snop  }
0x4: {  	_ = 	snop  }
0x5: {  	_ = 	snop  }
0x6: {  	_ = 	snop  }
0x7: {  	_ = 	snop  }
__scs_overlays_trampoline_lowered:
0x8: {  	[smem:$0x3FA3] =	sst s0  }
0x9: {  	[smem:$0x3FA4] =	sst s1  }
0xa: {  	[smem:$0x3FA5] =	sst s2  }
0xb: {  	[smem:$0x3FA6] =	sst s3  }
0xc: {  	[smem:$0x3FA7] =	sst s4  }
0xd: {  	[smem:$0x3FA8] =	sst s5  }
0xe: {  	[smem:$0x3FA9] =	sst s6  }
0xf: {  	[smem:$0x3FAA] =	sst s7  }
0x10: {  	[smem:$0x3FAB] =	sst s8  }
0x11: {  	[smem:$0x3FAC] =	sst s9;
	s0 =	simm.s32 @!p0 $0x0  }
0x12: {  	s1 =	sld [smem:$0x3F92];
	s0 =	simm.s32 @p0 $0x1  }
0x13: {  	[smem:$0x3FAD] =	sst s0;
	s0 =	simm.s32 @!p1 $0x0  }
0x14: {  	s2 =	sld [smem:$0x3F91];
	s0 =	simm.s32 @p1 $0x1  }
0x15: {  	[smem:$0x3FAE] =	sst s0;
	s0 =	simm.s32 @!p2 $0x0  }
0x16: {  	s3 =	sld [smem:$0x3FDB];
	s0 =	simm.s32 @p2 $0x1  }
0x17: {  	s4 =	simm.s32 $0x1BF5;
	[smem:$0x3FB0] =	sst s0  }
0x18: {  	s0 =	sld [smem:$0x3F93];
	_ =	swait.ge [sflag:s4], $0x0  }
0x19: {  	s7 =	sld [smem:$0x3F94]  }
0x1a: {  	s8 =	sadd.s32 $0xFFFFE003, lr  }
0x1b: {  	s9 =	sadd.s32 $0xFFFFFEF7, lr;
	s5 =	simm.s32 $0xFFFFFFFF;
	p2 =	slt.u32 s8, $0xFFFFF086  }
0x1c: {  	p1 =	slt.u32 s9, $0xF7A;
	s5 =	simm.s32 @!p2 $0x0  }
0x1d: {  	s5 =	simm.s32 @p1 $0x1;
	p0 =	seq.s32 s7, s2  }
0x1e: {  	s7 =	smul.u32 @!p0 $0xF7A, s2;
	p2 =	seq.s32 @!p0 s5, $0x0  }
0x1f: {  	s9 =	smul.u32 $0xF7A, s1;
	s8 =	simm.s32 @!p0 $0x1BF5;
	p2 =	por !p2, p0  }
0x20: {  	[sflag:s8] =	ssyncset.s32 @!p0 $0xFFFFF086;
	s6 =	sadd.s32 @!p0 s3, s7;
	s7 =	simm.s32 @!p0 $0x108  }
0x21: {  	s3 =	sadd.s32 s3, s9;
	s6 =	sadd.s32 @!p0 $0x88, s6;
	s7 =	simm.s32 @p2 $0x1082  }
0x22: {  	[simem:s7], [sflag:s8] =	dma.local @!p0 [hbm:s6], $0xF7A  }
0x23: {  	s9 =	sor.u32 $0xD0000000, s2;
	s6 =	simm.s32 $0x108;
	_ =	swait.ge @!p0 [sflag:s8], $0x0  }
0x24: {  	s3 =	sadd.s32 $0x88, s3;
	s6 =	simm.s32 @!p1 $0x1082;
	[sflag:s4] =	ssyncset.s32 $0xFFFFF086  }
0x25: {  	[simem:s6], [sflag:s4] =	dma.local [hbm:s3], $0xF7A  }
0x26: {  	[smem:$0x3F94] =	sst s1;
	(tag) =	ssettag s2;
	_ =	strace s9  }
0x27: {  	s1 =	sld [smem:$0x3FA4]  }
0x28: {  	s2 =	sld [smem:$0x3FA5]  }
0x29: {  	s4 =	sld [smem:$0x3FA7]  }
0x2a: {  	p0 =	seq.s32 s5, $0x0;
	s5 =	sld [smem:$0x3FA8]  }
0x2b: {  	s6 =	sld [smem:$0x3FA9]  }
0x2c: {  	s7 =	sld [smem:$0x3FAA]  }
0x2d: {  	s3 =	simm.s32 $0x108;
	s8 =	sld [smem:$0x3FAB]  }
0x2e: {  	s3 =	simm.s32 @!p0 $0x1082;
	s9 =	sld [smem:$0x3FAC]  }
0x2f: {  	lr =	sadd.s32 s0, s3;
	s0 =	sld [smem:$0x3FA3]  }
0x30: {  	s3 =	sld [smem:$0x3FA6]  }
0x31: {  	[smem:$0x3FAF] =	sst s10  }
0x32: {  	s10 =	sld [smem:$0x3FAD];
	_ =	sdelay $0x3  }
0x33: {  	p0 =	seq.s32 s10, $0x1;
	s10 =	sld [smem:$0x3FAF];
	_ =	sdelay $0x3  }
0x34: {  	[smem:$0x3FAF] =	sst s10  }
0x35: {  	s10 =	sld [smem:$0x3FAE];
	_ =	sdelay $0x3  }
0x36: {  	p1 =	seq.s32 s10, $0x1;
	s10 =	sld [smem:$0x3FAF];
	_ =	sdelay $0x3  }
0x37: {  	[smem:$0x3FAF] =	sst s10  }
0x38: {  	s10 =	sld [smem:$0x3FB0]  }
0x39: {  	_ = 	snop;
	(pc) =	sbr.ind lr, $3  }
0x3a: {  	_ = 	snop  }
0x3b: {  	_ = 	snop  }
0x3c: {  	p2 =	seq.s32 s10, $0x1;
	s10 =	sld [smem:$0x3FAF]  }
0x3d: {  	_ =	shalt  }
0x3e: {  	_ =	shalt  }
0x3f: {  	_ =	shalt  }
0x40: {  	_ =	shalt  }
0x41: {  	_ =	shalt  }
0x42: {  	_ =	shalt  }
0x43: {  	_ =	shalt  }
0x44: {  	_ =	shalt  }
0x45: {  	_ =	shalt  }
0x46: {  	_ =	shalt  }
0x47: {  	_ =	shalt  }
0x48: {  	_ =	shalt  }
0x49: {  	_ =	shalt  }
0x4a: {  	_ =	shalt  }
0x4b: {  	_ =	shalt  }
0x4c: {  	_ =	shalt  }
0x4d: {  	_ =	shalt  }
0x4e: {  	_ =	shalt  }
0x4f: {  	_ =	shalt  }
0x50: {  	_ =	shalt  }
0x51: {  	_ =	shalt  }
0x52: {  	_ =	shalt  }
0x53: {  	_ =	shalt  }
0x54: {  	_ =	shalt  }
0x55: {  	_ =	shalt  }
0x56: {  	_ =	shalt  }
0x57: {  	_ =	shalt  }
0x58: {  	_ =	shalt  }
0x59: {  	_ =	shalt  }
0x5a: {  	_ =	shalt  }
0x5b: {  	_ =	shalt  }
0x5c: {  	_ =	shalt  }
0x5d: {  	_ =	shalt  }
0x5e: {  	_ =	shalt  }
0x5f: {  	_ =	shalt  }
0x60: {  	_ =	shalt  }
0x61: {  	_ =	shalt  }
0x62: {  	_ =	shalt  }
0x63: {  	_ =	shalt  }
0x64: {  	_ =	shalt  }
0x65: {  	_ =	shalt  }
0x66: {  	_ =	shalt  }
0x67: {  	_ =	shalt  }
0x68: {  	_ =	shalt  }
0x69: {  	_ =	shalt  }
0x6a: {  	_ =	shalt  }
0x6b: {  	_ =	shalt  }
0x6c: {  	_ =	shalt  }
0x6d: {  	_ =	shalt  }
0x6e: {  	_ =	shalt  }
0x6f: {  	_ =	shalt  }
0x70: {  	_ =	shalt  }
0x71: {  	_ =	shalt  }
0x72: {  	_ =	shalt  }
0x73: {  	_ =	shalt  }
0x74: {  	_ =	shalt  }
0x75: {  	_ =	shalt  }
0x76: {  	_ =	shalt  }
0x77: {  	_ =	shalt  }
0x78: {  	_ =	shalt  }
0x79: {  	_ =	shalt  }
0x7a: {  	_ =	shalt  }
0x7b: {  	_ =	shalt  }
0x7c: {  	_ =	shalt  }
0x7d: {  	_ =	shalt  }
0x7e: {  	_ =	shalt  }
0x7f: {  	_ =	shalt  }
0x80: {  	_ =	shalt  }
0x81: {  	_ =	shalt  }
0x82: {  	_ =	shalt  }
0x83: {  	_ =	shalt  }
0x84: {  	_ =	shalt  }
0x85: {  	_ =	shalt  }
0x86: {  	_ =	shalt  }
0x87: {  	_ =	shalt  }
.Lfunc_end0:
.L_simem_size_0:
called_computation.1_lowered:
.L_overlay_start_0:
0x88: {  	s2 =	sld [smem:$0x3FD9]  }
0x89: {  	s3 =	sld [smem:$0x3FFE];
	_ =	sdelay $0x1  }
0x8a: {  	s1 =	srdreg.scid  }
0x8b: {  	s0 =	sand.u32 $0x1, s1  }
0x8c: {  	s16 =	sshll.u32 s0, $0xA;
	s2 =	sadd.s32 s3, s2  }
0x8d: {  	s2 =	sadd.s32 s2, s16  }
0x8e: {  	[smem:$0x3FBB] =	sst s2  }
0x8f: {  	_ = 	snop  }
0x90: {  	(tm) =	ssettm $0x1  }
0x91: {  	s17 =	sld [smem:$0x3FFB];
	_ =	sdelay $0x3  }
0x92: {  	_ =	strace s17  }
0x93: {  	s2 =	sld [smem:$0x3FFC];
	_ =	sdelay $0x3  }
0x94: {  	_ =	strace s2  }
0x95: {  	s2 =	sld [smem:$0x3FFD];
	_ =	sdelay $0x3  }
0x96: {  	_ =	strace s2  }
0x97: {  	_ =	strace $0x8FFFFFFF  }
0x98: {  	s18 =	sld [smem:$0x3FDB];
	_ =	sdelay $0x1  }
0x99: {  	s19 =	simm.s32 $_scs_section_size  }
0x9a: {  	s4 =	simm.s32 $_size__tile_overlayer_lowered;
	s5 =	simm.s32 $_tile_overlayer_lowered  }
0x9b: {  	s22 =	simm.s32 $0x1BFF;
	s21 =	sshll.u32 s5, $0x1;
	s2 =	sadd.s32 s19, s18  }
0x9c: {  	s6 =	simm.s32 $0x0;
	s20 =	sshll.u32 s4, $0x1;
	s4 =	sadd.s32 s21, s2  }
0x9d: {  	[timem:s6], [sflag:s22] =	dma.local [hbm:s4], s20  }
0x9e: {  	_ =	swait.ge [sflag:s22], s20  }
0x9f: {  	s3 =	ssub.s32 $0x0, s20;
	[sflag:s22] =	ssyncset.done $0x0  }
0xa0: {  	[sflag:s22] =	ssyncadd.s32 s3;
	_ =	sdelay $0x1  }
0xa1: {  	s23 =	simm.s32 $0x1B8B  }
0xa2: {  	_ =	swait.ge [sflag:s23], $0x1  }
0xa3: {  	[sflag:s23] =	ssyncset.done $0x0  }
0xa4: {  	s25 =	simm.s32 $0x1B8E;
	s24 =	sld [smem:$0x3FFE];
	[sflag:s23] =	ssyncadd.s32 $0xFFFFFFFF  }
0xa5: {  	s26 =	simm.s32 $execute0_lowered;
	[smem:$0x3FD2] =	sst s25  }
0xa6: {  	s4 =	sshll.u32 s26, $0x1;
	_ =	strace $0x80000049;
	[dreg:$0x1] =	wrdreg $0xFFFFFFFF  }
0xa7: {  	s28 =	simm.s32 $_size_execute0_lowered;
	s2 =	sadd.s32 s2, s4;
	[dreg:$0x0] =	wrdreg $0x0  }
0xa8: {  	s4 =	sshll.u32 s28, $0x1;
	[dreg:$0x2] =	wrdreg s2  }
0xa9: {  	[dreg:$0x3] =	wrdreg s4  }
0xaa: {  	[dreg:$0x4] =	wrdreg $0xC0  }
0xab: {  	_ =	task [dreg:s6], $0x5FFFF  }
0xac: {  	[dreg:$0x1] =	wrdreg $0xFFFFFFFF  }
0xad: {  	[dreg:$0x0] =	wrdreg $0x60  }
0xae: {  	[dreg:$0x2] =	wrdreg s24  }
0xaf: {  	[dreg:$0x3] =	wrdreg $0x92000  }
0xb0: {  	[dreg:$0x4] =	wrdreg $0x9  }
0xb1: {  	_ =	task.clear_ibuf [dreg:s6], $0x5FFFF;
	_ =	strace $0x90000049  }
0xb2: {  	s29 =	simm.s32 $0x9;
	_ =	strace $0x8000004B  }
0xb3: {  	_ =	swait.ge [sflag:s29], $0x1  }
0xb4: {  	[sflag:s29] =	ssyncadd.s32 $0xFFFFFFFF  }
0xb5: {  	_ =	strace $0x9000004B  }
0xb6: {  	_ =	sfence  }
0xb7: {  	s30 =	sld [smem:$0x0];
	_ =	sdelay $0x2  }
0xb8: {  	s31 =	sshll.u32 s1, $0xD;
	s1 =	sshrl.u32 s1, $0x2  }
0xb9: {  	s3 =	sand.u32 $0x4000, s31;
	s1 =	sadd.s32 s1, s30  }
0xba: {  	s0 =	sor.u32 s3, s0;
	s1 =	sshll.u32 s1, $0x11  }
0xbb: {  	s0 =	sor.u32 s1, s0  }
0xbc: {  	s0 =	sadd.s32 $0x8F2B, s0  }
0xbd: {  	[sflag:s0] =	ssyncadd.remote.s32 $0x1  }
0xbe: {  	_ =	sfence.sel $0xFFFF  }
0xbf: {  	[dreg:$0x0] =	wrdreg $0xFFFFFFFF;
	(pc) =	sbr.abs _section_cstart, $3  }
0xc0: {  	[dreg:$0x1] =	wrdreg $0xFFFFFFFF  }
0xc1: {  	_ =	task.clear_ibuf [dreg:s6], $0x2FFFF;
	_ =	strace $0x9FFFFFFF  }
0xc2: {  	(tm) =	ssettm $0x7FFFFFFF  }
0xc3: {  	_ =	shalt  }
tec
execute0_lowered:
.L_overlay_start_1:
0x0: {  	(tag) =	ssettag $0x1  }
0x1: {  	s3 =	rddreg [dreg:$0x0];
	s0 =	srdreg.scid  }
0x2: {  	s1 =	rddreg [dreg:$0x1];
	s2 =	simm.s32 $0x0;
	s14 =	stileid.u32  }
0x3: {  	s29 =	simm.s32 $0x3;
	s30 =	simm.s32 $0x5200;
	s31 =	simm.s32 $0x40  }
0x4: {  	s4 =	sand.u32 $0x1, s0;
	s6 =	smul.u32 $0x280, s14;
	[smem:$0x7FF] =	sst s2  }
0x5: {  	s8 =	sadd.s32 $0x3F000, s3;
	s0 =	sshll.u32 s4, $0x4;
	s5 =	ssub.s32 $0x2, s4  }
0x6: {  	s4 =	smul.u32 $0x2800, s4;
	s0 =	sor.u32 s14, s0;
	s13 =	sshrl.u32 s5, $0x1  }
0x7: {  	s9 =	sadd.s32 $0x80, s6;
	s10 =	sadd.s32 $0xC0, s6;
	s11 =	sadd.s32 $0x100, s6  }
0x8: {  	s21 =	sadd.s32 $0x140, s6;
	s22 =	sadd.s32 $0x180, s6;
	s14 =	smul.u32 $0x50000, s14  }
0x9: {  	s24 =	sadd.s32 $0x1C0, s6;
	s25 =	sadd.s32 $0x200, s6;
	s7 =	smul.u32 $0xA00, s0  }
0xa: {  	s0 =	ssub.s32 s5, s13;
	s5 =	sor.u32 $0x40, s6;
	s12 =	sadd.s32 s6, s4  }
0xb: {  	s6 =	sadd.s32 $0x240, s6;
	s16 =	sadd.s32 s4, s9;
	s18 =	sadd.s32 s4, s10  }
0xc: {  	s20 =	sadd.s32 s4, s11;
	s26 =	sadd.s32 s4, s21;
	s12 =	sshll.u32 s12, $0x4  }
0xd: {  	s13 =	sadd.s32 s4, s5;
	s17 =	sshll.u32 s16, $0x4;
	s19 =	sshll.u32 s18, $0x4  }
0xe: {  	s23 =	sshll.u32 s20, $0x4;
	s28 =	smax.u32 s0, $0x1;
	s0 =	simm.s32 $0x5100  }
0xf: {  	s12 =	sadd.s32 s8, s12;
	s15 =	sshll.u32 s13, $0x4;
	s13 =	sshll.u32 s26, $0x4  }
0x10: {  	s26 =	sshrl.u32 s14, $0x2;
	[dreg:$0x3] =	wrdreg s12;
	s12 =	sadd.s32 s8, s15  }
0x11: {  	s14 =	sadd.s32 $0x17A00, s3;
	s15 =	sadd.s32 s4, s22;
	[dreg:$0x4] =	wrdreg s12  }
0x12: {  	s12 =	sadd.s32 s8, s17;
	s16 =	sshll.u32 s15, $0x4;
	s17 =	sadd.s32 s4, s24  }
0x13: {  	s15 =	sadd.s32 $0x3EC00, s3;
	s24 =	sshll.u32 s24, $0x7;
	[dreg:$0x5] =	wrdreg s12  }
0x14: {  	s12 =	sadd.s32 s8, s19;
	s18 =	sshll.u32 s17, $0x4;
	s19 =	sadd.s32 s4, s25  }
0x15: {  	s4 =	sadd.s32 s4, s6;
	s17 =	sadd.s32 s26, s1;
	s25 =	sshll.u32 s25, $0x7  }
0x16: {  	s26 =	sshll.u32 s6, $0x7;
	s24 =	sadd.s32 s24, s1;
	s6 =	simm.s32 $0x2  }
0x17: {  	[dreg:$0x6] =	wrdreg s12;
	s12 =	sadd.s32 s8, s23;
	s20 =	sshll.u32 s19, $0x4  }
0x18: {  	s4 =	sshll.u32 s4, $0x4;
	s23 =	sadd.s32 s7, s3;
	s7 =	sshll.u32 s5, $0x7  }
0x19: {  	s25 =	sadd.s32 s25, s1;
	s26 =	sadd.s32 s26, s1;
	s3 =	simm.s32 $0x7200  }
0x1a: {  	s5 =	simm.s32 $0x5080;
	[dreg:$0x7] =	wrdreg s12;
	s12 =	sadd.s32 s8, s13  }
0x1b: {  	s13 =	sadd.s32 s8, s4;
	s4 =	simm.s32 $0x1;
	[dreg:$0x8] =	wrdreg s12  }
0x1c: {  	s12 =	sadd.s32 s8, s16;
	s16 =	sadd.s32 $0x3A00, s23;
	s23 =	sshll.u32 s22, $0x7  }
0x1d: {  	[dreg:$0x9] =	wrdreg s12;
	s12 =	sadd.s32 s8, s18;
	s18 =	sadd.s32 s7, s1  }
0x1e: {  	s23 =	sadd.s32 s23, s1;
	s7 =	simm.s32 $0x5180;
	[dreg:$0xa] =	wrdreg s12  }
0x1f: {  	s12 =	sadd.s32 s8, s20;
	s8 =	sshll.u32 s9, $0x7;
	s9 =	sshll.u32 s10, $0x7  }
0x20: {  	s10 =	sshll.u32 s11, $0x7;
	s11 =	sshll.u32 s21, $0x7;
	_ =	strace $0x8000004A  }
0x21: {  	s19 =	sadd.s32 s8, s1;
	s20 =	sadd.s32 s9, s1;
	s21 =	sadd.s32 s10, s1  }
0x22: {  	s22 =	sadd.s32 s11, s1;
	s10 =	simm.s32 $0x5000;
	s8 =	simm.s32 $0x0  }
.LBB2_1:
0x23: {  	[tilespmem:s2], [sflag:$0x3] =	stream.linear.gather [hbm4b:s16+s2], $0x4E80, $0x38;
	[tilespmem:$0x1D200] =	vst v63  }
0x24: {  	_ =	swait.ge [sflag:s29], $0x4E80  }
0x25: {  	[sflag:s29] =	ssyncset.done $0x0  }
0x26: {  	[sflag:s29] =	ssyncadd.s32 $0xFFFFB180  }
0x27: {  	[tilespmem:s30], [sflag:$0x3] =	stream.linear.gather [hbm4b:s15+s2], $0x2000, $0x38;
	[tilespmem:$0x1D200] =	vst v63  }
0x28: {  	_ =	swait.ge [sflag:s29], $0x2000  }
0x29: {  	[sflag:s29] =	ssyncset.done $0x0  }
0x2a: {  	[sflag:s29] =	ssyncadd.s32 $0xFFFFE000  }
0x2b: {  	[spmem:s17] =	stream.linear.scatter [tilespmem:s30], [sflag:$0x3], $0x2000, $0x38;
	[tilespmem:$0x1D200] =	vst v63  }
0x2c: {  	_ =	swait.ge [sflag:s29], $0x2000  }
0x2d: {  	[sflag:s29] =	ssyncset.done $0x0  }
0x2e: {  	[sflag:s29] =	ssyncadd.s32 $0xFFFFE000  }
0x2f: {  	[spmem:s18] =	stream.linear.scatter [tilespmem:s30], [sflag:$0x3], $0x2000, $0x38;
	[tilespmem:$0x1D200] =	vst v63  }
0x30: {  	_ =	swait.ge [sflag:s29], $0x2000  }
0x31: {  	[sflag:s29] =	ssyncset.done $0x0  }
0x32: {  	[sflag:s29] =	ssyncadd.s32 $0xFFFFE000  }
0x33: {  	[spmem:s19] =	stream.linear.scatter [tilespmem:s30], [sflag:$0x3], $0x2000, $0x38;
	[tilespmem:$0x1D200] =	vst v63  }
0x34: {  	_ =	swait.ge [sflag:s29], $0x2000  }
0x35: {  	[sflag:s29] =	ssyncset.done $0x0  }
0x36: {  	[sflag:s29] =	ssyncadd.s32 $0xFFFFE000  }
0x37: {  	[spmem:s20] =	stream.linear.scatter [tilespmem:s30], [sflag:$0x3], $0x2000, $0x38;
	[tilespmem:$0x1D200] =	vst v63  }
0x38: {  	_ =	swait.ge [sflag:s29], $0x2000  }
0x39: {  	[sflag:s29] =	ssyncset.done $0x0  }
0x3a: {  	[sflag:s29] =	ssyncadd.s32 $0xFFFFE000  }
0x3b: {  	[spmem:s21] =	stream.linear.scatter [tilespmem:s30], [sflag:$0x3], $0x2000, $0x38;
	[tilespmem:$0x1D200] =	vst v63  }
0x3c: {  	_ =	swait.ge [sflag:s29], $0x2000  }
0x3d: {  	[sflag:s29] =	ssyncset.done $0x0  }
0x3e: {  	[sflag:s29] =	ssyncadd.s32 $0xFFFFE000  }
0x3f: {  	[spmem:s22] =	stream.linear.scatter [tilespmem:s30], [sflag:$0x3], $0x2000, $0x38;
	[tilespmem:$0x1D200] =	vst v63  }
0x40: {  	_ =	swait.ge [sflag:s29], $0x2000  }
0x41: {  	[sflag:s29] =	ssyncset.done $0x0  }
0x42: {  	[sflag:s29] =	ssyncadd.s32 $0xFFFFE000  }
0x43: {  	[spmem:s23] =	stream.linear.scatter [tilespmem:s30], [sflag:$0x3], $0x2000, $0x38;
	[tilespmem:$0x1D200] =	vst v63  }
0x44: {  	_ =	swait.ge [sflag:s29], $0x2000  }
0x45: {  	[sflag:s29] =	ssyncset.done $0x0  }
0x46: {  	[sflag:s29] =	ssyncadd.s32 $0xFFFFE000  }
0x47: {  	[spmem:s24] =	stream.linear.scatter [tilespmem:s30], [sflag:$0x3], $0x2000, $0x38;
	[tilespmem:$0x1D200] =	vst v63  }
0x48: {  	_ =	swait.ge [sflag:s29], $0x2000  }
0x49: {  	[sflag:s29] =	ssyncset.done $0x0  }
0x4a: {  	[sflag:s29] =	ssyncadd.s32 $0xFFFFE000  }
0x4b: {  	[spmem:s25] =	stream.linear.scatter [tilespmem:s30], [sflag:$0x3], $0x2000, $0x38;
	[tilespmem:$0x1D200] =	vst v63  }
0x4c: {  	_ =	swait.ge [sflag:s29], $0x2000  }
0x4d: {  	[sflag:s29] =	ssyncset.done $0x0  }
0x4e: {  	[sflag:s29] =	ssyncadd.s32 $0xFFFFE000  }
0x4f: {  	[spmem:s26] =	stream.linear.scatter [tilespmem:s30], [sflag:$0x3], $0x2000, $0x38;
	[tilespmem:$0x1D200] =	vst v63  }
0x50: {  	_ =	swait.ge [sflag:s29], $0x2000  }
0x51: {  	[sflag:s29] =	ssyncset.done $0x0  }
0x52: {  	[sflag:s29] =	ssyncadd.s32 $0xFFFFE000  }
0x53: {  	[bflag:$0x0] =	sbarrier.arrive $0xFFFF  }
0x54: {  	v0 =	vld [tilespmem:$0x0];
	_ =	sdelay $0x1  }
0x55: {  	v1 =	vld [tilespmem:$0x10];
	_ =	sdelay $0x1  }
0x56: {  	v2 =	vld [tilespmem:$0x20]  }
0x57: {  	v3 =	vand.u32 $0xFFFF, v0  }
0x58: {  	v0 =	vshrl.u32 v0, $0x10;
	[tilespmem:$0x5000] =	vst v3;
	v3 =	vld [tilespmem:$0x30]  }
0x59: {  	[tilespmem:$0x5080] =	vst v0;
	v0 =	vand.u32 $0xFFFF, v1  }
0x5a: {  	[tilespmem:$0x5010] =	vst v0;
	v0 =	vshrl.u32 v1, $0x10  }
0x5b: {  	[tilespmem:$0x5090] =	vst v0;
	v0 =	vand.u32 $0xFFFF, v2  }
0x5c: {  	[tilespmem:$0x5020] =	vst v0;
	v0 =	vshrl.u32 v2, $0x10  }
0x5d: {  	[tilespmem:$0x50A0] =	vst v0;
	v0 =	vand.u32 $0xFFFF, v3  }
0x5e: {  	[tilespmem:$0x5030] =	vst v0;
	v0 =	vshrl.u32 v3, $0x10  }
0x5f: {  	s9 =	simm.s32 $0x0;
	[tilespmem:$0x50B0] =	vst v0  }
0x60: {  	[tilespmem:s30], [sflag:$0x1] =	stream.indirect.gather [hbm4b:s14+s31], $0x80, s10, s31, $0xb8;
	[tilespmem:$0x1D200] =	vst v63  }
0x61: {  	v0 =	vld [tilespmem:s9+$0x80];
	_ =	sdelay $0x4  }
0x62: {  	v1 =	vand.u32 $0xFFFF, v0  }
0x63: {  	v0 =	vshrl.u32 v0, $0x10;
	[tilespmem:$0x5100] =	vst v1  }
0x64: {  	[tilespmem:$0x5180] =	vst v0  }
0x65: {  	v0 =	vld [tilespmem:s9+$0x90];
	_ =	sdelay $0x4  }
0x66: {  	v1 =	vand.u32 $0xFFFF, v0  }
0x67: {  	v0 =	vshrl.u32 v0, $0x10;
	[tilespmem:$0x5110] =	vst v1  }
0x68: {  	[tilespmem:$0x5190] =	vst v0  }
0x69: {  	v0 =	vld [tilespmem:s9+$0xA0];
	_ =	sdelay $0x4  }
0x6a: {  	v1 =	vand.u32 $0xFFFF, v0  }
0x6b: {  	v0 =	vshrl.u32 v0, $0x10;
	[tilespmem:$0x5120] =	vst v1  }
0x6c: {  	[tilespmem:$0x51A0] =	vst v0  }
0x6d: {  	v0 =	vld [tilespmem:s9+$0xB0];
	_ =	sdelay $0x4  }
0x6e: {  	v1 =	vand.u32 $0xFFFF, v0  }
0x6f: {  	v0 =	vshrl.u32 v0, $0x10;
	[tilespmem:$0x5130] =	vst v1  }
0x70: {  	[tilespmem:$0x51B0] =	vst v0  }
0x71: {  	[tilespmem:s3], [sflag:$0x2] =	stream.indirect.gather [hbm4b:s14+s31], $0x80, s0, s31, $0xb8;
	[tilespmem:$0x1D200] =	vst v63  }
0x72: {  	_ =	swait.ge [sflag:s4], $0x2000  }
0x73: {  	[sflag:s4] =	ssyncset.done $0x0  }
0x74: {  	[sflag:s4] =	ssyncadd.s32 $0xFFFFE000  }
0x75: {  	[spmem:s1] =	stream.indirect.scatter.add.f32 [tilespmem:s30], [sflag:$0x3], $0x80, s5, s31, $0xb8;
	[tilespmem:$0x1D200] =	vst v63  }
0x76: {  	_ =	swait.ge [sflag:s29], $0x2000  }
0x77: {  	[sflag:s29] =	ssyncset.done $0x0  }
0x78: {  	[sflag:s29] =	ssyncadd.s32 $0xFFFFE000  }
0x79: {  	v0 =	vld [tilespmem:s9+$0x100];
	_ =	sdelay $0x4  }
0x7a: {  	v1 =	vand.u32 $0xFFFF, v0  }
0x7b: {  	v0 =	vshrl.u32 v0, $0x10;
	[tilespmem:$0x5000] =	vst v1  }
0x7c: {  	[tilespmem:$0x5080] =	vst v0  }
0x7d: {  	v0 =	vld [tilespmem:s9+$0x110];
	_ =	sdelay $0x4  }
0x7e: {  	v1 =	vand.u32 $0xFFFF, v0  }
0x7f: {  	v0 =	vshrl.u32 v0, $0x10;
	[tilespmem:$0x5010] =	vst v1  }
0x80: {  	[tilespmem:$0x5090] =	vst v0  }
0x81: {  	v0 =	vld [tilespmem:s9+$0x120];
	_ =	sdelay $0x4  }
0x82: {  	v1 =	vand.u32 $0xFFFF, v0  }
0x83: {  	v0 =	vshrl.u32 v0, $0x10;
	[tilespmem:$0x5020] =	vst v1  }
0x84: {  	[tilespmem:$0x50A0] =	vst v0  }
0x85: {  	v0 =	vld [tilespmem:s9+$0x130];
	_ =	sdelay $0x4  }
0x86: {  	v1 =	vand.u32 $0xFFFF, v0  }
0x87: {  	s9 =	simm.s32 $0x400;
	v0 =	vshrl.u32 v0, $0x10;
	[tilespmem:$0x5030] =	vst v1  }
.LBB2_2:
0x88: {  	p0 =	sne.s32 s9, $0x13400;
	[tilespmem:$0x50B0] =	vst v0;
	s11 =	smov.u32 s9;
	s9 =	sadd.s32 $0x400, s9  }
0x89: {  	[tilespmem:s30], [sflag:$0x1] =	stream.indirect.gather [hbm4b:s14+s31], $0x80, s10, s31, $0xb8;
	[tilespmem:$0x1D200] =	vst v63  }
0x8a: {  	_ =	swait.ge [sflag:s6], $0x2000  }
0x8b: {  	[sflag:s6] =	ssyncset.done $0x0  }
0x8c: {  	[sflag:s6] =	ssyncadd.s32 $0xFFFFE000  }
0x8d: {  	[spmem:s1] =	stream.indirect.scatter.add.f32 [tilespmem:s3], [sflag:$0x3], $0x80, s7, s31, $0xb8;
	[tilespmem:$0x1D200] =	vst v63  }
0x8e: {  	_ =	swait.ge [sflag:s29], $0x2000  }
0x8f: {  	[sflag:s29] =	ssyncset.done $0x0  }
0x90: {  	s11 =	sshra.s32 s11, $0x2;
	[sflag:s29] =	ssyncadd.s32 $0xFFFFE000  }
0x91: {  	v0 =	vld [tilespmem:s11+$0x80];
	_ =	sdelay $0x4  }
0x92: {  	v1 =	vand.u32 $0xFFFF, v0;
	v0 =	vshrl.u32 v0, $0x10  }
0x93: {  	[tilespmem:$0x5100] =	vst v1  }
0x94: {  	[tilespmem:$0x5180] =	vst v0  }
0x95: {  	v0 =	vld [tilespmem:s11+$0x90];
	_ =	sdelay $0x4  }
0x96: {  	v1 =	vand.u32 $0xFFFF, v0;
	v0 =	vshrl.u32 v0, $0x10  }
0x97: {  	[tilespmem:$0x5110] =	vst v1  }
0x98: {  	[tilespmem:$0x5190] =	vst v0  }
0x99: {  	v0 =	vld [tilespmem:s11+$0xA0];
	_ =	sdelay $0x4  }
0x9a: {  	v1 =	vand.u32 $0xFFFF, v0;
	v0 =	vshrl.u32 v0, $0x10  }
0x9b: {  	[tilespmem:$0x5120] =	vst v1  }
0x9c: {  	[tilespmem:$0x51A0] =	vst v0  }
0x9d: {  	v0 =	vld [tilespmem:s11+$0xB0];
	_ =	sdelay $0x4  }
0x9e: {  	v1 =	vand.u32 $0xFFFF, v0;
	v0 =	vshrl.u32 v0, $0x10  }
0x9f: {  	[tilespmem:$0x5130] =	vst v1  }
0xa0: {  	[tilespmem:$0x51B0] =	vst v0  }
0xa1: {  	[tilespmem:s3], [sflag:$0x2] =	stream.indirect.gather [hbm4b:s14+s31], $0x80, s0, s31, $0xb8;
	[tilespmem:$0x1D200] =	vst v63  }
0xa2: {  	_ =	swait.ge [sflag:s4], $0x2000  }
0xa3: {  	[sflag:s4] =	ssyncset.done $0x0  }
0xa4: {  	[sflag:s4] =	ssyncadd.s32 $0xFFFFE000  }
0xa5: {  	[spmem:s1] =	stream.indirect.scatter.add.f32 [tilespmem:s30], [sflag:$0x3], $0x80, s5, s31, $0xb8;
	[tilespmem:$0x1D200] =	vst v63  }
0xa6: {  	_ =	swait.ge [sflag:s29], $0x2000  }
0xa7: {  	[sflag:s29] =	ssyncset.done $0x0  }
0xa8: {  	[sflag:s29] =	ssyncadd.s32 $0xFFFFE000  }
0xa9: {  	v0 =	vld [tilespmem:s11+$0x100];
	_ =	sdelay $0x4  }
0xaa: {  	v1 =	vand.u32 $0xFFFF, v0;
	v0 =	vshrl.u32 v0, $0x10  }
0xab: {  	[tilespmem:$0x5000] =	vst v1  }
0xac: {  	[tilespmem:$0x5080] =	vst v0  }
0xad: {  	v0 =	vld [tilespmem:s11+$0x110];
	_ =	sdelay $0x4  }
0xae: {  	v1 =	vand.u32 $0xFFFF, v0;
	v0 =	vshrl.u32 v0, $0x10  }
0xaf: {  	[tilespmem:$0x5010] =	vst v1  }
0xb0: {  	[tilespmem:$0x5090] =	vst v0  }
0xb1: {  	v0 =	vld [tilespmem:s11+$0x120];
	_ =	sdelay $0x4  }
0xb2: {  	v1 =	vand.u32 $0xFFFF, v0;
	v0 =	vshrl.u32 v0, $0x10  }
0xb3: {  	[tilespmem:$0x5020] =	vst v1  }
0xb4: {  	[tilespmem:$0x50A0] =	vst v0  }
0xb5: {  	v0 =	vld [tilespmem:s11+$0x130];
	_ =	sdelay $0x1  }
.Ltmp0:
0xb6: {  	(pc) =	sbr.rel @p0 .LBB2_2-.Ltmp0, $3  }
0xb7: {  	_ =	sdelay $0x1  }
0xb8: {  	v1 =	vand.u32 $0xFFFF, v0;
	v0 =	vshrl.u32 v0, $0x10  }
0xb9: {  	[tilespmem:$0x5030] =	vst v1  }
0xba: {  	[tilespmem:$0x50B0] =	vst v0  }
0xbb: {  	[tilespmem:s30], [sflag:$0x1] =	stream.indirect.gather [hbm4b:s14+s31], $0x80, s10, s31, $0xb8;
	[tilespmem:$0x1D200] =	vst v63  }
0xbc: {  	_ =	swait.ge [sflag:s6], $0x2000  }
0xbd: {  	[sflag:s6] =	ssyncset.done $0x0  }
0xbe: {  	[sflag:s6] =	ssyncadd.s32 $0xFFFFE000  }
0xbf: {  	[spmem:s1] =	stream.indirect.scatter.add.f32 [tilespmem:s3], [sflag:$0x3], $0x80, s7, s31, $0xb8;
	[tilespmem:$0x1D200] =	vst v63  }
0xc0: {  	_ =	swait.ge [sflag:s29], $0x2000  }
0xc1: {  	[sflag:s29] =	ssyncset.done $0x0  }
0xc2: {  	[sflag:s29] =	ssyncadd.s32 $0xFFFFE000  }
0xc3: {  	_ =	swait.ge [sflag:s4], $0x2000  }
0xc4: {  	[sflag:s4] =	ssyncset.done $0x0  }
0xc5: {  	[sflag:s4] =	ssyncadd.s32 $0xFFFFE000  }
0xc6: {  	[spmem:s1] =	stream.indirect.scatter.add.f32 [tilespmem:s30], [sflag:$0x3], $0x80, s5, s31, $0xb8;
	[tilespmem:$0x1D200] =	vst v63  }
0xc7: {  	_ =	swait.ge [sflag:s29], $0x2000  }
0xc8: {  	[sflag:s29] =	ssyncset.done $0x0  }
0xc9: {  	[sflag:s29] =	ssyncadd.s32 $0xFFFFE000  }
0xca: {  	[bflag:$0x0] =	sbarrier.arrive $0xFFFF  }
0xcb: {  	[tilespmem:s30], [sflag:$0x3] =	stream.linear.gather [spmem:s17], $0x2000, $0x38;
	[tilespmem:$0x1D200] =	vst v63  }
0xcc: {  	_ =	swait.ge [sflag:s29], $0x2000  }
0xcd: {  	[sflag:s29] =	ssyncset.done $0x0  }
0xce: {  	s9 =	rddreg [dreg:$0x3];
	[sflag:s29] =	ssyncadd.s32 $0xFFFFE000  }
0xcf: {  	[hbm4b:s9+s2] =	stream.linear.scatter [tilespmem:s30], [sflag:$0x3], $0x2000, $0x38;
	[tilespmem:$0x1D200] =	vst v63  }
0xd0: {  	_ =	swait.ge [sflag:s29], $0x2000  }
0xd1: {  	[sflag:s29] =	ssyncset.done $0x0  }
0xd2: {  	[sflag:s29] =	ssyncadd.s32 $0xFFFFE000  }
0xd3: {  	[tilespmem:s30], [sflag:$0x3] =	stream.linear.gather [spmem:s18], $0x2000, $0x38;
	[tilespmem:$0x1D200] =	vst v63  }
0xd4: {  	_ =	swait.ge [sflag:s29], $0x2000  }
0xd5: {  	[sflag:s29] =	ssyncset.done $0x0  }
0xd6: {  	s11 =	rddreg [dreg:$0x4];
	[sflag:s29] =	ssyncadd.s32 $0xFFFFE000  }
0xd7: {  	[hbm4b:s11+s2] =	stream.linear.scatter [tilespmem:s30], [sflag:$0x3], $0x2000, $0x38;
	[tilespmem:$0x1D200] =	vst v63  }
0xd8: {  	_ =	swait.ge [sflag:s29], $0x2000  }
0xd9: {  	[sflag:s29] =	ssyncset.done $0x0  }
0xda: {  	[sflag:s29] =	ssyncadd.s32 $0xFFFFE000  }
0xdb: {  	[tilespmem:s30], [sflag:$0x3] =	stream.linear.gather [spmem:s19], $0x2000, $0x38;
	[tilespmem:$0x1D200] =	vst v63  }
0xdc: {  	_ =	swait.ge [sflag:s29], $0x2000  }
0xdd: {  	[sflag:s29] =	ssyncset.done $0x0  }
0xde: {  	s11 =	rddreg [dreg:$0x5];
	[sflag:s29] =	ssyncadd.s32 $0xFFFFE000  }
0xdf: {  	[hbm4b:s11+s2] =	stream.linear.scatter [tilespmem:s30], [sflag:$0x3], $0x2000, $0x38;
	[tilespmem:$0x1D200] =	vst v63  }
0xe0: {  	_ =	swait.ge [sflag:s29], $0x2000  }
0xe1: {  	[sflag:s29] =	ssyncset.done $0x0  }
0xe2: {  	[sflag:s29] =	ssyncadd.s32 $0xFFFFE000  }
0xe3: {  	[tilespmem:s30], [sflag:$0x3] =	stream.linear.gather [spmem:s20], $0x2000, $0x38;
	[tilespmem:$0x1D200] =	vst v63  }
0xe4: {  	_ =	swait.ge [sflag:s29], $0x2000  }
0xe5: {  	[sflag:s29] =	ssyncset.done $0x0  }
0xe6: {  	s11 =	rddreg [dreg:$0x6];
	[sflag:s29] =	ssyncadd.s32 $0xFFFFE000  }
0xe7: {  	[hbm4b:s11+s2] =	stream.linear.scatter [tilespmem:s30], [sflag:$0x3], $0x2000, $0x38;
	[tilespmem:$0x1D200] =	vst v63  }
0xe8: {  	_ =	swait.ge [sflag:s29], $0x2000  }
0xe9: {  	[sflag:s29] =	ssyncset.done $0x0  }
0xea: {  	[sflag:s29] =	ssyncadd.s32 $0xFFFFE000  }
0xeb: {  	[tilespmem:s30], [sflag:$0x3] =	stream.linear.gather [spmem:s21], $0x2000, $0x38;
	[tilespmem:$0x1D200] =	vst v63  }
0xec: {  	_ =	swait.ge [sflag:s29], $0x2000  }
0xed: {  	[sflag:s29] =	ssyncset.done $0x0  }
0xee: {  	s11 =	rddreg [dreg:$0x7];
	[sflag:s29] =	ssyncadd.s32 $0xFFFFE000  }
0xef: {  	[hbm4b:s11+s2] =	stream.linear.scatter [tilespmem:s30], [sflag:$0x3], $0x2000, $0x38;
	[tilespmem:$0x1D200] =	vst v63  }
0xf0: {  	_ =	swait.ge [sflag:s29], $0x2000  }
0xf1: {  	[sflag:s29] =	ssyncset.done $0x0  }
0xf2: {  	[sflag:s29] =	ssyncadd.s32 $0xFFFFE000  }
0xf3: {  	[tilespmem:s30], [sflag:$0x3] =	stream.linear.gather [spmem:s22], $0x2000, $0x38;
	[tilespmem:$0x1D200] =	vst v63  }
0xf4: {  	_ =	swait.ge [sflag:s29], $0x2000  }
0xf5: {  	[sflag:s29] =	ssyncset.done $0x0  }
0xf6: {  	s11 =	rddreg [dreg:$0x8];
	[sflag:s29] =	ssyncadd.s32 $0xFFFFE000  }
0xf7: {  	[hbm4b:s11+s2] =	stream.linear.scatter [tilespmem:s30], [sflag:$0x3], $0x2000, $0x38;
	[tilespmem:$0x1D200] =	vst v63  }
0xf8: {  	_ =	swait.ge [sflag:s29], $0x2000  }
0xf9: {  	[sflag:s29] =	ssyncset.done $0x0  }
0xfa: {  	[sflag:s29] =	ssyncadd.s32 $0xFFFFE000  }
0xfb: {  	[tilespmem:s30], [sflag:$0x3] =	stream.linear.gather [spmem:s23], $0x2000, $0x38;
	[tilespmem:$0x1D200] =	vst v63  }
0xfc: {  	_ =	swait.ge [sflag:s29], $0x2000  }
0xfd: {  	[sflag:s29] =	ssyncset.done $0x0  }
0xfe: {  	s11 =	rddreg [dreg:$0x9];
	[sflag:s29] =	ssyncadd.s32 $0xFFFFE000  }
0xff: {  	[hbm4b:s11+s2] =	stream.linear.scatter [tilespmem:s30], [sflag:$0x3], $0x2000, $0x38;
	[tilespmem:$0x1D200] =	vst v63  }
0x100: {  	_ =	swait.ge [sflag:s29], $0x2000  }
0x101: {  	[sflag:s29] =	ssyncset.done $0x0  }
0x102: {  	[sflag:s29] =	ssyncadd.s32 $0xFFFFE000  }
0x103: {  	[tilespmem:s30], [sflag:$0x3] =	stream.linear.gather [spmem:s24], $0x2000, $0x38;
	[tilespmem:$0x1D200] =	vst v63  }
0x104: {  	_ =	swait.ge [sflag:s29], $0x2000  }
0x105: {  	[sflag:s29] =	ssyncset.done $0x0  }
0x106: {  	s11 =	rddreg [dreg:$0xa];
	[sflag:s29] =	ssyncadd.s32 $0xFFFFE000  }
0x107: {  	[hbm4b:s11+s2] =	stream.linear.scatter [tilespmem:s30], [sflag:$0x3], $0x2000, $0x38;
	[tilespmem:$0x1D200] =	vst v63  }
0x108: {  	_ =	swait.ge [sflag:s29], $0x2000  }
0x109: {  	[sflag:s29] =	ssyncset.done $0x0  }
0x10a: {  	[sflag:s29] =	ssyncadd.s32 $0xFFFFE000  }
0x10b: {  	[tilespmem:s30], [sflag:$0x3] =	stream.linear.gather [spmem:s25], $0x2000, $0x38;
	[tilespmem:$0x1D200] =	vst v63  }
0x10c: {  	_ =	swait.ge [sflag:s29], $0x2000  }
0x10d: {  	[sflag:s29] =	ssyncset.done $0x0  }
0x10e: {  	[sflag:s29] =	ssyncadd.s32 $0xFFFFE000  }
0x10f: {  	[hbm4b:s12+s2] =	stream.linear.scatter [tilespmem:s30], [sflag:$0x3], $0x2000, $0x38;
	[tilespmem:$0x1D200] =	vst v63  }
0x110: {  	_ =	swait.ge [sflag:s29], $0x2000  }
0x111: {  	[sflag:s29] =	ssyncset.done $0x0  }
0x112: {  	[sflag:s29] =	ssyncadd.s32 $0xFFFFE000  }
0x113: {  	[tilespmem:s30], [sflag:$0x3] =	stream.linear.gather [spmem:s26], $0x2000, $0x38;
	[tilespmem:$0x1D200] =	vst v63  }
0x114: {  	s8 =	sadd.s32 $0x1, s8;
	_ =	swait.ge [sflag:s29], $0x2000  }
0x115: {  	p0 =	sne.s32 s8, s28;
	[sflag:s29] =	ssyncset.done $0x0  }
.Ltmp1:
0x116: {  	[sflag:s29] =	ssyncadd.s32 $0xFFFFE000;
	(pc) =	sbr.rel @p0 .LBB2_1-.Ltmp1, $4  }
0x117: {  	[hbm4b:s13+s2] =	stream.linear.scatter [tilespmem:s30], [sflag:$0x3], $0x2000, $0x38;
	[tilespmem:$0x1D200] =	vst v63  }
0x118: {  	_ =	swait.ge [sflag:s29], $0x2000  }
0x119: {  	[sflag:s29] =	ssyncset.done $0x0  }
0x11a: {  	[sflag:s29] =	ssyncadd.s32 $0xFFFFE000  }
0x11b: {  	_ =	sfence.sel $0x180000  }
0x11c: {  	[bflag:$0x0] =	sbarrier.arrive $0xFFFF  }
0x11d: {  	_ =	strace $0x9000004A  }
0x11e: {  	s0 =	stileid.u32;
	[bflag:$0x2] =	sbarrier.arrive $0xFFFF  }
0x11f: {  	p0 =	sne.s32 s0, $0x0;
	s0 =	rddreg [dreg:$0x2]  }
0x120: {  	s0 =	sadd.s32 @!p0 $0x100000, s0  }
0x121: {  	[sflag:s0] =	ssyncadd.tile.s32 @!p0 $0x1;
	_ =	shalt  }
.Lfunc_end2:
_tile_overlayer_lowered:
.L_overlay_start_2:
0x122: {  	(tag) =	ssettag $0x2  }
0x123: {  	s0 =	rddreg [dreg:$0x0];
	s2 =	stileid.u32  }
0x124: {  	s1 =	rddreg [dreg:$0x1];
	p0 =	sne.s32 s2, $0x0  }
0x125: {  	s3 =	rddreg [dreg:$0x2];
	[bflag:$0x3] =	sbarrier.arrive $0xFFFF;
	s2 =	simm.s32 @!p0 $0x1C03  }
0x126: {  	[timem:s3], [sflag:s2] =	dma.local @!p0 [hbm:s0], s1  }
0x127: {  	s0 =	simm.s32 @!p0 $0x3  }
0x128: {  	_ =	swait.ge @!p0 [sflag:s0], s1  }
0x129: {  	s1 =	ssub.s32 @!p0 $0x0, s1;
	[sflag:s0] =	ssyncset.done @!p0 $0x0  }
0x12a: {  	[sflag:s0] =	ssyncadd.s32 @!p0 s1  }
0x12b: {  	[bflag:$0x3] =	sbarrier.arrive $0xFFFF  }
0x12c: {  	_ =	shalt  }

// kernel: kernel.17.cloned.1.call-start
scs
__scs_entry_jumppad:
0x0: {  	(pc) =	sbr.rel $0x88, $3  }
0x1: {  	(tag) =	ssettag $0x0;
	lr =	simm.s32 $0x1  }
0x2: {  	[smem:$0x3F94] =	sst lr;
	_ =	strace $0xD0000000  }
0x3: {  	_ = 	snop  }
0x4: {  	_ = 	snop  }
0x5: {  	_ = 	snop  }
0x6: {  	_ = 	snop  }
0x7: {  	_ = 	snop  }
__scs_overlays_trampoline_lowered:
0x8: {  	[smem:$0x3FA3] =	sst s0  }
0x9: {  	[smem:$0x3FA4] =	sst s1  }
0xa: {  	[smem:$0x3FA5] =	sst s2  }
0xb: {  	[smem:$0x3FA6] =	sst s3  }
0xc: {  	[smem:$0x3FA7] =	sst s4  }
0xd: {  	[smem:$0x3FA8] =	sst s5  }
0xe: {  	[smem:$0x3FA9] =	sst s6  }
0xf: {  	[smem:$0x3FAA] =	sst s7  }
0x10: {  	[smem:$0x3FAB] =	sst s8  }
0x11: {  	[smem:$0x3FAC] =	sst s9;
	s0 =	simm.s32 @!p0 $0x0  }
0x12: {  	s1 =	sld [smem:$0x3F92];
	s0 =	simm.s32 @p0 $0x1  }
0x13: {  	[smem:$0x3FAD] =	sst s0;
	s0 =	simm.s32 @!p1 $0x0  }
0x14: {  	s2 =	sld [smem:$0x3F91];
	s0 =	simm.s32 @p1 $0x1  }
0x15: {  	[smem:$0x3FAE] =	sst s0;
	s0 =	simm.s32 @!p2 $0x0  }
0x16: {  	s3 =	sld [smem:$0x3FDB];
	s0 =	simm.s32 @p2 $0x1  }
0x17: {  	s4 =	simm.s32 $0x1BF5;
	[smem:$0x3FB0] =	sst s0  }
0x18: {  	s0 =	sld [smem:$0x3F93];
	_ =	swait.ge [sflag:s4], $0x0  }
0x19: {  	s7 =	sld [smem:$0x3F94]  }
0x1a: {  	s8 =	sadd.s32 $0xFFFFE003, lr  }
0x1b: {  	s9 =	sadd.s32 $0xFFFFFEF7, lr;
	s5 =	simm.s32 $0xFFFFFFFF;
	p2 =	slt.u32 s8, $0xFFFFF086  }
0x1c: {  	p1 =	slt.u32 s9, $0xF7A;
	s5 =	simm.s32 @!p2 $0x0  }
0x1d: {  	s5 =	simm.s32 @p1 $0x1;
	p0 =	seq.s32 s7, s2  }
0x1e: {  	s7 =	smul.u32 @!p0 $0xF7A, s2;
	p2 =	seq.s32 @!p0 s5, $0x0  }
0x1f: {  	s9 =	smul.u32 $0xF7A, s1;
	s8 =	simm.s32 @!p0 $0x1BF5;
	p2 =	por !p2, p0  }
0x20: {  	[sflag:s8] =	ssyncset.s32 @!p0 $0xFFFFF086;
	s6 =	sadd.s32 @!p0 s3, s7;
	s7 =	simm.s32 @!p0 $0x108  }
0x21: {  	s3 =	sadd.s32 s3, s9;
	s6 =	sadd.s32 @!p0 $0x88, s6;
	s7 =	simm.s32 @p2 $0x1082  }
0x22: {  	[simem:s7], [sflag:s8] =	dma.local @!p0 [hbm:s6], $0xF7A  }
0x23: {  	s9 =	sor.u32 $0xD0000000, s2;
	s6 =	simm.s32 $0x108;
	_ =	swait.ge @!p0 [sflag:s8], $0x0  }
0x24: {  	s3 =	sadd.s32 $0x88, s3;
	s6 =	simm.s32 @!p1 $0x1082;
	[sflag:s4] =	ssyncset.s32 $0xFFFFF086  }
0x25: {  	[simem:s6], [sflag:s4] =	dma.local [hbm:s3], $0xF7A  }
0x26: {  	[smem:$0x3F94] =	sst s1;
	(tag) =	ssettag s2;
	_ =	strace s9  }
0x27: {  	s1 =	sld [smem:$0x3FA4]  }
0x28: {  	s2 =	sld [smem:$0x3FA5]  }
0x29: {  	s4 =	sld [smem:$0x3FA7]  }
0x2a: {  	p0 =	seq.s32 s5, $0x0;
	s5 =	sld [smem:$0x3FA8]  }
0x2b: {  	s6 =	sld [smem:$0x3FA9]  }
0x2c: {  	s7 =	sld [smem:$0x3FAA]  }
0x2d: {  	s3 =	simm.s32 $0x108;
	s8 =	sld [smem:$0x3FAB]  }
0x2e: {  	s3 =	simm.s32 @!p0 $0x1082;
	s9 =	sld [smem:$0x3FAC]  }
0x2f: {  	lr =	sadd.s32 s0, s3;
	s0 =	sld [smem:$0x3FA3]  }
0x30: {  	s3 =	sld [smem:$0x3FA6]  }
0x31: {  	[smem:$0x3FAF] =	sst s10  }
0x32: {  	s10 =	sld [smem:$0x3FAD];
	_ =	sdelay $0x3  }
0x33: {  	p0 =	seq.s32 s10, $0x1;
	s10 =	sld [smem:$0x3FAF];
	_ =	sdelay $0x3  }
0x34: {  	[smem:$0x3FAF] =	sst s10  }
0x35: {  	s10 =	sld [smem:$0x3FAE];
	_ =	sdelay $0x3  }
0x36: {  	p1 =	seq.s32 s10, $0x1;
	s10 =	sld [smem:$0x3FAF];
	_ =	sdelay $0x3  }
0x37: {  	[smem:$0x3FAF] =	sst s10  }
0x38: {  	s10 =	sld [smem:$0x3FB0]  }
0x39: {  	_ = 	snop;
	(pc) =	sbr.ind lr, $3  }
0x3a: {  	_ = 	snop  }
0x3b: {  	_ = 	snop  }
0x3c: {  	p2 =	seq.s32 s10, $0x1;
	s10 =	sld [smem:$0x3FAF]  }
0x3d: {  	_ =	shalt  }
0x3e: {  	_ =	shalt  }
0x3f: {  	_ =	shalt  }
0x40: {  	_ =	shalt  }
0x41: {  	_ =	shalt  }
0x42: {  	_ =	shalt  }
0x43: {  	_ =	shalt  }
0x44: {  	_ =	shalt  }
0x45: {  	_ =	shalt  }
0x46: {  	_ =	shalt  }
0x47: {  	_ =	shalt  }
0x48: {  	_ =	shalt  }
0x49: {  	_ =	shalt  }
0x4a: {  	_ =	shalt  }
0x4b: {  	_ =	shalt  }
0x4c: {  	_ =	shalt  }
0x4d: {  	_ =	shalt  }
0x4e: {  	_ =	shalt  }
0x4f: {  	_ =	shalt  }
0x50: {  	_ =	shalt  }
0x51: {  	_ =	shalt  }
0x52: {  	_ =	shalt  }
0x53: {  	_ =	shalt  }
0x54: {  	_ =	shalt  }
0x55: {  	_ =	shalt  }
0x56: {  	_ =	shalt  }
0x57: {  	_ =	shalt  }
0x58: {  	_ =	shalt  }
0x59: {  	_ =	shalt  }
0x5a: {  	_ =	shalt  }
0x5b: {  	_ =	shalt  }
0x5c: {  	_ =	shalt  }
0x5d: {  	_ =	shalt  }
0x5e: {  	_ =	shalt  }
0x5f: {  	_ =	shalt  }
0x60: {  	_ =	shalt  }
0x61: {  	_ =	shalt  }
0x62: {  	_ =	shalt  }
0x63: {  	_ =	shalt  }
0x64: {  	_ =	shalt  }
0x65: {  	_ =	shalt  }
0x66: {  	_ =	shalt  }
0x67: {  	_ =	shalt  }
0x68: {  	_ =	shalt  }
0x69: {  	_ =	shalt  }
0x6a: {  	_ =	shalt  }
0x6b: {  	_ =	shalt  }
0x6c: {  	_ =	shalt  }
0x6d: {  	_ =	shalt  }
0x6e: {  	_ =	shalt  }
0x6f: {  	_ =	shalt  }
0x70: {  	_ =	shalt  }
0x71: {  	_ =	shalt  }
0x72: {  	_ =	shalt  }
0x73: {  	_ =	shalt  }
0x74: {  	_ =	shalt  }
0x75: {  	_ =	shalt  }
0x76: {  	_ =	shalt  }
0x77: {  	_ =	shalt  }
0x78: {  	_ =	shalt  }
0x79: {  	_ =	shalt  }
0x7a: {  	_ =	shalt  }
0x7b: {  	_ =	shalt  }
0x7c: {  	_ =	shalt  }
0x7d: {  	_ =	shalt  }
0x7e: {  	_ =	shalt  }
0x7f: {  	_ =	shalt  }
0x80: {  	_ =	shalt  }
0x81: {  	_ =	shalt  }
0x82: {  	_ =	shalt  }
0x83: {  	_ =	shalt  }
0x84: {  	_ =	shalt  }
0x85: {  	_ =	shalt  }
0x86: {  	_ =	shalt  }
0x87: {  	_ =	shalt  }
.Lfunc_end0:
.L_simem_size_0:
called_computation.2_lowered:
.L_overlay_start_0:
0x88: {  	s2 =	sld [smem:$0x3FD9]  }
0x89: {  	s3 =	sld [smem:$0x3FFE];
	_ =	sdelay $0x1  }
0x8a: {  	s1 =	srdreg.scid  }
0x8b: {  	s0 =	sand.u32 $0x1, s1  }
0x8c: {  	s16 =	sshll.u32 s0, $0xA;
	s2 =	sadd.s32 s3, s2  }
0x8d: {  	s2 =	sadd.s32 s2, s16  }
0x8e: {  	[smem:$0x3FBB] =	sst s2  }
0x8f: {  	_ = 	snop  }
0x90: {  	(tm) =	ssettm $0x1  }
0x91: {  	s17 =	sld [smem:$0x3FFB];
	_ =	sdelay $0x3  }
0x92: {  	_ =	strace s17  }
0x93: {  	s2 =	sld [smem:$0x3FFC];
	_ =	sdelay $0x3  }
0x94: {  	_ =	strace s2  }
0x95: {  	s2 =	sld [smem:$0x3FFD];
	_ =	sdelay $0x3  }
0x96: {  	_ =	strace s2  }
0x97: {  	_ =	strace $0x8FFFFFFF  }
0x98: {  	s18 =	sld [smem:$0x3FDB];
	_ =	sdelay $0x1  }
0x99: {  	s19 =	simm.s32 $_scs_section_size  }
0x9a: {  	s4 =	simm.s32 $_size__tile_overlayer_lowered;
	s5 =	simm.s32 $_tile_overlayer_lowered  }
0x9b: {  	s22 =	simm.s32 $0x1BFF;
	s21 =	sshll.u32 s5, $0x1;
	s2 =	sadd.s32 s19, s18  }
0x9c: {  	s6 =	simm.s32 $0x0;
	s20 =	sshll.u32 s4, $0x1;
	s4 =	sadd.s32 s21, s2  }
0x9d: {  	[timem:s6], [sflag:s22] =	dma.local [hbm:s4], s20  }
0x9e: {  	_ =	swait.ge [sflag:s22], s20  }
0x9f: {  	s3 =	ssub.s32 $0x0, s20;
	[sflag:s22] =	ssyncset.done $0x0  }
0xa0: {  	[sflag:s22] =	ssyncadd.s32 s3;
	_ =	sdelay $0x1  }
0xa1: {  	s23 =	simm.s32 $0x1B8B  }
0xa2: {  	_ =	swait.ge [sflag:s23], $0x1  }
0xa3: {  	[sflag:s23] =	ssyncset.done $0x0  }
0xa4: {  	s25 =	simm.s32 $0x1B8E;
	s24 =	sld [smem:$0x3FFE];
	[sflag:s23] =	ssyncadd.s32 $0xFFFFFFFF  }
0xa5: {  	s26 =	simm.s32 $execute0_lowered;
	[smem:$0x3FD2] =	sst s25  }
0xa6: {  	s4 =	sshll.u32 s26, $0x1;
	_ =	strace $0x8000004C;
	[dreg:$0x1] =	wrdreg $0xFFFFFFFF  }
0xa7: {  	s28 =	simm.s32 $_size_execute0_lowered;
	s2 =	sadd.s32 s2, s4;
	[dreg:$0x0] =	wrdreg $0x0  }
0xa8: {  	s4 =	sshll.u32 s28, $0x1;
	[dreg:$0x2] =	wrdreg s2  }
0xa9: {  	[dreg:$0x3] =	wrdreg s4  }
0xaa: {  	[dreg:$0x4] =	wrdreg $0xC0  }
0xab: {  	_ =	task [dreg:s6], $0x5FFFF  }
0xac: {  	[dreg:$0x1] =	wrdreg $0xFFFFFFFF  }
0xad: {  	[dreg:$0x0] =	wrdreg $0x60  }
0xae: {  	[dreg:$0x2] =	wrdreg s24  }
0xaf: {  	[dreg:$0x3] =	wrdreg $0x92000  }
0xb0: {  	[dreg:$0x4] =	wrdreg $0x9  }
0xb1: {  	_ =	task.clear_ibuf [dreg:s6], $0x5FFFF;
	_ =	strace $0x9000004C  }
0xb2: {  	s29 =	simm.s32 $0x9;
	_ =	strace $0x8000004E  }
0xb3: {  	_ =	swait.ge [sflag:s29], $0x1  }
0xb4: {  	[sflag:s29] =	ssyncadd.s32 $0xFFFFFFFF  }
0xb5: {  	_ =	strace $0x9000004E  }
0xb6: {  	_ =	sfence  }
0xb7: {  	s30 =	sld [smem:$0x0];
	_ =	sdelay $0x2  }
0xb8: {  	s31 =	sshll.u32 s1, $0xD;
	s1 =	sshrl.u32 s1, $0x2  }
0xb9: {  	s3 =	sand.u32 $0x4000, s31;
	s1 =	sadd.s32 s1, s30  }
0xba: {  	s0 =	sor.u32 s3, s0;
	s1 =	sshll.u32 s1, $0x11  }
0xbb: {  	s0 =	sor.u32 s1, s0  }
0xbc: {  	s0 =	sadd.s32 $0x8F2B, s0  }
0xbd: {  	[sflag:s0] =	ssyncadd.remote.s32 $0x1  }
0xbe: {  	_ =	sfence.sel $0xFFFF  }
0xbf: {  	[dreg:$0x0] =	wrdreg $0xFFFFFFFF;
	(pc) =	sbr.abs _section_cstart, $3  }
0xc0: {  	[dreg:$0x1] =	wrdreg $0xFFFFFFFF  }
0xc1: {  	_ =	task.clear_ibuf [dreg:s6], $0x2FFFF;
	_ =	strace $0x9FFFFFFF  }
0xc2: {  	(tm) =	ssettm $0x7FFFFFFF  }
0xc3: {  	_ =	shalt  }
tec
execute0_lowered:
.L_overlay_start_1:
0x0: {  	(tag) =	ssettag $0x1  }
0x1: {  	s3 =	rddreg [dreg:$0x0];
	s0 =	srdreg.scid  }
0x2: {  	s1 =	rddreg [dreg:$0x1];
	s2 =	simm.s32 $0x0;
	s14 =	stileid.u32  }
0x3: {  	s29 =	simm.s32 $0x3;
	s30 =	simm.s32 $0x5200;
	s31 =	simm.s32 $0x40  }
0x4: {  	s4 =	sand.u32 $0x1, s0;
	s6 =	smul.u32 $0x280, s14;
	[smem:$0x7FF] =	sst s2  }
0x5: {  	s8 =	sadd.s32 $0x3F000, s3;
	s0 =	sshll.u32 s4, $0x4;
	s5 =	ssub.s32 $0x2, s4  }
0x6: {  	s4 =	smul.u32 $0x2800, s4;
	s0 =	sor.u32 s14, s0;
	s13 =	sshrl.u32 s5, $0x1  }
0x7: {  	s9 =	sadd.s32 $0x80, s6;
	s10 =	sadd.s32 $0xC0, s6;
	s11 =	sadd.s32 $0x100, s6  }
0x8: {  	s21 =	sadd.s32 $0x140, s6;
	s22 =	sadd.s32 $0x180, s6;
	s14 =	smul.u32 $0x50000, s14  }
0x9: {  	s24 =	sadd.s32 $0x1C0, s6;
	s25 =	sadd.s32 $0x200, s6;
	s7 =	smul.u32 $0xA00, s0  }
0xa: {  	s0 =	ssub.s32 s5, s13;
	s5 =	sor.u32 $0x40, s6;
	s12 =	sadd.s32 s6, s4  }
0xb: {  	s6 =	sadd.s32 $0x240, s6;
	s16 =	sadd.s32 s4, s9;
	s18 =	sadd.s32 s4, s10  }
0xc: {  	s20 =	sadd.s32 s4, s11;
	s26 =	sadd.s32 s4, s21;
	s12 =	sshll.u32 s12, $0x4  }
0xd: {  	s13 =	sadd.s32 s4, s5;
	s17 =	sshll.u32 s16, $0x4;
	s19 =	sshll.u32 s18, $0x4  }
0xe: {  	s23 =	sshll.u32 s20, $0x4;
	s28 =	smax.u32 s0, $0x1;
	s0 =	simm.s32 $0x5100  }
0xf: {  	s12 =	sadd.s32 s8, s12;
	s15 =	sshll.u32 s13, $0x4;
	s13 =	sshll.u32 s26, $0x4  }
0x10: {  	s26 =	sshrl.u32 s14, $0x2;
	[dreg:$0x3] =	wrdreg s12;
	s12 =	sadd.s32 s8, s15  }
0x11: {  	s14 =	sadd.s32 $0x17A00, s3;
	s15 =	sadd.s32 s4, s22;
	[dreg:$0x4] =	wrdreg s12  }
0x12: {  	s12 =	sadd.s32 s8, s17;
	s16 =	sshll.u32 s15, $0x4;
	s17 =	sadd.s32 s4, s24  }
0x13: {  	s15 =	sadd.s32 $0x3EC00, s3;
	s24 =	sshll.u32 s24, $0x7;
	[dreg:$0x5] =	wrdreg s12  }
0x14: {  	s12 =	sadd.s32 s8, s19;
	s18 =	sshll.u32 s17, $0x4;
	s19 =	sadd.s32 s4, s25  }
0x15: {  	s4 =	sadd.s32 s4, s6;
	s17 =	sadd.s32 s26, s1;
	s25 =	sshll.u32 s25, $0x7  }
0x16: {  	s26 =	sshll.u32 s6, $0x7;
	s24 =	sadd.s32 s24, s1;
	s6 =	simm.s32 $0x2  }
0x17: {  	[dreg:$0x6] =	wrdreg s12;
	s12 =	sadd.s32 s8, s23;
	s20 =	sshll.u32 s19, $0x4  }
0x18: {  	s4 =	sshll.u32 s4, $0x4;
	s23 =	sadd.s32 s7, s3;
	s7 =	sshll.u32 s5, $0x7  }
0x19: {  	s25 =	sadd.s32 s25, s1;
	s26 =	sadd.s32 s26, s1;
	s3 =	simm.s32 $0x7200  }
0x1a: {  	s5 =	simm.s32 $0x5080;
	[dreg:$0x7] =	wrdreg s12;
	s12 =	sadd.s32 s8, s13  }
0x1b: {  	s13 =	sadd.s32 s8, s4;
	s4 =	simm.s32 $0x1;
	[dreg:$0x8] =	wrdreg s12  }
0x1c: {  	s12 =	sadd.s32 s8, s16;
	s16 =	sadd.s32 $0x3A00, s23;
	s23 =	sshll.u32 s22, $0x7  }
0x1d: {  	[dreg:$0x9] =	wrdreg s12;
	s12 =	sadd.s32 s8, s18;
	s18 =	sadd.s32 s7, s1  }
0x1e: {  	s23 =	sadd.s32 s23, s1;
	s7 =	simm.s32 $0x5180;
	[dreg:$0xa] =	wrdreg s12  }
0x1f: {  	s12 =	sadd.s32 s8, s20;
	s8 =	sshll.u32 s9, $0x7;
	s9 =	sshll.u32 s10, $0x7  }
0x20: {  	s10 =	sshll.u32 s11, $0x7;
	s11 =	sshll.u32 s21, $0x7;
	_ =	strace $0x8000004D  }
0x21: {  	s19 =	sadd.s32 s8, s1;
	s20 =	sadd.s32 s9, s1;
	s21 =	sadd.s32 s10, s1  }
0x22: {  	s22 =	sadd.s32 s11, s1;
	s10 =	simm.s32 $0x5000;
	s8 =	simm.s32 $0x0  }
.LBB2_1:
0x23: {  	[tilespmem:s2], [sflag:$0x3] =	stream.linear.gather [hbm4b:s16+s2], $0x4E80, $0x38;
	[tilespmem:$0x1D200] =	vst v63  }
0x24: {  	_ =	swait.ge [sflag:s29], $0x4E80  }
0x25: {  	[sflag:s29] =	ssyncset.done $0x0  }
0x26: {  	[sflag:s29] =	ssyncadd.s32 $0xFFFFB180  }
0x27: {  	[tilespmem:s30], [sflag:$0x3] =	stream.linear.gather [hbm4b:s15+s2], $0x2000, $0x38;
	[tilespmem:$0x1D200] =	vst v63  }
0x28: {  	_ =	swait.ge [sflag:s29], $0x2000  }
0x29: {  	[sflag:s29] =	ssyncset.done $0x0  }
0x2a: {  	[sflag:s29] =	ssyncadd.s32 $0xFFFFE000  }
0x2b: {  	[spmem:s17] =	stream.linear.scatter [tilespmem:s30], [sflag:$0x3], $0x2000, $0x38;
	[tilespmem:$0x1D200] =	vst v63  }
0x2c: {  	_ =	swait.ge [sflag:s29], $0x2000  }
0x2d: {  	[sflag:s29] =	ssyncset.done $0x0  }
0x2e: {  	[sflag:s29] =	ssyncadd.s32 $0xFFFFE000  }
0x2f: {  	[spmem:s18] =	stream.linear.scatter [tilespmem:s30], [sflag:$0x3], $0x2000, $0x38;
	[tilespmem:$0x1D200] =	vst v63  }
0x30: {  	_ =	swait.ge [sflag:s29], $0x2000  }
0x31: {  	[sflag:s29] =	ssyncset.done $0x0  }
0x32: {  	[sflag:s29] =	ssyncadd.s32 $0xFFFFE000  }
0x33: {  	[spmem:s19] =	stream.linear.scatter [tilespmem:s30], [sflag:$0x3], $0x2000, $0x38;
	[tilespmem:$0x1D200] =	vst v63  }
0x34: {  	_ =	swait.ge [sflag:s29], $0x2000  }
0x35: {  	[sflag:s29] =	ssyncset.done $0x0  }
0x36: {  	[sflag:s29] =	ssyncadd.s32 $0xFFFFE000  }
0x37: {  	[spmem:s20] =	stream.linear.scatter [tilespmem:s30], [sflag:$0x3], $0x2000, $0x38;
	[tilespmem:$0x1D200] =	vst v63  }
0x38: {  	_ =	swait.ge [sflag:s29], $0x2000  }
0x39: {  	[sflag:s29] =	ssyncset.done $0x0  }
0x3a: {  	[sflag:s29] =	ssyncadd.s32 $0xFFFFE000  }
0x3b: {  	[spmem:s21] =	stream.linear.scatter [tilespmem:s30], [sflag:$0x3], $0x2000, $0x38;
	[tilespmem:$0x1D200] =	vst v63  }
0x3c: {  	_ =	swait.ge [sflag:s29], $0x2000  }
0x3d: {  	[sflag:s29] =	ssyncset.done $0x0  }
0x3e: {  	[sflag:s29] =	ssyncadd.s32 $0xFFFFE000  }
0x3f: {  	[spmem:s22] =	stream.linear.scatter [tilespmem:s30], [sflag:$0x3], $0x2000, $0x38;
	[tilespmem:$0x1D200] =	vst v63  }
0x40: {  	_ =	swait.ge [sflag:s29], $0x2000  }
0x41: {  	[sflag:s29] =	ssyncset.done $0x0  }
0x42: {  	[sflag:s29] =	ssyncadd.s32 $0xFFFFE000  }
0x43: {  	[spmem:s23] =	stream.linear.scatter [tilespmem:s30], [sflag:$0x3], $0x2000, $0x38;
	[tilespmem:$0x1D200] =	vst v63  }
0x44: {  	_ =	swait.ge [sflag:s29], $0x2000  }
0x45: {  	[sflag:s29] =	ssyncset.done $0x0  }
0x46: {  	[sflag:s29] =	ssyncadd.s32 $0xFFFFE000  }
0x47: {  	[spmem:s24] =	stream.linear.scatter [tilespmem:s30], [sflag:$0x3], $0x2000, $0x38;
	[tilespmem:$0x1D200] =	vst v63  }
0x48: {  	_ =	swait.ge [sflag:s29], $0x2000  }
0x49: {  	[sflag:s29] =	ssyncset.done $0x0  }
0x4a: {  	[sflag:s29] =	ssyncadd.s32 $0xFFFFE000  }
0x4b: {  	[spmem:s25] =	stream.linear.scatter [tilespmem:s30], [sflag:$0x3], $0x2000, $0x38;
	[tilespmem:$0x1D200] =	vst v63  }
0x4c: {  	_ =	swait.ge [sflag:s29], $0x2000  }
0x4d: {  	[sflag:s29] =	ssyncset.done $0x0  }
0x4e: {  	[sflag:s29] =	ssyncadd.s32 $0xFFFFE000  }
0x4f: {  	[spmem:s26] =	stream.linear.scatter [tilespmem:s30], [sflag:$0x3], $0x2000, $0x38;
	[tilespmem:$0x1D200] =	vst v63  }
0x50: {  	_ =	swait.ge [sflag:s29], $0x2000  }
0x51: {  	[sflag:s29] =	ssyncset.done $0x0  }
0x52: {  	[sflag:s29] =	ssyncadd.s32 $0xFFFFE000  }
0x53: {  	[bflag:$0x0] =	sbarrier.arrive $0xFFFF  }
0x54: {  	v0 =	vld [tilespmem:$0x0];
	_ =	sdelay $0x1  }
0x55: {  	v1 =	vld [tilespmem:$0x10];
	_ =	sdelay $0x1  }
0x56: {  	v2 =	vld [tilespmem:$0x20]  }
0x57: {  	v3 =	vand.u32 $0xFFFF, v0  }
0x58: {  	v0 =	vshrl.u32 v0, $0x10;
	[tilespmem:$0x5000] =	vst v3;
	v3 =	vld [tilespmem:$0x30]  }
0x59: {  	[tilespmem:$0x5080] =	vst v0;
	v0 =	vand.u32 $0xFFFF, v1  }
0x5a: {  	[tilespmem:$0x5010] =	vst v0;
	v0 =	vshrl.u32 v1, $0x10  }
0x5b: {  	[tilespmem:$0x5090] =	vst v0;
	v0 =	vand.u32 $0xFFFF, v2  }
0x5c: {  	[tilespmem:$0x5020] =	vst v0;
	v0 =	vshrl.u32 v2, $0x10  }
0x5d: {  	[tilespmem:$0x50A0] =	vst v0;
	v0 =	vand.u32 $0xFFFF, v3  }
0x5e: {  	[tilespmem:$0x5030] =	vst v0;
	v0 =	vshrl.u32 v3, $0x10  }
0x5f: {  	s9 =	simm.s32 $0x0;
	[tilespmem:$0x50B0] =	vst v0  }
0x60: {  	[tilespmem:s30], [sflag:$0x1] =	stream.indirect.gather [hbm4b:s14+s31], $0x80, s10, s31, $0xb8;
	[tilespmem:$0x1D200] =	vst v63  }
0x61: {  	v0 =	vld [tilespmem:s9+$0x80];
	_ =	sdelay $0x4  }
0x62: {  	v1 =	vand.u32 $0xFFFF, v0  }
0x63: {  	v0 =	vshrl.u32 v0, $0x10;
	[tilespmem:$0x5100] =	vst v1  }
0x64: {  	[tilespmem:$0x5180] =	vst v0  }
0x65: {  	v0 =	vld [tilespmem:s9+$0x90];
	_ =	sdelay $0x4  }
0x66: {  	v1 =	vand.u32 $0xFFFF, v0  }
0x67: {  	v0 =	vshrl.u32 v0, $0x10;
	[tilespmem:$0x5110] =	vst v1  }
0x68: {  	[tilespmem:$0x5190] =	vst v0  }
0x69: {  	v0 =	vld [tilespmem:s9+$0xA0];
	_ =	sdelay $0x4  }
0x6a: {  	v1 =	vand.u32 $0xFFFF, v0  }
0x6b: {  	v0 =	vshrl.u32 v0, $0x10;
	[tilespmem:$0x5120] =	vst v1  }
0x6c: {  	[tilespmem:$0x51A0] =	vst v0  }
0x6d: {  	v0 =	vld [tilespmem:s9+$0xB0];
	_ =	sdelay $0x4  }
0x6e: {  	v1 =	vand.u32 $0xFFFF, v0  }
0x6f: {  	v0 =	vshrl.u32 v0, $0x10;
	[tilespmem:$0x5130] =	vst v1  }
0x70: {  	[tilespmem:$0x51B0] =	vst v0  }
0x71: {  	[tilespmem:s3], [sflag:$0x2] =	stream.indirect.gather [hbm4b:s14+s31], $0x80, s0, s31, $0xb8;
	[tilespmem:$0x1D200] =	vst v63  }
0x72: {  	_ =	swait.ge [sflag:s4], $0x2000  }
0x73: {  	[sflag:s4] =	ssyncset.done $0x0  }
0x74: {  	[sflag:s4] =	ssyncadd.s32 $0xFFFFE000  }
0x75: {  	[spmem:s1] =	stream.indirect.scatter.add.f32 [tilespmem:s30], [sflag:$0x3], $0x80, s5, s31, $0xb8;
	[tilespmem:$0x1D200] =	vst v63  }
0x76: {  	_ =	swait.ge [sflag:s29], $0x2000  }
0x77: {  	[sflag:s29] =	ssyncset.done $0x0  }
0x78: {  	[sflag:s29] =	ssyncadd.s32 $0xFFFFE000  }
0x79: {  	v0 =	vld [tilespmem:s9+$0x100];
	_ =	sdelay $0x4  }
0x7a: {  	v1 =	vand.u32 $0xFFFF, v0  }
0x7b: {  	v0 =	vshrl.u32 v0, $0x10;
	[tilespmem:$0x5000] =	vst v1  }
0x7c: {  	[tilespmem:$0x5080] =	vst v0  }
0x7d: {  	v0 =	vld [tilespmem:s9+$0x110];
	_ =	sdelay $0x4  }
0x7e: {  	v1 =	vand.u32 $0xFFFF, v0  }
0x7f: {  	v0 =	vshrl.u32 v0, $0x10;
	[tilespmem:$0x5010] =	vst v1  }
0x80: {  	[tilespmem:$0x5090] =	vst v0  }
0x81: {  	v0 =	vld [tilespmem:s9+$0x120];
	_ =	sdelay $0x4  }
0x82: {  	v1 =	vand.u32 $0xFFFF, v0  }
0x83: {  	v0 =	vshrl.u32 v0, $0x10;
	[tilespmem:$0x5020] =	vst v1  }
0x84: {  	[tilespmem:$0x50A0] =	vst v0  }
0x85: {  	v0 =	vld [tilespmem:s9+$0x130];
	_ =	sdelay $0x4  }
0x86: {  	v1 =	vand.u32 $0xFFFF, v0  }
0x87: {  	s9 =	simm.s32 $0x400;
	v0 =	vshrl.u32 v0, $0x10;
	[tilespmem:$0x5030] =	vst v1  }
.LBB2_2:
0x88: {  	p0 =	sne.s32 s9, $0x13400;
	[tilespmem:$0x50B0] =	vst v0;
	s11 =	smov.u32 s9;
	s9 =	sadd.s32 $0x400, s9  }
0x89: {  	[tilespmem:s30], [sflag:$0x1] =	stream.indirect.gather [hbm4b:s14+s31], $0x80, s10, s31, $0xb8;
	[tilespmem:$0x1D200] =	vst v63  }
0x8a: {  	_ =	swait.ge [sflag:s6], $0x2000  }
0x8b: {  	[sflag:s6] =	ssyncset.done $0x0  }
0x8c: {  	[sflag:s6] =	ssyncadd.s32 $0xFFFFE000  }
0x8d: {  	[spmem:s1] =	stream.indirect.scatter.add.f32 [tilespmem:s3], [sflag:$0x3], $0x80, s7, s31, $0xb8;
	[tilespmem:$0x1D200] =	vst v63  }
0x8e: {  	_ =	swait.ge [sflag:s29], $0x2000  }
0x8f: {  	[sflag:s29] =	ssyncset.done $0x0  }
0x90: {  	s11 =	sshra.s32 s11, $0x2;
	[sflag:s29] =	ssyncadd.s32 $0xFFFFE000  }
0x91: {  	v0 =	vld [tilespmem:s11+$0x80];
	_ =	sdelay $0x4  }
0x92: {  	v1 =	vand.u32 $0xFFFF, v0;
	v0 =	vshrl.u32 v0, $0x10  }
0x93: {  	[tilespmem:$0x5100] =	vst v1  }
0x94: {  	[tilespmem:$0x5180] =	vst v0  }
0x95: {  	v0 =	vld [tilespmem:s11+$0x90];
	_ =	sdelay $0x4  }
0x96: {  	v1 =	vand.u32 $0xFFFF, v0;
	v0 =	vshrl.u32 v0, $0x10  }
0x97: {  	[tilespmem:$0x5110] =	vst v1  }
0x98: {  	[tilespmem:$0x5190] =	vst v0  }
0x99: {  	v0 =	vld [tilespmem:s11+$0xA0];
	_ =	sdelay $0x4  }
0x9a: {  	v1 =	vand.u32 $0xFFFF, v0;
	v0 =	vshrl.u32 v0, $0x10  }
0x9b: {  	[tilespmem:$0x5120] =	vst v1  }
0x9c: {  	[tilespmem:$0x51A0] =	vst v0  }
0x9d: {  	v0 =	vld [tilespmem:s11+$0xB0];
	_ =	sdelay $0x4  }
0x9e: {  	v1 =	vand.u32 $0xFFFF, v0;
	v0 =	vshrl.u32 v0, $0x10  }
0x9f: {  	[tilespmem:$0x5130] =	vst v1  }
0xa0: {  	[tilespmem:$0x51B0] =	vst v0  }
0xa1: {  	[tilespmem:s3], [sflag:$0x2] =	stream.indirect.gather [hbm4b:s14+s31], $0x80, s0, s31, $0xb8;
	[tilespmem:$0x1D200] =	vst v63  }
0xa2: {  	_ =	swait.ge [sflag:s4], $0x2000  }
0xa3: {  	[sflag:s4] =	ssyncset.done $0x0  }
0xa4: {  	[sflag:s4] =	ssyncadd.s32 $0xFFFFE000  }
0xa5: {  	[spmem:s1] =	stream.indirect.scatter.add.f32 [tilespmem:s30], [sflag:$0x3], $0x80, s5, s31, $0xb8;
	[tilespmem:$0x1D200] =	vst v63  }
0xa6: {  	_ =	swait.ge [sflag:s29], $0x2000  }
0xa7: {  	[sflag:s29] =	ssyncset.done $0x0  }
0xa8: {  	[sflag:s29] =	ssyncadd.s32 $0xFFFFE000  }
0xa9: {  	v0 =	vld [tilespmem:s11+$0x100];
	_ =	sdelay $0x4  }
0xaa: {  	v1 =	vand.u32 $0xFFFF, v0;
	v0 =	vshrl.u32 v0, $0x10  }
0xab: {  	[tilespmem:$0x5000] =	vst v1  }
0xac: {  	[tilespmem:$0x5080] =	vst v0  }
0xad: {  	v0 =	vld [tilespmem:s11+$0x110];
	_ =	sdelay $0x4  }
0xae: {  	v1 =	vand.u32 $0xFFFF, v0;
	v0 =	vshrl.u32 v0, $0x10  }
0xaf: {  	[tilespmem:$0x5010] =	vst v1  }
0xb0: {  	[tilespmem:$0x5090] =	vst v0  }
0xb1: {  	v0 =	vld [tilespmem:s11+$0x120];
	_ =	sdelay $0x4  }
0xb2: {  	v1 =	vand.u32 $0xFFFF, v0;
	v0 =	vshrl.u32 v0, $0x10  }
0xb3: {  	[tilespmem:$0x5020] =	vst v1  }
0xb4: {  	[tilespmem:$0x50A0] =	vst v0  }
0xb5: {  	v0 =	vld [tilespmem:s11+$0x130];
	_ =	sdelay $0x1  }
.Ltmp0:
0xb6: {  	(pc) =	sbr.rel @p0 .LBB2_2-.Ltmp0, $3  }
0xb7: {  	_ =	sdelay $0x1  }
0xb8: {  	v1 =	vand.u32 $0xFFFF, v0;
	v0 =	vshrl.u32 v0, $0x10  }
0xb9: {  	[tilespmem:$0x5030] =	vst v1  }
0xba: {  	[tilespmem:$0x50B0] =	vst v0  }
0xbb: {  	[tilespmem:s30], [sflag:$0x1] =	stream.indirect.gather [hbm4b:s14+s31], $0x80, s10, s31, $0xb8;
	[tilespmem:$0x1D200] =	vst v63  }
0xbc: {  	_ =	swait.ge [sflag:s6], $0x2000  }
0xbd: {  	[sflag:s6] =	ssyncset.done $0x0  }
0xbe: {  	[sflag:s6] =	ssyncadd.s32 $0xFFFFE000  }
0xbf: {  	[spmem:s1] =	stream.indirect.scatter.add.f32 [tilespmem:s3], [sflag:$0x3], $0x80, s7, s31, $0xb8;
	[tilespmem:$0x1D200] =	vst v63  }
0xc0: {  	_ =	swait.ge [sflag:s29], $0x2000  }
0xc1: {  	[sflag:s29] =	ssyncset.done $0x0  }
0xc2: {  	[sflag:s29] =	ssyncadd.s32 $0xFFFFE000  }
0xc3: {  	_ =	swait.ge [sflag:s4], $0x2000  }
0xc4: {  	[sflag:s4] =	ssyncset.done $0x0  }
0xc5: {  	[sflag:s4] =	ssyncadd.s32 $0xFFFFE000  }
0xc6: {  	[spmem:s1] =	stream.indirect.scatter.add.f32 [tilespmem:s30], [sflag:$0x3], $0x80, s5, s31, $0xb8;
	[tilespmem:$0x1D200] =	vst v63  }
0xc7: {  	_ =	swait.ge [sflag:s29], $0x2000  }
0xc8: {  	[sflag:s29] =	ssyncset.done $0x0  }
0xc9: {  	[sflag:s29] =	ssyncadd.s32 $0xFFFFE000  }
0xca: {  	[bflag:$0x0] =	sbarrier.arrive $0xFFFF  }
0xcb: {  	[tilespmem:s30], [sflag:$0x3] =	stream.linear.gather [spmem:s17], $0x2000, $0x38;
	[tilespmem:$0x1D200] =	vst v63  }
0xcc: {  	_ =	swait.ge [sflag:s29], $0x2000  }
0xcd: {  	[sflag:s29] =	ssyncset.done $0x0  }
0xce: {  	s9 =	rddreg [dreg:$0x3];
	[sflag:s29] =	ssyncadd.s32 $0xFFFFE000  }
0xcf: {  	[hbm4b:s9+s2] =	stream.linear.scatter [tilespmem:s30], [sflag:$0x3], $0x2000, $0x38;
	[tilespmem:$0x1D200] =	vst v63  }
0xd0: {  	_ =	swait.ge [sflag:s29], $0x2000  }
0xd1: {  	[sflag:s29] =	ssyncset.done $0x0  }
0xd2: {  	[sflag:s29] =	ssyncadd.s32 $0xFFFFE000  }
0xd3: {  	[tilespmem:s30], [sflag:$0x3] =	stream.linear.gather [spmem:s18], $0x2000, $0x38;
	[tilespmem:$0x1D200] =	vst v63  }
0xd4: {  	_ =	swait.ge [sflag:s29], $0x2000  }
0xd5: {  	[sflag:s29] =	ssyncset.done $0x0  }
0xd6: {  	s11 =	rddreg [dreg:$0x4];
	[sflag:s29] =	ssyncadd.s32 $0xFFFFE000  }
0xd7: {  	[hbm4b:s11+s2] =	stream.linear.scatter [tilespmem:s30], [sflag:$0x3], $0x2000, $0x38;
	[tilespmem:$0x1D200] =	vst v63  }
0xd8: {  	_ =	swait.ge [sflag:s29], $0x2000  }
0xd9: {  	[sflag:s29] =	ssyncset.done $0x0  }
0xda: {  	[sflag:s29] =	ssyncadd.s32 $0xFFFFE000  }
0xdb: {  	[tilespmem:s30], [sflag:$0x3] =	stream.linear.gather [spmem:s19], $0x2000, $0x38;
	[tilespmem:$0x1D200] =	vst v63  }
0xdc: {  	_ =	swait.ge [sflag:s29], $0x2000  }
0xdd: {  	[sflag:s29] =	ssyncset.done $0x0  }
0xde: {  	s11 =	rddreg [dreg:$0x5];
	[sflag:s29] =	ssyncadd.s32 $0xFFFFE000  }
0xdf: {  	[hbm4b:s11+s2] =	stream.linear.scatter [tilespmem:s30], [sflag:$0x3], $0x2000, $0x38;
	[tilespmem:$0x1D200] =	vst v63  }
0xe0: {  	_ =	swait.ge [sflag:s29], $0x2000  }
0xe1: {  	[sflag:s29] =	ssyncset.done $0x0  }
0xe2: {  	[sflag:s29] =	ssyncadd.s32 $0xFFFFE000  }
0xe3: {  	[tilespmem:s30], [sflag:$0x3] =	stream.linear.gather [spmem:s20], $0x2000, $0x38;
	[tilespmem:$0x1D200] =	vst v63  }
0xe4: {  	_ =	swait.ge [sflag:s29], $0x2000  }
0xe5: {  	[sflag:s29] =	ssyncset.done $0x0  }
0xe6: {  	s11 =	rddreg [dreg:$0x6];
	[sflag:s29] =	ssyncadd.s32 $0xFFFFE000  }
0xe7: {  	[hbm4b:s11+s2] =	stream.linear.scatter [tilespmem:s30], [sflag:$0x3], $0x2000, $0x38;
	[tilespmem:$0x1D200] =	vst v63  }
0xe8: {  	_ =	swait.ge [sflag:s29], $0x2000  }
0xe9: {  	[sflag:s29] =	ssyncset.done $0x0  }
0xea: {  	[sflag:s29] =	ssyncadd.s32 $0xFFFFE000  }
0xeb: {  	[tilespmem:s30], [sflag:$0x3] =	stream.linear.gather [spmem:s21], $0x2000, $0x38;
	[tilespmem:$0x1D200] =	vst v63  }
0xec: {  	_ =	swait.ge [sflag:s29], $0x2000  }
0xed: {  	[sflag:s29] =	ssyncset.done $0x0  }
0xee: {  	s11 =	rddreg [dreg:$0x7];
	[sflag:s29] =	ssyncadd.s32 $0xFFFFE000  }
0xef: {  	[hbm4b:s11+s2] =	stream.linear.scatter [tilespmem:s30], [sflag:$0x3], $0x2000, $0x38;
	[tilespmem:$0x1D200] =	vst v63  }
0xf0: {  	_ =	swait.ge [sflag:s29], $0x2000  }
0xf1: {  	[sflag:s29] =	ssyncset.done $0x0  }
0xf2: {  	[sflag:s29] =	ssyncadd.s32 $0xFFFFE000  }
0xf3: {  	[tilespmem:s30], [sflag:$0x3] =	stream.linear.gather [spmem:s22], $0x2000, $0x38;
	[tilespmem:$0x1D200] =	vst v63  }
0xf4: {  	_ =	swait.ge [sflag:s29], $0x2000  }
0xf5: {  	[sflag:s29] =	ssyncset.done $0x0  }
0xf6: {  	s11 =	rddreg [dreg:$0x8];
	[sflag:s29] =	ssyncadd.s32 $0xFFFFE000  }
0xf7: {  	[hbm4b:s11+s2] =	stream.linear.scatter [tilespmem:s30], [sflag:$0x3], $0x2000, $0x38;
	[tilespmem:$0x1D200] =	vst v63  }
0xf8: {  	_ =	swait.ge [sflag:s29], $0x2000  }
0xf9: {  	[sflag:s29] =	ssyncset.done $0x0  }
0xfa: {  	[sflag:s29] =	ssyncadd.s32 $0xFFFFE000  }
0xfb: {  	[tilespmem:s30], [sflag:$0x3] =	stream.linear.gather [spmem:s23], $0x2000, $0x38;
	[tilespmem:$0x1D200] =	vst v63  }
0xfc: {  	_ =	swait.ge [sflag:s29], $0x2000  }
0xfd: {  	[sflag:s29] =	ssyncset.done $0x0  }
0xfe: {  	s11 =	rddreg [dreg:$0x9];
	[sflag:s29] =	ssyncadd.s32 $0xFFFFE000  }
0xff: {  	[hbm4b:s11+s2] =	stream.linear.scatter [tilespmem:s30], [sflag:$0x3], $0x2000, $0x38;
	[tilespmem:$0x1D200] =	vst v63  }
0x100: {  	_ =	swait.ge [sflag:s29], $0x2000  }
0x101: {  	[sflag:s29] =	ssyncset.done $0x0  }
0x102: {  	[sflag:s29] =	ssyncadd.s32 $0xFFFFE000  }
0x103: {  	[tilespmem:s30], [sflag:$0x3] =	stream.linear.gather [spmem:s24], $0x2000, $0x38;
	[tilespmem:$0x1D200] =	vst v63  }
0x104: {  	_ =	swait.ge [sflag:s29], $0x2000  }
0x105: {  	[sflag:s29] =	ssyncset.done $0x0  }
0x106: {  	s11 =	rddreg [dreg:$0xa];
	[sflag:s29] =	ssyncadd.s32 $0xFFFFE000  }
0x107: {  	[hbm4b:s11+s2] =	stream.linear.scatter [tilespmem:s30], [sflag:$0x3], $0x2000, $0x38;
	[tilespmem:$0x1D200] =	vst v63  }
0x108: {  	_ =	swait.ge [sflag:s29], $0x2000  }
0x109: {  	[sflag:s29] =	ssyncset.done $0x0  }
0x10a: {  	[sflag:s29] =	ssyncadd.s32 $0xFFFFE000  }
0x10b: {  	[tilespmem:s30], [sflag:$0x3] =	stream.linear.gather [spmem:s25], $0x2000, $0x38;
	[tilespmem:$0x1D200] =	vst v63  }
0x10c: {  	_ =	swait.ge [sflag:s29], $0x2000  }
0x10d: {  	[sflag:s29] =	ssyncset.done $0x0  }
0x10e: {  	[sflag:s29] =	ssyncadd.s32 $0xFFFFE000  }
0x10f: {  	[hbm4b:s12+s2] =	stream.linear.scatter [tilespmem:s30], [sflag:$0x3], $0x2000, $0x38;
	[tilespmem:$0x1D200] =	vst v63  }
0x110: {  	_ =	swait.ge [sflag:s29], $0x2000  }
0x111: {  	[sflag:s29] =	ssyncset.done $0x0  }
0x112: {  	[sflag:s29] =	ssyncadd.s32 $0xFFFFE000  }
0x113: {  	[tilespmem:s30], [sflag:$0x3] =	stream.linear.gather [spmem:s26], $0x2000, $0x38;
	[tilespmem:$0x1D200] =	vst v63  }
0x114: {  	s8 =	sadd.s32 $0x1, s8;
	_ =	swait.ge [sflag:s29], $0x2000  }
0x115: {  	p0 =	sne.s32 s8, s28;
	[sflag:s29] =	ssyncset.done $0x0  }
.Ltmp1:
0x116: {  	[sflag:s29] =	ssyncadd.s32 $0xFFFFE000;
	(pc) =	sbr.rel @p0 .LBB2_1-.Ltmp1, $4  }
0x117: {  	[hbm4b:s13+s2] =	stream.linear.scatter [tilespmem:s30], [sflag:$0x3], $0x2000, $0x38;
	[tilespmem:$0x1D200] =	vst v63  }
0x118: {  	_ =	swait.ge [sflag:s29], $0x2000  }
0x119: {  	[sflag:s29] =	ssyncset.done $0x0  }
0x11a: {  	[sflag:s29] =	ssyncadd.s32 $0xFFFFE000  }
0x11b: {  	_ =	sfence.sel $0x180000  }
0x11c: {  	[bflag:$0x0] =	sbarrier.arrive $0xFFFF  }
0x11d: {  	_ =	strace $0x9000004D  }
0x11e: {  	s0 =	stileid.u32;
	[bflag:$0x2] =	sbarrier.arrive $0xFFFF  }
0x11f: {  	p0 =	sne.s32 s0, $0x0;
	s0 =	rddreg [dreg:$0x2]  }
0x120: {  	s0 =	sadd.s32 @!p0 $0x100000, s0  }
0x121: {  	[sflag:s0] =	ssyncadd.tile.s32 @!p0 $0x1;
	_ =	shalt  }
.Lfunc_end2:
_tile_overlayer_lowered:
.L_overlay_start_2:
0x122: {  	(tag) =	ssettag $0x2  }
0x123: {  	s0 =	rddreg [dreg:$0x0];
	s2 =	stileid.u32  }
0x124: {  	s1 =	rddreg [dreg:$0x1];
	p0 =	sne.s32 s2, $0x0  }
0x125: {  	s3 =	rddreg [dreg:$0x2];
	[bflag:$0x3] =	sbarrier.arrive $0xFFFF;
	s2 =	simm.s32 @!p0 $0x1C03  }
0x126: {  	[timem:s3], [sflag:s2] =	dma.local @!p0 [hbm:s0], s1  }
0x127: {  	s0 =	simm.s32 @!p0 $0x3  }
0x128: {  	_ =	swait.ge @!p0 [sflag:s0], s1  }
0x129: {  	s1 =	ssub.s32 @!p0 $0x0, s1;
	[sflag:s0] =	ssyncset.done @!p0 $0x0  }
0x12a: {  	[sflag:s0] =	ssyncadd.s32 @!p0 s1  }
0x12b: {  	[bflag:$0x3] =	sbarrier.arrive $0xFFFF  }
0x12c: {  	_ =	shalt  }

// kernel: kernel.20.cloned.1.call-start
scs
__scs_entry_jumppad:
0x0: {  	(pc) =	sbr.rel $0x88, $3  }
0x1: {  	(tag) =	ssettag $0x0;
	lr =	simm.s32 $0x1  }
0x2: {  	[smem:$0x3F94] =	sst lr;
	_ =	strace $0xD0000000  }
0x3: {  	_ = 	snop  }
0x4: {  	_ = 	snop  }
0x5: {  	_ = 	snop  }
0x6: {  	_ = 	snop  }
0x7: {  	_ = 	snop  }
__scs_overlays_trampoline_lowered:
0x8: {  	[smem:$0x3FA3] =	sst s0  }
0x9: {  	[smem:$0x3FA4] =	sst s1  }
0xa: {  	[smem:$0x3FA5] =	sst s2  }
0xb: {  	[smem:$0x3FA6] =	sst s3  }
0xc: {  	[smem:$0x3FA7] =	sst s4  }
0xd: {  	[smem:$0x3FA8] =	sst s5  }
0xe: {  	[smem:$0x3FA9] =	sst s6  }
0xf: {  	[smem:$0x3FAA] =	sst s7  }
0x10: {  	[smem:$0x3FAB] =	sst s8  }
0x11: {  	[smem:$0x3FAC] =	sst s9;
	s0 =	simm.s32 @!p0 $0x0  }
0x12: {  	s1 =	sld [smem:$0x3F92];
	s0 =	simm.s32 @p0 $0x1  }
0x13: {  	[smem:$0x3FAD] =	sst s0;
	s0 =	simm.s32 @!p1 $0x0  }
0x14: {  	s2 =	sld [smem:$0x3F91];
	s0 =	simm.s32 @p1 $0x1  }
0x15: {  	[smem:$0x3FAE] =	sst s0;
	s0 =	simm.s32 @!p2 $0x0  }
0x16: {  	s3 =	sld [smem:$0x3FDB];
	s0 =	simm.s32 @p2 $0x1  }
0x17: {  	s4 =	simm.s32 $0x1BF5;
	[smem:$0x3FB0] =	sst s0  }
0x18: {  	s0 =	sld [smem:$0x3F93];
	_ =	swait.ge [sflag:s4], $0x0  }
0x19: {  	s7 =	sld [smem:$0x3F94]  }
0x1a: {  	s8 =	sadd.s32 $0xFFFFE003, lr  }
0x1b: {  	s9 =	sadd.s32 $0xFFFFFEF7, lr;
	s5 =	simm.s32 $0xFFFFFFFF;
	p2 =	slt.u32 s8, $0xFFFFF086  }
0x1c: {  	p1 =	slt.u32 s9, $0xF7A;
	s5 =	simm.s32 @!p2 $0x0  }
0x1d: {  	s5 =	simm.s32 @p1 $0x1;
	p0 =	seq.s32 s7, s2  }
0x1e: {  	s7 =	smul.u32 @!p0 $0xF7A, s2;
	p2 =	seq.s32 @!p0 s5, $0x0  }
0x1f: {  	s9 =	smul.u32 $0xF7A, s1;
	s8 =	simm.s32 @!p0 $0x1BF5;
	p2 =	por !p2, p0  }
0x20: {  	[sflag:s8] =	ssyncset.s32 @!p0 $0xFFFFF086;
	s6 =	sadd.s32 @!p0 s3, s7;
	s7 =	simm.s32 @!p0 $0x108  }
0x21: {  	s3 =	sadd.s32 s3, s9;
	s6 =	sadd.s32 @!p0 $0x88, s6;
	s7 =	simm.s32 @p2 $0x1082  }
0x22: {  	[simem:s7], [sflag:s8] =	dma.local @!p0 [hbm:s6], $0xF7A  }
0x23: {  	s9 =	sor.u32 $0xD0000000, s2;
	s6 =	simm.s32 $0x108;
	_ =	swait.ge @!p0 [sflag:s8], $0x0  }
0x24: {  	s3 =	sadd.s32 $0x88, s3;
	s6 =	simm.s32 @!p1 $0x1082;
	[sflag:s4] =	ssyncset.s32 $0xFFFFF086  }
0x25: {  	[simem:s6], [sflag:s4] =	dma.local [hbm:s3], $0xF7A  }
0x26: {  	[smem:$0x3F94] =	sst s1;
	(tag) =	ssettag s2;
	_ =	strace s9  }
0x27: {  	s1 =	sld [smem:$0x3FA4]  }
0x28: {  	s2 =	sld [smem:$0x3FA5]  }
0x29: {  	s4 =	sld [smem:$0x3FA7]  }
0x2a: {  	p0 =	seq.s32 s5, $0x0;
	s5 =	sld [smem:$0x3FA8]  }
0x2b: {  	s6 =	sld [smem:$0x3FA9]  }
0x2c: {  	s7 =	sld [smem:$0x3FAA]  }
0x2d: {  	s3 =	simm.s32 $0x108;
	s8 =	sld [smem:$0x3FAB]  }
0x2e: {  	s3 =	simm.s32 @!p0 $0x1082;
	s9 =	sld [smem:$0x3FAC]  }
0x2f: {  	lr =	sadd.s32 s0, s3;
	s0 =	sld [smem:$0x3FA3]  }
0x30: {  	s3 =	sld [smem:$0x3FA6]  }
0x31: {  	[smem:$0x3FAF] =	sst s10  }
0x32: {  	s10 =	sld [smem:$0x3FAD];
	_ =	sdelay $0x3  }
0x33: {  	p0 =	seq.s32 s10, $0x1;
	s10 =	sld [smem:$0x3FAF];
	_ =	sdelay $0x3  }
0x34: {  	[smem:$0x3FAF] =	sst s10  }
0x35: {  	s10 =	sld [smem:$0x3FAE];
	_ =	sdelay $0x3  }
0x36: {  	p1 =	seq.s32 s10, $0x1;
	s10 =	sld [smem:$0x3FAF];
	_ =	sdelay $0x3  }
0x37: {  	[smem:$0x3FAF] =	sst s10  }
0x38: {  	s10 =	sld [smem:$0x3FB0]  }
0x39: {  	_ = 	snop;
	(pc) =	sbr.ind lr, $3  }
0x3a: {  	_ = 	snop  }
0x3b: {  	_ = 	snop  }
0x3c: {  	p2 =	seq.s32 s10, $0x1;
	s10 =	sld [smem:$0x3FAF]  }
0x3d: {  	_ =	shalt  }
0x3e: {  	_ =	shalt  }
0x3f: {  	_ =	shalt  }
0x40: {  	_ =	shalt  }
0x41: {  	_ =	shalt  }
0x42: {  	_ =	shalt  }
0x43: {  	_ =	shalt  }
0x44: {  	_ =	shalt  }
0x45: {  	_ =	shalt  }
0x46: {  	_ =	shalt  }
0x47: {  	_ =	shalt  }
0x48: {  	_ =	shalt  }
0x49: {  	_ =	shalt  }
0x4a: {  	_ =	shalt  }
0x4b: {  	_ =	shalt  }
0x4c: {  	_ =	shalt  }
0x4d: {  	_ =	shalt  }
0x4e: {  	_ =	shalt  }
0x4f: {  	_ =	shalt  }
0x50: {  	_ =	shalt  }
0x51: {  	_ =	shalt  }
0x52: {  	_ =	shalt  }
0x53: {  	_ =	shalt  }
0x54: {  	_ =	shalt  }
0x55: {  	_ =	shalt  }
0x56: {  	_ =	shalt  }
0x57: {  	_ =	shalt  }
0x58: {  	_ =	shalt  }
0x59: {  	_ =	shalt  }
0x5a: {  	_ =	shalt  }
0x5b: {  	_ =	shalt  }
0x5c: {  	_ =	shalt  }
0x5d: {  	_ =	shalt  }
0x5e: {  	_ =	shalt  }
0x5f: {  	_ =	shalt  }
0x60: {  	_ =	shalt  }
0x61: {  	_ =	shalt  }
0x62: {  	_ =	shalt  }
0x63: {  	_ =	shalt  }
0x64: {  	_ =	shalt  }
0x65: {  	_ =	shalt  }
0x66: {  	_ =	shalt  }
0x67: {  	_ =	shalt  }
0x68: {  	_ =	shalt  }
0x69: {  	_ =	shalt  }
0x6a: {  	_ =	shalt  }
0x6b: {  	_ =	shalt  }
0x6c: {  	_ =	shalt  }
0x6d: {  	_ =	shalt  }
0x6e: {  	_ =	shalt  }
0x6f: {  	_ =	shalt  }
0x70: {  	_ =	shalt  }
0x71: {  	_ =	shalt  }
0x72: {  	_ =	shalt  }
0x73: {  	_ =	shalt  }
0x74: {  	_ =	shalt  }
0x75: {  	_ =	shalt  }
0x76: {  	_ =	shalt  }
0x77: {  	_ =	shalt  }
0x78: {  	_ =	shalt  }
0x79: {  	_ =	shalt  }
0x7a: {  	_ =	shalt  }
0x7b: {  	_ =	shalt  }
0x7c: {  	_ =	shalt  }
0x7d: {  	_ =	shalt  }
0x7e: {  	_ =	shalt  }
0x7f: {  	_ =	shalt  }
0x80: {  	_ =	shalt  }
0x81: {  	_ =	shalt  }
0x82: {  	_ =	shalt  }
0x83: {  	_ =	shalt  }
0x84: {  	_ =	shalt  }
0x85: {  	_ =	shalt  }
0x86: {  	_ =	shalt  }
0x87: {  	_ =	shalt  }
.Lfunc_end0:
.L_simem_size_0:
called_computation.3_lowered:
.L_overlay_start_0:
0x88: {  	s2 =	sld [smem:$0x3FD9]  }
0x89: {  	s3 =	sld [smem:$0x3FFE];
	_ =	sdelay $0x1  }
0x8a: {  	s1 =	srdreg.scid  }
0x8b: {  	s0 =	sand.u32 $0x1, s1  }
0x8c: {  	s16 =	sshll.u32 s0, $0xA;
	s2 =	sadd.s32 s3, s2  }
0x8d: {  	s2 =	sadd.s32 s2, s16  }
0x8e: {  	[smem:$0x3FBB] =	sst s2  }
0x8f: {  	_ = 	snop  }
0x90: {  	(tm) =	ssettm $0x1  }
0x91: {  	s17 =	sld [smem:$0x3FFB];
	_ =	sdelay $0x3  }
0x92: {  	_ =	strace s17  }
0x93: {  	s2 =	sld [smem:$0x3FFC];
	_ =	sdelay $0x3  }
0x94: {  	_ =	strace s2  }
0x95: {  	s2 =	sld [smem:$0x3FFD];
	_ =	sdelay $0x3  }
0x96: {  	_ =	strace s2  }
0x97: {  	_ =	strace $0x8FFFFFFF  }
0x98: {  	s18 =	sld [smem:$0x3FDB];
	_ =	sdelay $0x1  }
0x99: {  	s19 =	simm.s32 $_scs_section_size  }
0x9a: {  	s4 =	simm.s32 $_size__tile_overlayer_lowered;
	s5 =	simm.s32 $_tile_overlayer_lowered  }
0x9b: {  	s22 =	simm.s32 $0x1BFF;
	s21 =	sshll.u32 s5, $0x1;
	s2 =	sadd.s32 s19, s18  }
0x9c: {  	s6 =	simm.s32 $0x0;
	s20 =	sshll.u32 s4, $0x1;
	s4 =	sadd.s32 s21, s2  }
0x9d: {  	[timem:s6], [sflag:s22] =	dma.local [hbm:s4], s20  }
0x9e: {  	_ =	swait.ge [sflag:s22], s20  }
0x9f: {  	s3 =	ssub.s32 $0x0, s20;
	[sflag:s22] =	ssyncset.done $0x0  }
0xa0: {  	[sflag:s22] =	ssyncadd.s32 s3;
	_ =	sdelay $0x1  }
0xa1: {  	s23 =	simm.s32 $0x1B8B  }
0xa2: {  	_ =	swait.ge [sflag:s23], $0x1  }
0xa3: {  	[sflag:s23] =	ssyncset.done $0x0  }
0xa4: {  	s25 =	simm.s32 $0x1B8E;
	s24 =	sld [smem:$0x3FFE];
	[sflag:s23] =	ssyncadd.s32 $0xFFFFFFFF  }
0xa5: {  	s26 =	simm.s32 $execute0_lowered;
	[smem:$0x3FD2] =	sst s25  }
0xa6: {  	s4 =	sshll.u32 s26, $0x1;
	_ =	strace $0x8000004F;
	[dreg:$0x1] =	wrdreg $0xFFFFFFFF  }
0xa7: {  	s28 =	simm.s32 $_size_execute0_lowered;
	s2 =	sadd.s32 s2, s4;
	[dreg:$0x0] =	wrdreg $0x0  }
0xa8: {  	s4 =	sshll.u32 s28, $0x1;
	[dreg:$0x2] =	wrdreg s2  }
0xa9: {  	[dreg:$0x3] =	wrdreg s4  }
0xaa: {  	[dreg:$0x4] =	wrdreg $0xC0  }
0xab: {  	_ =	task [dreg:s6], $0x5FFFF  }
0xac: {  	[dreg:$0x1] =	wrdreg $0xFFFFFFFF  }
0xad: {  	[dreg:$0x0] =	wrdreg $0x60  }
0xae: {  	[dreg:$0x2] =	wrdreg s24  }
0xaf: {  	[dreg:$0x3] =	wrdreg $0x92000  }
0xb0: {  	[dreg:$0x4] =	wrdreg $0x9  }
0xb1: {  	_ =	task.clear_ibuf [dreg:s6], $0x5FFFF;
	_ =	strace $0x9000004F  }
0xb2: {  	s29 =	simm.s32 $0x9;
	_ =	strace $0x80000051  }
0xb3: {  	_ =	swait.ge [sflag:s29], $0x1  }
0xb4: {  	[sflag:s29] =	ssyncadd.s32 $0xFFFFFFFF  }
0xb5: {  	_ =	strace $0x90000051  }
0xb6: {  	_ =	sfence  }
0xb7: {  	s30 =	sld [smem:$0x0];
	_ =	sdelay $0x2  }
0xb8: {  	s31 =	sshll.u32 s1, $0xD;
	s1 =	sshrl.u32 s1, $0x2  }
0xb9: {  	s3 =	sand.u32 $0x4000, s31;
	s1 =	sadd.s32 s1, s30  }
0xba: {  	s0 =	sor.u32 s3, s0;
	s1 =	sshll.u32 s1, $0x11  }
0xbb: {  	s0 =	sor.u32 s1, s0  }
0xbc: {  	s0 =	sadd.s32 $0x8F2B, s0  }
0xbd: {  	[sflag:s0] =	ssyncadd.remote.s32 $0x1  }
0xbe: {  	_ =	sfence.sel $0xFFFF  }
0xbf: {  	[dreg:$0x0] =	wrdreg $0xFFFFFFFF;
	(pc) =	sbr.abs _section_cstart, $3  }
0xc0: {  	[dreg:$0x1] =	wrdreg $0xFFFFFFFF  }
0xc1: {  	_ =	task.clear_ibuf [dreg:s6], $0x2FFFF;
	_ =	strace $0x9FFFFFFF  }
0xc2: {  	(tm) =	ssettm $0x7FFFFFFF  }
0xc3: {  	_ =	shalt  }
tec
execute0_lowered:
.L_overlay_start_1:
0x0: {  	(tag) =	ssettag $0x1  }
0x1: {  	s3 =	rddreg [dreg:$0x0];
	s0 =	srdreg.scid  }
0x2: {  	s1 =	rddreg [dreg:$0x1];
	s2 =	simm.s32 $0x0;
	s14 =	stileid.u32  }
0x3: {  	s29 =	simm.s32 $0x3;
	s30 =	simm.s32 $0x5200;
	s31 =	simm.s32 $0x40  }
0x4: {  	s4 =	sand.u32 $0x1, s0;
	s6 =	smul.u32 $0x280, s14;
	[smem:$0x7FF] =	sst s2  }
0x5: {  	s8 =	sadd.s32 $0x3F000, s3;
	s0 =	sshll.u32 s4, $0x4;
	s5 =	ssub.s32 $0x2, s4  }
0x6: {  	s4 =	smul.u32 $0x2800, s4;
	s0 =	sor.u32 s14, s0;
	s13 =	sshrl.u32 s5, $0x1  }
0x7: {  	s9 =	sadd.s32 $0x80, s6;
	s10 =	sadd.s32 $0xC0, s6;
	s11 =	sadd.s32 $0x100, s6  }
0x8: {  	s21 =	sadd.s32 $0x140, s6;
	s22 =	sadd.s32 $0x180, s6;
	s14 =	smul.u32 $0x50000, s14  }
0x9: {  	s24 =	sadd.s32 $0x1C0, s6;
	s25 =	sadd.s32 $0x200, s6;
	s7 =	smul.u32 $0xA00, s0  }
0xa: {  	s0 =	ssub.s32 s5, s13;
	s5 =	sor.u32 $0x40, s6;
	s12 =	sadd.s32 s6, s4  }
0xb: {  	s6 =	sadd.s32 $0x240, s6;
	s16 =	sadd.s32 s4, s9;
	s18 =	sadd.s32 s4, s10  }
0xc: {  	s20 =	sadd.s32 s4, s11;
	s26 =	sadd.s32 s4, s21;
	s12 =	sshll.u32 s12, $0x4  }
0xd: {  	s13 =	sadd.s32 s4, s5;
	s17 =	sshll.u32 s16, $0x4;
	s19 =	sshll.u32 s18, $0x4  }
0xe: {  	s23 =	sshll.u32 s20, $0x4;
	s28 =	smax.u32 s0, $0x1;
	s0 =	simm.s32 $0x5100  }
0xf: {  	s12 =	sadd.s32 s8, s12;
	s15 =	sshll.u32 s13, $0x4;
	s13 =	sshll.u32 s26, $0x4  }
0x10: {  	s26 =	sshrl.u32 s14, $0x2;
	[dreg:$0x3] =	wrdreg s12;
	s12 =	sadd.s32 s8, s15  }
0x11: {  	s14 =	sadd.s32 $0x17A00, s3;
	s15 =	sadd.s32 s4, s22;
	[dreg:$0x4] =	wrdreg s12  }
0x12: {  	s12 =	sadd.s32 s8, s17;
	s16 =	sshll.u32 s15, $0x4;
	s17 =	sadd.s32 s4, s24  }
0x13: {  	s15 =	sadd.s32 $0x3EC00, s3;
	s24 =	sshll.u32 s24, $0x7;
	[dreg:$0x5] =	wrdreg s12  }
0x14: {  	s12 =	sadd.s32 s8, s19;
	s18 =	sshll.u32 s17, $0x4;
	s19 =	sadd.s32 s4, s25  }
0x15: {  	s4 =	sadd.s32 s4, s6;
	s17 =	sadd.s32 s26, s1;
	s25 =	sshll.u32 s25, $0x7  }
0x16: {  	s26 =	sshll.u32 s6, $0x7;
	s24 =	sadd.s32 s24, s1;
	s6 =	simm.s32 $0x2  }
0x17: {  	[dreg:$0x6] =	wrdreg s12;
	s12 =	sadd.s32 s8, s23;
	s20 =	sshll.u32 s19, $0x4  }
0x18: {  	s4 =	sshll.u32 s4, $0x4;
	s23 =	sadd.s32 s7, s3;
	s7 =	sshll.u32 s5, $0x7  }
0x19: {  	s25 =	sadd.s32 s25, s1;
	s26 =	sadd.s32 s26, s1;
	s3 =	simm.s32 $0x7200  }
0x1a: {  	s5 =	simm.s32 $0x5080;
	[dreg:$0x7] =	wrdreg s12;
	s12 =	sadd.s32 s8, s13  }
0x1b: {  	s13 =	sadd.s32 s8, s4;
	s4 =	simm.s32 $0x1;
	[dreg:$0x8] =	wrdreg s12  }
0x1c: {  	s12 =	sadd.s32 s8, s16;
	s16 =	sadd.s32 $0x3A00, s23;
	s23 =	sshll.u32 s22, $0x7  }
0x1d: {  	[dreg:$0x9] =	wrdreg s12;
	s12 =	sadd.s32 s8, s18;
	s18 =	sadd.s32 s7, s1  }
0x1e: {  	s23 =	sadd.s32 s23, s1;
	s7 =	simm.s32 $0x5180;
	[dreg:$0xa] =	wrdreg s12  }
0x1f: {  	s12 =	sadd.s32 s8, s20;
	s8 =	sshll.u32 s9, $0x7;
	s9 =	sshll.u32 s10, $0x7  }
0x20: {  	s10 =	sshll.u32 s11, $0x7;
	s11 =	sshll.u32 s21, $0x7;
	_ =	strace $0x80000050  }
0x21: {  	s19 =	sadd.s32 s8, s1;
	s20 =	sadd.s32 s9, s1;
	s21 =	sadd.s32 s10, s1  }
0x22: {  	s22 =	sadd.s32 s11, s1;
	s10 =	simm.s32 $0x5000;
	s8 =	simm.s32 $0x0  }
.LBB2_1:
0x23: {  	[tilespmem:s2], [sflag:$0x3] =	stream.linear.gather [hbm4b:s16+s2], $0x4E80, $0x38;
	[tilespmem:$0x1D200] =	vst v63  }
0x24: {  	_ =	swait.ge [sflag:s29], $0x4E80  }
0x25: {  	[sflag:s29] =	ssyncset.done $0x0  }
0x26: {  	[sflag:s29] =	ssyncadd.s32 $0xFFFFB180  }
0x27: {  	[tilespmem:s30], [sflag:$0x3] =	stream.linear.gather [hbm4b:s15+s2], $0x2000, $0x38;
	[tilespmem:$0x1D200] =	vst v63  }
0x28: {  	_ =	swait.ge [sflag:s29], $0x2000  }
0x29: {  	[sflag:s29] =	ssyncset.done $0x0  }
0x2a: {  	[sflag:s29] =	ssyncadd.s32 $0xFFFFE000  }
0x2b: {  	[spmem:s17] =	stream.linear.scatter [tilespmem:s30], [sflag:$0x3], $0x2000, $0x38;
	[tilespmem:$0x1D200] =	vst v63  }
0x2c: {  	_ =	swait.ge [sflag:s29], $0x2000  }
0x2d: {  	[sflag:s29] =	ssyncset.done $0x0  }
0x2e: {  	[sflag:s29] =	ssyncadd.s32 $0xFFFFE000  }
0x2f: {  	[spmem:s18] =	stream.linear.scatter [tilespmem:s30], [sflag:$0x3], $0x2000, $0x38;
	[tilespmem:$0x1D200] =	vst v63  }
0x30: {  	_ =	swait.ge [sflag:s29], $0x2000  }
0x31: {  	[sflag:s29] =	ssyncset.done $0x0  }
0x32: {  	[sflag:s29] =	ssyncadd.s32 $0xFFFFE000  }
0x33: {  	[spmem:s19] =	stream.linear.scatter [tilespmem:s30], [sflag:$0x3], $0x2000, $0x38;
	[tilespmem:$0x1D200] =	vst v63  }
0x34: {  	_ =	swait.ge [sflag:s29], $0x2000  }
0x35: {  	[sflag:s29] =	ssyncset.done $0x0  }
0x36: {  	[sflag:s29] =	ssyncadd.s32 $0xFFFFE000  }
0x37: {  	[spmem:s20] =	stream.linear.scatter [tilespmem:s30], [sflag:$0x3], $0x2000, $0x38;
	[tilespmem:$0x1D200] =	vst v63  }
0x38: {  	_ =	swait.ge [sflag:s29], $0x2000  }
0x39: {  	[sflag:s29] =	ssyncset.done $0x0  }
0x3a: {  	[sflag:s29] =	ssyncadd.s32 $0xFFFFE000  }
0x3b: {  	[spmem:s21] =	stream.linear.scatter [tilespmem:s30], [sflag:$0x3], $0x2000, $0x38;
	[tilespmem:$0x1D200] =	vst v63  }
0x3c: {  	_ =	swait.ge [sflag:s29], $0x2000  }
0x3d: {  	[sflag:s29] =	ssyncset.done $0x0  }
0x3e: {  	[sflag:s29] =	ssyncadd.s32 $0xFFFFE000  }
0x3f: {  	[spmem:s22] =	stream.linear.scatter [tilespmem:s30], [sflag:$0x3], $0x2000, $0x38;
	[tilespmem:$0x1D200] =	vst v63  }
0x40: {  	_ =	swait.ge [sflag:s29], $0x2000  }
0x41: {  	[sflag:s29] =	ssyncset.done $0x0  }
0x42: {  	[sflag:s29] =	ssyncadd.s32 $0xFFFFE000  }
0x43: {  	[spmem:s23] =	stream.linear.scatter [tilespmem:s30], [sflag:$0x3], $0x2000, $0x38;
	[tilespmem:$0x1D200] =	vst v63  }
0x44: {  	_ =	swait.ge [sflag:s29], $0x2000  }
0x45: {  	[sflag:s29] =	ssyncset.done $0x0  }
0x46: {  	[sflag:s29] =	ssyncadd.s32 $0xFFFFE000  }
0x47: {  	[spmem:s24] =	stream.linear.scatter [tilespmem:s30], [sflag:$0x3], $0x2000, $0x38;
	[tilespmem:$0x1D200] =	vst v63  }
0x48: {  	_ =	swait.ge [sflag:s29], $0x2000  }
0x49: {  	[sflag:s29] =	ssyncset.done $0x0  }
0x4a: {  	[sflag:s29] =	ssyncadd.s32 $0xFFFFE000  }
0x4b: {  	[spmem:s25] =	stream.linear.scatter [tilespmem:s30], [sflag:$0x3], $0x2000, $0x38;
	[tilespmem:$0x1D200] =	vst v63  }
0x4c: {  	_ =	swait.ge [sflag:s29], $0x2000  }
0x4d: {  	[sflag:s29] =	ssyncset.done $0x0  }
0x4e: {  	[sflag:s29] =	ssyncadd.s32 $0xFFFFE000  }
0x4f: {  	[spmem:s26] =	stream.linear.scatter [tilespmem:s30], [sflag:$0x3], $0x2000, $0x38;
	[tilespmem:$0x1D200] =	vst v63  }
0x50: {  	_ =	swait.ge [sflag:s29], $0x2000  }
0x51: {  	[sflag:s29] =	ssyncset.done $0x0  }
0x52: {  	[sflag:s29] =	ssyncadd.s32 $0xFFFFE000  }
0x53: {  	[bflag:$0x0] =	sbarrier.arrive $0xFFFF  }
0x54: {  	v0 =	vld [tilespmem:$0x0];
	_ =	sdelay $0x1  }
0x55: {  	v1 =	vld [tilespmem:$0x10];
	_ =	sdelay $0x1  }
0x56: {  	v2 =	vld [tilespmem:$0x20]  }
0x57: {  	v3 =	vand.u32 $0xFFFF, v0  }
0x58: {  	v0 =	vshrl.u32 v0, $0x10;
	[tilespmem:$0x5000] =	vst v3;
	v3 =	vld [tilespmem:$0x30]  }
0x59: {  	[tilespmem:$0x5080] =	vst v0;
	v0 =	vand.u32 $0xFFFF, v1  }
0x5a: {  	[tilespmem:$0x5010] =	vst v0;
	v0 =	vshrl.u32 v1, $0x10  }
0x5b: {  	[tilespmem:$0x5090] =	vst v0;
	v0 =	vand.u32 $0xFFFF, v2  }
0x5c: {  	[tilespmem:$0x5020] =	vst v0;
	v0 =	vshrl.u32 v2, $0x10  }
0x5d: {  	[tilespmem:$0x50A0] =	vst v0;
	v0 =	vand.u32 $0xFFFF, v3  }
0x5e: {  	[tilespmem:$0x5030] =	vst v0;
	v0 =	vshrl.u32 v3, $0x10  }
0x5f: {  	s9 =	simm.s32 $0x0;
	[tilespmem:$0x50B0] =	vst v0  }
0x60: {  	[tilespmem:s30], [sflag:$0x1] =	stream.indirect.gather [hbm4b:s14+s31], $0x80, s10, s31, $0xb8;
	[tilespmem:$0x1D200] =	vst v63  }
0x61: {  	v0 =	vld [tilespmem:s9+$0x80];
	_ =	sdelay $0x4  }
0x62: {  	v1 =	vand.u32 $0xFFFF, v0  }
0x63: {  	v0 =	vshrl.u32 v0, $0x10;
	[tilespmem:$0x5100] =	vst v1  }
0x64: {  	[tilespmem:$0x5180] =	vst v0  }
0x65: {  	v0 =	vld [tilespmem:s9+$0x90];
	_ =	sdelay $0x4  }
0x66: {  	v1 =	vand.u32 $0xFFFF, v0  }
0x67: {  	v0 =	vshrl.u32 v0, $0x10;
	[tilespmem:$0x5110] =	vst v1  }
0x68: {  	[tilespmem:$0x5190] =	vst v0  }
0x69: {  	v0 =	vld [tilespmem:s9+$0xA0];
	_ =	sdelay $0x4  }
0x6a: {  	v1 =	vand.u32 $0xFFFF, v0  }
0x6b: {  	v0 =	vshrl.u32 v0, $0x10;
	[tilespmem:$0x5120] =	vst v1  }
0x6c: {  	[tilespmem:$0x51A0] =	vst v0  }
0x6d: {  	v0 =	vld [tilespmem:s9+$0xB0];
	_ =	sdelay $0x4  }
0x6e: {  	v1 =	vand.u32 $0xFFFF, v0  }
0x6f: {  	v0 =	vshrl.u32 v0, $0x10;
	[tilespmem:$0x5130] =	vst v1  }
0x70: {  	[tilespmem:$0x51B0] =	vst v0  }
0x71: {  	[tilespmem:s3], [sflag:$0x2] =	stream.indirect.gather [hbm4b:s14+s31], $0x80, s0, s31, $0xb8;
	[tilespmem:$0x1D200] =	vst v63  }
0x72: {  	_ =	swait.ge [sflag:s4], $0x2000  }
0x73: {  	[sflag:s4] =	ssyncset.done $0x0  }
0x74: {  	[sflag:s4] =	ssyncadd.s32 $0xFFFFE000  }
0x75: {  	[spmem:s1] =	stream.indirect.scatter.add.f32 [tilespmem:s30], [sflag:$0x3], $0x80, s5, s31, $0xb8;
	[tilespmem:$0x1D200] =	vst v63  }
0x76: {  	_ =	swait.ge [sflag:s29], $0x2000  }
0x77: {  	[sflag:s29] =	ssyncset.done $0x0  }
0x78: {  	[sflag:s29] =	ssyncadd.s32 $0xFFFFE000  }
0x79: {  	v0 =	vld [tilespmem:s9+$0x100];
	_ =	sdelay $0x4  }
0x7a: {  	v1 =	vand.u32 $0xFFFF, v0  }
0x7b: {  	v0 =	vshrl.u32 v0, $0x10;
	[tilespmem:$0x5000] =	vst v1  }
0x7c: {  	[tilespmem:$0x5080] =	vst v0  }
0x7d: {  	v0 =	vld [tilespmem:s9+$0x110];
	_ =	sdelay $0x4  }
0x7e: {  	v1 =	vand.u32 $0xFFFF, v0  }
0x7f: {  	v0 =	vshrl.u32 v0, $0x10;
	[tilespmem:$0x5010] =	vst v1  }
0x80: {  	[tilespmem:$0x5090] =	vst v0  }
0x81: {  	v0 =	vld [tilespmem:s9+$0x120];
	_ =	sdelay $0x4  }
0x82: {  	v1 =	vand.u32 $0xFFFF, v0  }
0x83: {  	v0 =	vshrl.u32 v0, $0x10;
	[tilespmem:$0x5020] =	vst v1  }
0x84: {  	[tilespmem:$0x50A0] =	vst v0  }
0x85: {  	v0 =	vld [tilespmem:s9+$0x130];
	_ =	sdelay $0x4  }
0x86: {  	v1 =	vand.u32 $0xFFFF, v0  }
0x87: {  	s9 =	simm.s32 $0x400;
	v0 =	vshrl.u32 v0, $0x10;
	[tilespmem:$0x5030] =	vst v1  }
.LBB2_2:
0x88: {  	p0 =	sne.s32 s9, $0x13400;
	[tilespmem:$0x50B0] =	vst v0;
	s11 =	smov.u32 s9;
	s9 =	sadd.s32 $0x400, s9  }
0x89: {  	[tilespmem:s30], [sflag:$0x1] =	stream.indirect.gather [hbm4b:s14+s31], $0x80, s10, s31, $0xb8;
	[tilespmem:$0x1D200] =	vst v63  }
0x8a: {  	_ =	swait.ge [sflag:s6], $0x2000  }
0x8b: {  	[sflag:s6] =	ssyncset.done $0x0  }
0x8c: {  	[sflag:s6] =	ssyncadd.s32 $0xFFFFE000  }
0x8d: {  	[spmem:s1] =	stream.indirect.scatter.add.f32 [tilespmem:s3], [sflag:$0x3], $0x80, s7, s31, $0xb8;
	[tilespmem:$0x1D200] =	vst v63  }
0x8e: {  	_ =	swait.ge [sflag:s29], $0x2000  }
0x8f: {  	[sflag:s29] =	ssyncset.done $0x0  }
0x90: {  	s11 =	sshra.s32 s11, $0x2;
	[sflag:s29] =	ssyncadd.s32 $0xFFFFE000  }
0x91: {  	v0 =	vld [tilespmem:s11+$0x80];
	_ =	sdelay $0x4  }
0x92: {  	v1 =	vand.u32 $0xFFFF, v0;
	v0 =	vshrl.u32 v0, $0x10  }
0x93: {  	[tilespmem:$0x5100] =	vst v1  }
0x94: {  	[tilespmem:$0x5180] =	vst v0  }
0x95: {  	v0 =	vld [tilespmem:s11+$0x90];
	_ =	sdelay $0x4  }
0x96: {  	v1 =	vand.u32 $0xFFFF, v0;
	v0 =	vshrl.u32 v0, $0x10  }
0x97: {  	[tilespmem:$0x5110] =	vst v1  }
0x98: {  	[tilespmem:$0x5190] =	vst v0  }
0x99: {  	v0 =	vld [tilespmem:s11+$0xA0];
	_ =	sdelay $0x4  }
0x9a: {  	v1 =	vand.u32 $0xFFFF, v0;
	v0 =	vshrl.u32 v0, $0x10  }
0x9b: {  	[tilespmem:$0x5120] =	vst v1  }
0x9c: {  	[tilespmem:$0x51A0] =	vst v0  }
0x9d: {  	v0 =	vld [tilespmem:s11+$0xB0];
	_ =	sdelay $0x4  }
0x9e: {  	v1 =	vand.u32 $0xFFFF, v0;
	v0 =	vshrl.u32 v0, $0x10  }
0x9f: {  	[tilespmem:$0x5130] =	vst v1  }
0xa0: {  	[tilespmem:$0x51B0] =	vst v0  }
0xa1: {  	[tilespmem:s3], [sflag:$0x2] =	stream.indirect.gather [hbm4b:s14+s31], $0x80, s0, s31, $0xb8;
	[tilespmem:$0x1D200] =	vst v63  }
0xa2: {  	_ =	swait.ge [sflag:s4], $0x2000  }
0xa3: {  	[sflag:s4] =	ssyncset.done $0x0  }
0xa4: {  	[sflag:s4] =	ssyncadd.s32 $0xFFFFE000  }
0xa5: {  	[spmem:s1] =	stream.indirect.scatter.add.f32 [tilespmem:s30], [sflag:$0x3], $0x80, s5, s31, $0xb8;
	[tilespmem:$0x1D200] =	vst v63  }
0xa6: {  	_ =	swait.ge [sflag:s29], $0x2000  }
0xa7: {  	[sflag:s29] =	ssyncset.done $0x0  }
0xa8: {  	[sflag:s29] =	ssyncadd.s32 $0xFFFFE000  }
0xa9: {  	v0 =	vld [tilespmem:s11+$0x100];
	_ =	sdelay $0x4  }
0xaa: {  	v1 =	vand.u32 $0xFFFF, v0;
	v0 =	vshrl.u32 v0, $0x10  }
0xab: {  	[tilespmem:$0x5000] =	vst v1  }
0xac: {  	[tilespmem:$0x5080] =	vst v0  }
0xad: {  	v0 =	vld [tilespmem:s11+$0x110];
	_ =	sdelay $0x4  }
0xae: {  	v1 =	vand.u32 $0xFFFF, v0;
	v0 =	vshrl.u32 v0, $0x10  }
0xaf: {  	[tilespmem:$0x5010] =	vst v1  }
0xb0: {  	[tilespmem:$0x5090] =	vst v0  }
0xb1: {  	v0 =	vld [tilespmem:s11+$0x120];
	_ =	sdelay $0x4  }
0xb2: {  	v1 =	vand.u32 $0xFFFF, v0;
	v0 =	vshrl.u32 v0, $0x10  }
0xb3: {  	[tilespmem:$0x5020] =	vst v1  }
0xb4: {  	[tilespmem:$0x50A0] =	vst v0  }
0xb5: {  	v0 =	vld [tilespmem:s11+$0x130];
	_ =	sdelay $0x1  }
.Ltmp0:
0xb6: {  	(pc) =	sbr.rel @p0 .LBB2_2-.Ltmp0, $3  }
0xb7: {  	_ =	sdelay $0x1  }
0xb8: {  	v1 =	vand.u32 $0xFFFF, v0;
	v0 =	vshrl.u32 v0, $0x10  }
0xb9: {  	[tilespmem:$0x5030] =	vst v1  }
0xba: {  	[tilespmem:$0x50B0] =	vst v0  }
0xbb: {  	[tilespmem:s30], [sflag:$0x1] =	stream.indirect.gather [hbm4b:s14+s31], $0x80, s10, s31, $0xb8;
	[tilespmem:$0x1D200] =	vst v63  }
0xbc: {  	_ =	swait.ge [sflag:s6], $0x2000  }
0xbd: {  	[sflag:s6] =	ssyncset.done $0x0  }
0xbe: {  	[sflag:s6] =	ssyncadd.s32 $0xFFFFE000  }
0xbf: {  	[spmem:s1] =	stream.indirect.scatter.add.f32 [tilespmem:s3], [sflag:$0x3], $0x80, s7, s31, $0xb8;
	[tilespmem:$0x1D200] =	vst v63  }
0xc0: {  	_ =	swait.ge [sflag:s29], $0x2000  }
0xc1: {  	[sflag:s29] =	ssyncset.done $0x0  }
0xc2: {  	[sflag:s29] =	ssyncadd.s32 $0xFFFFE000  }
0xc3: {  	_ =	swait.ge [sflag:s4], $0x2000  }
0xc4: {  	[sflag:s4] =	ssyncset.done $0x0  }
0xc5: {  	[sflag:s4] =	ssyncadd.s32 $0xFFFFE000  }
0xc6: {  	[spmem:s1] =	stream.indirect.scatter.add.f32 [tilespmem:s30], [sflag:$0x3], $0x80, s5, s31, $0xb8;
	[tilespmem:$0x1D200] =	vst v63  }
0xc7: {  	_ =	swait.ge [sflag:s29], $0x2000  }
0xc8: {  	[sflag:s29] =	ssyncset.done $0x0  }
0xc9: {  	[sflag:s29] =	ssyncadd.s32 $0xFFFFE000  }
0xca: {  	[bflag:$0x0] =	sbarrier.arrive $0xFFFF  }
0xcb: {  	[tilespmem:s30], [sflag:$0x3] =	stream.linear.gather [spmem:s17], $0x2000, $0x38;
	[tilespmem:$0x1D200] =	vst v63  }
0xcc: {  	_ =	swait.ge [sflag:s29], $0x2000  }
0xcd: {  	[sflag:s29] =	ssyncset.done $0x0  }
0xce: {  	s9 =	rddreg [dreg:$0x3];
	[sflag:s29] =	ssyncadd.s32 $0xFFFFE000  }
0xcf: {  	[hbm4b:s9+s2] =	stream.linear.scatter [tilespmem:s30], [sflag:$0x3], $0x2000, $0x38;
	[tilespmem:$0x1D200] =	vst v63  }
0xd0: {  	_ =	swait.ge [sflag:s29], $0x2000  }
0xd1: {  	[sflag:s29] =	ssyncset.done $0x0  }
0xd2: {  	[sflag:s29] =	ssyncadd.s32 $0xFFFFE000  }
0xd3: {  	[tilespmem:s30], [sflag:$0x3] =	stream.linear.gather [spmem:s18], $0x2000, $0x38;
	[tilespmem:$0x1D200] =	vst v63  }
0xd4: {  	_ =	swait.ge [sflag:s29], $0x2000  }
0xd5: {  	[sflag:s29] =	ssyncset.done $0x0  }
0xd6: {  	s11 =	rddreg [dreg:$0x4];
	[sflag:s29] =	ssyncadd.s32 $0xFFFFE000  }
0xd7: {  	[hbm4b:s11+s2] =	stream.linear.scatter [tilespmem:s30], [sflag:$0x3], $0x2000, $0x38;
	[tilespmem:$0x1D200] =	vst v63  }
0xd8: {  	_ =	swait.ge [sflag:s29], $0x2000  }
0xd9: {  	[sflag:s29] =	ssyncset.done $0x0  }
0xda: {  	[sflag:s29] =	ssyncadd.s32 $0xFFFFE000  }
0xdb: {  	[tilespmem:s30], [sflag:$0x3] =	stream.linear.gather [spmem:s19], $0x2000, $0x38;
	[tilespmem:$0x1D200] =	vst v63  }
0xdc: {  	_ =	swait.ge [sflag:s29], $0x2000  }
0xdd: {  	[sflag:s29] =	ssyncset.done $0x0  }
0xde: {  	s11 =	rddreg [dreg:$0x5];
	[sflag:s29] =	ssyncadd.s32 $0xFFFFE000  }
0xdf: {  	[hbm4b:s11+s2] =	stream.linear.scatter [tilespmem:s30], [sflag:$0x3], $0x2000, $0x38;
	[tilespmem:$0x1D200] =	vst v63  }
0xe0: {  	_ =	swait.ge [sflag:s29], $0x2000  }
0xe1: {  	[sflag:s29] =	ssyncset.done $0x0  }
0xe2: {  	[sflag:s29] =	ssyncadd.s32 $0xFFFFE000  }
0xe3: {  	[tilespmem:s30], [sflag:$0x3] =	stream.linear.gather [spmem:s20], $0x2000, $0x38;
	[tilespmem:$0x1D200] =	vst v63  }
0xe4: {  	_ =	swait.ge [sflag:s29], $0x2000  }
0xe5: {  	[sflag:s29] =	ssyncset.done $0x0  }
0xe6: {  	s11 =	rddreg [dreg:$0x6];
	[sflag:s29] =	ssyncadd.s32 $0xFFFFE000  }
0xe7: {  	[hbm4b:s11+s2] =	stream.linear.scatter [tilespmem:s30], [sflag:$0x3], $0x2000, $0x38;
	[tilespmem:$0x1D200] =	vst v63  }
0xe8: {  	_ =	swait.ge [sflag:s29], $0x2000  }
0xe9: {  	[sflag:s29] =	ssyncset.done $0x0  }
0xea: {  	[sflag:s29] =	ssyncadd.s32 $0xFFFFE000  }
0xeb: {  	[tilespmem:s30], [sflag:$0x3] =	stream.linear.gather [spmem:s21], $0x2000, $0x38;
	[tilespmem:$0x1D200] =	vst v63  }
0xec: {  	_ =	swait.ge [sflag:s29], $0x2000  }
0xed: {  	[sflag:s29] =	ssyncset.done $0x0  }
0xee: {  	s11 =	rddreg [dreg:$0x7];
	[sflag:s29] =	ssyncadd.s32 $0xFFFFE000  }
0xef: {  	[hbm4b:s11+s2] =	stream.linear.scatter [tilespmem:s30], [sflag:$0x3], $0x2000, $0x38;
	[tilespmem:$0x1D200] =	vst v63  }
0xf0: {  	_ =	swait.ge [sflag:s29], $0x2000  }
0xf1: {  	[sflag:s29] =	ssyncset.done $0x0  }
0xf2: {  	[sflag:s29] =	ssyncadd.s32 $0xFFFFE000  }
0xf3: {  	[tilespmem:s30], [sflag:$0x3] =	stream.linear.gather [spmem:s22], $0x2000, $0x38;
	[tilespmem:$0x1D200] =	vst v63  }
0xf4: {  	_ =	swait.ge [sflag:s29], $0x2000  }
0xf5: {  	[sflag:s29] =	ssyncset.done $0x0  }
0xf6: {  	s11 =	rddreg [dreg:$0x8];
	[sflag:s29] =	ssyncadd.s32 $0xFFFFE000  }
0xf7: {  	[hbm4b:s11+s2] =	stream.linear.scatter [tilespmem:s30], [sflag:$0x3], $0x2000, $0x38;
	[tilespmem:$0x1D200] =	vst v63  }
0xf8: {  	_ =	swait.ge [sflag:s29], $0x2000  }
0xf9: {  	[sflag:s29] =	ssyncset.done $0x0  }
0xfa: {  	[sflag:s29] =	ssyncadd.s32 $0xFFFFE000  }
0xfb: {  	[tilespmem:s30], [sflag:$0x3] =	stream.linear.gather [spmem:s23], $0x2000, $0x38;
	[tilespmem:$0x1D200] =	vst v63  }
0xfc: {  	_ =	swait.ge [sflag:s29], $0x2000  }
0xfd: {  	[sflag:s29] =	ssyncset.done $0x0  }
0xfe: {  	s11 =	rddreg [dreg:$0x9];
	[sflag:s29] =	ssyncadd.s32 $0xFFFFE000  }
0xff: {  	[hbm4b:s11+s2] =	stream.linear.scatter [tilespmem:s30], [sflag:$0x3], $0x2000, $0x38;
	[tilespmem:$0x1D200] =	vst v63  }
0x100: {  	_ =	swait.ge [sflag:s29], $0x2000  }
0x101: {  	[sflag:s29] =	ssyncset.done $0x0  }
0x102: {  	[sflag:s29] =	ssyncadd.s32 $0xFFFFE000  }
0x103: {  	[tilespmem:s30], [sflag:$0x3] =	stream.linear.gather [spmem:s24], $0x2000, $0x38;
	[tilespmem:$0x1D200] =	vst v63  }
0x104: {  	_ =	swait.ge [sflag:s29], $0x2000  }
0x105: {  	[sflag:s29] =	ssyncset.done $0x0  }
0x106: {  	s11 =	rddreg [dreg:$0xa];
	[sflag:s29] =	ssyncadd.s32 $0xFFFFE000  }
0x107: {  	[hbm4b:s11+s2] =	stream.linear.scatter [tilespmem:s30], [sflag:$0x3], $0x2000, $0x38;
	[tilespmem:$0x1D200] =	vst v63  }
0x108: {  	_ =	swait.ge [sflag:s29], $0x2000  }
0x109: {  	[sflag:s29] =	ssyncset.done $0x0  }
0x10a: {  	[sflag:s29] =	ssyncadd.s32 $0xFFFFE000  }
0x10b: {  	[tilespmem:s30], [sflag:$0x3] =	stream.linear.gather [spmem:s25], $0x2000, $0x38;
	[tilespmem:$0x1D200] =	vst v63  }
0x10c: {  	_ =	swait.ge [sflag:s29], $0x2000  }
0x10d: {  	[sflag:s29] =	ssyncset.done $0x0  }
0x10e: {  	[sflag:s29] =	ssyncadd.s32 $0xFFFFE000  }
0x10f: {  	[hbm4b:s12+s2] =	stream.linear.scatter [tilespmem:s30], [sflag:$0x3], $0x2000, $0x38;
	[tilespmem:$0x1D200] =	vst v63  }
0x110: {  	_ =	swait.ge [sflag:s29], $0x2000  }
0x111: {  	[sflag:s29] =	ssyncset.done $0x0  }
0x112: {  	[sflag:s29] =	ssyncadd.s32 $0xFFFFE000  }
0x113: {  	[tilespmem:s30], [sflag:$0x3] =	stream.linear.gather [spmem:s26], $0x2000, $0x38;
	[tilespmem:$0x1D200] =	vst v63  }
0x114: {  	s8 =	sadd.s32 $0x1, s8;
	_ =	swait.ge [sflag:s29], $0x2000  }
0x115: {  	p0 =	sne.s32 s8, s28;
	[sflag:s29] =	ssyncset.done $0x0  }
.Ltmp1:
0x116: {  	[sflag:s29] =	ssyncadd.s32 $0xFFFFE000;
	(pc) =	sbr.rel @p0 .LBB2_1-.Ltmp1, $4  }
0x117: {  	[hbm4b:s13+s2] =	stream.linear.scatter [tilespmem:s30], [sflag:$0x3], $0x2000, $0x38;
	[tilespmem:$0x1D200] =	vst v63  }
0x118: {  	_ =	swait.ge [sflag:s29], $0x2000  }
0x119: {  	[sflag:s29] =	ssyncset.done $0x0  }
0x11a: {  	[sflag:s29] =	ssyncadd.s32 $0xFFFFE000  }
0x11b: {  	_ =	sfence.sel $0x180000  }
0x11c: {  	[bflag:$0x0] =	sbarrier.arrive $0xFFFF  }
0x11d: {  	_ =	strace $0x90000050  }
0x11e: {  	s0 =	stileid.u32;
	[bflag:$0x2] =	sbarrier.arrive $0xFFFF  }
0x11f: {  	p0 =	sne.s32 s0, $0x0;
	s0 =	rddreg [dreg:$0x2]  }
0x120: {  	s0 =	sadd.s32 @!p0 $0x100000, s0  }
0x121: {  	[sflag:s0] =	ssyncadd.tile.s32 @!p0 $0x1;
	_ =	shalt  }
.Lfunc_end2:
_tile_overlayer_lowered:
.L_overlay_start_2:
0x122: {  	(tag) =	ssettag $0x2  }
0x123: {  	s0 =	rddreg [dreg:$0x0];
	s2 =	stileid.u32  }
0x124: {  	s1 =	rddreg [dreg:$0x1];
	p0 =	sne.s32 s2, $0x0  }
0x125: {  	s3 =	rddreg [dreg:$0x2];
	[bflag:$0x3] =	sbarrier.arrive $0xFFFF;
	s2 =	simm.s32 @!p0 $0x1C03  }
0x126: {  	[timem:s3], [sflag:s2] =	dma.local @!p0 [hbm:s0], s1  }
0x127: {  	s0 =	simm.s32 @!p0 $0x3  }
0x128: {  	_ =	swait.ge @!p0 [sflag:s0], s1  }
0x129: {  	s1 =	ssub.s32 @!p0 $0x0, s1;
	[sflag:s0] =	ssyncset.done @!p0 $0x0  }
0x12a: {  	[sflag:s0] =	ssyncadd.s32 @!p0 s1  }
0x12b: {  	[bflag:$0x3] =	sbarrier.arrive $0xFFFF  }
0x12c: {  	_ =	shalt  }

</sc_bundles>
